<compile_context>
chip_gen: v7x
topology: tpu7x:2x2x1
jax: 0.10.2.dev20260603
libtpu: 0.0.44.dev20260713+nightly
codegen_flags: <defaults>
</compile_context>

<pallas_src>
import functools

import jax
import jax.numpy as jnp
from jax import lax
from jax.experimental import pallas as pl
from jax.experimental.pallas import tpu as pltpu
from jax.experimental.pallas import tpu_sc as plsc

N = 10000
NP = 10240
D = 128
G = 16
E = 320000
NW = 32
CHUNK = 128
CPT = 80
HALF = CPT // 2
EPAD = NW * CPT * CHUNK
NROW = EPAD // CHUNK
NSUB = 16
STRIPE = NP // NSUB
BLK = 256
NBLK = NP // BLK

_mesh = plsc.VectorSubcoreMesh(core_axis_name="c", subcore_axis_name="s")


def _fill(ref, value):
    v = jnp.full((16,), value, jnp.float32)

    def body(r, carry):
        for k in range(D // 16):
            ref[r, pl.ds(k * 16, 16)] = v
        return carry

    lax.fori_loop(0, CHUNK, body, 0)


def _sc_degree(dst2):

    @functools.partial(
        pl.kernel, mesh=_mesh,
        out_type=jax.ShapeDtypeStruct((2, NP, D), jnp.float32),
        scratch_types=[
            pltpu.VMEM((CPT, CHUNK), jnp.int32),
            pltpu.VMEM((CHUNK, D), jnp.float32),
            pltpu.VMEM_SHARED((NP, D), jnp.float32),
        ],
    )
    def sc_degree_body(dst_h, p_h, dstv, onesv, acc):
        c = lax.axis_index("c")
        s = lax.axis_index("s")
        wid = s * 2 + c
        _fill(onesv, 0.0)
        for k in range(STRIPE // CHUNK):
            pltpu.sync_copy(onesv,
                            acc.at[pl.ds(s * STRIPE + k * CHUNK, CHUNK)])
        _fill(onesv, 1.0)
        pltpu.sync_copy(dst_h.at[pl.ds(wid * CPT, CPT)], dstv)
        plsc.subcore_barrier()

        def body(j, carry):
            pltpu.sync_copy(onesv, acc.at[dstv.at[j]], add=True)
            return carry

        lax.fori_loop(0, CPT, body, 0)
        plsc.subcore_barrier()
        pltpu.sync_copy(acc.at[pl.ds(s * STRIPE, STRIPE)],
                        p_h.at[c, pl.ds(s * STRIPE, STRIPE)])

    return sc_degree_body(dst2)


def _sc_message(y, src2, dst2):

    @functools.partial(
        pl.kernel, mesh=_mesh,
        out_type=jax.ShapeDtypeStruct((2, NP, D), jnp.float32),
        scratch_types=[
            pltpu.VMEM((HALF + 8, CHUNK), jnp.int32),
            pltpu.VMEM((HALF, CHUNK), jnp.int32),
            pltpu.VMEM((CHUNK, D), jnp.float32),
            pltpu.VMEM((CHUNK, D), jnp.float32),
            pltpu.VMEM_SHARED((NP, D), jnp.float32),
            pltpu.SemaphoreType.DMA,
            pltpu.SemaphoreType.DMA,
        ],
    )
    def sc_message_body(y_h, src_h, dst_h, p_h, srcv, dstv,
                        rows0, rows1, acc, sem0, sem1):
        c = lax.axis_index("c")
        s = lax.axis_index("s")
        wid = s * 2 + c
        rows = (rows0, rows1)
        sems = (sem0, sem1)
        _fill(rows0, 0.0)
        for k in range(STRIPE // CHUNK):
            pltpu.sync_copy(rows0,
                            acc.at[pl.ds(s * STRIPE + k * CHUNK, CHUNK)])
        pltpu.sync_copy(src_h.at[pl.ds(wid * CPT, HALF + 8)], srcv)
        pltpu.sync_copy(dst_h.at[pl.ds(wid * CPT, HALF)], dstv)
        pltpu.async_copy(y_h.at[srcv.at[0]], rows0, sem0)
        plsc.subcore_barrier()
        pltpu.make_async_copy(y_h.at[srcv.at[0]], rows0, sem0).wait()

        for half in range(2):
            if half == 1:
                pltpu.sync_copy(src_h.at[pl.ds(wid * CPT + HALF, HALF + 8)],
                                srcv)
                pltpu.sync_copy(dst_h.at[pl.ds(wid * CPT + HALF, HALF)],
                                dstv)

            def body(g, carry):
                for b in range(2):
                    r = 2 * g + b
                    pltpu.async_copy(y_h.at[srcv.at[r + 1]], rows[1 - b],
                                     sems[1 - b])
                    pltpu.sync_copy(rows[b], acc.at[dstv.at[r]], add=True)
                    pltpu.make_async_copy(y_h.at[srcv.at[0]], rows[1 - b],
                                          sems[1 - b]).wait()
                return carry

            lax.fori_loop(0, HALF // 2, body, 0)
        plsc.subcore_barrier()
        pltpu.sync_copy(acc.at[pl.ds(s * STRIPE, STRIPE)],
                        p_h.at[c, pl.ds(s * STRIPE, STRIPE)])

    return sc_message_body(y, src2, dst2)


def _dinv_col(dp):
    return 1.0 / jnp.sqrt(dp[0, :, :1] + dp[1, :, :1] + 1.0)


def _tc_first(degp, xp, W0):
    def body(dp_ref, x_ref, w_ref, y_ref):
        dinv = _dinv_col(dp_ref[...])
        y_ref[...] = dinv * jnp.dot(x_ref[...], w_ref[...],
                                    preferred_element_type=jnp.float32)

    return pl.pallas_call(
        body, grid=(NBLK,),
        in_specs=[
            pl.BlockSpec((2, BLK, D), lambda i: (0, i, 0)),
            pl.BlockSpec((BLK, D), lambda i: (i, 0)),
            pl.BlockSpec((D, D), lambda i: (0, 0)),
        ],
        out_specs=pl.BlockSpec((BLK, D), lambda i: (i, 0)),
        out_shape=jax.ShapeDtypeStruct((NP, D), jnp.float32),
    )(degp, xp, W0)


def _tc_mid(degp, p, y, b, Wn):
    def body(dp_ref, p_ref, y_ref, b_ref, w_ref, o_ref):
        dinv = _dinv_col(dp_ref[...])
        h = jnp.tanh((p_ref[0] + p_ref[1] + y_ref[...]) * dinv + b_ref[...])
        o_ref[...] = dinv * jnp.dot(h, w_ref[...],
                                    preferred_element_type=jnp.float32)

    return pl.pallas_call(
        body, grid=(NBLK,),
        in_specs=[
            pl.BlockSpec((2, BLK, D), lambda i: (0, i, 0)),
            pl.BlockSpec((2, BLK, D), lambda i: (0, i, 0)),
            pl.BlockSpec((BLK, D), lambda i: (i, 0)),
            pl.BlockSpec((1, D), lambda i: (0, 0)),
            pl.BlockSpec((D, D), lambda i: (0, 0)),
        ],
        out_specs=pl.BlockSpec((BLK, D), lambda i: (i, 0)),
        out_shape=jax.ShapeDtypeStruct((NP, D), jnp.float32),
    )(degp, p, y, b, Wn)


def _tc_pool(degp, p, y, b, oh, Wo, bo):
    def body(dp_ref, p_ref, y_ref, b_ref, oh_ref, wo_ref, bo_ref,
             out_ref, hid_ref, gmax, gsum, cnt):
        i = pl.program_id(0)
        dinv = _dinv_col(dp_ref[...])
        h = jnp.tanh((p_ref[0] + p_ref[1] + y_ref[...]) * dinv + b_ref[...])
        oh = oh_ref[...]

        @pl.when(i == 0)
        def _init():
            gmax[...] = jnp.full((G, D), -jnp.inf, jnp.float32)
            gsum[...] = jnp.zeros((G, D), jnp.float32)
            cnt[...] = jnp.zeros((G, D), jnp.float32)

        gsum[...] += lax.dot_general(oh, h, (((0,), (0,)), ((), ())),
                                     preferred_element_type=jnp.float32,
                                     precision=lax.Precision.HIGHEST)
        cnt[...] += lax.dot_general(oh, jnp.ones((BLK, D), jnp.float32),
                                    (((0,), (0,)), ((), ())),
                                    preferred_element_type=jnp.float32,
                                    precision=lax.Precision.HIGHEST)
        for g in range(G):
            m = oh[:, g:g + 1] > 0.0
            contrib = jnp.max(jnp.where(m, h, -jnp.inf), axis=0, keepdims=True)
            gmax[g:g + 1, :] = jnp.maximum(gmax[g:g + 1, :], contrib)

        @pl.when(i == NBLK - 1)
        def _fin():
            ga = gsum[...] / jnp.maximum(cnt[...], 1.0)
            hid = jnp.concatenate([gmax[...], ga], axis=1)
            hid_ref[...] = hid
            out_ref[...] = jnp.dot(hid, wo_ref[...],
                                   preferred_element_type=jnp.float32) + bo_ref[...]

    return pl.pallas_call(
        body, grid=(NBLK,),
        in_specs=[
            pl.BlockSpec((2, BLK, D), lambda i: (0, i, 0)),
            pl.BlockSpec((2, BLK, D), lambda i: (0, i, 0)),
            pl.BlockSpec((BLK, D), lambda i: (i, 0)),
            pl.BlockSpec((1, D), lambda i: (0, 0)),
            pl.BlockSpec((BLK, G), lambda i: (i, 0)),
            pl.BlockSpec((2 * D, 1), lambda i: (0, 0)),
            pl.BlockSpec((1, 1), lambda i: (0, 0)),
        ],
        out_specs=[
            pl.BlockSpec((G, 1), lambda i: (0, 0)),
            pl.BlockSpec((G, 2 * D), lambda i: (0, 0)),
        ],
        out_shape=[
            jax.ShapeDtypeStruct((G, 1), jnp.float32),
            jax.ShapeDtypeStruct((G, 2 * D), jnp.float32),
        ],
        scratch_shapes=[
            pltpu.VMEM((G, D), jnp.float32),
            pltpu.VMEM((G, D), jnp.float32),
            pltpu.VMEM((G, D), jnp.float32),
        ],
    )(degp, p, y, b, oh, Wo, bo)


def kernel(x, edge_index, batch_index, W0, b0, W1, b1, W2, b2, W3, b3, Wo, bo):
    src = edge_index[0].astype(jnp.int32)
    dst = edge_index[1].astype(jnp.int32)
    npad = EPAD - E
    pad_src = jnp.arange(npad, dtype=jnp.int32) % N
    pad_dst = N + jnp.arange(npad, dtype=jnp.int32) % (NP - N)
    src2 = jnp.pad(jnp.concatenate([src, pad_src]).reshape(NROW, CHUNK),
                   ((0, 8), (0, 0)))
    dst2 = jnp.pad(jnp.concatenate([dst, pad_dst]).reshape(NROW, CHUNK),
                   ((0, 8), (0, 0)))

    xp = jnp.pad(x, ((0, NP - N), (0, 0)))
    ohp = jnp.pad(jax.nn.one_hot(batch_index, G, dtype=jnp.float32),
                  ((0, NP - N), (0, 0)))

    degp = _sc_degree(dst2)
    y = _tc_first(degp, xp, W0)
    for b, Wn in ((b0, W1), (b1, W2), (b2, W3)):
        part = _sc_message(y, src2, dst2)
        y = _tc_mid(degp, part, y, b.reshape(1, D), Wn)
    part = _sc_message(y, src2, dst2)
    out, hidden = _tc_pool(degp, part, y, b3.reshape(1, D), ohp,
                           Wo, bo.reshape(1, 1))
    return (out, hidden)

# --- scband reference (transcript-rebuilt; emitter-appended) ---
"""Pipeline reference for scband-gcn-1597727834289 (READ-ONLY COPY).

The authoritative reference and input builder live on the scoring server;
editing this copy changes nothing except your own understanding.
"""

import jax, jax.numpy as jnp
import numpy as np

N = 10000
E = 320000
D = 128
H = 128
G = 16


def gcn_conv(x, edge_index, W, b):
    n = x.shape[0]
    loop = jnp.arange(n, dtype=edge_index.dtype)
    src = jnp.concatenate([edge_index[0], loop])
    dst = jnp.concatenate([edge_index[1], loop])
    deg = jnp.zeros((n,), x.dtype).at[dst].add(1.0)
    dinv = jnp.where(deg > 0, 1.0 / jnp.sqrt(deg), 0.0)
    norm = dinv[src] * dinv[dst]
    xw = x @ W
    msg = xw[src] * norm[:, None]
    out = jnp.zeros((n, W.shape[1]), x.dtype).at[dst].add(msg)
    return out + b


def setup_inputs(seed: int = 0):
    key = jax.random.key(seed)
    ks = jax.random.split(key, 12)
    inp = {}
    inp['x'] = jax.random.normal(ks[0], (N, D), jnp.float32)
    inp['edge_index'] = jax.random.randint(ks[1], (2, E), 0, N)
    inp['batch_index'] = jnp.sort(jax.random.randint(ks[2], (N,), 0, G))
    s = 1.0 / np.sqrt(D)
    inp['W0'] = jax.random.normal(ks[3], (D, H), jnp.float32) * s
    inp['b0'] = jnp.zeros((H,), jnp.float32)
    inp['W1'] = jax.random.normal(ks[4], (H, H), jnp.float32) * s
    inp['b1'] = jnp.zeros((H,), jnp.float32)
    inp['W2'] = jax.random.normal(ks[5], (H, H), jnp.float32) * s
    inp['b2'] = jnp.zeros((H,), jnp.float32)
    inp['W3'] = jax.random.normal(ks[6], (H, H), jnp.float32) * s
    inp['b3'] = jnp.zeros((H,), jnp.float32)
    inp['Wo'] = jax.random.normal(ks[7], (2 * H, 1), jnp.float32) * (1.0 / np.sqrt(2 * H))
    inp['bo'] = jnp.zeros((1,), jnp.float32)
    return inp


def reference(x, edge_index, batch_index, W0, b0, W1, b1, W2, b2, W3, b3, Wo, bo):
    h = jnp.tanh(gcn_conv(x, edge_index, W0, b0))
    h = jnp.tanh(gcn_conv(h, edge_index, W1, b1))
    h = jnp.tanh(gcn_conv(h, edge_index, W2, b2))
    h = jnp.tanh(gcn_conv(h, edge_index, W3, b3))
    gm = jax.ops.segment_max(h, batch_index, num_segments=G)
    gs = jax.ops.segment_sum(h, batch_index, num_segments=G)
    cnt = jax.ops.segment_sum(jnp.ones((h.shape[0], 1), h.dtype), batch_index, num_segments=G)
    ga = gs / jnp.maximum(cnt, 1.0)
    hidden = jnp.concatenate([gm, ga], axis=1)
    out = hidden @ Wo + bo
    return (out, hidden)

if __name__ == "__main__":
    import jax
    _d = setup_inputs()
    print(jax.jit(kernel)(*tuple(_d.values())))

</pallas_src>

<mosaic_0001>
#map = affine_map<(d0, d1) -> (0, 0)>
#map1 = affine_map<(d0, d1) -> (0, 0, 0)>
module attributes {stable_mosaic.version = 14 : i64} {
  func.func @sc_message_body(%arg0: i32, %arg1: i32, %arg2: memref<10240x128xf32, #tpu.memory_space<hbm>>, %arg3: memref<2568x128xi32, #tpu.memory_space<hbm>>, %arg4: memref<2568x128xi32, #tpu.memory_space<hbm>>, %arg5: memref<2x10240x128xf32, #tpu.memory_space<hbm>>, %arg6: memref<48x128xi32, #tpu.memory_space<vmem>>, %arg7: memref<40x128xi32, #tpu.memory_space<vmem>>, %arg8: memref<128x128xf32, #tpu.memory_space<vmem>>, %arg9: memref<128x128xf32, #tpu.memory_space<vmem>>, %arg10: memref<10240x128xf32, #tpu.memory_space<vmem_shared>>, %arg11: memref<!tpu.dma_semaphore, #tpu.memory_space<semaphore_mem>>, %arg12: memref<!tpu.dma_semaphore, #tpu.memory_space<semaphore_mem>>) attributes {dimension_semantics = [#tpu.dimension_semantics<core_parallel>, #tpu.dimension_semantics<subcore_parallel>], iteration_bounds = array<i64: 2, 16>, scalar_prefetch = 0 : i64, scratch_operands = 7 : i64, tpu.core_type = #tpu.core_type<sc_vector_subcore>, window_params = [{transform_indices = #map}, {transform_indices = #map}, {transform_indices = #map}, {transform_indices = #map1}]} {
    %mul3A = arith.constant 2 : i32
    %mul3A_0 = arith.muli %arg1, %mul3A : i32
    %add3A = arith.addi %mul3A_0, %arg0 : i32
    %broadcast_in_dim3A = arith.constant 0.000000e+00 : f32
    %broadcast_in_dim3A_1 = vector.broadcast %broadcast_in_dim3A : f32 to vector<16xf32>
    %scan3A = arith.constant 0 : i32
    %scan3A_2 = arith.constant 0 : i32
    %scan3A_3 = arith.constant 128 : i32
    %scan3A_4 = arith.addi %scan3A_2, %scan3A_3 : i32
    %scan3A_5 = arith.constant 1 : i32
    scf.for %scan3A_68 = %scan3A_2 to %scan3A_4 step %scan3A_5  : i32 {
      %swap3A = arith.index_cast %scan3A_68 : i32 to index
      %swap3A_69 = arith.constant 0 : index
      %swap3A_70 = tpu.vector_load %arg8[%swap3A, %swap3A_69] {strides = array<i32>} : memref<128x128xf32, #tpu.memory_space<vmem>>, vector<1x16xf32>,
      %swap3A_71 = vector.shape_cast %swap3A_70 : vector<1x16xf32> to vector<16xf32>
      %swap3A_72 = vector.shape_cast %broadcast_in_dim3A_1 : vector<16xf32> to vector<1x16xf32>
      tpu.vector_store %arg8[%swap3A, %swap3A_69], %swap3A_72 {strides = array<i32>} : memref<128x128xf32, #tpu.memory_space<vmem>>, vector<1x16xf32>,
      %swap3A_73 = arith.index_cast %scan3A_68 : i32 to index
      %swap3A_74 = arith.constant 16 : index
      %swap3A_75 = tpu.vector_load %arg8[%swap3A_73, %swap3A_74] {strides = array<i32>} : memref<128x128xf32, #tpu.memory_space<vmem>>, vector<1x16xf32>,
      %swap3A_76 = vector.shape_cast %swap3A_75 : vector<1x16xf32> to vector<16xf32>
      %swap3A_77 = vector.shape_cast %broadcast_in_dim3A_1 : vector<16xf32> to vector<1x16xf32>
      tpu.vector_store %arg8[%swap3A_73, %swap3A_74], %swap3A_77 {strides = array<i32>} : memref<128x128xf32, #tpu.memory_space<vmem>>, vector<1x16xf32>,
      %swap3A_78 = arith.index_cast %scan3A_68 : i32 to index
      %swap3A_79 = arith.constant 32 : index
      %swap3A_80 = tpu.vector_load %arg8[%swap3A_78, %swap3A_79] {strides = array<i32>} : memref<128x128xf32, #tpu.memory_space<vmem>>, vector<1x16xf32>,
      %swap3A_81 = vector.shape_cast %swap3A_80 : vector<1x16xf32> to vector<16xf32>
      %swap3A_82 = vector.shape_cast %broadcast_in_dim3A_1 : vector<16xf32> to vector<1x16xf32>
      tpu.vector_store %arg8[%swap3A_78, %swap3A_79], %swap3A_82 {strides = array<i32>} : memref<128x128xf32, #tpu.memory_space<vmem>>, vector<1x16xf32>,
      %swap3A_83 = arith.index_cast %scan3A_68 : i32 to index
      %swap3A_84 = arith.constant 48 : index
      %swap3A_85 = tpu.vector_load %arg8[%swap3A_83, %swap3A_84] {strides = array<i32>} : memref<128x128xf32, #tpu.memory_space<vmem>>, vector<1x16xf32>,
      %swap3A_86 = vector.shape_cast %swap3A_85 : vector<1x16xf32> to vector<16xf32>
      %swap3A_87 = vector.shape_cast %broadcast_in_dim3A_1 : vector<16xf32> to vector<1x16xf32>
      tpu.vector_store %arg8[%swap3A_83, %swap3A_84], %swap3A_87 {strides = array<i32>} : memref<128x128xf32, #tpu.memory_space<vmem>>, vector<1x16xf32>,
      %swap3A_88 = arith.index_cast %scan3A_68 : i32 to index
      %swap3A_89 = arith.constant 64 : index
      %swap3A_90 = tpu.vector_load %arg8[%swap3A_88, %swap3A_89] {strides = array<i32>} : memref<128x128xf32, #tpu.memory_space<vmem>>, vector<1x16xf32>,
      %swap3A_91 = vector.shape_cast %swap3A_90 : vector<1x16xf32> to vector<16xf32>
      %swap3A_92 = vector.shape_cast %broadcast_in_dim3A_1 : vector<16xf32> to vector<1x16xf32>
      tpu.vector_store %arg8[%swap3A_88, %swap3A_89], %swap3A_92 {strides = array<i32>} : memref<128x128xf32, #tpu.memory_space<vmem>>, vector<1x16xf32>,
      %swap3A_93 = arith.index_cast %scan3A_68 : i32 to index
      %swap3A_94 = arith.constant 80 : index
      %swap3A_95 = tpu.vector_load %arg8[%swap3A_93, %swap3A_94] {strides = array<i32>} : memref<128x128xf32, #tpu.memory_space<vmem>>, vector<1x16xf32>,
      %swap3A_96 = vector.shape_cast %swap3A_95 : vector<1x16xf32> to vector<16xf32>
      %swap3A_97 = vector.shape_cast %broadcast_in_dim3A_1 : vector<16xf32> to vector<1x16xf32>
      tpu.vector_store %arg8[%swap3A_93, %swap3A_94], %swap3A_97 {strides = array<i32>} : memref<128x128xf32, #tpu.memory_space<vmem>>, vector<1x16xf32>,
      %swap3A_98 = arith.index_cast %scan3A_68 : i32 to index
      %swap3A_99 = arith.constant 96 : index
      %swap3A_100 = tpu.vector_load %arg8[%swap3A_98, %swap3A_99] {strides = array<i32>} : memref<128x128xf32, #tpu.memory_space<vmem>>, vector<1x16xf32>,
      %swap3A_101 = vector.shape_cast %swap3A_100 : vector<1x16xf32> to vector<16xf32>
      %swap3A_102 = vector.shape_cast %broadcast_in_dim3A_1 : vector<16xf32> to vector<1x16xf32>
      tpu.vector_store %arg8[%swap3A_98, %swap3A_99], %swap3A_102 {strides = array<i32>} : memref<128x128xf32, #tpu.memory_space<vmem>>, vector<1x16xf32>,
      %swap3A_103 = arith.index_cast %scan3A_68 : i32 to index
      %swap3A_104 = arith.constant 112 : index
      %swap3A_105 = tpu.vector_load %arg8[%swap3A_103, %swap3A_104] {strides = array<i32>} : memref<128x128xf32, #tpu.memory_space<vmem>>, vector<1x16xf32>,
      %swap3A_106 = vector.shape_cast %swap3A_105 : vector<1x16xf32> to vector<16xf32>
      %swap3A_107 = vector.shape_cast %broadcast_in_dim3A_1 : vector<16xf32> to vector<1x16xf32>
      tpu.vector_store %arg8[%swap3A_103, %swap3A_104], %swap3A_107 {strides = array<i32>} : memref<128x128xf32, #tpu.memory_space<vmem>>, vector<1x16xf32>,
    }
    %scan3A_6 = arith.constant 128 : i32
    %mul3A_7 = arith.constant 640 : i32
    %mul3A_8 = arith.muli %arg1, %mul3A_7 : i32
    %add3A_9 = arith.constant 0 : i32
    %add3A_10 = arith.addi %mul3A_8, %add3A_9 : i32
    "tpu.region"() ({
      %run_scoped3A = tpu.sem_alloc : memref<!tpu.dma_semaphore, #tpu.memory_space<semaphore_mem>>
      %dma_start3A_68 = arith.constant 0 : i32
      %dma_start3A_69 = tpu.memref_slice %arg10[%add3A_10, %dma_start3A_68] : memref<10240x128xf32, #tpu.memory_space<vmem_shared>> -> memref<128x128xf32, #tpu.memory_space<vmem_shared>>
      %dma_start3A_70 = arith.constant 0 : i32
      %dma_start3A_71 = tpu.memref_slice %arg10[%add3A_10, %dma_start3A_70] : memref<10240x128xf32, #tpu.memory_space<vmem_shared>> -> memref<128x128xf32, #tpu.memory_space<vmem_shared>>
      tpu.enqueue_dma source(%arg8 : memref<128x128xf32, #tpu.memory_space<vmem>>) target(%dma_start3A_71 : memref<128x128xf32, #tpu.memory_space<vmem_shared>>) target_semaphore(%run_scoped3A : memref<!tpu.dma_semaphore, #tpu.memory_space<semaphore_mem>>)
      %dma_wait3A_72 = arith.constant 0 : i32
      %dma_wait3A_73 = tpu.memref_slice %arg10[%add3A_10, %dma_wait3A_72] : memref<10240x128xf32, #tpu.memory_space<vmem_shared>> -> memref<128x128xf32, #tpu.memory_space<vmem_shared>>
      %dma_wait3A_74 = arith.constant 0 : i32
      %dma_wait3A_75 = tpu.memref_slice %arg10[%add3A_10, %dma_wait3A_74] : memref<10240x128xf32, #tpu.memory_space<vmem_shared>> -> memref<128x128xf32, #tpu.memory_space<vmem_shared>>
      tpu.wait_dma2 semaphore(%run_scoped3A : memref<!tpu.dma_semaphore, #tpu.memory_space<semaphore_mem>>) src(%arg8 : memref<128x128xf32, #tpu.memory_space<vmem>>) dst(%dma_wait3A_75 : memref<128x128xf32, #tpu.memory_space<vmem_shared>>)
      tpu.yield
    }) : () -> ()
    %mul3A_11 = arith.constant 640 : i32
    %mul3A_12 = arith.muli %arg1, %mul3A_11 : i32
    %add3A_13 = arith.constant 128 : i32
    %add3A_14 = arith.addi %mul3A_12, %add3A_13 : i32
    "tpu.region"() ({
      %run_scoped3A = tpu.sem_alloc : memref<!tpu.dma_semaphore, #tpu.memory_space<semaphore_mem>>
      %dma_start3A_68 = arith.constant 0 : i32
      %dma_start3A_69 = tpu.memref_slice %arg10[%add3A_14, %dma_start3A_68] : memref<10240x128xf32, #tpu.memory_space<vmem_shared>> -> memref<128x128xf32, #tpu.memory_space<vmem_shared>>
      %dma_start3A_70 = arith.constant 0 : i32
      %dma_start3A_71 = tpu.memref_slice %arg10[%add3A_14, %dma_start3A_70] : memref<10240x128xf32, #tpu.memory_space<vmem_shared>> -> memref<128x128xf32, #tpu.memory_space<vmem_shared>>
      tpu.enqueue_dma source(%arg8 : memref<128x128xf32, #tpu.memory_space<vmem>>) target(%dma_start3A_71 : memref<128x128xf32, #tpu.memory_space<vmem_shared>>) target_semaphore(%run_scoped3A : memref<!tpu.dma_semaphore, #tpu.memory_space<semaphore_mem>>)
      %dma_wait3A_72 = arith.constant 0 : i32
      %dma_wait3A_73 = tpu.memref_slice %arg10[%add3A_14, %dma_wait3A_72] : memref<10240x128xf32, #tpu.memory_space<vmem_shared>> -> memref<128x128xf32, #tpu.memory_space<vmem_shared>>
      %dma_wait3A_74 = arith.constant 0 : i32
      %dma_wait3A_75 = tpu.memref_slice %arg10[%add3A_14, %dma_wait3A_74] : memref<10240x128xf32, #tpu.memory_space<vmem_shared>> -> memref<128x128xf32, #tpu.memory_space<vmem_shared>>
      tpu.wait_dma2 semaphore(%run_scoped3A : memref<!tpu.dma_semaphore, #tpu.memory_space<semaphore_mem>>) src(%arg8 : memref<128x128xf32, #tpu.memory_space<vmem>>) dst(%dma_wait3A_75 : memref<128x128xf32, #tpu.memory_space<vmem_shared>>)
      tpu.yield
    }) : () -> ()
    %mul3A_15 = arith.constant 640 : i32
    %mul3A_16 = arith.muli %arg1, %mul3A_15 : i32
    %add3A_17 = arith.constant 256 : i32
    %add3A_18 = arith.addi %mul3A_16, %add3A_17 : i32
    "tpu.region"() ({
      %run_scoped3A = tpu.sem_alloc : memref<!tpu.dma_semaphore, #tpu.memory_space<semaphore_mem>>
      %dma_start3A_68 = arith.constant 0 : i32
      %dma_start3A_69 = tpu.memref_slice %arg10[%add3A_18, %dma_start3A_68] : memref<10240x128xf32, #tpu.memory_space<vmem_shared>> -> memref<128x128xf32, #tpu.memory_space<vmem_shared>>
      %dma_start3A_70 = arith.constant 0 : i32
      %dma_start3A_71 = tpu.memref_slice %arg10[%add3A_18, %dma_start3A_70] : memref<10240x128xf32, #tpu.memory_space<vmem_shared>> -> memref<128x128xf32, #tpu.memory_space<vmem_shared>>
      tpu.enqueue_dma source(%arg8 : memref<128x128xf32, #tpu.memory_space<vmem>>) target(%dma_start3A_71 : memref<128x128xf32, #tpu.memory_space<vmem_shared>>) target_semaphore(%run_scoped3A : memref<!tpu.dma_semaphore, #tpu.memory_space<semaphore_mem>>)
      %dma_wait3A_72 = arith.constant 0 : i32
      %dma_wait3A_73 = tpu.memref_slice %arg10[%add3A_18, %dma_wait3A_72] : memref<10240x128xf32, #tpu.memory_space<vmem_shared>> -> memref<128x128xf32, #tpu.memory_space<vmem_shared>>
      %dma_wait3A_74 = arith.constant 0 : i32
      %dma_wait3A_75 = tpu.memref_slice %arg10[%add3A_18, %dma_wait3A_74] : memref<10240x128xf32, #tpu.memory_space<vmem_shared>> -> memref<128x128xf32, #tpu.memory_space<vmem_shared>>
      tpu.wait_dma2 semaphore(%run_scoped3A : memref<!tpu.dma_semaphore, #tpu.memory_space<semaphore_mem>>) src(%arg8 : memref<128x128xf32, #tpu.memory_space<vmem>>) dst(%dma_wait3A_75 : memref<128x128xf32, #tpu.memory_space<vmem_shared>>)
      tpu.yield
    }) : () -> ()
    %mul3A_19 = arith.constant 640 : i32
    %mul3A_20 = arith.muli %arg1, %mul3A_19 : i32
    %add3A_21 = arith.constant 384 : i32
    %add3A_22 = arith.addi %mul3A_20, %add3A_21 : i32
    "tpu.region"() ({
      %run_scoped3A = tpu.sem_alloc : memref<!tpu.dma_semaphore, #tpu.memory_space<semaphore_mem>>
      %dma_start3A_68 = arith.constant 0 : i32
      %dma_start3A_69 = tpu.memref_slice %arg10[%add3A_22, %dma_start3A_68] : memref<10240x128xf32, #tpu.memory_space<vmem_shared>> -> memref<128x128xf32, #tpu.memory_space<vmem_shared>>
      %dma_start3A_70 = arith.constant 0 : i32
      %dma_start3A_71 = tpu.memref_slice %arg10[%add3A_22, %dma_start3A_70] : memref<10240x128xf32, #tpu.memory_space<vmem_shared>> -> memref<128x128xf32, #tpu.memory_space<vmem_shared>>
      tpu.enqueue_dma source(%arg8 : memref<128x128xf32, #tpu.memory_space<vmem>>) target(%dma_start3A_71 : memref<128x128xf32, #tpu.memory_space<vmem_shared>>) target_semaphore(%run_scoped3A : memref<!tpu.dma_semaphore, #tpu.memory_space<semaphore_mem>>)
      %dma_wait3A_72 = arith.constant 0 : i32
      %dma_wait3A_73 = tpu.memref_slice %arg10[%add3A_22, %dma_wait3A_72] : memref<10240x128xf32, #tpu.memory_space<vmem_shared>> -> memref<128x128xf32, #tpu.memory_space<vmem_shared>>
      %dma_wait3A_74 = arith.constant 0 : i32
      %dma_wait3A_75 = tpu.memref_slice %arg10[%add3A_22, %dma_wait3A_74] : memref<10240x128xf32, #tpu.memory_space<vmem_shared>> -> memref<128x128xf32, #tpu.memory_space<vmem_shared>>
      tpu.wait_dma2 semaphore(%run_scoped3A : memref<!tpu.dma_semaphore, #tpu.memory_space<semaphore_mem>>) src(%arg8 : memref<128x128xf32, #tpu.memory_space<vmem>>) dst(%dma_wait3A_75 : memref<128x128xf32, #tpu.memory_space<vmem_shared>>)
      tpu.yield
    }) : () -> ()
    %mul3A_23 = arith.constant 640 : i32
    %mul3A_24 = arith.muli %arg1, %mul3A_23 : i32
    %add3A_25 = arith.constant 512 : i32
    %add3A_26 = arith.addi %mul3A_24, %add3A_25 : i32
    "tpu.region"() ({
      %run_scoped3A = tpu.sem_alloc : memref<!tpu.dma_semaphore, #tpu.memory_space<semaphore_mem>>
      %dma_start3A_68 = arith.constant 0 : i32
      %dma_start3A_69 = tpu.memref_slice %arg10[%add3A_26, %dma_start3A_68] : memref<10240x128xf32, #tpu.memory_space<vmem_shared>> -> memref<128x128xf32, #tpu.memory_space<vmem_shared>>
      %dma_start3A_70 = arith.constant 0 : i32
      %dma_start3A_71 = tpu.memref_slice %arg10[%add3A_26, %dma_start3A_70] : memref<10240x128xf32, #tpu.memory_space<vmem_shared>> -> memref<128x128xf32, #tpu.memory_space<vmem_shared>>
      tpu.enqueue_dma source(%arg8 : memref<128x128xf32, #tpu.memory_space<vmem>>) target(%dma_start3A_71 : memref<128x128xf32, #tpu.memory_space<vmem_shared>>) target_semaphore(%run_scoped3A : memref<!tpu.dma_semaphore, #tpu.memory_space<semaphore_mem>>)
      %dma_wait3A_72 = arith.constant 0 : i32
      %dma_wait3A_73 = tpu.memref_slice %arg10[%add3A_26, %dma_wait3A_72] : memref<10240x128xf32, #tpu.memory_space<vmem_shared>> -> memref<128x128xf32, #tpu.memory_space<vmem_shared>>
      %dma_wait3A_74 = arith.constant 0 : i32
      %dma_wait3A_75 = tpu.memref_slice %arg10[%add3A_26, %dma_wait3A_74] : memref<10240x128xf32, #tpu.memory_space<vmem_shared>> -> memref<128x128xf32, #tpu.memory_space<vmem_shared>>
      tpu.wait_dma2 semaphore(%run_scoped3A : memref<!tpu.dma_semaphore, #tpu.memory_space<semaphore_mem>>) src(%arg8 : memref<128x128xf32, #tpu.memory_space<vmem>>) dst(%dma_wait3A_75 : memref<128x128xf32, #tpu.memory_space<vmem_shared>>)
      tpu.yield
    }) : () -> ()
    %mul3A_27 = arith.constant 80 : i32
    %mul3A_28 = arith.muli %add3A, %mul3A_27 : i32
    "tpu.region"() ({
      %run_scoped3A = tpu.sem_alloc : memref<!tpu.dma_semaphore, #tpu.memory_space<semaphore_mem>>
      %dma_start3A_68 = arith.constant 0 : i32
      %dma_start3A_69 = tpu.memref_slice %arg3[%mul3A_28, %dma_start3A_68] : memref<2568x128xi32, #tpu.memory_space<hbm>> -> memref<48x128xi32, #tpu.memory_space<hbm>>
      %dma_start3A_70 = arith.constant 0 : i32
      %dma_start3A_71 = tpu.memref_slice %arg3[%mul3A_28, %dma_start3A_70] : memref<2568x128xi32, #tpu.memory_space<hbm>> -> memref<48x128xi32, #tpu.memory_space<hbm>>
      tpu.enqueue_dma source(%dma_start3A_71 : memref<48x128xi32, #tpu.memory_space<hbm>>) target(%arg6 : memref<48x128xi32, #tpu.memory_space<vmem>>) target_semaphore(%run_scoped3A : memref<!tpu.dma_semaphore, #tpu.memory_space<semaphore_mem>>)
      %dma_wait3A_72 = arith.constant 0 : i32
      %dma_wait3A_73 = tpu.memref_slice %arg3[%mul3A_28, %dma_wait3A_72] : memref<2568x128xi32, #tpu.memory_space<hbm>> -> memref<48x128xi32, #tpu.memory_space<hbm>>
      %dma_wait3A_74 = arith.constant 0 : i32
      %dma_wait3A_75 = tpu.memref_slice %arg3[%mul3A_28, %dma_wait3A_74] : memref<2568x128xi32, #tpu.memory_space<hbm>> -> memref<48x128xi32, #tpu.memory_space<hbm>>
      tpu.wait_dma2 semaphore(%run_scoped3A : memref<!tpu.dma_semaphore, #tpu.memory_space<semaphore_mem>>) src(%dma_wait3A_75 : memref<48x128xi32, #tpu.memory_space<hbm>>) dst(%arg6 : memref<48x128xi32, #tpu.memory_space<vmem>>)
      tpu.yield
    }) : () -> ()
    %mul3A_29 = arith.constant 80 : i32
    %mul3A_30 = arith.muli %add3A, %mul3A_29 : i32
    "tpu.region"() ({
      %run_scoped3A = tpu.sem_alloc : memref<!tpu.dma_semaphore, #tpu.memory_space<semaphore_mem>>
      %dma_start3A_68 = arith.constant 0 : i32
      %dma_start3A_69 = tpu.memref_slice %arg4[%mul3A_30, %dma_start3A_68] : memref<2568x128xi32, #tpu.memory_space<hbm>> -> memref<40x128xi32, #tpu.memory_space<hbm>>
      %dma_start3A_70 = arith.constant 0 : i32
      %dma_start3A_71 = tpu.memref_slice %arg4[%mul3A_30, %dma_start3A_70] : memref<2568x128xi32, #tpu.memory_space<hbm>> -> memref<40x128xi32, #tpu.memory_space<hbm>>
      tpu.enqueue_dma source(%dma_start3A_71 : memref<40x128xi32, #tpu.memory_space<hbm>>) target(%arg7 : memref<40x128xi32, #tpu.memory_space<vmem>>) target_semaphore(%run_scoped3A : memref<!tpu.dma_semaphore, #tpu.memory_space<semaphore_mem>>)
      %dma_wait3A_72 = arith.constant 0 : i32
      %dma_wait3A_73 = tpu.memref_slice %arg4[%mul3A_30, %dma_wait3A_72] : memref<2568x128xi32, #tpu.memory_space<hbm>> -> memref<40x128xi32, #tpu.memory_space<hbm>>
      %dma_wait3A_74 = arith.constant 0 : i32
      %dma_wait3A_75 = tpu.memref_slice %arg4[%mul3A_30, %dma_wait3A_74] : memref<2568x128xi32, #tpu.memory_space<hbm>> -> memref<40x128xi32, #tpu.memory_space<hbm>>
      tpu.wait_dma2 semaphore(%run_scoped3A : memref<!tpu.dma_semaphore, #tpu.memory_space<semaphore_mem>>) src(%dma_wait3A_75 : memref<40x128xi32, #tpu.memory_space<hbm>>) dst(%arg7 : memref<40x128xi32, #tpu.memory_space<vmem>>)
      tpu.yield
    }) : () -> ()
    %dma_start3A = arith.constant 0 : i32
    %dma_start3A_31 = arith.constant 0 : i32
    %dma_start3A_32 = tpu.memref_slice %arg6[%dma_start3A, %dma_start3A_31] : memref<48x128xi32, #tpu.memory_space<vmem>> -> memref<1x128xi32, #tpu.memory_space<vmem>>
    %dma_start3A_33 = tpu.memref_squeeze %dma_start3A_32 : memref<1x128xi32, #tpu.memory_space<vmem>> -> memref<128xi32, #tpu.memory_space<vmem>>
    %dma_start3A_34 = arith.constant 0 : i32
    %dma_start3A_35 = arith.constant 0 : i32
    %dma_start3A_36 = tpu.memref_slice %arg2[%dma_start3A_34, %dma_start3A_35] : memref<10240x128xf32, #tpu.memory_space<hbm>> -> memref<10240x128xf32, #tpu.memory_space<hbm>>
    tpu.enqueue_indirect_dma source(%dma_start3A_36 : memref<10240x128xf32, #tpu.memory_space<hbm>>) target(%arg8 : memref<128x128xf32, #tpu.memory_space<vmem>>) offsets(%dma_start3A_33 : memref<128xi32, #tpu.memory_space<vmem>>) semaphore(%arg11 : memref<!tpu.dma_semaphore, #tpu.memory_space<semaphore_mem>>)
    %barrier3A = arith.constant 0 : index
    tpu.barrier barrier_id(%barrier3A)
    %dma_wait3A = arith.constant 0 : i32
    %dma_wait3A_37 = arith.constant 0 : i32
    %dma_wait3A_38 = tpu.memref_slice %arg6[%dma_wait3A, %dma_wait3A_37] : memref<48x128xi32, #tpu.memory_space<vmem>> -> memref<1x128xi32, #tpu.memory_space<vmem>>
    %dma_wait3A_39 = tpu.memref_squeeze %dma_wait3A_38 : memref<1x128xi32, #tpu.memory_space<vmem>> -> memref<128xi32, #tpu.memory_space<vmem>>
    %dma_wait3A_40 = arith.constant 0 : i32
    %dma_wait3A_41 = arith.constant 0 : i32
    %dma_wait3A_42 = tpu.memref_slice %arg2[%dma_wait3A_40, %dma_wait3A_41] : memref<10240x128xf32, #tpu.memory_space<hbm>> -> memref<10240x128xf32, #tpu.memory_space<hbm>>
    tpu.wait_indirect_dma semaphore(%arg11 : memref<!tpu.dma_semaphore, #tpu.memory_space<semaphore_mem>>) src(%dma_wait3A_42 : memref<10240x128xf32, #tpu.memory_space<hbm>>) dst(%arg8 : memref<128x128xf32, #tpu.memory_space<vmem>>)
    %scan3A_43 = arith.constant 0 : i32
    %scan3A_44 = arith.constant 0 : i32
    %scan3A_45 = arith.constant 20 : i32
    %scan3A_46 = arith.addi %scan3A_44, %scan3A_45 : i32
    %scan3A_47 = arith.constant 1 : i32
    scf.for %scan3A_68 = %scan3A_44 to %scan3A_46 step %scan3A_47  : i32 {
      %mul3A_69 = arith.constant 2 : i32
      %mul3A_70 = arith.muli %mul3A_69, %scan3A_68 : i32
      %add3A_71 = arith.constant 0 : i32
      %add3A_72 = arith.addi %mul3A_70, %add3A_71 : i32
      %add3A_73 = arith.constant 1 : i32
      %add3A_74 = arith.addi %add3A_72, %add3A_73 : i32
      %dma_start3A_75 = arith.constant 0 : i32
      %dma_start3A_76 = tpu.memref_slice %arg6[%add3A_74, %dma_start3A_75] : memref<48x128xi32, #tpu.memory_space<vmem>> -> memref<1x128xi32, #tpu.memory_space<vmem>>
      %dma_start3A_77 = tpu.memref_squeeze %dma_start3A_76 : memref<1x128xi32, #tpu.memory_space<vmem>> -> memref<128xi32, #tpu.memory_space<vmem>>
      %dma_start3A_78 = arith.constant 0 : i32
      %dma_start3A_79 = arith.constant 0 : i32
      %dma_start3A_80 = tpu.memref_slice %arg2[%dma_start3A_78, %dma_start3A_79] : memref<10240x128xf32, #tpu.memory_space<hbm>> -> memref<10240x128xf32, #tpu.memory_space<hbm>>
      tpu.enqueue_indirect_dma source(%dma_start3A_80 : memref<10240x128xf32, #tpu.memory_space<hbm>>) target(%arg9 : memref<128x128xf32, #tpu.memory_space<vmem>>) offsets(%dma_start3A_77 : memref<128xi32, #tpu.memory_space<vmem>>) semaphore(%arg12 : memref<!tpu.dma_semaphore, #tpu.memory_space<semaphore_mem>>)
      "tpu.region"() ({
        %run_scoped3A = tpu.sem_alloc : memref<!tpu.dma_semaphore, #tpu.memory_space<semaphore_mem>>
        %dma_start3A_107 = arith.constant 0 : i32
        %dma_start3A_108 = tpu.memref_slice %arg7[%add3A_72, %dma_start3A_107] : memref<40x128xi32, #tpu.memory_space<vmem>> -> memref<1x128xi32, #tpu.memory_space<vmem>>
        %dma_start3A_109 = tpu.memref_squeeze %dma_start3A_108 : memref<1x128xi32, #tpu.memory_space<vmem>> -> memref<128xi32, #tpu.memory_space<vmem>>
        %dma_start3A_110 = arith.constant 0 : i32
        %dma_start3A_111 = arith.constant 0 : i32
        %dma_start3A_112 = tpu.memref_slice %arg10[%dma_start3A_110, %dma_start3A_111] : memref<10240x128xf32, #tpu.memory_space<vmem_shared>> -> memref<10240x128xf32, #tpu.memory_space<vmem_shared>>
        tpu.enqueue_indirect_dma source(%arg8 : memref<128x128xf32, #tpu.memory_space<vmem>>) target(%dma_start3A_112 : memref<10240x128xf32, #tpu.memory_space<vmem_shared>>) offsets(%dma_start3A_109 : memref<128xi32, #tpu.memory_space<vmem>>) semaphore(%run_scoped3A : memref<!tpu.dma_semaphore, #tpu.memory_space<semaphore_mem>>) {add = true}
        %dma_wait3A_113 = arith.constant 0 : i32
        %dma_wait3A_114 = tpu.memref_slice %arg7[%add3A_72, %dma_wait3A_113] : memref<40x128xi32, #tpu.memory_space<vmem>> -> memref<1x128xi32, #tpu.memory_space<vmem>>
        %dma_wait3A_115 = tpu.memref_squeeze %dma_wait3A_114 : memref<1x128xi32, #tpu.memory_space<vmem>> -> memref<128xi32, #tpu.memory_space<vmem>>
        %dma_wait3A_116 = arith.constant 0 : i32
        %dma_wait3A_117 = arith.constant 0 : i32
        %dma_wait3A_118 = tpu.memref_slice %arg10[%dma_wait3A_116, %dma_wait3A_117] : memref<10240x128xf32, #tpu.memory_space<vmem_shared>> -> memref<10240x128xf32, #tpu.memory_space<vmem_shared>>
        tpu.wait_indirect_dma semaphore(%run_scoped3A : memref<!tpu.dma_semaphore, #tpu.memory_space<semaphore_mem>>) src(%arg8 : memref<128x128xf32, #tpu.memory_space<vmem>>) dst(%dma_wait3A_118 : memref<10240x128xf32, #tpu.memory_space<vmem_shared>>)
        tpu.yield
      }) : () -> ()
      %dma_wait3A_81 = arith.constant 0 : i32
      %dma_wait3A_82 = arith.constant 0 : i32
      %dma_wait3A_83 = tpu.memref_slice %arg6[%dma_wait3A_81, %dma_wait3A_82] : memref<48x128xi32, #tpu.memory_space<vmem>> -> memref<1x128xi32, #tpu.memory_space<vmem>>
      %dma_wait3A_84 = tpu.memref_squeeze %dma_wait3A_83 : memref<1x128xi32, #tpu.memory_space<vmem>> -> memref<128xi32, #tpu.memory_space<vmem>>
      %dma_wait3A_85 = arith.constant 0 : i32
      %dma_wait3A_86 = arith.constant 0 : i32
      %dma_wait3A_87 = tpu.memref_slice %arg2[%dma_wait3A_85, %dma_wait3A_86] : memref<10240x128xf32, #tpu.memory_space<hbm>> -> memref<10240x128xf32, #tpu.memory_space<hbm>>
      tpu.wait_indirect_dma semaphore(%arg12 : memref<!tpu.dma_semaphore, #tpu.memory_space<semaphore_mem>>) src(%dma_wait3A_87 : memref<10240x128xf32, #tpu.memory_space<hbm>>) dst(%arg9 : memref<128x128xf32, #tpu.memory_space<vmem>>)
      %mul3A_88 = arith.constant 2 : i32
      %mul3A_89 = arith.muli %mul3A_88, %scan3A_68 : i32
      %add3A_90 = arith.constant 1 : i32
      %add3A_91 = arith.addi %mul3A_89, %add3A_90 : i32
      %add3A_92 = arith.constant 1 : i32
      %add3A_93 = arith.addi %add3A_91, %add3A_92 : i32
      %dma_start3A_94 = arith.constant 0 : i32
      %dma_start3A_95 = tpu.memref_slice %arg6[%add3A_93, %dma_start3A_94] : memref<48x128xi32, #tpu.memory_space<vmem>> -> memref<1x128xi32, #tpu.memory_space<vmem>>
      %dma_start3A_96 = tpu.memref_squeeze %dma_start3A_95 : memref<1x128xi32, #tpu.memory_space<vmem>> -> memref<128xi32, #tpu.memory_space<vmem>>
      %dma_start3A_97 = arith.constant 0 : i32
      %dma_start3A_98 = arith.constant 0 : i32
      %dma_start3A_99 = tpu.memref_slice %arg2[%dma_start3A_97, %dma_start3A_98] : memref<10240x128xf32, #tpu.memory_space<hbm>> -> memref<10240x128xf32, #tpu.memory_space<hbm>>
      tpu.enqueue_indirect_dma source(%dma_start3A_99 : memref<10240x128xf32, #tpu.memory_space<hbm>>) target(%arg8 : memref<128x128xf32, #tpu.memory_space<vmem>>) offsets(%dma_start3A_96 : memref<128xi32, #tpu.memory_space<vmem>>) semaphore(%arg11 : memref<!tpu.dma_semaphore, #tpu.memory_space<semaphore_mem>>)
      "tpu.region"() ({
        %run_scoped3A = tpu.sem_alloc : memref<!tpu.dma_semaphore, #tpu.memory_space<semaphore_mem>>
        %dma_start3A_107 = arith.constant 0 : i32
        %dma_start3A_108 = tpu.memref_slice %arg7[%add3A_91, %dma_start3A_107] : memref<40x128xi32, #tpu.memory_space<vmem>> -> memref<1x128xi32, #tpu.memory_space<vmem>>
        %dma_start3A_109 = tpu.memref_squeeze %dma_start3A_108 : memref<1x128xi32, #tpu.memory_space<vmem>> -> memref<128xi32, #tpu.memory_space<vmem>>
        %dma_start3A_110 = arith.constant 0 : i32
        %dma_start3A_111 = arith.constant 0 : i32
        %dma_start3A_112 = tpu.memref_slice %arg10[%dma_start3A_110, %dma_start3A_111] : memref<10240x128xf32, #tpu.memory_space<vmem_shared>> -> memref<10240x128xf32, #tpu.memory_space<vmem_shared>>
        tpu.enqueue_indirect_dma source(%arg9 : memref<128x128xf32, #tpu.memory_space<vmem>>) target(%dma_start3A_112 : memref<10240x128xf32, #tpu.memory_space<vmem_shared>>) offsets(%dma_start3A_109 : memref<128xi32, #tpu.memory_space<vmem>>) semaphore(%run_scoped3A : memref<!tpu.dma_semaphore, #tpu.memory_space<semaphore_mem>>) {add = true}
        %dma_wait3A_113 = arith.constant 0 : i32
        %dma_wait3A_114 = tpu.memref_slice %arg7[%add3A_91, %dma_wait3A_113] : memref<40x128xi32, #tpu.memory_space<vmem>> -> memref<1x128xi32, #tpu.memory_space<vmem>>
        %dma_wait3A_115 = tpu.memref_squeeze %dma_wait3A_114 : memref<1x128xi32, #tpu.memory_space<vmem>> -> memref<128xi32, #tpu.memory_space<vmem>>
        %dma_wait3A_116 = arith.constant 0 : i32
        %dma_wait3A_117 = arith.constant 0 : i32
        %dma_wait3A_118 = tpu.memref_slice %arg10[%dma_wait3A_116, %dma_wait3A_117] : memref<10240x128xf32, #tpu.memory_space<vmem_shared>> -> memref<10240x128xf32, #tpu.memory_space<vmem_shared>>
        tpu.wait_indirect_dma semaphore(%run_scoped3A : memref<!tpu.dma_semaphore, #tpu.memory_space<semaphore_mem>>) src(%arg9 : memref<128x128xf32, #tpu.memory_space<vmem>>) dst(%dma_wait3A_118 : memref<10240x128xf32, #tpu.memory_space<vmem_shared>>)
        tpu.yield
      }) : () -> ()
      %dma_wait3A_100 = arith.constant 0 : i32
      %dma_wait3A_101 = arith.constant 0 : i32
      %dma_wait3A_102 = tpu.memref_slice %arg6[%dma_wait3A_100, %dma_wait3A_101] : memref<48x128xi32, #tpu.memory_space<vmem>> -> memref<1x128xi32, #tpu.memory_space<vmem>>
      %dma_wait3A_103 = tpu.memref_squeeze %dma_wait3A_102 : memref<1x128xi32, #tpu.memory_space<vmem>> -> memref<128xi32, #tpu.memory_space<vmem>>
      %dma_wait3A_104 = arith.constant 0 : i32
      %dma_wait3A_105 = arith.constant 0 : i32
      %dma_wait3A_106 = tpu.memref_slice %arg2[%dma_wait3A_104, %dma_wait3A_105] : memref<10240x128xf32, #tpu.memory_space<hbm>> -> memref<10240x128xf32, #tpu.memory_space<hbm>>
      tpu.wait_indirect_dma semaphore(%arg11 : memref<!tpu.dma_semaphore, #tpu.memory_space<semaphore_mem>>) src(%dma_wait3A_106 : memref<10240x128xf32, #tpu.memory_space<hbm>>) dst(%arg8 : memref<128x128xf32, #tpu.memory_space<vmem>>)
    }
    %scan3A_48 = arith.constant 20 : i32
    %mul3A_49 = arith.constant 80 : i32
    %mul3A_50 = arith.muli %add3A, %mul3A_49 : i32
    %add3A_51 = arith.constant 40 : i32
    %add3A_52 = arith.addi %mul3A_50, %add3A_51 : i32
    "tpu.region"() ({
      %run_scoped3A = tpu.sem_alloc : memref<!tpu.dma_semaphore, #tpu.memory_space<semaphore_mem>>
      %dma_start3A_68 = arith.constant 0 : i32
      %dma_start3A_69 = tpu.memref_slice %arg3[%add3A_52, %dma_start3A_68] : memref<2568x128xi32, #tpu.memory_space<hbm>> -> memref<48x128xi32, #tpu.memory_space<hbm>>
      %dma_start3A_70 = arith.constant 0 : i32
      %dma_start3A_71 = tpu.memref_slice %arg3[%add3A_52, %dma_start3A_70] : memref<2568x128xi32, #tpu.memory_space<hbm>> -> memref<48x128xi32, #tpu.memory_space<hbm>>
      tpu.enqueue_dma source(%dma_start3A_71 : memref<48x128xi32, #tpu.memory_space<hbm>>) target(%arg6 : memref<48x128xi32, #tpu.memory_space<vmem>>) target_semaphore(%run_scoped3A : memref<!tpu.dma_semaphore, #tpu.memory_space<semaphore_mem>>)
      %dma_wait3A_72 = arith.constant 0 : i32
      %dma_wait3A_73 = tpu.memref_slice %arg3[%add3A_52, %dma_wait3A_72] : memref<2568x128xi32, #tpu.memory_space<hbm>> -> memref<48x128xi32, #tpu.memory_space<hbm>>
      %dma_wait3A_74 = arith.constant 0 : i32
      %dma_wait3A_75 = tpu.memref_slice %arg3[%add3A_52, %dma_wait3A_74] : memref<2568x128xi32, #tpu.memory_space<hbm>> -> memref<48x128xi32, #tpu.memory_space<hbm>>
      tpu.wait_dma2 semaphore(%run_scoped3A : memref<!tpu.dma_semaphore, #tpu.memory_space<semaphore_mem>>) src(%dma_wait3A_75 : memref<48x128xi32, #tpu.memory_space<hbm>>) dst(%arg6 : memref<48x128xi32, #tpu.memory_space<vmem>>)
      tpu.yield
    }) : () -> ()
    %mul3A_53 = arith.constant 80 : i32
    %mul3A_54 = arith.muli %add3A, %mul3A_53 : i32
    %add3A_55 = arith.constant 40 : i32
    %add3A_56 = arith.addi %mul3A_54, %add3A_55 : i32
    "tpu.region"() ({
      %run_scoped3A = tpu.sem_alloc : memref<!tpu.dma_semaphore, #tpu.memory_space<semaphore_mem>>
      %dma_start3A_68 = arith.constant 0 : i32
      %dma_start3A_69 = tpu.memref_slice %arg4[%add3A_56, %dma_start3A_68] : memref<2568x128xi32, #tpu.memory_space<hbm>> -> memref<40x128xi32, #tpu.memory_space<hbm>>
      %dma_start3A_70 = arith.constant 0 : i32
      %dma_start3A_71 = tpu.memref_slice %arg4[%add3A_56, %dma_start3A_70] : memref<2568x128xi32, #tpu.memory_space<hbm>> -> memref<40x128xi32, #tpu.memory_space<hbm>>
      tpu.enqueue_dma source(%dma_start3A_71 : memref<40x128xi32, #tpu.memory_space<hbm>>) target(%arg7 : memref<40x128xi32, #tpu.memory_space<vmem>>) target_semaphore(%run_scoped3A : memref<!tpu.dma_semaphore, #tpu.memory_space<semaphore_mem>>)
      %dma_wait3A_72 = arith.constant 0 : i32
      %dma_wait3A_73 = tpu.memref_slice %arg4[%add3A_56, %dma_wait3A_72] : memref<2568x128xi32, #tpu.memory_space<hbm>> -> memref<40x128xi32, #tpu.memory_space<hbm>>
      %dma_wait3A_74 = arith.constant 0 : i32
      %dma_wait3A_75 = tpu.memref_slice %arg4[%add3A_56, %dma_wait3A_74] : memref<2568x128xi32, #tpu.memory_space<hbm>> -> memref<40x128xi32, #tpu.memory_space<hbm>>
      tpu.wait_dma2 semaphore(%run_scoped3A : memref<!tpu.dma_semaphore, #tpu.memory_space<semaphore_mem>>) src(%dma_wait3A_75 : memref<40x128xi32, #tpu.memory_space<hbm>>) dst(%arg7 : memref<40x128xi32, #tpu.memory_space<vmem>>)
      tpu.yield
    }) : () -> ()
    %scan3A_57 = arith.constant 0 : i32
    %scan3A_58 = arith.constant 0 : i32
    %scan3A_59 = arith.constant 20 : i32
    %scan3A_60 = arith.addi %scan3A_58, %scan3A_59 : i32
    %scan3A_61 = arith.constant 1 : i32
    scf.for %scan3A_68 = %scan3A_58 to %scan3A_60 step %scan3A_61  : i32 {
      %mul3A_69 = arith.constant 2 : i32
      %mul3A_70 = arith.muli %mul3A_69, %scan3A_68 : i32
      %add3A_71 = arith.constant 0 : i32
      %add3A_72 = arith.addi %mul3A_70, %add3A_71 : i32
      %add3A_73 = arith.constant 1 : i32
      %add3A_74 = arith.addi %add3A_72, %add3A_73 : i32
      %dma_start3A_75 = arith.constant 0 : i32
      %dma_start3A_76 = tpu.memref_slice %arg6[%add3A_74, %dma_start3A_75] : memref<48x128xi32, #tpu.memory_space<vmem>> -> memref<1x128xi32, #tpu.memory_space<vmem>>
      %dma_start3A_77 = tpu.memref_squeeze %dma_start3A_76 : memref<1x128xi32, #tpu.memory_space<vmem>> -> memref<128xi32, #tpu.memory_space<vmem>>
      %dma_start3A_78 = arith.constant 0 : i32
      %dma_start3A_79 = arith.constant 0 : i32
      %dma_start3A_80 = tpu.memref_slice %arg2[%dma_start3A_78, %dma_start3A_79] : memref<10240x128xf32, #tpu.memory_space<hbm>> -> memref<10240x128xf32, #tpu.memory_space<hbm>>
      tpu.enqueue_indirect_dma source(%dma_start3A_80 : memref<10240x128xf32, #tpu.memory_space<hbm>>) target(%arg9 : memref<128x128xf32, #tpu.memory_space<vmem>>) offsets(%dma_start3A_77 : memref<128xi32, #tpu.memory_space<vmem>>) semaphore(%arg12 : memref<!tpu.dma_semaphore, #tpu.memory_space<semaphore_mem>>)
      "tpu.region"() ({
        %run_scoped3A = tpu.sem_alloc : memref<!tpu.dma_semaphore, #tpu.memory_space<semaphore_mem>>
        %dma_start3A_107 = arith.constant 0 : i32
        %dma_start3A_108 = tpu.memref_slice %arg7[%add3A_72, %dma_start3A_107] : memref<40x128xi32, #tpu.memory_space<vmem>> -> memref<1x128xi32, #tpu.memory_space<vmem>>
        %dma_start3A_109 = tpu.memref_squeeze %dma_start3A_108 : memref<1x128xi32, #tpu.memory_space<vmem>> -> memref<128xi32, #tpu.memory_space<vmem>>
        %dma_start3A_110 = arith.constant 0 : i32
        %dma_start3A_111 = arith.constant 0 : i32
        %dma_start3A_112 = tpu.memref_slice %arg10[%dma_start3A_110, %dma_start3A_111] : memref<10240x128xf32, #tpu.memory_space<vmem_shared>> -> memref<10240x128xf32, #tpu.memory_space<vmem_shared>>
        tpu.enqueue_indirect_dma source(%arg8 : memref<128x128xf32, #tpu.memory_space<vmem>>) target(%dma_start3A_112 : memref<10240x128xf32, #tpu.memory_space<vmem_shared>>) offsets(%dma_start3A_109 : memref<128xi32, #tpu.memory_space<vmem>>) semaphore(%run_scoped3A : memref<!tpu.dma_semaphore, #tpu.memory_space<semaphore_mem>>) {add = true}
        %dma_wait3A_113 = arith.constant 0 : i32
        %dma_wait3A_114 = tpu.memref_slice %arg7[%add3A_72, %dma_wait3A_113] : memref<40x128xi32, #tpu.memory_space<vmem>> -> memref<1x128xi32, #tpu.memory_space<vmem>>
        %dma_wait3A_115 = tpu.memref_squeeze %dma_wait3A_114 : memref<1x128xi32, #tpu.memory_space<vmem>> -> memref<128xi32, #tpu.memory_space<vmem>>
        %dma_wait3A_116 = arith.constant 0 : i32
        %dma_wait3A_117 = arith.constant 0 : i32
        %dma_wait3A_118 = tpu.memref_slice %arg10[%dma_wait3A_116, %dma_wait3A_117] : memref<10240x128xf32, #tpu.memory_space<vmem_shared>> -> memref<10240x128xf32, #tpu.memory_space<vmem_shared>>
        tpu.wait_indirect_dma semaphore(%run_scoped3A : memref<!tpu.dma_semaphore, #tpu.memory_space<semaphore_mem>>) src(%arg8 : memref<128x128xf32, #tpu.memory_space<vmem>>) dst(%dma_wait3A_118 : memref<10240x128xf32, #tpu.memory_space<vmem_shared>>)
        tpu.yield
      }) : () -> ()
      %dma_wait3A_81 = arith.constant 0 : i32
      %dma_wait3A_82 = arith.constant 0 : i32
      %dma_wait3A_83 = tpu.memref_slice %arg6[%dma_wait3A_81, %dma_wait3A_82] : memref<48x128xi32, #tpu.memory_space<vmem>> -> memref<1x128xi32, #tpu.memory_space<vmem>>
      %dma_wait3A_84 = tpu.memref_squeeze %dma_wait3A_83 : memref<1x128xi32, #tpu.memory_space<vmem>> -> memref<128xi32, #tpu.memory_space<vmem>>
      %dma_wait3A_85 = arith.constant 0 : i32
      %dma_wait3A_86 = arith.constant 0 : i32
      %dma_wait3A_87 = tpu.memref_slice %arg2[%dma_wait3A_85, %dma_wait3A_86] : memref<10240x128xf32, #tpu.memory_space<hbm>> -> memref<10240x128xf32, #tpu.memory_space<hbm>>
      tpu.wait_indirect_dma semaphore(%arg12 : memref<!tpu.dma_semaphore, #tpu.memory_space<semaphore_mem>>) src(%dma_wait3A_87 : memref<10240x128xf32, #tpu.memory_space<hbm>>) dst(%arg9 : memref<128x128xf32, #tpu.memory_space<vmem>>)
      %mul3A_88 = arith.constant 2 : i32
      %mul3A_89 = arith.muli %mul3A_88, %scan3A_68 : i32
      %add3A_90 = arith.constant 1 : i32
      %add3A_91 = arith.addi %mul3A_89, %add3A_90 : i32
      %add3A_92 = arith.constant 1 : i32
      %add3A_93 = arith.addi %add3A_91, %add3A_92 : i32
      %dma_start3A_94 = arith.constant 0 : i32
      %dma_start3A_95 = tpu.memref_slice %arg6[%add3A_93, %dma_start3A_94] : memref<48x128xi32, #tpu.memory_space<vmem>> -> memref<1x128xi32, #tpu.memory_space<vmem>>
      %dma_start3A_96 = tpu.memref_squeeze %dma_start3A_95 : memref<1x128xi32, #tpu.memory_space<vmem>> -> memref<128xi32, #tpu.memory_space<vmem>>
      %dma_start3A_97 = arith.constant 0 : i32
      %dma_start3A_98 = arith.constant 0 : i32
      %dma_start3A_99 = tpu.memref_slice %arg2[%dma_start3A_97, %dma_start3A_98] : memref<10240x128xf32, #tpu.memory_space<hbm>> -> memref<10240x128xf32, #tpu.memory_space<hbm>>
      tpu.enqueue_indirect_dma source(%dma_start3A_99 : memref<10240x128xf32, #tpu.memory_space<hbm>>) target(%arg8 : memref<128x128xf32, #tpu.memory_space<vmem>>) offsets(%dma_start3A_96 : memref<128xi32, #tpu.memory_space<vmem>>) semaphore(%arg11 : memref<!tpu.dma_semaphore, #tpu.memory_space<semaphore_mem>>)
      "tpu.region"() ({
        %run_scoped3A = tpu.sem_alloc : memref<!tpu.dma_semaphore, #tpu.memory_space<semaphore_mem>>
        %dma_start3A_107 = arith.constant 0 : i32
        %dma_start3A_108 = tpu.memref_slice %arg7[%add3A_91, %dma_start3A_107] : memref<40x128xi32, #tpu.memory_space<vmem>> -> memref<1x128xi32, #tpu.memory_space<vmem>>
        %dma_start3A_109 = tpu.memref_squeeze %dma_start3A_108 : memref<1x128xi32, #tpu.memory_space<vmem>> -> memref<128xi32, #tpu.memory_space<vmem>>
        %dma_start3A_110 = arith.constant 0 : i32
        %dma_start3A_111 = arith.constant 0 : i32
        %dma_start3A_112 = tpu.memref_slice %arg10[%dma_start3A_110, %dma_start3A_111] : memref<10240x128xf32, #tpu.memory_space<vmem_shared>> -> memref<10240x128xf32, #tpu.memory_space<vmem_shared>>
        tpu.enqueue_indirect_dma source(%arg9 : memref<128x128xf32, #tpu.memory_space<vmem>>) target(%dma_start3A_112 : memref<10240x128xf32, #tpu.memory_space<vmem_shared>>) offsets(%dma_start3A_109 : memref<128xi32, #tpu.memory_space<vmem>>) semaphore(%run_scoped3A : memref<!tpu.dma_semaphore, #tpu.memory_space<semaphore_mem>>) {add = true}
        %dma_wait3A_113 = arith.constant 0 : i32
        %dma_wait3A_114 = tpu.memref_slice %arg7[%add3A_91, %dma_wait3A_113] : memref<40x128xi32, #tpu.memory_space<vmem>> -> memref<1x128xi32, #tpu.memory_space<vmem>>
        %dma_wait3A_115 = tpu.memref_squeeze %dma_wait3A_114 : memref<1x128xi32, #tpu.memory_space<vmem>> -> memref<128xi32, #tpu.memory_space<vmem>>
        %dma_wait3A_116 = arith.constant 0 : i32
        %dma_wait3A_117 = arith.constant 0 : i32
        %dma_wait3A_118 = tpu.memref_slice %arg10[%dma_wait3A_116, %dma_wait3A_117] : memref<10240x128xf32, #tpu.memory_space<vmem_shared>> -> memref<10240x128xf32, #tpu.memory_space<vmem_shared>>
        tpu.wait_indirect_dma semaphore(%run_scoped3A : memref<!tpu.dma_semaphore, #tpu.memory_space<semaphore_mem>>) src(%arg9 : memref<128x128xf32, #tpu.memory_space<vmem>>) dst(%dma_wait3A_118 : memref<10240x128xf32, #tpu.memory_space<vmem_shared>>)
        tpu.yield
      }) : () -> ()
      %dma_wait3A_100 = arith.constant 0 : i32
      %dma_wait3A_101 = arith.constant 0 : i32
      %dma_wait3A_102 = tpu.memref_slice %arg6[%dma_wait3A_100, %dma_wait3A_101] : memref<48x128xi32, #tpu.memory_space<vmem>> -> memref<1x128xi32, #tpu.memory_space<vmem>>
      %dma_wait3A_103 = tpu.memref_squeeze %dma_wait3A_102 : memref<1x128xi32, #tpu.memory_space<vmem>> -> memref<128xi32, #tpu.memory_space<vmem>>
      %dma_wait3A_104 = arith.constant 0 : i32
      %dma_wait3A_105 = arith.constant 0 : i32
      %dma_wait3A_106 = tpu.memref_slice %arg2[%dma_wait3A_104, %dma_wait3A_105] : memref<10240x128xf32, #tpu.memory_space<hbm>> -> memref<10240x128xf32, #tpu.memory_space<hbm>>
      tpu.wait_indirect_dma semaphore(%arg11 : memref<!tpu.dma_semaphore, #tpu.memory_space<semaphore_mem>>) src(%dma_wait3A_106 : memref<10240x128xf32, #tpu.memory_space<hbm>>) dst(%arg8 : memref<128x128xf32, #tpu.memory_space<vmem>>)
    }
    %scan3A_62 = arith.constant 20 : i32
    %barrier3A_63 = arith.constant 0 : index
    tpu.barrier barrier_id(%barrier3A_63)
    %mul3A_64 = arith.constant 640 : i32
    %mul3A_65 = arith.muli %arg1, %mul3A_64 : i32
    %mul3A_66 = arith.constant 640 : i32
    %mul3A_67 = arith.muli %arg1, %mul3A_66 : i32
    "tpu.region"() ({
      %run_scoped3A = tpu.sem_alloc : memref<!tpu.dma_semaphore, #tpu.memory_space<semaphore_mem>>
      %dma_start3A_68 = arith.constant 0 : i32
      %dma_start3A_69 = tpu.memref_slice %arg5[%arg0, %mul3A_67, %dma_start3A_68] : memref<2x10240x128xf32, #tpu.memory_space<hbm>> -> memref<1x640x128xf32, #tpu.memory_space<hbm>>
      %dma_start3A_70 = tpu.memref_squeeze %dma_start3A_69 : memref<1x640x128xf32, #tpu.memory_space<hbm>> -> memref<640x128xf32, #tpu.memory_space<hbm>>
      %dma_start3A_71 = arith.constant 0 : i32
      %dma_start3A_72 = tpu.memref_slice %arg10[%mul3A_65, %dma_start3A_71] : memref<10240x128xf32, #tpu.memory_space<vmem_shared>> -> memref<640x128xf32, #tpu.memory_space<vmem_shared>>
      tpu.enqueue_dma source(%dma_start3A_72 : memref<640x128xf32, #tpu.memory_space<vmem_shared>>) target(%dma_start3A_70 : memref<640x128xf32, #tpu.memory_space<hbm>>) target_semaphore(%run_scoped3A : memref<!tpu.dma_semaphore, #tpu.memory_space<semaphore_mem>>)
      %dma_wait3A_73 = arith.constant 0 : i32
      %dma_wait3A_74 = tpu.memref_slice %arg5[%arg0, %mul3A_67, %dma_wait3A_73] : memref<2x10240x128xf32, #tpu.memory_space<hbm>> -> memref<1x640x128xf32, #tpu.memory_space<hbm>>
      %dma_wait3A_75 = tpu.memref_squeeze %dma_wait3A_74 : memref<1x640x128xf32, #tpu.memory_space<hbm>> -> memref<640x128xf32, #tpu.memory_space<hbm>>
      %dma_wait3A_76 = arith.constant 0 : i32
      %dma_wait3A_77 = tpu.memref_slice %arg10[%mul3A_65, %dma_wait3A_76] : memref<10240x128xf32, #tpu.memory_space<vmem_shared>> -> memref<640x128xf32, #tpu.memory_space<vmem_shared>>
      tpu.wait_dma2 semaphore(%run_scoped3A : memref<!tpu.dma_semaphore, #tpu.memory_space<semaphore_mem>>) src(%dma_wait3A_77 : memref<640x128xf32, #tpu.memory_space<vmem_shared>>) dst(%dma_wait3A_75 : memref<640x128xf32, #tpu.memory_space<hbm>>)
      tpu.yield
    }) : () -> ()
    return
  }
}

#map = affine_map<(d0, d1) -> (0, 0)>
#map1 = affine_map<(d0, d1) -> (0, 0, 0)>
module attributes {stable_mosaic.version = 14 : i64} {
  func.func @sc_degree_body(%arg0: i32, %arg1: i32, %arg2: memref<2568x128xi32, #tpu.memory_space<hbm>>, %arg3: memref<2x10240x128xf32, #tpu.memory_space<hbm>>, %arg4: memref<80x128xi32, #tpu.memory_space<vmem>>, %arg5: memref<128x128xf32, #tpu.memory_space<vmem>>, %arg6: memref<10240x128xf32, #tpu.memory_space<vmem_shared>>) attributes {dimension_semantics = [#tpu.dimension_semantics<core_parallel>, #tpu.dimension_semantics<subcore_parallel>], iteration_bounds = array<i64: 2, 16>, scalar_prefetch = 0 : i64, scratch_operands = 3 : i64, tpu.core_type = #tpu.core_type<sc_vector_subcore>, window_params = [{transform_indices = #map}, {transform_indices = #map1}]} {
    %mul3A = arith.constant 2 : i32
    %mul3A_0 = arith.muli %arg1, %mul3A : i32
    %add3A = arith.addi %mul3A_0, %arg0 : i32
    %broadcast_in_dim3A = arith.constant 0.000000e+00 : f32
    %broadcast_in_dim3A_1 = vector.broadcast %broadcast_in_dim3A : f32 to vector<16xf32>
    %scan3A = arith.constant 0 : i32
    %scan3A_2 = arith.constant 0 : i32
    %scan3A_3 = arith.constant 128 : i32
    %scan3A_4 = arith.addi %scan3A_2, %scan3A_3 : i32
    %scan3A_5 = arith.constant 1 : i32
    scf.for %scan3A_48 = %scan3A_2 to %scan3A_4 step %scan3A_5  : i32 {
      %swap3A = arith.index_cast %scan3A_48 : i32 to index
      %swap3A_49 = arith.constant 0 : index
      %swap3A_50 = tpu.vector_load %arg5[%swap3A, %swap3A_49] {strides = array<i32>} : memref<128x128xf32, #tpu.memory_space<vmem>>, vector<1x16xf32>,
      %swap3A_51 = vector.shape_cast %swap3A_50 : vector<1x16xf32> to vector<16xf32>
      %swap3A_52 = vector.shape_cast %broadcast_in_dim3A_1 : vector<16xf32> to vector<1x16xf32>
      tpu.vector_store %arg5[%swap3A, %swap3A_49], %swap3A_52 {strides = array<i32>} : memref<128x128xf32, #tpu.memory_space<vmem>>, vector<1x16xf32>,
      %swap3A_53 = arith.index_cast %scan3A_48 : i32 to index
      %swap3A_54 = arith.constant 16 : index
      %swap3A_55 = tpu.vector_load %arg5[%swap3A_53, %swap3A_54] {strides = array<i32>} : memref<128x128xf32, #tpu.memory_space<vmem>>, vector<1x16xf32>,
      %swap3A_56 = vector.shape_cast %swap3A_55 : vector<1x16xf32> to vector<16xf32>
      %swap3A_57 = vector.shape_cast %broadcast_in_dim3A_1 : vector<16xf32> to vector<1x16xf32>
      tpu.vector_store %arg5[%swap3A_53, %swap3A_54], %swap3A_57 {strides = array<i32>} : memref<128x128xf32, #tpu.memory_space<vmem>>, vector<1x16xf32>,
      %swap3A_58 = arith.index_cast %scan3A_48 : i32 to index
      %swap3A_59 = arith.constant 32 : index
      %swap3A_60 = tpu.vector_load %arg5[%swap3A_58, %swap3A_59] {strides = array<i32>} : memref<128x128xf32, #tpu.memory_space<vmem>>, vector<1x16xf32>,
      %swap3A_61 = vector.shape_cast %swap3A_60 : vector<1x16xf32> to vector<16xf32>
      %swap3A_62 = vector.shape_cast %broadcast_in_dim3A_1 : vector<16xf32> to vector<1x16xf32>
      tpu.vector_store %arg5[%swap3A_58, %swap3A_59], %swap3A_62 {strides = array<i32>} : memref<128x128xf32, #tpu.memory_space<vmem>>, vector<1x16xf32>,
      %swap3A_63 = arith.index_cast %scan3A_48 : i32 to index
      %swap3A_64 = arith.constant 48 : index
      %swap3A_65 = tpu.vector_load %arg5[%swap3A_63, %swap3A_64] {strides = array<i32>} : memref<128x128xf32, #tpu.memory_space<vmem>>, vector<1x16xf32>,
      %swap3A_66 = vector.shape_cast %swap3A_65 : vector<1x16xf32> to vector<16xf32>
      %swap3A_67 = vector.shape_cast %broadcast_in_dim3A_1 : vector<16xf32> to vector<1x16xf32>
      tpu.vector_store %arg5[%swap3A_63, %swap3A_64], %swap3A_67 {strides = array<i32>} : memref<128x128xf32, #tpu.memory_space<vmem>>, vector<1x16xf32>,
      %swap3A_68 = arith.index_cast %scan3A_48 : i32 to index
      %swap3A_69 = arith.constant 64 : index
      %swap3A_70 = tpu.vector_load %arg5[%swap3A_68, %swap3A_69] {strides = array<i32>} : memref<128x128xf32, #tpu.memory_space<vmem>>, vector<1x16xf32>,
      %swap3A_71 = vector.shape_cast %swap3A_70 : vector<1x16xf32> to vector<16xf32>
      %swap3A_72 = vector.shape_cast %broadcast_in_dim3A_1 : vector<16xf32> to vector<1x16xf32>
      tpu.vector_store %arg5[%swap3A_68, %swap3A_69], %swap3A_72 {strides = array<i32>} : memref<128x128xf32, #tpu.memory_space<vmem>>, vector<1x16xf32>,
      %swap3A_73 = arith.index_cast %scan3A_48 : i32 to index
      %swap3A_74 = arith.constant 80 : index
      %swap3A_75 = tpu.vector_load %arg5[%swap3A_73, %swap3A_74] {strides = array<i32>} : memref<128x128xf32, #tpu.memory_space<vmem>>, vector<1x16xf32>,
      %swap3A_76 = vector.shape_cast %swap3A_75 : vector<1x16xf32> to vector<16xf32>
      %swap3A_77 = vector.shape_cast %broadcast_in_dim3A_1 : vector<16xf32> to vector<1x16xf32>
      tpu.vector_store %arg5[%swap3A_73, %swap3A_74], %swap3A_77 {strides = array<i32>} : memref<128x128xf32, #tpu.memory_space<vmem>>, vector<1x16xf32>,
      %swap3A_78 = arith.index_cast %scan3A_48 : i32 to index
      %swap3A_79 = arith.constant 96 : index
      %swap3A_80 = tpu.vector_load %arg5[%swap3A_78, %swap3A_79] {strides = array<i32>} : memref<128x128xf32, #tpu.memory_space<vmem>>, vector<1x16xf32>,
      %swap3A_81 = vector.shape_cast %swap3A_80 : vector<1x16xf32> to vector<16xf32>
      %swap3A_82 = vector.shape_cast %broadcast_in_dim3A_1 : vector<16xf32> to vector<1x16xf32>
      tpu.vector_store %arg5[%swap3A_78, %swap3A_79], %swap3A_82 {strides = array<i32>} : memref<128x128xf32, #tpu.memory_space<vmem>>, vector<1x16xf32>,
      %swap3A_83 = arith.index_cast %scan3A_48 : i32 to index
      %swap3A_84 = arith.constant 112 : index
      %swap3A_85 = tpu.vector_load %arg5[%swap3A_83, %swap3A_84] {strides = array<i32>} : memref<128x128xf32, #tpu.memory_space<vmem>>, vector<1x16xf32>,
      %swap3A_86 = vector.shape_cast %swap3A_85 : vector<1x16xf32> to vector<16xf32>
      %swap3A_87 = vector.shape_cast %broadcast_in_dim3A_1 : vector<16xf32> to vector<1x16xf32>
      tpu.vector_store %arg5[%swap3A_83, %swap3A_84], %swap3A_87 {strides = array<i32>} : memref<128x128xf32, #tpu.memory_space<vmem>>, vector<1x16xf32>,
    }
    %scan3A_6 = arith.constant 128 : i32
    %mul3A_7 = arith.constant 640 : i32
    %mul3A_8 = arith.muli %arg1, %mul3A_7 : i32
    %add3A_9 = arith.constant 0 : i32
    %add3A_10 = arith.addi %mul3A_8, %add3A_9 : i32
    "tpu.region"() ({
      %run_scoped3A = tpu.sem_alloc : memref<!tpu.dma_semaphore, #tpu.memory_space<semaphore_mem>>
      %dma_start3A = arith.constant 0 : i32
      %dma_start3A_48 = tpu.memref_slice %arg6[%add3A_10, %dma_start3A] : memref<10240x128xf32, #tpu.memory_space<vmem_shared>> -> memref<128x128xf32, #tpu.memory_space<vmem_shared>>
      %dma_start3A_49 = arith.constant 0 : i32
      %dma_start3A_50 = tpu.memref_slice %arg6[%add3A_10, %dma_start3A_49] : memref<10240x128xf32, #tpu.memory_space<vmem_shared>> -> memref<128x128xf32, #tpu.memory_space<vmem_shared>>
      tpu.enqueue_dma source(%arg5 : memref<128x128xf32, #tpu.memory_space<vmem>>) target(%dma_start3A_50 : memref<128x128xf32, #tpu.memory_space<vmem_shared>>) target_semaphore(%run_scoped3A : memref<!tpu.dma_semaphore, #tpu.memory_space<semaphore_mem>>)
      %dma_wait3A = arith.constant 0 : i32
      %dma_wait3A_51 = tpu.memref_slice %arg6[%add3A_10, %dma_wait3A] : memref<10240x128xf32, #tpu.memory_space<vmem_shared>> -> memref<128x128xf32, #tpu.memory_space<vmem_shared>>
      %dma_wait3A_52 = arith.constant 0 : i32
      %dma_wait3A_53 = tpu.memref_slice %arg6[%add3A_10, %dma_wait3A_52] : memref<10240x128xf32, #tpu.memory_space<vmem_shared>> -> memref<128x128xf32, #tpu.memory_space<vmem_shared>>
      tpu.wait_dma2 semaphore(%run_scoped3A : memref<!tpu.dma_semaphore, #tpu.memory_space<semaphore_mem>>) src(%arg5 : memref<128x128xf32, #tpu.memory_space<vmem>>) dst(%dma_wait3A_53 : memref<128x128xf32, #tpu.memory_space<vmem_shared>>)
      tpu.yield
    }) : () -> ()
    %mul3A_11 = arith.constant 640 : i32
    %mul3A_12 = arith.muli %arg1, %mul3A_11 : i32
    %add3A_13 = arith.constant 128 : i32
    %add3A_14 = arith.addi %mul3A_12, %add3A_13 : i32
    "tpu.region"() ({
      %run_scoped3A = tpu.sem_alloc : memref<!tpu.dma_semaphore, #tpu.memory_space<semaphore_mem>>
      %dma_start3A = arith.constant 0 : i32
      %dma_start3A_48 = tpu.memref_slice %arg6[%add3A_14, %dma_start3A] : memref<10240x128xf32, #tpu.memory_space<vmem_shared>> -> memref<128x128xf32, #tpu.memory_space<vmem_shared>>
      %dma_start3A_49 = arith.constant 0 : i32
      %dma_start3A_50 = tpu.memref_slice %arg6[%add3A_14, %dma_start3A_49] : memref<10240x128xf32, #tpu.memory_space<vmem_shared>> -> memref<128x128xf32, #tpu.memory_space<vmem_shared>>
      tpu.enqueue_dma source(%arg5 : memref<128x128xf32, #tpu.memory_space<vmem>>) target(%dma_start3A_50 : memref<128x128xf32, #tpu.memory_space<vmem_shared>>) target_semaphore(%run_scoped3A : memref<!tpu.dma_semaphore, #tpu.memory_space<semaphore_mem>>)
      %dma_wait3A = arith.constant 0 : i32
      %dma_wait3A_51 = tpu.memref_slice %arg6[%add3A_14, %dma_wait3A] : memref<10240x128xf32, #tpu.memory_space<vmem_shared>> -> memref<128x128xf32, #tpu.memory_space<vmem_shared>>
      %dma_wait3A_52 = arith.constant 0 : i32
      %dma_wait3A_53 = tpu.memref_slice %arg6[%add3A_14, %dma_wait3A_52] : memref<10240x128xf32, #tpu.memory_space<vmem_shared>> -> memref<128x128xf32, #tpu.memory_space<vmem_shared>>
      tpu.wait_dma2 semaphore(%run_scoped3A : memref<!tpu.dma_semaphore, #tpu.memory_space<semaphore_mem>>) src(%arg5 : memref<128x128xf32, #tpu.memory_space<vmem>>) dst(%dma_wait3A_53 : memref<128x128xf32, #tpu.memory_space<vmem_shared>>)
      tpu.yield
    }) : () -> ()
    %mul3A_15 = arith.constant 640 : i32
    %mul3A_16 = arith.muli %arg1, %mul3A_15 : i32
    %add3A_17 = arith.constant 256 : i32
    %add3A_18 = arith.addi %mul3A_16, %add3A_17 : i32
    "tpu.region"() ({
      %run_scoped3A = tpu.sem_alloc : memref<!tpu.dma_semaphore, #tpu.memory_space<semaphore_mem>>
      %dma_start3A = arith.constant 0 : i32
      %dma_start3A_48 = tpu.memref_slice %arg6[%add3A_18, %dma_start3A] : memref<10240x128xf32, #tpu.memory_space<vmem_shared>> -> memref<128x128xf32, #tpu.memory_space<vmem_shared>>
      %dma_start3A_49 = arith.constant 0 : i32
      %dma_start3A_50 = tpu.memref_slice %arg6[%add3A_18, %dma_start3A_49] : memref<10240x128xf32, #tpu.memory_space<vmem_shared>> -> memref<128x128xf32, #tpu.memory_space<vmem_shared>>
      tpu.enqueue_dma source(%arg5 : memref<128x128xf32, #tpu.memory_space<vmem>>) target(%dma_start3A_50 : memref<128x128xf32, #tpu.memory_space<vmem_shared>>) target_semaphore(%run_scoped3A : memref<!tpu.dma_semaphore, #tpu.memory_space<semaphore_mem>>)
      %dma_wait3A = arith.constant 0 : i32
      %dma_wait3A_51 = tpu.memref_slice %arg6[%add3A_18, %dma_wait3A] : memref<10240x128xf32, #tpu.memory_space<vmem_shared>> -> memref<128x128xf32, #tpu.memory_space<vmem_shared>>
      %dma_wait3A_52 = arith.constant 0 : i32
      %dma_wait3A_53 = tpu.memref_slice %arg6[%add3A_18, %dma_wait3A_52] : memref<10240x128xf32, #tpu.memory_space<vmem_shared>> -> memref<128x128xf32, #tpu.memory_space<vmem_shared>>
      tpu.wait_dma2 semaphore(%run_scoped3A : memref<!tpu.dma_semaphore, #tpu.memory_space<semaphore_mem>>) src(%arg5 : memref<128x128xf32, #tpu.memory_space<vmem>>) dst(%dma_wait3A_53 : memref<128x128xf32, #tpu.memory_space<vmem_shared>>)
      tpu.yield
    }) : () -> ()
    %mul3A_19 = arith.constant 640 : i32
    %mul3A_20 = arith.muli %arg1, %mul3A_19 : i32
    %add3A_21 = arith.constant 384 : i32
    %add3A_22 = arith.addi %mul3A_20, %add3A_21 : i32
    "tpu.region"() ({
      %run_scoped3A = tpu.sem_alloc : memref<!tpu.dma_semaphore, #tpu.memory_space<semaphore_mem>>
      %dma_start3A = arith.constant 0 : i32
      %dma_start3A_48 = tpu.memref_slice %arg6[%add3A_22, %dma_start3A] : memref<10240x128xf32, #tpu.memory_space<vmem_shared>> -> memref<128x128xf32, #tpu.memory_space<vmem_shared>>
      %dma_start3A_49 = arith.constant 0 : i32
      %dma_start3A_50 = tpu.memref_slice %arg6[%add3A_22, %dma_start3A_49] : memref<10240x128xf32, #tpu.memory_space<vmem_shared>> -> memref<128x128xf32, #tpu.memory_space<vmem_shared>>
      tpu.enqueue_dma source(%arg5 : memref<128x128xf32, #tpu.memory_space<vmem>>) target(%dma_start3A_50 : memref<128x128xf32, #tpu.memory_space<vmem_shared>>) target_semaphore(%run_scoped3A : memref<!tpu.dma_semaphore, #tpu.memory_space<semaphore_mem>>)
      %dma_wait3A = arith.constant 0 : i32
      %dma_wait3A_51 = tpu.memref_slice %arg6[%add3A_22, %dma_wait3A] : memref<10240x128xf32, #tpu.memory_space<vmem_shared>> -> memref<128x128xf32, #tpu.memory_space<vmem_shared>>
      %dma_wait3A_52 = arith.constant 0 : i32
      %dma_wait3A_53 = tpu.memref_slice %arg6[%add3A_22, %dma_wait3A_52] : memref<10240x128xf32, #tpu.memory_space<vmem_shared>> -> memref<128x128xf32, #tpu.memory_space<vmem_shared>>
      tpu.wait_dma2 semaphore(%run_scoped3A : memref<!tpu.dma_semaphore, #tpu.memory_space<semaphore_mem>>) src(%arg5 : memref<128x128xf32, #tpu.memory_space<vmem>>) dst(%dma_wait3A_53 : memref<128x128xf32, #tpu.memory_space<vmem_shared>>)
      tpu.yield
    }) : () -> ()
    %mul3A_23 = arith.constant 640 : i32
    %mul3A_24 = arith.muli %arg1, %mul3A_23 : i32
    %add3A_25 = arith.constant 512 : i32
    %add3A_26 = arith.addi %mul3A_24, %add3A_25 : i32
    "tpu.region"() ({
      %run_scoped3A = tpu.sem_alloc : memref<!tpu.dma_semaphore, #tpu.memory_space<semaphore_mem>>
      %dma_start3A = arith.constant 0 : i32
      %dma_start3A_48 = tpu.memref_slice %arg6[%add3A_26, %dma_start3A] : memref<10240x128xf32, #tpu.memory_space<vmem_shared>> -> memref<128x128xf32, #tpu.memory_space<vmem_shared>>
      %dma_start3A_49 = arith.constant 0 : i32
      %dma_start3A_50 = tpu.memref_slice %arg6[%add3A_26, %dma_start3A_49] : memref<10240x128xf32, #tpu.memory_space<vmem_shared>> -> memref<128x128xf32, #tpu.memory_space<vmem_shared>>
      tpu.enqueue_dma source(%arg5 : memref<128x128xf32, #tpu.memory_space<vmem>>) target(%dma_start3A_50 : memref<128x128xf32, #tpu.memory_space<vmem_shared>>) target_semaphore(%run_scoped3A : memref<!tpu.dma_semaphore, #tpu.memory_space<semaphore_mem>>)
      %dma_wait3A = arith.constant 0 : i32
      %dma_wait3A_51 = tpu.memref_slice %arg6[%add3A_26, %dma_wait3A] : memref<10240x128xf32, #tpu.memory_space<vmem_shared>> -> memref<128x128xf32, #tpu.memory_space<vmem_shared>>
      %dma_wait3A_52 = arith.constant 0 : i32
      %dma_wait3A_53 = tpu.memref_slice %arg6[%add3A_26, %dma_wait3A_52] : memref<10240x128xf32, #tpu.memory_space<vmem_shared>> -> memref<128x128xf32, #tpu.memory_space<vmem_shared>>
      tpu.wait_dma2 semaphore(%run_scoped3A : memref<!tpu.dma_semaphore, #tpu.memory_space<semaphore_mem>>) src(%arg5 : memref<128x128xf32, #tpu.memory_space<vmem>>) dst(%dma_wait3A_53 : memref<128x128xf32, #tpu.memory_space<vmem_shared>>)
      tpu.yield
    }) : () -> ()
    %broadcast_in_dim3A_27 = arith.constant 1.000000e+00 : f32
    %broadcast_in_dim3A_28 = vector.broadcast %broadcast_in_dim3A_27 : f32 to vector<16xf32>
    %scan3A_29 = arith.constant 0 : i32
    %scan3A_30 = arith.constant 0 : i32
    %scan3A_31 = arith.constant 128 : i32
    %scan3A_32 = arith.addi %scan3A_30, %scan3A_31 : i32
    %scan3A_33 = arith.constant 1 : i32
    scf.for %scan3A_48 = %scan3A_30 to %scan3A_32 step %scan3A_33  : i32 {
      %swap3A = arith.index_cast %scan3A_48 : i32 to index
      %swap3A_49 = arith.constant 0 : index
      %swap3A_50 = tpu.vector_load %arg5[%swap3A, %swap3A_49] {strides = array<i32>} : memref<128x128xf32, #tpu.memory_space<vmem>>, vector<1x16xf32>,
      %swap3A_51 = vector.shape_cast %swap3A_50 : vector<1x16xf32> to vector<16xf32>
      %swap3A_52 = vector.shape_cast %broadcast_in_dim3A_28 : vector<16xf32> to vector<1x16xf32>
      tpu.vector_store %arg5[%swap3A, %swap3A_49], %swap3A_52 {strides = array<i32>} : memref<128x128xf32, #tpu.memory_space<vmem>>, vector<1x16xf32>,
      %swap3A_53 = arith.index_cast %scan3A_48 : i32 to index
      %swap3A_54 = arith.constant 16 : index
      %swap3A_55 = tpu.vector_load %arg5[%swap3A_53, %swap3A_54] {strides = array<i32>} : memref<128x128xf32, #tpu.memory_space<vmem>>, vector<1x16xf32>,
      %swap3A_56 = vector.shape_cast %swap3A_55 : vector<1x16xf32> to vector<16xf32>
      %swap3A_57 = vector.shape_cast %broadcast_in_dim3A_28 : vector<16xf32> to vector<1x16xf32>
      tpu.vector_store %arg5[%swap3A_53, %swap3A_54], %swap3A_57 {strides = array<i32>} : memref<128x128xf32, #tpu.memory_space<vmem>>, vector<1x16xf32>,
      %swap3A_58 = arith.index_cast %scan3A_48 : i32 to index
      %swap3A_59 = arith.constant 32 : index
      %swap3A_60 = tpu.vector_load %arg5[%swap3A_58, %swap3A_59] {strides = array<i32>} : memref<128x128xf32, #tpu.memory_space<vmem>>, vector<1x16xf32>,
      %swap3A_61 = vector.shape_cast %swap3A_60 : vector<1x16xf32> to vector<16xf32>
      %swap3A_62 = vector.shape_cast %broadcast_in_dim3A_28 : vector<16xf32> to vector<1x16xf32>
      tpu.vector_store %arg5[%swap3A_58, %swap3A_59], %swap3A_62 {strides = array<i32>} : memref<128x128xf32, #tpu.memory_space<vmem>>, vector<1x16xf32>,
      %swap3A_63 = arith.index_cast %scan3A_48 : i32 to index
      %swap3A_64 = arith.constant 48 : index
      %swap3A_65 = tpu.vector_load %arg5[%swap3A_63, %swap3A_64] {strides = array<i32>} : memref<128x128xf32, #tpu.memory_space<vmem>>, vector<1x16xf32>,
      %swap3A_66 = vector.shape_cast %swap3A_65 : vector<1x16xf32> to vector<16xf32>
      %swap3A_67 = vector.shape_cast %broadcast_in_dim3A_28 : vector<16xf32> to vector<1x16xf32>
      tpu.vector_store %arg5[%swap3A_63, %swap3A_64], %swap3A_67 {strides = array<i32>} : memref<128x128xf32, #tpu.memory_space<vmem>>, vector<1x16xf32>,
      %swap3A_68 = arith.index_cast %scan3A_48 : i32 to index
      %swap3A_69 = arith.constant 64 : index
      %swap3A_70 = tpu.vector_load %arg5[%swap3A_68, %swap3A_69] {strides = array<i32>} : memref<128x128xf32, #tpu.memory_space<vmem>>, vector<1x16xf32>,
      %swap3A_71 = vector.shape_cast %swap3A_70 : vector<1x16xf32> to vector<16xf32>
      %swap3A_72 = vector.shape_cast %broadcast_in_dim3A_28 : vector<16xf32> to vector<1x16xf32>
      tpu.vector_store %arg5[%swap3A_68, %swap3A_69], %swap3A_72 {strides = array<i32>} : memref<128x128xf32, #tpu.memory_space<vmem>>, vector<1x16xf32>,
      %swap3A_73 = arith.index_cast %scan3A_48 : i32 to index
      %swap3A_74 = arith.constant 80 : index
      %swap3A_75 = tpu.vector_load %arg5[%swap3A_73, %swap3A_74] {strides = array<i32>} : memref<128x128xf32, #tpu.memory_space<vmem>>, vector<1x16xf32>,
      %swap3A_76 = vector.shape_cast %swap3A_75 : vector<1x16xf32> to vector<16xf32>
      %swap3A_77 = vector.shape_cast %broadcast_in_dim3A_28 : vector<16xf32> to vector<1x16xf32>
      tpu.vector_store %arg5[%swap3A_73, %swap3A_74], %swap3A_77 {strides = array<i32>} : memref<128x128xf32, #tpu.memory_space<vmem>>, vector<1x16xf32>,
      %swap3A_78 = arith.index_cast %scan3A_48 : i32 to index
      %swap3A_79 = arith.constant 96 : index
      %swap3A_80 = tpu.vector_load %arg5[%swap3A_78, %swap3A_79] {strides = array<i32>} : memref<128x128xf32, #tpu.memory_space<vmem>>, vector<1x16xf32>,
      %swap3A_81 = vector.shape_cast %swap3A_80 : vector<1x16xf32> to vector<16xf32>
      %swap3A_82 = vector.shape_cast %broadcast_in_dim3A_28 : vector<16xf32> to vector<1x16xf32>
      tpu.vector_store %arg5[%swap3A_78, %swap3A_79], %swap3A_82 {strides = array<i32>} : memref<128x128xf32, #tpu.memory_space<vmem>>, vector<1x16xf32>,
      %swap3A_83 = arith.index_cast %scan3A_48 : i32 to index
      %swap3A_84 = arith.constant 112 : index
      %swap3A_85 = tpu.vector_load %arg5[%swap3A_83, %swap3A_84] {strides = array<i32>} : memref<128x128xf32, #tpu.memory_space<vmem>>, vector<1x16xf32>,
      %swap3A_86 = vector.shape_cast %swap3A_85 : vector<1x16xf32> to vector<16xf32>
      %swap3A_87 = vector.shape_cast %broadcast_in_dim3A_28 : vector<16xf32> to vector<1x16xf32>
      tpu.vector_store %arg5[%swap3A_83, %swap3A_84], %swap3A_87 {strides = array<i32>} : memref<128x128xf32, #tpu.memory_space<vmem>>, vector<1x16xf32>,
    }
    %scan3A_34 = arith.constant 128 : i32
    %mul3A_35 = arith.constant 80 : i32
    %mul3A_36 = arith.muli %add3A, %mul3A_35 : i32
    "tpu.region"() ({
      %run_scoped3A = tpu.sem_alloc : memref<!tpu.dma_semaphore, #tpu.memory_space<semaphore_mem>>
      %dma_start3A = arith.constant 0 : i32
      %dma_start3A_48 = tpu.memref_slice %arg2[%mul3A_36, %dma_start3A] : memref<2568x128xi32, #tpu.memory_space<hbm>> -> memref<80x128xi32, #tpu.memory_space<hbm>>
      %dma_start3A_49 = arith.constant 0 : i32
      %dma_start3A_50 = tpu.memref_slice %arg2[%mul3A_36, %dma_start3A_49] : memref<2568x128xi32, #tpu.memory_space<hbm>> -> memref<80x128xi32, #tpu.memory_space<hbm>>
      tpu.enqueue_dma source(%dma_start3A_50 : memref<80x128xi32, #tpu.memory_space<hbm>>) target(%arg4 : memref<80x128xi32, #tpu.memory_space<vmem>>) target_semaphore(%run_scoped3A : memref<!tpu.dma_semaphore, #tpu.memory_space<semaphore_mem>>)
      %dma_wait3A = arith.constant 0 : i32
      %dma_wait3A_51 = tpu.memref_slice %arg2[%mul3A_36, %dma_wait3A] : memref<2568x128xi32, #tpu.memory_space<hbm>> -> memref<80x128xi32, #tpu.memory_space<hbm>>
      %dma_wait3A_52 = arith.constant 0 : i32
      %dma_wait3A_53 = tpu.memref_slice %arg2[%mul3A_36, %dma_wait3A_52] : memref<2568x128xi32, #tpu.memory_space<hbm>> -> memref<80x128xi32, #tpu.memory_space<hbm>>
      tpu.wait_dma2 semaphore(%run_scoped3A : memref<!tpu.dma_semaphore, #tpu.memory_space<semaphore_mem>>) src(%dma_wait3A_53 : memref<80x128xi32, #tpu.memory_space<hbm>>) dst(%arg4 : memref<80x128xi32, #tpu.memory_space<vmem>>)
      tpu.yield
    }) : () -> ()
    %barrier3A = arith.constant 0 : index
    tpu.barrier barrier_id(%barrier3A)
    %scan3A_37 = arith.constant 0 : i32
    %scan3A_38 = arith.constant 0 : i32
    %scan3A_39 = arith.constant 80 : i32
    %scan3A_40 = arith.addi %scan3A_38, %scan3A_39 : i32
    %scan3A_41 = arith.constant 1 : i32
    scf.for %scan3A_48 = %scan3A_38 to %scan3A_40 step %scan3A_41  : i32 {
      "tpu.region"() ({
        %run_scoped3A = tpu.sem_alloc : memref<!tpu.dma_semaphore, #tpu.memory_space<semaphore_mem>>
        %dma_start3A = arith.constant 0 : i32
        %dma_start3A_49 = tpu.memref_slice %arg4[%scan3A_48, %dma_start3A] : memref<80x128xi32, #tpu.memory_space<vmem>> -> memref<1x128xi32, #tpu.memory_space<vmem>>
        %dma_start3A_50 = tpu.memref_squeeze %dma_start3A_49 : memref<1x128xi32, #tpu.memory_space<vmem>> -> memref<128xi32, #tpu.memory_space<vmem>>
        %dma_start3A_51 = arith.constant 0 : i32
        %dma_start3A_52 = arith.constant 0 : i32
        %dma_start3A_53 = tpu.memref_slice %arg6[%dma_start3A_51, %dma_start3A_52] : memref<10240x128xf32, #tpu.memory_space<vmem_shared>> -> memref<10240x128xf32, #tpu.memory_space<vmem_shared>>
        tpu.enqueue_indirect_dma source(%arg5 : memref<128x128xf32, #tpu.memory_space<vmem>>) target(%dma_start3A_53 : memref<10240x128xf32, #tpu.memory_space<vmem_shared>>) offsets(%dma_start3A_50 : memref<128xi32, #tpu.memory_space<vmem>>) semaphore(%run_scoped3A : memref<!tpu.dma_semaphore, #tpu.memory_space<semaphore_mem>>) {add = true}
        %dma_wait3A = arith.constant 0 : i32
        %dma_wait3A_54 = tpu.memref_slice %arg4[%scan3A_48, %dma_wait3A] : memref<80x128xi32, #tpu.memory_space<vmem>> -> memref<1x128xi32, #tpu.memory_space<vmem>>
        %dma_wait3A_55 = tpu.memref_squeeze %dma_wait3A_54 : memref<1x128xi32, #tpu.memory_space<vmem>> -> memref<128xi32, #tpu.memory_space<vmem>>
        %dma_wait3A_56 = arith.constant 0 : i32
        %dma_wait3A_57 = arith.constant 0 : i32
        %dma_wait3A_58 = tpu.memref_slice %arg6[%dma_wait3A_56, %dma_wait3A_57] : memref<10240x128xf32, #tpu.memory_space<vmem_shared>> -> memref<10240x128xf32, #tpu.memory_space<vmem_shared>>
        tpu.wait_indirect_dma semaphore(%run_scoped3A : memref<!tpu.dma_semaphore, #tpu.memory_space<semaphore_mem>>) src(%arg5 : memref<128x128xf32, #tpu.memory_space<vmem>>) dst(%dma_wait3A_58 : memref<10240x128xf32, #tpu.memory_space<vmem_shared>>)
        tpu.yield
      }) : () -> ()
    }
    %scan3A_42 = arith.constant 80 : i32
    %barrier3A_43 = arith.constant 0 : index
    tpu.barrier barrier_id(%barrier3A_43)
    %mul3A_44 = arith.constant 640 : i32
    %mul3A_45 = arith.muli %arg1, %mul3A_44 : i32
    %mul3A_46 = arith.constant 640 : i32
    %mul3A_47 = arith.muli %arg1, %mul3A_46 : i32
    "tpu.region"() ({
      %run_scoped3A = tpu.sem_alloc : memref<!tpu.dma_semaphore, #tpu.memory_space<semaphore_mem>>
      %dma_start3A = arith.constant 0 : i32
      %dma_start3A_48 = tpu.memref_slice %arg3[%arg0, %mul3A_47, %dma_start3A] : memref<2x10240x128xf32, #tpu.memory_space<hbm>> -> memref<1x640x128xf32, #tpu.memory_space<hbm>>
      %dma_start3A_49 = tpu.memref_squeeze %dma_start3A_48 : memref<1x640x128xf32, #tpu.memory_space<hbm>> -> memref<640x128xf32, #tpu.memory_space<hbm>>
      %dma_start3A_50 = arith.constant 0 : i32
      %dma_start3A_51 = tpu.memref_slice %arg6[%mul3A_45, %dma_start3A_50] : memref<10240x128xf32, #tpu.memory_space<vmem_shared>> -> memref<640x128xf32, #tpu.memory_space<vmem_shared>>
      tpu.enqueue_dma source(%dma_start3A_51 : memref<640x128xf32, #tpu.memory_space<vmem_shared>>) target(%dma_start3A_49 : memref<640x128xf32, #tpu.memory_space<hbm>>) target_semaphore(%run_scoped3A : memref<!tpu.dma_semaphore, #tpu.memory_space<semaphore_mem>>)
      %dma_wait3A = arith.constant 0 : i32
      %dma_wait3A_52 = tpu.memref_slice %arg3[%arg0, %mul3A_47, %dma_wait3A] : memref<2x10240x128xf32, #tpu.memory_space<hbm>> -> memref<1x640x128xf32, #tpu.memory_space<hbm>>
      %dma_wait3A_53 = tpu.memref_squeeze %dma_wait3A_52 : memref<1x640x128xf32, #tpu.memory_space<hbm>> -> memref<640x128xf32, #tpu.memory_space<hbm>>
      %dma_wait3A_54 = arith.constant 0 : i32
      %dma_wait3A_55 = tpu.memref_slice %arg6[%mul3A_45, %dma_wait3A_54] : memref<10240x128xf32, #tpu.memory_space<vmem_shared>> -> memref<640x128xf32, #tpu.memory_space<vmem_shared>>
      tpu.wait_dma2 semaphore(%run_scoped3A : memref<!tpu.dma_semaphore, #tpu.memory_space<semaphore_mem>>) src(%dma_wait3A_55 : memref<640x128xf32, #tpu.memory_space<vmem_shared>>) dst(%dma_wait3A_53 : memref<640x128xf32, #tpu.memory_space<hbm>>)
      tpu.yield
    }) : () -> ()
    return
  }
}

#map = affine_map<(d0, d1) -> (0, 0)>
#map1 = affine_map<(d0, d1) -> (0, 0, 0)>
module attributes {stable_mosaic.version = 14 : i64} {
  func.func @sc_message_body(%arg0: i32, %arg1: i32, %arg2: memref<10240x128xf32, #tpu.memory_space<hbm>>, %arg3: memref<2568x128xi32, #tpu.memory_space<hbm>>, %arg4: memref<2568x128xi32, #tpu.memory_space<hbm>>, %arg5: memref<2x10240x128xf32, #tpu.memory_space<hbm>>, %arg6: memref<48x128xi32, #tpu.memory_space<vmem>>, %arg7: memref<40x128xi32, #tpu.memory_space<vmem>>, %arg8: memref<128x128xf32, #tpu.memory_space<vmem>>, %arg9: memref<128x128xf32, #tpu.memory_space<vmem>>, %arg10: memref<10240x128xf32, #tpu.memory_space<vmem_shared>>, %arg11: memref<!tpu.dma_semaphore, #tpu.memory_space<semaphore_mem>>, %arg12: memref<!tpu.dma_semaphore, #tpu.memory_space<semaphore_mem>>) attributes {dimension_semantics = [#tpu.dimension_semantics<core_parallel>, #tpu.dimension_semantics<subcore_parallel>], iteration_bounds = array<i64: 2, 16>, scalar_prefetch = 0 : i64, scratch_operands = 7 : i64, tpu.core_type = #tpu.core_type<sc_vector_subcore>, window_params = [{transform_indices = #map}, {transform_indices = #map}, {transform_indices = #map}, {transform_indices = #map1}]} {
    %mul3A = arith.constant 2 : i32
    %mul3A_0 = arith.muli %arg1, %mul3A : i32
    %add3A = arith.addi %mul3A_0, %arg0 : i32
    %broadcast_in_dim3A = arith.constant 0.000000e+00 : f32
    %broadcast_in_dim3A_1 = vector.broadcast %broadcast_in_dim3A : f32 to vector<16xf32>
    %scan3A = arith.constant 0 : i32
    %scan3A_2 = arith.constant 0 : i32
    %scan3A_3 = arith.constant 128 : i32
    %scan3A_4 = arith.addi %scan3A_2, %scan3A_3 : i32
    %scan3A_5 = arith.constant 1 : i32
    scf.for %scan3A_68 = %scan3A_2 to %scan3A_4 step %scan3A_5  : i32 {
      %swap3A = arith.index_cast %scan3A_68 : i32 to index
      %swap3A_69 = arith.constant 0 : index
      %swap3A_70 = tpu.vector_load %arg8[%swap3A, %swap3A_69] {strides = array<i32>} : memref<128x128xf32, #tpu.memory_space<vmem>>, vector<1x16xf32>,
      %swap3A_71 = vector.shape_cast %swap3A_70 : vector<1x16xf32> to vector<16xf32>
      %swap3A_72 = vector.shape_cast %broadcast_in_dim3A_1 : vector<16xf32> to vector<1x16xf32>
      tpu.vector_store %arg8[%swap3A, %swap3A_69], %swap3A_72 {strides = array<i32>} : memref<128x128xf32, #tpu.memory_space<vmem>>, vector<1x16xf32>,
      %swap3A_73 = arith.index_cast %scan3A_68 : i32 to index
      %swap3A_74 = arith.constant 16 : index
      %swap3A_75 = tpu.vector_load %arg8[%swap3A_73, %swap3A_74] {strides = array<i32>} : memref<128x128xf32, #tpu.memory_space<vmem>>, vector<1x16xf32>,
      %swap3A_76 = vector.shape_cast %swap3A_75 : vector<1x16xf32> to vector<16xf32>
      %swap3A_77 = vector.shape_cast %broadcast_in_dim3A_1 : vector<16xf32> to vector<1x16xf32>
      tpu.vector_store %arg8[%swap3A_73, %swap3A_74], %swap3A_77 {strides = array<i32>} : memref<128x128xf32, #tpu.memory_space<vmem>>, vector<1x16xf32>,
      %swap3A_78 = arith.index_cast %scan3A_68 : i32 to index
      %swap3A_79 = arith.constant 32 : index
      %swap3A_80 = tpu.vector_load %arg8[%swap3A_78, %swap3A_79] {strides = array<i32>} : memref<128x128xf32, #tpu.memory_space<vmem>>, vector<1x16xf32>,
      %swap3A_81 = vector.shape_cast %swap3A_80 : vector<1x16xf32> to vector<16xf32>
      %swap3A_82 = vector.shape_cast %broadcast_in_dim3A_1 : vector<16xf32> to vector<1x16xf32>
      tpu.vector_store %arg8[%swap3A_78, %swap3A_79], %swap3A_82 {strides = array<i32>} : memref<128x128xf32, #tpu.memory_space<vmem>>, vector<1x16xf32>,
      %swap3A_83 = arith.index_cast %scan3A_68 : i32 to index
      %swap3A_84 = arith.constant 48 : index
      %swap3A_85 = tpu.vector_load %arg8[%swap3A_83, %swap3A_84] {strides = array<i32>} : memref<128x128xf32, #tpu.memory_space<vmem>>, vector<1x16xf32>,
      %swap3A_86 = vector.shape_cast %swap3A_85 : vector<1x16xf32> to vector<16xf32>
      %swap3A_87 = vector.shape_cast %broadcast_in_dim3A_1 : vector<16xf32> to vector<1x16xf32>
      tpu.vector_store %arg8[%swap3A_83, %swap3A_84], %swap3A_87 {strides = array<i32>} : memref<128x128xf32, #tpu.memory_space<vmem>>, vector<1x16xf32>,
      %swap3A_88 = arith.index_cast %scan3A_68 : i32 to index
      %swap3A_89 = arith.constant 64 : index
      %swap3A_90 = tpu.vector_load %arg8[%swap3A_88, %swap3A_89] {strides = array<i32>} : memref<128x128xf32, #tpu.memory_space<vmem>>, vector<1x16xf32>,
      %swap3A_91 = vector.shape_cast %swap3A_90 : vector<1x16xf32> to vector<16xf32>
      %swap3A_92 = vector.shape_cast %broadcast_in_dim3A_1 : vector<16xf32> to vector<1x16xf32>
      tpu.vector_store %arg8[%swap3A_88, %swap3A_89], %swap3A_92 {strides = array<i32>} : memref<128x128xf32, #tpu.memory_space<vmem>>, vector<1x16xf32>,
      %swap3A_93 = arith.index_cast %scan3A_68 : i32 to index
      %swap3A_94 = arith.constant 80 : index
      %swap3A_95 = tpu.vector_load %arg8[%swap3A_93, %swap3A_94] {strides = array<i32>} : memref<128x128xf32, #tpu.memory_space<vmem>>, vector<1x16xf32>,
      %swap3A_96 = vector.shape_cast %swap3A_95 : vector<1x16xf32> to vector<16xf32>
      %swap3A_97 = vector.shape_cast %broadcast_in_dim3A_1 : vector<16xf32> to vector<1x16xf32>
      tpu.vector_store %arg8[%swap3A_93, %swap3A_94], %swap3A_97 {strides = array<i32>} : memref<128x128xf32, #tpu.memory_space<vmem>>, vector<1x16xf32>,
      %swap3A_98 = arith.index_cast %scan3A_68 : i32 to index
      %swap3A_99 = arith.constant 96 : index
      %swap3A_100 = tpu.vector_load %arg8[%swap3A_98, %swap3A_99] {strides = array<i32>} : memref<128x128xf32, #tpu.memory_space<vmem>>, vector<1x16xf32>,
      %swap3A_101 = vector.shape_cast %swap3A_100 : vector<1x16xf32> to vector<16xf32>
      %swap3A_102 = vector.shape_cast %broadcast_in_dim3A_1 : vector<16xf32> to vector<1x16xf32>
      tpu.vector_store %arg8[%swap3A_98, %swap3A_99], %swap3A_102 {strides = array<i32>} : memref<128x128xf32, #tpu.memory_space<vmem>>, vector<1x16xf32>,
      %swap3A_103 = arith.index_cast %scan3A_68 : i32 to index
      %swap3A_104 = arith.constant 112 : index
      %swap3A_105 = tpu.vector_load %arg8[%swap3A_103, %swap3A_104] {strides = array<i32>} : memref<128x128xf32, #tpu.memory_space<vmem>>, vector<1x16xf32>,
      %swap3A_106 = vector.shape_cast %swap3A_105 : vector<1x16xf32> to vector<16xf32>
      %swap3A_107 = vector.shape_cast %broadcast_in_dim3A_1 : vector<16xf32> to vector<1x16xf32>
      tpu.vector_store %arg8[%swap3A_103, %swap3A_104], %swap3A_107 {strides = array<i32>} : memref<128x128xf32, #tpu.memory_space<vmem>>, vector<1x16xf32>,
    }
    %scan3A_6 = arith.constant 128 : i32
    %mul3A_7 = arith.constant 640 : i32
    %mul3A_8 = arith.muli %arg1, %mul3A_7 : i32
    %add3A_9 = arith.constant 0 : i32
    %add3A_10 = arith.addi %mul3A_8, %add3A_9 : i32
    "tpu.region"() ({
      %run_scoped3A = tpu.sem_alloc : memref<!tpu.dma_semaphore, #tpu.memory_space<semaphore_mem>>
      %dma_start3A_68 = arith.constant 0 : i32
      %dma_start3A_69 = tpu.memref_slice %arg10[%add3A_10, %dma_start3A_68] : memref<10240x128xf32, #tpu.memory_space<vmem_shared>> -> memref<128x128xf32, #tpu.memory_space<vmem_shared>>
      %dma_start3A_70 = arith.constant 0 : i32
      %dma_start3A_71 = tpu.memref_slice %arg10[%add3A_10, %dma_start3A_70] : memref<10240x128xf32, #tpu.memory_space<vmem_shared>> -> memref<128x128xf32, #tpu.memory_space<vmem_shared>>
      tpu.enqueue_dma source(%arg8 : memref<128x128xf32, #tpu.memory_space<vmem>>) target(%dma_start3A_71 : memref<128x128xf32, #tpu.memory_space<vmem_shared>>) target_semaphore(%run_scoped3A : memref<!tpu.dma_semaphore, #tpu.memory_space<semaphore_mem>>)
      %dma_wait3A_72 = arith.constant 0 : i32
      %dma_wait3A_73 = tpu.memref_slice %arg10[%add3A_10, %dma_wait3A_72] : memref<10240x128xf32, #tpu.memory_space<vmem_shared>> -> memref<128x128xf32, #tpu.memory_space<vmem_shared>>
      %dma_wait3A_74 = arith.constant 0 : i32
      %dma_wait3A_75 = tpu.memref_slice %arg10[%add3A_10, %dma_wait3A_74] : memref<10240x128xf32, #tpu.memory_space<vmem_shared>> -> memref<128x128xf32, #tpu.memory_space<vmem_shared>>
      tpu.wait_dma2 semaphore(%run_scoped3A : memref<!tpu.dma_semaphore, #tpu.memory_space<semaphore_mem>>) src(%arg8 : memref<128x128xf32, #tpu.memory_space<vmem>>) dst(%dma_wait3A_75 : memref<128x128xf32, #tpu.memory_space<vmem_shared>>)
      tpu.yield
    }) : () -> ()
    %mul3A_11 = arith.constant 640 : i32
    %mul3A_12 = arith.muli %arg1, %mul3A_11 : i32
    %add3A_13 = arith.constant 128 : i32
    %add3A_14 = arith.addi %mul3A_12, %add3A_13 : i32
    "tpu.region"() ({
      %run_scoped3A = tpu.sem_alloc : memref<!tpu.dma_semaphore, #tpu.memory_space<semaphore_mem>>
      %dma_start3A_68 = arith.constant 0 : i32
      %dma_start3A_69 = tpu.memref_slice %arg10[%add3A_14, %dma_start3A_68] : memref<10240x128xf32, #tpu.memory_space<vmem_shared>> -> memref<128x128xf32, #tpu.memory_space<vmem_shared>>
      %dma_start3A_70 = arith.constant 0 : i32
      %dma_start3A_71 = tpu.memref_slice %arg10[%add3A_14, %dma_start3A_70] : memref<10240x128xf32, #tpu.memory_space<vmem_shared>> -> memref<128x128xf32, #tpu.memory_space<vmem_shared>>
      tpu.enqueue_dma source(%arg8 : memref<128x128xf32, #tpu.memory_space<vmem>>) target(%dma_start3A_71 : memref<128x128xf32, #tpu.memory_space<vmem_shared>>) target_semaphore(%run_scoped3A : memref<!tpu.dma_semaphore, #tpu.memory_space<semaphore_mem>>)
      %dma_wait3A_72 = arith.constant 0 : i32
      %dma_wait3A_73 = tpu.memref_slice %arg10[%add3A_14, %dma_wait3A_72] : memref<10240x128xf32, #tpu.memory_space<vmem_shared>> -> memref<128x128xf32, #tpu.memory_space<vmem_shared>>
      %dma_wait3A_74 = arith.constant 0 : i32
      %dma_wait3A_75 = tpu.memref_slice %arg10[%add3A_14, %dma_wait3A_74] : memref<10240x128xf32, #tpu.memory_space<vmem_shared>> -> memref<128x128xf32, #tpu.memory_space<vmem_shared>>
      tpu.wait_dma2 semaphore(%run_scoped3A : memref<!tpu.dma_semaphore, #tpu.memory_space<semaphore_mem>>) src(%arg8 : memref<128x128xf32, #tpu.memory_space<vmem>>) dst(%dma_wait3A_75 : memref<128x128xf32, #tpu.memory_space<vmem_shared>>)
      tpu.yield
    }) : () -> ()
    %mul3A_15 = arith.constant 640 : i32
    %mul3A_16 = arith.muli %arg1, %mul3A_15 : i32
    %add3A_17 = arith.constant 256 : i32
    %add3A_18 = arith.addi %mul3A_16, %add3A_17 : i32
    "tpu.region"() ({
      %run_scoped3A = tpu.sem_alloc : memref<!tpu.dma_semaphore, #tpu.memory_space<semaphore_mem>>
      %dma_start3A_68 = arith.constant 0 : i32
      %dma_start3A_69 = tpu.memref_slice %arg10[%add3A_18, %dma_start3A_68] : memref<10240x128xf32, #tpu.memory_space<vmem_shared>> -> memref<128x128xf32, #tpu.memory_space<vmem_shared>>
      %dma_start3A_70 = arith.constant 0 : i32
      %dma_start3A_71 = tpu.memref_slice %arg10[%add3A_18, %dma_start3A_70] : memref<10240x128xf32, #tpu.memory_space<vmem_shared>> -> memref<128x128xf32, #tpu.memory_space<vmem_shared>>
      tpu.enqueue_dma source(%arg8 : memref<128x128xf32, #tpu.memory_space<vmem>>) target(%dma_start3A_71 : memref<128x128xf32, #tpu.memory_space<vmem_shared>>) target_semaphore(%run_scoped3A : memref<!tpu.dma_semaphore, #tpu.memory_space<semaphore_mem>>)
      %dma_wait3A_72 = arith.constant 0 : i32
      %dma_wait3A_73 = tpu.memref_slice %arg10[%add3A_18, %dma_wait3A_72] : memref<10240x128xf32, #tpu.memory_space<vmem_shared>> -> memref<128x128xf32, #tpu.memory_space<vmem_shared>>
      %dma_wait3A_74 = arith.constant 0 : i32
      %dma_wait3A_75 = tpu.memref_slice %arg10[%add3A_18, %dma_wait3A_74] : memref<10240x128xf32, #tpu.memory_space<vmem_shared>> -> memref<128x128xf32, #tpu.memory_space<vmem_shared>>
      tpu.wait_dma2 semaphore(%run_scoped3A : memref<!tpu.dma_semaphore, #tpu.memory_space<semaphore_mem>>) src(%arg8 : memref<128x128xf32, #tpu.memory_space<vmem>>) dst(%dma_wait3A_75 : memref<128x128xf32, #tpu.memory_space<vmem_shared>>)
      tpu.yield
    }) : () -> ()
    %mul3A_19 = arith.constant 640 : i32
    %mul3A_20 = arith.muli %arg1, %mul3A_19 : i32
    %add3A_21 = arith.constant 384 : i32
    %add3A_22 = arith.addi %mul3A_20, %add3A_21 : i32
    "tpu.region"() ({
      %run_scoped3A = tpu.sem_alloc : memref<!tpu.dma_semaphore, #tpu.memory_space<semaphore_mem>>
      %dma_start3A_68 = arith.constant 0 : i32
      %dma_start3A_69 = tpu.memref_slice %arg10[%add3A_22, %dma_start3A_68] : memref<10240x128xf32, #tpu.memory_space<vmem_shared>> -> memref<128x128xf32, #tpu.memory_space<vmem_shared>>
      %dma_start3A_70 = arith.constant 0 : i32
      %dma_start3A_71 = tpu.memref_slice %arg10[%add3A_22, %dma_start3A_70] : memref<10240x128xf32, #tpu.memory_space<vmem_shared>> -> memref<128x128xf32, #tpu.memory_space<vmem_shared>>
      tpu.enqueue_dma source(%arg8 : memref<128x128xf32, #tpu.memory_space<vmem>>) target(%dma_start3A_71 : memref<128x128xf32, #tpu.memory_space<vmem_shared>>) target_semaphore(%run_scoped3A : memref<!tpu.dma_semaphore, #tpu.memory_space<semaphore_mem>>)
      %dma_wait3A_72 = arith.constant 0 : i32
      %dma_wait3A_73 = tpu.memref_slice %arg10[%add3A_22, %dma_wait3A_72] : memref<10240x128xf32, #tpu.memory_space<vmem_shared>> -> memref<128x128xf32, #tpu.memory_space<vmem_shared>>
      %dma_wait3A_74 = arith.constant 0 : i32
      %dma_wait3A_75 = tpu.memref_slice %arg10[%add3A_22, %dma_wait3A_74] : memref<10240x128xf32, #tpu.memory_space<vmem_shared>> -> memref<128x128xf32, #tpu.memory_space<vmem_shared>>
      tpu.wait_dma2 semaphore(%run_scoped3A : memref<!tpu.dma_semaphore, #tpu.memory_space<semaphore_mem>>) src(%arg8 : memref<128x128xf32, #tpu.memory_space<vmem>>) dst(%dma_wait3A_75 : memref<128x128xf32, #tpu.memory_space<vmem_shared>>)
      tpu.yield
    }) : () -> ()
    %mul3A_23 = arith.constant 640 : i32
    %mul3A_24 = arith.muli %arg1, %mul3A_23 : i32
    %add3A_25 = arith.constant 512 : i32
    %add3A_26 = arith.addi %mul3A_24, %add3A_25 : i32
    "tpu.region"() ({
      %run_scoped3A = tpu.sem_alloc : memref<!tpu.dma_semaphore, #tpu.memory_space<semaphore_mem>>
      %dma_start3A_68 = arith.constant 0 : i32
      %dma_start3A_69 = tpu.memref_slice %arg10[%add3A_26, %dma_start3A_68] : memref<10240x128xf32, #tpu.memory_space<vmem_shared>> -> memref<128x128xf32, #tpu.memory_space<vmem_shared>>
      %dma_start3A_70 = arith.constant 0 : i32
      %dma_start3A_71 = tpu.memref_slice %arg10[%add3A_26, %dma_start3A_70] : memref<10240x128xf32, #tpu.memory_space<vmem_shared>> -> memref<128x128xf32, #tpu.memory_space<vmem_shared>>
      tpu.enqueue_dma source(%arg8 : memref<128x128xf32, #tpu.memory_space<vmem>>) target(%dma_start3A_71 : memref<128x128xf32, #tpu.memory_space<vmem_shared>>) target_semaphore(%run_scoped3A : memref<!tpu.dma_semaphore, #tpu.memory_space<semaphore_mem>>)
      %dma_wait3A_72 = arith.constant 0 : i32
      %dma_wait3A_73 = tpu.memref_slice %arg10[%add3A_26, %dma_wait3A_72] : memref<10240x128xf32, #tpu.memory_space<vmem_shared>> -> memref<128x128xf32, #tpu.memory_space<vmem_shared>>
      %dma_wait3A_74 = arith.constant 0 : i32
      %dma_wait3A_75 = tpu.memref_slice %arg10[%add3A_26, %dma_wait3A_74] : memref<10240x128xf32, #tpu.memory_space<vmem_shared>> -> memref<128x128xf32, #tpu.memory_space<vmem_shared>>
      tpu.wait_dma2 semaphore(%run_scoped3A : memref<!tpu.dma_semaphore, #tpu.memory_space<semaphore_mem>>) src(%arg8 : memref<128x128xf32, #tpu.memory_space<vmem>>) dst(%dma_wait3A_75 : memref<128x128xf32, #tpu.memory_space<vmem_shared>>)
      tpu.yield
    }) : () -> ()
    %mul3A_27 = arith.constant 80 : i32
    %mul3A_28 = arith.muli %add3A, %mul3A_27 : i32
    "tpu.region"() ({
      %run_scoped3A = tpu.sem_alloc : memref<!tpu.dma_semaphore, #tpu.memory_space<semaphore_mem>>
      %dma_start3A_68 = arith.constant 0 : i32
      %dma_start3A_69 = tpu.memref_slice %arg3[%mul3A_28, %dma_start3A_68] : memref<2568x128xi32, #tpu.memory_space<hbm>> -> memref<48x128xi32, #tpu.memory_space<hbm>>
      %dma_start3A_70 = arith.constant 0 : i32
      %dma_start3A_71 = tpu.memref_slice %arg3[%mul3A_28, %dma_start3A_70] : memref<2568x128xi32, #tpu.memory_space<hbm>> -> memref<48x128xi32, #tpu.memory_space<hbm>>
      tpu.enqueue_dma source(%dma_start3A_71 : memref<48x128xi32, #tpu.memory_space<hbm>>) target(%arg6 : memref<48x128xi32, #tpu.memory_space<vmem>>) target_semaphore(%run_scoped3A : memref<!tpu.dma_semaphore, #tpu.memory_space<semaphore_mem>>)
      %dma_wait3A_72 = arith.constant 0 : i32
      %dma_wait3A_73 = tpu.memref_slice %arg3[%mul3A_28, %dma_wait3A_72] : memref<2568x128xi32, #tpu.memory_space<hbm>> -> memref<48x128xi32, #tpu.memory_space<hbm>>
      %dma_wait3A_74 = arith.constant 0 : i32
      %dma_wait3A_75 = tpu.memref_slice %arg3[%mul3A_28, %dma_wait3A_74] : memref<2568x128xi32, #tpu.memory_space<hbm>> -> memref<48x128xi32, #tpu.memory_space<hbm>>
      tpu.wait_dma2 semaphore(%run_scoped3A : memref<!tpu.dma_semaphore, #tpu.memory_space<semaphore_mem>>) src(%dma_wait3A_75 : memref<48x128xi32, #tpu.memory_space<hbm>>) dst(%arg6 : memref<48x128xi32, #tpu.memory_space<vmem>>)
      tpu.yield
    }) : () -> ()
    %mul3A_29 = arith.constant 80 : i32
    %mul3A_30 = arith.muli %add3A, %mul3A_29 : i32
    "tpu.region"() ({
      %run_scoped3A = tpu.sem_alloc : memref<!tpu.dma_semaphore, #tpu.memory_space<semaphore_mem>>
      %dma_start3A_68 = arith.constant 0 : i32
      %dma_start3A_69 = tpu.memref_slice %arg4[%mul3A_30, %dma_start3A_68] : memref<2568x128xi32, #tpu.memory_space<hbm>> -> memref<40x128xi32, #tpu.memory_space<hbm>>
      %dma_start3A_70 = arith.constant 0 : i32
      %dma_start3A_71 = tpu.memref_slice %arg4[%mul3A_30, %dma_start3A_70] : memref<2568x128xi32, #tpu.memory_space<hbm>> -> memref<40x128xi32, #tpu.memory_space<hbm>>
      tpu.enqueue_dma source(%dma_start3A_71 : memref<40x128xi32, #tpu.memory_space<hbm>>) target(%arg7 : memref<40x128xi32, #tpu.memory_space<vmem>>) target_semaphore(%run_scoped3A : memref<!tpu.dma_semaphore, #tpu.memory_space<semaphore_mem>>)
      %dma_wait3A_72 = arith.constant 0 : i32
      %dma_wait3A_73 = tpu.memref_slice %arg4[%mul3A_30, %dma_wait3A_72] : memref<2568x128xi32, #tpu.memory_space<hbm>> -> memref<40x128xi32, #tpu.memory_space<hbm>>
      %dma_wait3A_74 = arith.constant 0 : i32
      %dma_wait3A_75 = tpu.memref_slice %arg4[%mul3A_30, %dma_wait3A_74] : memref<2568x128xi32, #tpu.memory_space<hbm>> -> memref<40x128xi32, #tpu.memory_space<hbm>>
      tpu.wait_dma2 semaphore(%run_scoped3A : memref<!tpu.dma_semaphore, #tpu.memory_space<semaphore_mem>>) src(%dma_wait3A_75 : memref<40x128xi32, #tpu.memory_space<hbm>>) dst(%arg7 : memref<40x128xi32, #tpu.memory_space<vmem>>)
      tpu.yield
    }) : () -> ()
    %dma_start3A = arith.constant 0 : i32
    %dma_start3A_31 = arith.constant 0 : i32
    %dma_start3A_32 = tpu.memref_slice %arg6[%dma_start3A, %dma_start3A_31] : memref<48x128xi32, #tpu.memory_space<vmem>> -> memref<1x128xi32, #tpu.memory_space<vmem>>
    %dma_start3A_33 = tpu.memref_squeeze %dma_start3A_32 : memref<1x128xi32, #tpu.memory_space<vmem>> -> memref<128xi32, #tpu.memory_space<vmem>>
    %dma_start3A_34 = arith.constant 0 : i32
    %dma_start3A_35 = arith.constant 0 : i32
    %dma_start3A_36 = tpu.memref_slice %arg2[%dma_start3A_34, %dma_start3A_35] : memref<10240x128xf32, #tpu.memory_space<hbm>> -> memref<10240x128xf32, #tpu.memory_space<hbm>>
    tpu.enqueue_indirect_dma source(%dma_start3A_36 : memref<10240x128xf32, #tpu.memory_space<hbm>>) target(%arg8 : memref<128x128xf32, #tpu.memory_space<vmem>>) offsets(%dma_start3A_33 : memref<128xi32, #tpu.memory_space<vmem>>) semaphore(%arg11 : memref<!tpu.dma_semaphore, #tpu.memory_space<semaphore_mem>>)
    %barrier3A = arith.constant 0 : index
    tpu.barrier barrier_id(%barrier3A)
    %dma_wait3A = arith.constant 0 : i32
    %dma_wait3A_37 = arith.constant 0 : i32
    %dma_wait3A_38 = tpu.memref_slice %arg6[%dma_wait3A, %dma_wait3A_37] : memref<48x128xi32, #tpu.memory_space<vmem>> -> memref<1x128xi32, #tpu.memory_space<vmem>>
    %dma_wait3A_39 = tpu.memref_squeeze %dma_wait3A_38 : memref<1x128xi32, #tpu.memory_space<vmem>> -> memref<128xi32, #tpu.memory_space<vmem>>
    %dma_wait3A_40 = arith.constant 0 : i32
    %dma_wait3A_41 = arith.constant 0 : i32
    %dma_wait3A_42 = tpu.memref_slice %arg2[%dma_wait3A_40, %dma_wait3A_41] : memref<10240x128xf32, #tpu.memory_space<hbm>> -> memref<10240x128xf32, #tpu.memory_space<hbm>>
    tpu.wait_indirect_dma semaphore(%arg11 : memref<!tpu.dma_semaphore, #tpu.memory_space<semaphore_mem>>) src(%dma_wait3A_42 : memref<10240x128xf32, #tpu.memory_space<hbm>>) dst(%arg8 : memref<128x128xf32, #tpu.memory_space<vmem>>)
    %scan3A_43 = arith.constant 0 : i32
    %scan3A_44 = arith.constant 0 : i32
    %scan3A_45 = arith.constant 20 : i32
    %scan3A_46 = arith.addi %scan3A_44, %scan3A_45 : i32
    %scan3A_47 = arith.constant 1 : i32
    scf.for %scan3A_68 = %scan3A_44 to %scan3A_46 step %scan3A_47  : i32 {
      %mul3A_69 = arith.constant 2 : i32
      %mul3A_70 = arith.muli %mul3A_69, %scan3A_68 : i32
      %add3A_71 = arith.constant 0 : i32
      %add3A_72 = arith.addi %mul3A_70, %add3A_71 : i32
      %add3A_73 = arith.constant 1 : i32
      %add3A_74 = arith.addi %add3A_72, %add3A_73 : i32
      %dma_start3A_75 = arith.constant 0 : i32
      %dma_start3A_76 = tpu.memref_slice %arg6[%add3A_74, %dma_start3A_75] : memref<48x128xi32, #tpu.memory_space<vmem>> -> memref<1x128xi32, #tpu.memory_space<vmem>>
      %dma_start3A_77 = tpu.memref_squeeze %dma_start3A_76 : memref<1x128xi32, #tpu.memory_space<vmem>> -> memref<128xi32, #tpu.memory_space<vmem>>
      %dma_start3A_78 = arith.constant 0 : i32
      %dma_start3A_79 = arith.constant 0 : i32
      %dma_start3A_80 = tpu.memref_slice %arg2[%dma_start3A_78, %dma_start3A_79] : memref<10240x128xf32, #tpu.memory_space<hbm>> -> memref<10240x128xf32, #tpu.memory_space<hbm>>
      tpu.enqueue_indirect_dma source(%dma_start3A_80 : memref<10240x128xf32, #tpu.memory_space<hbm>>) target(%arg9 : memref<128x128xf32, #tpu.memory_space<vmem>>) offsets(%dma_start3A_77 : memref<128xi32, #tpu.memory_space<vmem>>) semaphore(%arg12 : memref<!tpu.dma_semaphore, #tpu.memory_space<semaphore_mem>>)
      "tpu.region"() ({
        %run_scoped3A = tpu.sem_alloc : memref<!tpu.dma_semaphore, #tpu.memory_space<semaphore_mem>>
        %dma_start3A_107 = arith.constant 0 : i32
        %dma_start3A_108 = tpu.memref_slice %arg7[%add3A_72, %dma_start3A_107] : memref<40x128xi32, #tpu.memory_space<vmem>> -> memref<1x128xi32, #tpu.memory_space<vmem>>
        %dma_start3A_109 = tpu.memref_squeeze %dma_start3A_108 : memref<1x128xi32, #tpu.memory_space<vmem>> -> memref<128xi32, #tpu.memory_space<vmem>>
        %dma_start3A_110 = arith.constant 0 : i32
        %dma_start3A_111 = arith.constant 0 : i32
        %dma_start3A_112 = tpu.memref_slice %arg10[%dma_start3A_110, %dma_start3A_111] : memref<10240x128xf32, #tpu.memory_space<vmem_shared>> -> memref<10240x128xf32, #tpu.memory_space<vmem_shared>>
        tpu.enqueue_indirect_dma source(%arg8 : memref<128x128xf32, #tpu.memory_space<vmem>>) target(%dma_start3A_112 : memref<10240x128xf32, #tpu.memory_space<vmem_shared>>) offsets(%dma_start3A_109 : memref<128xi32, #tpu.memory_space<vmem>>) semaphore(%run_scoped3A : memref<!tpu.dma_semaphore, #tpu.memory_space<semaphore_mem>>) {add = true}
        %dma_wait3A_113 = arith.constant 0 : i32
        %dma_wait3A_114 = tpu.memref_slice %arg7[%add3A_72, %dma_wait3A_113] : memref<40x128xi32, #tpu.memory_space<vmem>> -> memref<1x128xi32, #tpu.memory_space<vmem>>
        %dma_wait3A_115 = tpu.memref_squeeze %dma_wait3A_114 : memref<1x128xi32, #tpu.memory_space<vmem>> -> memref<128xi32, #tpu.memory_space<vmem>>
        %dma_wait3A_116 = arith.constant 0 : i32
        %dma_wait3A_117 = arith.constant 0 : i32
        %dma_wait3A_118 = tpu.memref_slice %arg10[%dma_wait3A_116, %dma_wait3A_117] : memref<10240x128xf32, #tpu.memory_space<vmem_shared>> -> memref<10240x128xf32, #tpu.memory_space<vmem_shared>>
        tpu.wait_indirect_dma semaphore(%run_scoped3A : memref<!tpu.dma_semaphore, #tpu.memory_space<semaphore_mem>>) src(%arg8 : memref<128x128xf32, #tpu.memory_space<vmem>>) dst(%dma_wait3A_118 : memref<10240x128xf32, #tpu.memory_space<vmem_shared>>)
        tpu.yield
      }) : () -> ()
      %dma_wait3A_81 = arith.constant 0 : i32
      %dma_wait3A_82 = arith.constant 0 : i32
      %dma_wait3A_83 = tpu.memref_slice %arg6[%dma_wait3A_81, %dma_wait3A_82] : memref<48x128xi32, #tpu.memory_space<vmem>> -> memref<1x128xi32, #tpu.memory_space<vmem>>
      %dma_wait3A_84 = tpu.memref_squeeze %dma_wait3A_83 : memref<1x128xi32, #tpu.memory_space<vmem>> -> memref<128xi32, #tpu.memory_space<vmem>>
      %dma_wait3A_85 = arith.constant 0 : i32
      %dma_wait3A_86 = arith.constant 0 : i32
      %dma_wait3A_87 = tpu.memref_slice %arg2[%dma_wait3A_85, %dma_wait3A_86] : memref<10240x128xf32, #tpu.memory_space<hbm>> -> memref<10240x128xf32, #tpu.memory_space<hbm>>
      tpu.wait_indirect_dma semaphore(%arg12 : memref<!tpu.dma_semaphore, #tpu.memory_space<semaphore_mem>>) src(%dma_wait3A_87 : memref<10240x128xf32, #tpu.memory_space<hbm>>) dst(%arg9 : memref<128x128xf32, #tpu.memory_space<vmem>>)
      %mul3A_88 = arith.constant 2 : i32
      %mul3A_89 = arith.muli %mul3A_88, %scan3A_68 : i32
      %add3A_90 = arith.constant 1 : i32
      %add3A_91 = arith.addi %mul3A_89, %add3A_90 : i32
      %add3A_92 = arith.constant 1 : i32
      %add3A_93 = arith.addi %add3A_91, %add3A_92 : i32
      %dma_start3A_94 = arith.constant 0 : i32
      %dma_start3A_95 = tpu.memref_slice %arg6[%add3A_93, %dma_start3A_94] : memref<48x128xi32, #tpu.memory_space<vmem>> -> memref<1x128xi32, #tpu.memory_space<vmem>>
      %dma_start3A_96 = tpu.memref_squeeze %dma_start3A_95 : memref<1x128xi32, #tpu.memory_space<vmem>> -> memref<128xi32, #tpu.memory_space<vmem>>
      %dma_start3A_97 = arith.constant 0 : i32
      %dma_start3A_98 = arith.constant 0 : i32
      %dma_start3A_99 = tpu.memref_slice %arg2[%dma_start3A_97, %dma_start3A_98] : memref<10240x128xf32, #tpu.memory_space<hbm>> -> memref<10240x128xf32, #tpu.memory_space<hbm>>
      tpu.enqueue_indirect_dma source(%dma_start3A_99 : memref<10240x128xf32, #tpu.memory_space<hbm>>) target(%arg8 : memref<128x128xf32, #tpu.memory_space<vmem>>) offsets(%dma_start3A_96 : memref<128xi32, #tpu.memory_space<vmem>>) semaphore(%arg11 : memref<!tpu.dma_semaphore, #tpu.memory_space<semaphore_mem>>)
      "tpu.region"() ({
        %run_scoped3A = tpu.sem_alloc : memref<!tpu.dma_semaphore, #tpu.memory_space<semaphore_mem>>
        %dma_start3A_107 = arith.constant 0 : i32
        %dma_start3A_108 = tpu.memref_slice %arg7[%add3A_91, %dma_start3A_107] : memref<40x128xi32, #tpu.memory_space<vmem>> -> memref<1x128xi32, #tpu.memory_space<vmem>>
        %dma_start3A_109 = tpu.memref_squeeze %dma_start3A_108 : memref<1x128xi32, #tpu.memory_space<vmem>> -> memref<128xi32, #tpu.memory_space<vmem>>
        %dma_start3A_110 = arith.constant 0 : i32
        %dma_start3A_111 = arith.constant 0 : i32
        %dma_start3A_112 = tpu.memref_slice %arg10[%dma_start3A_110, %dma_start3A_111] : memref<10240x128xf32, #tpu.memory_space<vmem_shared>> -> memref<10240x128xf32, #tpu.memory_space<vmem_shared>>
        tpu.enqueue_indirect_dma source(%arg9 : memref<128x128xf32, #tpu.memory_space<vmem>>) target(%dma_start3A_112 : memref<10240x128xf32, #tpu.memory_space<vmem_shared>>) offsets(%dma_start3A_109 : memref<128xi32, #tpu.memory_space<vmem>>) semaphore(%run_scoped3A : memref<!tpu.dma_semaphore, #tpu.memory_space<semaphore_mem>>) {add = true}
        %dma_wait3A_113 = arith.constant 0 : i32
        %dma_wait3A_114 = tpu.memref_slice %arg7[%add3A_91, %dma_wait3A_113] : memref<40x128xi32, #tpu.memory_space<vmem>> -> memref<1x128xi32, #tpu.memory_space<vmem>>
        %dma_wait3A_115 = tpu.memref_squeeze %dma_wait3A_114 : memref<1x128xi32, #tpu.memory_space<vmem>> -> memref<128xi32, #tpu.memory_space<vmem>>
        %dma_wait3A_116 = arith.constant 0 : i32
        %dma_wait3A_117 = arith.constant 0 : i32
        %dma_wait3A_118 = tpu.memref_slice %arg10[%dma_wait3A_116, %dma_wait3A_117] : memref<10240x128xf32, #tpu.memory_space<vmem_shared>> -> memref<10240x128xf32, #tpu.memory_space<vmem_shared>>
        tpu.wait_indirect_dma semaphore(%run_scoped3A : memref<!tpu.dma_semaphore, #tpu.memory_space<semaphore_mem>>) src(%arg9 : memref<128x128xf32, #tpu.memory_space<vmem>>) dst(%dma_wait3A_118 : memref<10240x128xf32, #tpu.memory_space<vmem_shared>>)
        tpu.yield
      }) : () -> ()
      %dma_wait3A_100 = arith.constant 0 : i32
      %dma_wait3A_101 = arith.constant 0 : i32
      %dma_wait3A_102 = tpu.memref_slice %arg6[%dma_wait3A_100, %dma_wait3A_101] : memref<48x128xi32, #tpu.memory_space<vmem>> -> memref<1x128xi32, #tpu.memory_space<vmem>>
      %dma_wait3A_103 = tpu.memref_squeeze %dma_wait3A_102 : memref<1x128xi32, #tpu.memory_space<vmem>> -> memref<128xi32, #tpu.memory_space<vmem>>
      %dma_wait3A_104 = arith.constant 0 : i32
      %dma_wait3A_105 = arith.constant 0 : i32
      %dma_wait3A_106 = tpu.memref_slice %arg2[%dma_wait3A_104, %dma_wait3A_105] : memref<10240x128xf32, #tpu.memory_space<hbm>> -> memref<10240x128xf32, #tpu.memory_space<hbm>>
      tpu.wait_indirect_dma semaphore(%arg11 : memref<!tpu.dma_semaphore, #tpu.memory_space<semaphore_mem>>) src(%dma_wait3A_106 : memref<10240x128xf32, #tpu.memory_space<hbm>>) dst(%arg8 : memref<128x128xf32, #tpu.memory_space<vmem>>)
    }
    %scan3A_48 = arith.constant 20 : i32
    %mul3A_49 = arith.constant 80 : i32
    %mul3A_50 = arith.muli %add3A, %mul3A_49 : i32
    %add3A_51 = arith.constant 40 : i32
    %add3A_52 = arith.addi %mul3A_50, %add3A_51 : i32
    "tpu.region"() ({
      %run_scoped3A = tpu.sem_alloc : memref<!tpu.dma_semaphore, #tpu.memory_space<semaphore_mem>>
      %dma_start3A_68 = arith.constant 0 : i32
      %dma_start3A_69 = tpu.memref_slice %arg3[%add3A_52, %dma_start3A_68] : memref<2568x128xi32, #tpu.memory_space<hbm>> -> memref<48x128xi32, #tpu.memory_space<hbm>>
      %dma_start3A_70 = arith.constant 0 : i32
      %dma_start3A_71 = tpu.memref_slice %arg3[%add3A_52, %dma_start3A_70] : memref<2568x128xi32, #tpu.memory_space<hbm>> -> memref<48x128xi32, #tpu.memory_space<hbm>>
      tpu.enqueue_dma source(%dma_start3A_71 : memref<48x128xi32, #tpu.memory_space<hbm>>) target(%arg6 : memref<48x128xi32, #tpu.memory_space<vmem>>) target_semaphore(%run_scoped3A : memref<!tpu.dma_semaphore, #tpu.memory_space<semaphore_mem>>)
      %dma_wait3A_72 = arith.constant 0 : i32
      %dma_wait3A_73 = tpu.memref_slice %arg3[%add3A_52, %dma_wait3A_72] : memref<2568x128xi32, #tpu.memory_space<hbm>> -> memref<48x128xi32, #tpu.memory_space<hbm>>
      %dma_wait3A_74 = arith.constant 0 : i32
      %dma_wait3A_75 = tpu.memref_slice %arg3[%add3A_52, %dma_wait3A_74] : memref<2568x128xi32, #tpu.memory_space<hbm>> -> memref<48x128xi32, #tpu.memory_space<hbm>>
      tpu.wait_dma2 semaphore(%run_scoped3A : memref<!tpu.dma_semaphore, #tpu.memory_space<semaphore_mem>>) src(%dma_wait3A_75 : memref<48x128xi32, #tpu.memory_space<hbm>>) dst(%arg6 : memref<48x128xi32, #tpu.memory_space<vmem>>)
      tpu.yield
    }) : () -> ()
    %mul3A_53 = arith.constant 80 : i32
    %mul3A_54 = arith.muli %add3A, %mul3A_53 : i32
    %add3A_55 = arith.constant 40 : i32
    %add3A_56 = arith.addi %mul3A_54, %add3A_55 : i32
    "tpu.region"() ({
      %run_scoped3A = tpu.sem_alloc : memref<!tpu.dma_semaphore, #tpu.memory_space<semaphore_mem>>
      %dma_start3A_68 = arith.constant 0 : i32
      %dma_start3A_69 = tpu.memref_slice %arg4[%add3A_56, %dma_start3A_68] : memref<2568x128xi32, #tpu.memory_space<hbm>> -> memref<40x128xi32, #tpu.memory_space<hbm>>
      %dma_start3A_70 = arith.constant 0 : i32
      %dma_start3A_71 = tpu.memref_slice %arg4[%add3A_56, %dma_start3A_70] : memref<2568x128xi32, #tpu.memory_space<hbm>> -> memref<40x128xi32, #tpu.memory_space<hbm>>
      tpu.enqueue_dma source(%dma_start3A_71 : memref<40x128xi32, #tpu.memory_space<hbm>>) target(%arg7 : memref<40x128xi32, #tpu.memory_space<vmem>>) target_semaphore(%run_scoped3A : memref<!tpu.dma_semaphore, #tpu.memory_space<semaphore_mem>>)
      %dma_wait3A_72 = arith.constant 0 : i32
      %dma_wait3A_73 = tpu.memref_slice %arg4[%add3A_56, %dma_wait3A_72] : memref<2568x128xi32, #tpu.memory_space<hbm>> -> memref<40x128xi32, #tpu.memory_space<hbm>>
      %dma_wait3A_74 = arith.constant 0 : i32
      %dma_wait3A_75 = tpu.memref_slice %arg4[%add3A_56, %dma_wait3A_74] : memref<2568x128xi32, #tpu.memory_space<hbm>> -> memref<40x128xi32, #tpu.memory_space<hbm>>
      tpu.wait_dma2 semaphore(%run_scoped3A : memref<!tpu.dma_semaphore, #tpu.memory_space<semaphore_mem>>) src(%dma_wait3A_75 : memref<40x128xi32, #tpu.memory_space<hbm>>) dst(%arg7 : memref<40x128xi32, #tpu.memory_space<vmem>>)
      tpu.yield
    }) : () -> ()
    %scan3A_57 = arith.constant 0 : i32
    %scan3A_58 = arith.constant 0 : i32
    %scan3A_59 = arith.constant 20 : i32
    %scan3A_60 = arith.addi %scan3A_58, %scan3A_59 : i32
    %scan3A_61 = arith.constant 1 : i32
    scf.for %scan3A_68 = %scan3A_58 to %scan3A_60 step %scan3A_61  : i32 {
      %mul3A_69 = arith.constant 2 : i32
      %mul3A_70 = arith.muli %mul3A_69, %scan3A_68 : i32
      %add3A_71 = arith.constant 0 : i32
      %add3A_72 = arith.addi %mul3A_70, %add3A_71 : i32
      %add3A_73 = arith.constant 1 : i32
      %add3A_74 = arith.addi %add3A_72, %add3A_73 : i32
      %dma_start3A_75 = arith.constant 0 : i32
      %dma_start3A_76 = tpu.memref_slice %arg6[%add3A_74, %dma_start3A_75] : memref<48x128xi32, #tpu.memory_space<vmem>> -> memref<1x128xi32, #tpu.memory_space<vmem>>
      %dma_start3A_77 = tpu.memref_squeeze %dma_start3A_76 : memref<1x128xi32, #tpu.memory_space<vmem>> -> memref<128xi32, #tpu.memory_space<vmem>>
      %dma_start3A_78 = arith.constant 0 : i32
      %dma_start3A_79 = arith.constant 0 : i32
      %dma_start3A_80 = tpu.memref_slice %arg2[%dma_start3A_78, %dma_start3A_79] : memref<10240x128xf32, #tpu.memory_space<hbm>> -> memref<10240x128xf32, #tpu.memory_space<hbm>>
      tpu.enqueue_indirect_dma source(%dma_start3A_80 : memref<10240x128xf32, #tpu.memory_space<hbm>>) target(%arg9 : memref<128x128xf32, #tpu.memory_space<vmem>>) offsets(%dma_start3A_77 : memref<128xi32, #tpu.memory_space<vmem>>) semaphore(%arg12 : memref<!tpu.dma_semaphore, #tpu.memory_space<semaphore_mem>>)
      "tpu.region"() ({
        %run_scoped3A = tpu.sem_alloc : memref<!tpu.dma_semaphore, #tpu.memory_space<semaphore_mem>>
        %dma_start3A_107 = arith.constant 0 : i32
        %dma_start3A_108 = tpu.memref_slice %arg7[%add3A_72, %dma_start3A_107] : memref<40x128xi32, #tpu.memory_space<vmem>> -> memref<1x128xi32, #tpu.memory_space<vmem>>
        %dma_start3A_109 = tpu.memref_squeeze %dma_start3A_108 : memref<1x128xi32, #tpu.memory_space<vmem>> -> memref<128xi32, #tpu.memory_space<vmem>>
        %dma_start3A_110 = arith.constant 0 : i32
        %dma_start3A_111 = arith.constant 0 : i32
        %dma_start3A_112 = tpu.memref_slice %arg10[%dma_start3A_110, %dma_start3A_111] : memref<10240x128xf32, #tpu.memory_space<vmem_shared>> -> memref<10240x128xf32, #tpu.memory_space<vmem_shared>>
        tpu.enqueue_indirect_dma source(%arg8 : memref<128x128xf32, #tpu.memory_space<vmem>>) target(%dma_start3A_112 : memref<10240x128xf32, #tpu.memory_space<vmem_shared>>) offsets(%dma_start3A_109 : memref<128xi32, #tpu.memory_space<vmem>>) semaphore(%run_scoped3A : memref<!tpu.dma_semaphore, #tpu.memory_space<semaphore_mem>>) {add = true}
        %dma_wait3A_113 = arith.constant 0 : i32
        %dma_wait3A_114 = tpu.memref_slice %arg7[%add3A_72, %dma_wait3A_113] : memref<40x128xi32, #tpu.memory_space<vmem>> -> memref<1x128xi32, #tpu.memory_space<vmem>>
        %dma_wait3A_115 = tpu.memref_squeeze %dma_wait3A_114 : memref<1x128xi32, #tpu.memory_space<vmem>> -> memref<128xi32, #tpu.memory_space<vmem>>
        %dma_wait3A_116 = arith.constant 0 : i32
        %dma_wait3A_117 = arith.constant 0 : i32
        %dma_wait3A_118 = tpu.memref_slice %arg10[%dma_wait3A_116, %dma_wait3A_117] : memref<10240x128xf32, #tpu.memory_space<vmem_shared>> -> memref<10240x128xf32, #tpu.memory_space<vmem_shared>>
        tpu.wait_indirect_dma semaphore(%run_scoped3A : memref<!tpu.dma_semaphore, #tpu.memory_space<semaphore_mem>>) src(%arg8 : memref<128x128xf32, #tpu.memory_space<vmem>>) dst(%dma_wait3A_118 : memref<10240x128xf32, #tpu.memory_space<vmem_shared>>)
        tpu.yield
      }) : () -> ()
      %dma_wait3A_81 = arith.constant 0 : i32
      %dma_wait3A_82 = arith.constant 0 : i32
      %dma_wait3A_83 = tpu.memref_slice %arg6[%dma_wait3A_81, %dma_wait3A_82] : memref<48x128xi32, #tpu.memory_space<vmem>> -> memref<1x128xi32, #tpu.memory_space<vmem>>
      %dma_wait3A_84 = tpu.memref_squeeze %dma_wait3A_83 : memref<1x128xi32, #tpu.memory_space<vmem>> -> memref<128xi32, #tpu.memory_space<vmem>>
      %dma_wait3A_85 = arith.constant 0 : i32
      %dma_wait3A_86 = arith.constant 0 : i32
      %dma_wait3A_87 = tpu.memref_slice %arg2[%dma_wait3A_85, %dma_wait3A_86] : memref<10240x128xf32, #tpu.memory_space<hbm>> -> memref<10240x128xf32, #tpu.memory_space<hbm>>
      tpu.wait_indirect_dma semaphore(%arg12 : memref<!tpu.dma_semaphore, #tpu.memory_space<semaphore_mem>>) src(%dma_wait3A_87 : memref<10240x128xf32, #tpu.memory_space<hbm>>) dst(%arg9 : memref<128x128xf32, #tpu.memory_space<vmem>>)
      %mul3A_88 = arith.constant 2 : i32
      %mul3A_89 = arith.muli %mul3A_88, %scan3A_68 : i32
      %add3A_90 = arith.constant 1 : i32
      %add3A_91 = arith.addi %mul3A_89, %add3A_90 : i32
      %add3A_92 = arith.constant 1 : i32
      %add3A_93 = arith.addi %add3A_91, %add3A_92 : i32
      %dma_start3A_94 = arith.constant 0 : i32
      %dma_start3A_95 = tpu.memref_slice %arg6[%add3A_93, %dma_start3A_94] : memref<48x128xi32, #tpu.memory_space<vmem>> -> memref<1x128xi32, #tpu.memory_space<vmem>>
      %dma_start3A_96 = tpu.memref_squeeze %dma_start3A_95 : memref<1x128xi32, #tpu.memory_space<vmem>> -> memref<128xi32, #tpu.memory_space<vmem>>
      %dma_start3A_97 = arith.constant 0 : i32
      %dma_start3A_98 = arith.constant 0 : i32
      %dma_start3A_99 = tpu.memref_slice %arg2[%dma_start3A_97, %dma_start3A_98] : memref<10240x128xf32, #tpu.memory_space<hbm>> -> memref<10240x128xf32, #tpu.memory_space<hbm>>
      tpu.enqueue_indirect_dma source(%dma_start3A_99 : memref<10240x128xf32, #tpu.memory_space<hbm>>) target(%arg8 : memref<128x128xf32, #tpu.memory_space<vmem>>) offsets(%dma_start3A_96 : memref<128xi32, #tpu.memory_space<vmem>>) semaphore(%arg11 : memref<!tpu.dma_semaphore, #tpu.memory_space<semaphore_mem>>)
      "tpu.region"() ({
        %run_scoped3A = tpu.sem_alloc : memref<!tpu.dma_semaphore, #tpu.memory_space<semaphore_mem>>
        %dma_start3A_107 = arith.constant 0 : i32
        %dma_start3A_108 = tpu.memref_slice %arg7[%add3A_91, %dma_start3A_107] : memref<40x128xi32, #tpu.memory_space<vmem>> -> memref<1x128xi32, #tpu.memory_space<vmem>>
        %dma_start3A_109 = tpu.memref_squeeze %dma_start3A_108 : memref<1x128xi32, #tpu.memory_space<vmem>> -> memref<128xi32, #tpu.memory_space<vmem>>
        %dma_start3A_110 = arith.constant 0 : i32
        %dma_start3A_111 = arith.constant 0 : i32
        %dma_start3A_112 = tpu.memref_slice %arg10[%dma_start3A_110, %dma_start3A_111] : memref<10240x128xf32, #tpu.memory_space<vmem_shared>> -> memref<10240x128xf32, #tpu.memory_space<vmem_shared>>
        tpu.enqueue_indirect_dma source(%arg9 : memref<128x128xf32, #tpu.memory_space<vmem>>) target(%dma_start3A_112 : memref<10240x128xf32, #tpu.memory_space<vmem_shared>>) offsets(%dma_start3A_109 : memref<128xi32, #tpu.memory_space<vmem>>) semaphore(%run_scoped3A : memref<!tpu.dma_semaphore, #tpu.memory_space<semaphore_mem>>) {add = true}
        %dma_wait3A_113 = arith.constant 0 : i32
        %dma_wait3A_114 = tpu.memref_slice %arg7[%add3A_91, %dma_wait3A_113] : memref<40x128xi32, #tpu.memory_space<vmem>> -> memref<1x128xi32, #tpu.memory_space<vmem>>
        %dma_wait3A_115 = tpu.memref_squeeze %dma_wait3A_114 : memref<1x128xi32, #tpu.memory_space<vmem>> -> memref<128xi32, #tpu.memory_space<vmem>>
        %dma_wait3A_116 = arith.constant 0 : i32
        %dma_wait3A_117 = arith.constant 0 : i32
        %dma_wait3A_118 = tpu.memref_slice %arg10[%dma_wait3A_116, %dma_wait3A_117] : memref<10240x128xf32, #tpu.memory_space<vmem_shared>> -> memref<10240x128xf32, #tpu.memory_space<vmem_shared>>
        tpu.wait_indirect_dma semaphore(%run_scoped3A : memref<!tpu.dma_semaphore, #tpu.memory_space<semaphore_mem>>) src(%arg9 : memref<128x128xf32, #tpu.memory_space<vmem>>) dst(%dma_wait3A_118 : memref<10240x128xf32, #tpu.memory_space<vmem_shared>>)
        tpu.yield
      }) : () -> ()
      %dma_wait3A_100 = arith.constant 0 : i32
      %dma_wait3A_101 = arith.constant 0 : i32
      %dma_wait3A_102 = tpu.memref_slice %arg6[%dma_wait3A_100, %dma_wait3A_101] : memref<48x128xi32, #tpu.memory_space<vmem>> -> memref<1x128xi32, #tpu.memory_space<vmem>>
      %dma_wait3A_103 = tpu.memref_squeeze %dma_wait3A_102 : memref<1x128xi32, #tpu.memory_space<vmem>> -> memref<128xi32, #tpu.memory_space<vmem>>
      %dma_wait3A_104 = arith.constant 0 : i32
      %dma_wait3A_105 = arith.constant 0 : i32
      %dma_wait3A_106 = tpu.memref_slice %arg2[%dma_wait3A_104, %dma_wait3A_105] : memref<10240x128xf32, #tpu.memory_space<hbm>> -> memref<10240x128xf32, #tpu.memory_space<hbm>>
      tpu.wait_indirect_dma semaphore(%arg11 : memref<!tpu.dma_semaphore, #tpu.memory_space<semaphore_mem>>) src(%dma_wait3A_106 : memref<10240x128xf32, #tpu.memory_space<hbm>>) dst(%arg8 : memref<128x128xf32, #tpu.memory_space<vmem>>)
    }
    %scan3A_62 = arith.constant 20 : i32
    %barrier3A_63 = arith.constant 0 : index
    tpu.barrier barrier_id(%barrier3A_63)
    %mul3A_64 = arith.constant 640 : i32
    %mul3A_65 = arith.muli %arg1, %mul3A_64 : i32
    %mul3A_66 = arith.constant 640 : i32
    %mul3A_67 = arith.muli %arg1, %mul3A_66 : i32
    "tpu.region"() ({
      %run_scoped3A = tpu.sem_alloc : memref<!tpu.dma_semaphore, #tpu.memory_space<semaphore_mem>>
      %dma_start3A_68 = arith.constant 0 : i32
      %dma_start3A_69 = tpu.memref_slice %arg5[%arg0, %mul3A_67, %dma_start3A_68] : memref<2x10240x128xf32, #tpu.memory_space<hbm>> -> memref<1x640x128xf32, #tpu.memory_space<hbm>>
      %dma_start3A_70 = tpu.memref_squeeze %dma_start3A_69 : memref<1x640x128xf32, #tpu.memory_space<hbm>> -> memref<640x128xf32, #tpu.memory_space<hbm>>
      %dma_start3A_71 = arith.constant 0 : i32
      %dma_start3A_72 = tpu.memref_slice %arg10[%mul3A_65, %dma_start3A_71] : memref<10240x128xf32, #tpu.memory_space<vmem_shared>> -> memref<640x128xf32, #tpu.memory_space<vmem_shared>>
      tpu.enqueue_dma source(%dma_start3A_72 : memref<640x128xf32, #tpu.memory_space<vmem_shared>>) target(%dma_start3A_70 : memref<640x128xf32, #tpu.memory_space<hbm>>) target_semaphore(%run_scoped3A : memref<!tpu.dma_semaphore, #tpu.memory_space<semaphore_mem>>)
      %dma_wait3A_73 = arith.constant 0 : i32
      %dma_wait3A_74 = tpu.memref_slice %arg5[%arg0, %mul3A_67, %dma_wait3A_73] : memref<2x10240x128xf32, #tpu.memory_space<hbm>> -> memref<1x640x128xf32, #tpu.memory_space<hbm>>
      %dma_wait3A_75 = tpu.memref_squeeze %dma_wait3A_74 : memref<1x640x128xf32, #tpu.memory_space<hbm>> -> memref<640x128xf32, #tpu.memory_space<hbm>>
      %dma_wait3A_76 = arith.constant 0 : i32
      %dma_wait3A_77 = tpu.memref_slice %arg10[%mul3A_65, %dma_wait3A_76] : memref<10240x128xf32, #tpu.memory_space<vmem_shared>> -> memref<640x128xf32, #tpu.memory_space<vmem_shared>>
      tpu.wait_dma2 semaphore(%run_scoped3A : memref<!tpu.dma_semaphore, #tpu.memory_space<semaphore_mem>>) src(%dma_wait3A_77 : memref<640x128xf32, #tpu.memory_space<vmem_shared>>) dst(%dma_wait3A_75 : memref<640x128xf32, #tpu.memory_space<hbm>>)
      tpu.yield
    }) : () -> ()
    return
  }
}

#map = affine_map<(d0, d1) -> (0, 0)>
#map1 = affine_map<(d0, d1) -> (0, 0, 0)>
module attributes {stable_mosaic.version = 14 : i64} {
  func.func @sc_message_body(%arg0: i32, %arg1: i32, %arg2: memref<10240x128xf32, #tpu.memory_space<hbm>>, %arg3: memref<2568x128xi32, #tpu.memory_space<hbm>>, %arg4: memref<2568x128xi32, #tpu.memory_space<hbm>>, %arg5: memref<2x10240x128xf32, #tpu.memory_space<hbm>>, %arg6: memref<48x128xi32, #tpu.memory_space<vmem>>, %arg7: memref<40x128xi32, #tpu.memory_space<vmem>>, %arg8: memref<128x128xf32, #tpu.memory_space<vmem>>, %arg9: memref<128x128xf32, #tpu.memory_space<vmem>>, %arg10: memref<10240x128xf32, #tpu.memory_space<vmem_shared>>, %arg11: memref<!tpu.dma_semaphore, #tpu.memory_space<semaphore_mem>>, %arg12: memref<!tpu.dma_semaphore, #tpu.memory_space<semaphore_mem>>) attributes {dimension_semantics = [#tpu.dimension_semantics<core_parallel>, #tpu.dimension_semantics<subcore_parallel>], iteration_bounds = array<i64: 2, 16>, scalar_prefetch = 0 : i64, scratch_operands = 7 : i64, tpu.core_type = #tpu.core_type<sc_vector_subcore>, window_params = [{transform_indices = #map}, {transform_indices = #map}, {transform_indices = #map}, {transform_indices = #map1}]} {
    %mul3A = arith.constant 2 : i32
    %mul3A_0 = arith.muli %arg1, %mul3A : i32
    %add3A = arith.addi %mul3A_0, %arg0 : i32
    %broadcast_in_dim3A = arith.constant 0.000000e+00 : f32
    %broadcast_in_dim3A_1 = vector.broadcast %broadcast_in_dim3A : f32 to vector<16xf32>
    %scan3A = arith.constant 0 : i32
    %scan3A_2 = arith.constant 0 : i32
    %scan3A_3 = arith.constant 128 : i32
    %scan3A_4 = arith.addi %scan3A_2, %scan3A_3 : i32
    %scan3A_5 = arith.constant 1 : i32
    scf.for %scan3A_68 = %scan3A_2 to %scan3A_4 step %scan3A_5  : i32 {
      %swap3A = arith.index_cast %scan3A_68 : i32 to index
      %swap3A_69 = arith.constant 0 : index
      %swap3A_70 = tpu.vector_load %arg8[%swap3A, %swap3A_69] {strides = array<i32>} : memref<128x128xf32, #tpu.memory_space<vmem>>, vector<1x16xf32>,
      %swap3A_71 = vector.shape_cast %swap3A_70 : vector<1x16xf32> to vector<16xf32>
      %swap3A_72 = vector.shape_cast %broadcast_in_dim3A_1 : vector<16xf32> to vector<1x16xf32>
      tpu.vector_store %arg8[%swap3A, %swap3A_69], %swap3A_72 {strides = array<i32>} : memref<128x128xf32, #tpu.memory_space<vmem>>, vector<1x16xf32>,
      %swap3A_73 = arith.index_cast %scan3A_68 : i32 to index
      %swap3A_74 = arith.constant 16 : index
      %swap3A_75 = tpu.vector_load %arg8[%swap3A_73, %swap3A_74] {strides = array<i32>} : memref<128x128xf32, #tpu.memory_space<vmem>>, vector<1x16xf32>,
      %swap3A_76 = vector.shape_cast %swap3A_75 : vector<1x16xf32> to vector<16xf32>
      %swap3A_77 = vector.shape_cast %broadcast_in_dim3A_1 : vector<16xf32> to vector<1x16xf32>
      tpu.vector_store %arg8[%swap3A_73, %swap3A_74], %swap3A_77 {strides = array<i32>} : memref<128x128xf32, #tpu.memory_space<vmem>>, vector<1x16xf32>,
      %swap3A_78 = arith.index_cast %scan3A_68 : i32 to index
      %swap3A_79 = arith.constant 32 : index
      %swap3A_80 = tpu.vector_load %arg8[%swap3A_78, %swap3A_79] {strides = array<i32>} : memref<128x128xf32, #tpu.memory_space<vmem>>, vector<1x16xf32>,
      %swap3A_81 = vector.shape_cast %swap3A_80 : vector<1x16xf32> to vector<16xf32>
      %swap3A_82 = vector.shape_cast %broadcast_in_dim3A_1 : vector<16xf32> to vector<1x16xf32>
      tpu.vector_store %arg8[%swap3A_78, %swap3A_79], %swap3A_82 {strides = array<i32>} : memref<128x128xf32, #tpu.memory_space<vmem>>, vector<1x16xf32>,
      %swap3A_83 = arith.index_cast %scan3A_68 : i32 to index
      %swap3A_84 = arith.constant 48 : index
      %swap3A_85 = tpu.vector_load %arg8[%swap3A_83, %swap3A_84] {strides = array<i32>} : memref<128x128xf32, #tpu.memory_space<vmem>>, vector<1x16xf32>,
      %swap3A_86 = vector.shape_cast %swap3A_85 : vector<1x16xf32> to vector<16xf32>
      %swap3A_87 = vector.shape_cast %broadcast_in_dim3A_1 : vector<16xf32> to vector<1x16xf32>
      tpu.vector_store %arg8[%swap3A_83, %swap3A_84], %swap3A_87 {strides = array<i32>} : memref<128x128xf32, #tpu.memory_space<vmem>>, vector<1x16xf32>,
      %swap3A_88 = arith.index_cast %scan3A_68 : i32 to index
      %swap3A_89 = arith.constant 64 : index
      %swap3A_90 = tpu.vector_load %arg8[%swap3A_88, %swap3A_89] {strides = array<i32>} : memref<128x128xf32, #tpu.memory_space<vmem>>, vector<1x16xf32>,
      %swap3A_91 = vector.shape_cast %swap3A_90 : vector<1x16xf32> to vector<16xf32>
      %swap3A_92 = vector.shape_cast %broadcast_in_dim3A_1 : vector<16xf32> to vector<1x16xf32>
      tpu.vector_store %arg8[%swap3A_88, %swap3A_89], %swap3A_92 {strides = array<i32>} : memref<128x128xf32, #tpu.memory_space<vmem>>, vector<1x16xf32>,
      %swap3A_93 = arith.index_cast %scan3A_68 : i32 to index
      %swap3A_94 = arith.constant 80 : index
      %swap3A_95 = tpu.vector_load %arg8[%swap3A_93, %swap3A_94] {strides = array<i32>} : memref<128x128xf32, #tpu.memory_space<vmem>>, vector<1x16xf32>,
      %swap3A_96 = vector.shape_cast %swap3A_95 : vector<1x16xf32> to vector<16xf32>
      %swap3A_97 = vector.shape_cast %broadcast_in_dim3A_1 : vector<16xf32> to vector<1x16xf32>
      tpu.vector_store %arg8[%swap3A_93, %swap3A_94], %swap3A_97 {strides = array<i32>} : memref<128x128xf32, #tpu.memory_space<vmem>>, vector<1x16xf32>,
      %swap3A_98 = arith.index_cast %scan3A_68 : i32 to index
      %swap3A_99 = arith.constant 96 : index
      %swap3A_100 = tpu.vector_load %arg8[%swap3A_98, %swap3A_99] {strides = array<i32>} : memref<128x128xf32, #tpu.memory_space<vmem>>, vector<1x16xf32>,
      %swap3A_101 = vector.shape_cast %swap3A_100 : vector<1x16xf32> to vector<16xf32>
      %swap3A_102 = vector.shape_cast %broadcast_in_dim3A_1 : vector<16xf32> to vector<1x16xf32>
      tpu.vector_store %arg8[%swap3A_98, %swap3A_99], %swap3A_102 {strides = array<i32>} : memref<128x128xf32, #tpu.memory_space<vmem>>, vector<1x16xf32>,
      %swap3A_103 = arith.index_cast %scan3A_68 : i32 to index
      %swap3A_104 = arith.constant 112 : index
      %swap3A_105 = tpu.vector_load %arg8[%swap3A_103, %swap3A_104] {strides = array<i32>} : memref<128x128xf32, #tpu.memory_space<vmem>>, vector<1x16xf32>,
      %swap3A_106 = vector.shape_cast %swap3A_105 : vector<1x16xf32> to vector<16xf32>
      %swap3A_107 = vector.shape_cast %broadcast_in_dim3A_1 : vector<16xf32> to vector<1x16xf32>
      tpu.vector_store %arg8[%swap3A_103, %swap3A_104], %swap3A_107 {strides = array<i32>} : memref<128x128xf32, #tpu.memory_space<vmem>>, vector<1x16xf32>,
    }
    %scan3A_6 = arith.constant 128 : i32
    %mul3A_7 = arith.constant 640 : i32
    %mul3A_8 = arith.muli %arg1, %mul3A_7 : i32
    %add3A_9 = arith.constant 0 : i32
    %add3A_10 = arith.addi %mul3A_8, %add3A_9 : i32
    "tpu.region"() ({
      %run_scoped3A = tpu.sem_alloc : memref<!tpu.dma_semaphore, #tpu.memory_space<semaphore_mem>>
      %dma_start3A_68 = arith.constant 0 : i32
      %dma_start3A_69 = tpu.memref_slice %arg10[%add3A_10, %dma_start3A_68] : memref<10240x128xf32, #tpu.memory_space<vmem_shared>> -> memref<128x128xf32, #tpu.memory_space<vmem_shared>>
      %dma_start3A_70 = arith.constant 0 : i32
      %dma_start3A_71 = tpu.memref_slice %arg10[%add3A_10, %dma_start3A_70] : memref<10240x128xf32, #tpu.memory_space<vmem_shared>> -> memref<128x128xf32, #tpu.memory_space<vmem_shared>>
      tpu.enqueue_dma source(%arg8 : memref<128x128xf32, #tpu.memory_space<vmem>>) target(%dma_start3A_71 : memref<128x128xf32, #tpu.memory_space<vmem_shared>>) target_semaphore(%run_scoped3A : memref<!tpu.dma_semaphore, #tpu.memory_space<semaphore_mem>>)
      %dma_wait3A_72 = arith.constant 0 : i32
      %dma_wait3A_73 = tpu.memref_slice %arg10[%add3A_10, %dma_wait3A_72] : memref<10240x128xf32, #tpu.memory_space<vmem_shared>> -> memref<128x128xf32, #tpu.memory_space<vmem_shared>>
      %dma_wait3A_74 = arith.constant 0 : i32
      %dma_wait3A_75 = tpu.memref_slice %arg10[%add3A_10, %dma_wait3A_74] : memref<10240x128xf32, #tpu.memory_space<vmem_shared>> -> memref<128x128xf32, #tpu.memory_space<vmem_shared>>
      tpu.wait_dma2 semaphore(%run_scoped3A : memref<!tpu.dma_semaphore, #tpu.memory_space<semaphore_mem>>) src(%arg8 : memref<128x128xf32, #tpu.memory_space<vmem>>) dst(%dma_wait3A_75 : memref<128x128xf32, #tpu.memory_space<vmem_shared>>)
      tpu.yield
    }) : () -> ()
    %mul3A_11 = arith.constant 640 : i32
    %mul3A_12 = arith.muli %arg1, %mul3A_11 : i32
    %add3A_13 = arith.constant 128 : i32
    %add3A_14 = arith.addi %mul3A_12, %add3A_13 : i32
    "tpu.region"() ({
      %run_scoped3A = tpu.sem_alloc : memref<!tpu.dma_semaphore, #tpu.memory_space<semaphore_mem>>
      %dma_start3A_68 = arith.constant 0 : i32
      %dma_start3A_69 = tpu.memref_slice %arg10[%add3A_14, %dma_start3A_68] : memref<10240x128xf32, #tpu.memory_space<vmem_shared>> -> memref<128x128xf32, #tpu.memory_space<vmem_shared>>
      %dma_start3A_70 = arith.constant 0 : i32
      %dma_start3A_71 = tpu.memref_slice %arg10[%add3A_14, %dma_start3A_70] : memref<10240x128xf32, #tpu.memory_space<vmem_shared>> -> memref<128x128xf32, #tpu.memory_space<vmem_shared>>
      tpu.enqueue_dma source(%arg8 : memref<128x128xf32, #tpu.memory_space<vmem>>) target(%dma_start3A_71 : memref<128x128xf32, #tpu.memory_space<vmem_shared>>) target_semaphore(%run_scoped3A : memref<!tpu.dma_semaphore, #tpu.memory_space<semaphore_mem>>)
      %dma_wait3A_72 = arith.constant 0 : i32
      %dma_wait3A_73 = tpu.memref_slice %arg10[%add3A_14, %dma_wait3A_72] : memref<10240x128xf32, #tpu.memory_space<vmem_shared>> -> memref<128x128xf32, #tpu.memory_space<vmem_shared>>
      %dma_wait3A_74 = arith.constant 0 : i32
      %dma_wait3A_75 = tpu.memref_slice %arg10[%add3A_14, %dma_wait3A_74] : memref<10240x128xf32, #tpu.memory_space<vmem_shared>> -> memref<128x128xf32, #tpu.memory_space<vmem_shared>>
      tpu.wait_dma2 semaphore(%run_scoped3A : memref<!tpu.dma_semaphore, #tpu.memory_space<semaphore_mem>>) src(%arg8 : memref<128x128xf32, #tpu.memory_space<vmem>>) dst(%dma_wait3A_75 : memref<128x128xf32, #tpu.memory_space<vmem_shared>>)
      tpu.yield
    }) : () -> ()
    %mul3A_15 = arith.constant 640 : i32
    %mul3A_16 = arith.muli %arg1, %mul3A_15 : i32
    %add3A_17 = arith.constant 256 : i32
    %add3A_18 = arith.addi %mul3A_16, %add3A_17 : i32
    "tpu.region"() ({
      %run_scoped3A = tpu.sem_alloc : memref<!tpu.dma_semaphore, #tpu.memory_space<semaphore_mem>>
      %dma_start3A_68 = arith.constant 0 : i32
      %dma_start3A_69 = tpu.memref_slice %arg10[%add3A_18, %dma_start3A_68] : memref<10240x128xf32, #tpu.memory_space<vmem_shared>> -> memref<128x128xf32, #tpu.memory_space<vmem_shared>>
      %dma_start3A_70 = arith.constant 0 : i32
      %dma_start3A_71 = tpu.memref_slice %arg10[%add3A_18, %dma_start3A_70] : memref<10240x128xf32, #tpu.memory_space<vmem_shared>> -> memref<128x128xf32, #tpu.memory_space<vmem_shared>>
      tpu.enqueue_dma source(%arg8 : memref<128x128xf32, #tpu.memory_space<vmem>>) target(%dma_start3A_71 : memref<128x128xf32, #tpu.memory_space<vmem_shared>>) target_semaphore(%run_scoped3A : memref<!tpu.dma_semaphore, #tpu.memory_space<semaphore_mem>>)
      %dma_wait3A_72 = arith.constant 0 : i32
      %dma_wait3A_73 = tpu.memref_slice %arg10[%add3A_18, %dma_wait3A_72] : memref<10240x128xf32, #tpu.memory_space<vmem_shared>> -> memref<128x128xf32, #tpu.memory_space<vmem_shared>>
      %dma_wait3A_74 = arith.constant 0 : i32
      %dma_wait3A_75 = tpu.memref_slice %arg10[%add3A_18, %dma_wait3A_74] : memref<10240x128xf32, #tpu.memory_space<vmem_shared>> -> memref<128x128xf32, #tpu.memory_space<vmem_shared>>
      tpu.wait_dma2 semaphore(%run_scoped3A : memref<!tpu.dma_semaphore, #tpu.memory_space<semaphore_mem>>) src(%arg8 : memref<128x128xf32, #tpu.memory_space<vmem>>) dst(%dma_wait3A_75 : memref<128x128xf32, #tpu.memory_space<vmem_shared>>)
      tpu.yield
    }) : () -> ()
    %mul3A_19 = arith.constant 640 : i32
    %mul3A_20 = arith.muli %arg1, %mul3A_19 : i32
    %add3A_21 = arith.constant 384 : i32
    %add3A_22 = arith.addi %mul3A_20, %add3A_21 : i32
    "tpu.region"() ({
      %run_scoped3A = tpu.sem_alloc : memref<!tpu.dma_semaphore, #tpu.memory_space<semaphore_mem>>
      %dma_start3A_68 = arith.constant 0 : i32
      %dma_start3A_69 = tpu.memref_slice %arg10[%add3A_22, %dma_start3A_68] : memref<10240x128xf32, #tpu.memory_space<vmem_shared>> -> memref<128x128xf32, #tpu.memory_space<vmem_shared>>
      %dma_start3A_70 = arith.constant 0 : i32
      %dma_start3A_71 = tpu.memref_slice %arg10[%add3A_22, %dma_start3A_70] : memref<10240x128xf32, #tpu.memory_space<vmem_shared>> -> memref<128x128xf32, #tpu.memory_space<vmem_shared>>
      tpu.enqueue_dma source(%arg8 : memref<128x128xf32, #tpu.memory_space<vmem>>) target(%dma_start3A_71 : memref<128x128xf32, #tpu.memory_space<vmem_shared>>) target_semaphore(%run_scoped3A : memref<!tpu.dma_semaphore, #tpu.memory_space<semaphore_mem>>)
      %dma_wait3A_72 = arith.constant 0 : i32
      %dma_wait3A_73 = tpu.memref_slice %arg10[%add3A_22, %dma_wait3A_72] : memref<10240x128xf32, #tpu.memory_space<vmem_shared>> -> memref<128x128xf32, #tpu.memory_space<vmem_shared>>
      %dma_wait3A_74 = arith.constant 0 : i32
      %dma_wait3A_75 = tpu.memref_slice %arg10[%add3A_22, %dma_wait3A_74] : memref<10240x128xf32, #tpu.memory_space<vmem_shared>> -> memref<128x128xf32, #tpu.memory_space<vmem_shared>>
      tpu.wait_dma2 semaphore(%run_scoped3A : memref<!tpu.dma_semaphore, #tpu.memory_space<semaphore_mem>>) src(%arg8 : memref<128x128xf32, #tpu.memory_space<vmem>>) dst(%dma_wait3A_75 : memref<128x128xf32, #tpu.memory_space<vmem_shared>>)
      tpu.yield
    }) : () -> ()
    %mul3A_23 = arith.constant 640 : i32
    %mul3A_24 = arith.muli %arg1, %mul3A_23 : i32
    %add3A_25 = arith.constant 512 : i32
    %add3A_26 = arith.addi %mul3A_24, %add3A_25 : i32
    "tpu.region"() ({
      %run_scoped3A = tpu.sem_alloc : memref<!tpu.dma_semaphore, #tpu.memory_space<semaphore_mem>>
      %dma_start3A_68 = arith.constant 0 : i32
      %dma_start3A_69 = tpu.memref_slice %arg10[%add3A_26, %dma_start3A_68] : memref<10240x128xf32, #tpu.memory_space<vmem_shared>> -> memref<128x128xf32, #tpu.memory_space<vmem_shared>>
      %dma_start3A_70 = arith.constant 0 : i32
      %dma_start3A_71 = tpu.memref_slice %arg10[%add3A_26, %dma_start3A_70] : memref<10240x128xf32, #tpu.memory_space<vmem_shared>> -> memref<128x128xf32, #tpu.memory_space<vmem_shared>>
      tpu.enqueue_dma source(%arg8 : memref<128x128xf32, #tpu.memory_space<vmem>>) target(%dma_start3A_71 : memref<128x128xf32, #tpu.memory_space<vmem_shared>>) target_semaphore(%run_scoped3A : memref<!tpu.dma_semaphore, #tpu.memory_space<semaphore_mem>>)
      %dma_wait3A_72 = arith.constant 0 : i32
      %dma_wait3A_73 = tpu.memref_slice %arg10[%add3A_26, %dma_wait3A_72] : memref<10240x128xf32, #tpu.memory_space<vmem_shared>> -> memref<128x128xf32, #tpu.memory_space<vmem_shared>>
      %dma_wait3A_74 = arith.constant 0 : i32
      %dma_wait3A_75 = tpu.memref_slice %arg10[%add3A_26, %dma_wait3A_74] : memref<10240x128xf32, #tpu.memory_space<vmem_shared>> -> memref<128x128xf32, #tpu.memory_space<vmem_shared>>
      tpu.wait_dma2 semaphore(%run_scoped3A : memref<!tpu.dma_semaphore, #tpu.memory_space<semaphore_mem>>) src(%arg8 : memref<128x128xf32, #tpu.memory_space<vmem>>) dst(%dma_wait3A_75 : memref<128x128xf32, #tpu.memory_space<vmem_shared>>)
      tpu.yield
    }) : () -> ()
    %mul3A_27 = arith.constant 80 : i32
    %mul3A_28 = arith.muli %add3A, %mul3A_27 : i32
    "tpu.region"() ({
      %run_scoped3A = tpu.sem_alloc : memref<!tpu.dma_semaphore, #tpu.memory_space<semaphore_mem>>
      %dma_start3A_68 = arith.constant 0 : i32
      %dma_start3A_69 = tpu.memref_slice %arg3[%mul3A_28, %dma_start3A_68] : memref<2568x128xi32, #tpu.memory_space<hbm>> -> memref<48x128xi32, #tpu.memory_space<hbm>>
      %dma_start3A_70 = arith.constant 0 : i32
      %dma_start3A_71 = tpu.memref_slice %arg3[%mul3A_28, %dma_start3A_70] : memref<2568x128xi32, #tpu.memory_space<hbm>> -> memref<48x128xi32, #tpu.memory_space<hbm>>
      tpu.enqueue_dma source(%dma_start3A_71 : memref<48x128xi32, #tpu.memory_space<hbm>>) target(%arg6 : memref<48x128xi32, #tpu.memory_space<vmem>>) target_semaphore(%run_scoped3A : memref<!tpu.dma_semaphore, #tpu.memory_space<semaphore_mem>>)
      %dma_wait3A_72 = arith.constant 0 : i32
      %dma_wait3A_73 = tpu.memref_slice %arg3[%mul3A_28, %dma_wait3A_72] : memref<2568x128xi32, #tpu.memory_space<hbm>> -> memref<48x128xi32, #tpu.memory_space<hbm>>
      %dma_wait3A_74 = arith.constant 0 : i32
      %dma_wait3A_75 = tpu.memref_slice %arg3[%mul3A_28, %dma_wait3A_74] : memref<2568x128xi32, #tpu.memory_space<hbm>> -> memref<48x128xi32, #tpu.memory_space<hbm>>
      tpu.wait_dma2 semaphore(%run_scoped3A : memref<!tpu.dma_semaphore, #tpu.memory_space<semaphore_mem>>) src(%dma_wait3A_75 : memref<48x128xi32, #tpu.memory_space<hbm>>) dst(%arg6 : memref<48x128xi32, #tpu.memory_space<vmem>>)
      tpu.yield
    }) : () -> ()
    %mul3A_29 = arith.constant 80 : i32
    %mul3A_30 = arith.muli %add3A, %mul3A_29 : i32
    "tpu.region"() ({
      %run_scoped3A = tpu.sem_alloc : memref<!tpu.dma_semaphore, #tpu.memory_space<semaphore_mem>>
      %dma_start3A_68 = arith.constant 0 : i32
      %dma_start3A_69 = tpu.memref_slice %arg4[%mul3A_30, %dma_start3A_68] : memref<2568x128xi32, #tpu.memory_space<hbm>> -> memref<40x128xi32, #tpu.memory_space<hbm>>
      %dma_start3A_70 = arith.constant 0 : i32
      %dma_start3A_71 = tpu.memref_slice %arg4[%mul3A_30, %dma_start3A_70] : memref<2568x128xi32, #tpu.memory_space<hbm>> -> memref<40x128xi32, #tpu.memory_space<hbm>>
      tpu.enqueue_dma source(%dma_start3A_71 : memref<40x128xi32, #tpu.memory_space<hbm>>) target(%arg7 : memref<40x128xi32, #tpu.memory_space<vmem>>) target_semaphore(%run_scoped3A : memref<!tpu.dma_semaphore, #tpu.memory_space<semaphore_mem>>)
      %dma_wait3A_72 = arith.constant 0 : i32
      %dma_wait3A_73 = tpu.memref_slice %arg4[%mul3A_30, %dma_wait3A_72] : memref<2568x128xi32, #tpu.memory_space<hbm>> -> memref<40x128xi32, #tpu.memory_space<hbm>>
      %dma_wait3A_74 = arith.constant 0 : i32
      %dma_wait3A_75 = tpu.memref_slice %arg4[%mul3A_30, %dma_wait3A_74] : memref<2568x128xi32, #tpu.memory_space<hbm>> -> memref<40x128xi32, #tpu.memory_space<hbm>>
      tpu.wait_dma2 semaphore(%run_scoped3A : memref<!tpu.dma_semaphore, #tpu.memory_space<semaphore_mem>>) src(%dma_wait3A_75 : memref<40x128xi32, #tpu.memory_space<hbm>>) dst(%arg7 : memref<40x128xi32, #tpu.memory_space<vmem>>)
      tpu.yield
    }) : () -> ()
    %dma_start3A = arith.constant 0 : i32
    %dma_start3A_31 = arith.constant 0 : i32
    %dma_start3A_32 = tpu.memref_slice %arg6[%dma_start3A, %dma_start3A_31] : memref<48x128xi32, #tpu.memory_space<vmem>> -> memref<1x128xi32, #tpu.memory_space<vmem>>
    %dma_start3A_33 = tpu.memref_squeeze %dma_start3A_32 : memref<1x128xi32, #tpu.memory_space<vmem>> -> memref<128xi32, #tpu.memory_space<vmem>>
    %dma_start3A_34 = arith.constant 0 : i32
    %dma_start3A_35 = arith.constant 0 : i32
    %dma_start3A_36 = tpu.memref_slice %arg2[%dma_start3A_34, %dma_start3A_35] : memref<10240x128xf32, #tpu.memory_space<hbm>> -> memref<10240x128xf32, #tpu.memory_space<hbm>>
    tpu.enqueue_indirect_dma source(%dma_start3A_36 : memref<10240x128xf32, #tpu.memory_space<hbm>>) target(%arg8 : memref<128x128xf32, #tpu.memory_space<vmem>>) offsets(%dma_start3A_33 : memref<128xi32, #tpu.memory_space<vmem>>) semaphore(%arg11 : memref<!tpu.dma_semaphore, #tpu.memory_space<semaphore_mem>>)
    %barrier3A = arith.constant 0 : index
    tpu.barrier barrier_id(%barrier3A)
    %dma_wait3A = arith.constant 0 : i32
    %dma_wait3A_37 = arith.constant 0 : i32
    %dma_wait3A_38 = tpu.memref_slice %arg6[%dma_wait3A, %dma_wait3A_37] : memref<48x128xi32, #tpu.memory_space<vmem>> -> memref<1x128xi32, #tpu.memory_space<vmem>>
    %dma_wait3A_39 = tpu.memref_squeeze %dma_wait3A_38 : memref<1x128xi32, #tpu.memory_space<vmem>> -> memref<128xi32, #tpu.memory_space<vmem>>
    %dma_wait3A_40 = arith.constant 0 : i32
    %dma_wait3A_41 = arith.constant 0 : i32
    %dma_wait3A_42 = tpu.memref_slice %arg2[%dma_wait3A_40, %dma_wait3A_41] : memref<10240x128xf32, #tpu.memory_space<hbm>> -> memref<10240x128xf32, #tpu.memory_space<hbm>>
    tpu.wait_indirect_dma semaphore(%arg11 : memref<!tpu.dma_semaphore, #tpu.memory_space<semaphore_mem>>) src(%dma_wait3A_42 : memref<10240x128xf32, #tpu.memory_space<hbm>>) dst(%arg8 : memref<128x128xf32, #tpu.memory_space<vmem>>)
    %scan3A_43 = arith.constant 0 : i32
    %scan3A_44 = arith.constant 0 : i32
    %scan3A_45 = arith.constant 20 : i32
    %scan3A_46 = arith.addi %scan3A_44, %scan3A_45 : i32
    %scan3A_47 = arith.constant 1 : i32
    scf.for %scan3A_68 = %scan3A_44 to %scan3A_46 step %scan3A_47  : i32 {
      %mul3A_69 = arith.constant 2 : i32
      %mul3A_70 = arith.muli %mul3A_69, %scan3A_68 : i32
      %add3A_71 = arith.constant 0 : i32
      %add3A_72 = arith.addi %mul3A_70, %add3A_71 : i32
      %add3A_73 = arith.constant 1 : i32
      %add3A_74 = arith.addi %add3A_72, %add3A_73 : i32
      %dma_start3A_75 = arith.constant 0 : i32
      %dma_start3A_76 = tpu.memref_slice %arg6[%add3A_74, %dma_start3A_75] : memref<48x128xi32, #tpu.memory_space<vmem>> -> memref<1x128xi32, #tpu.memory_space<vmem>>
      %dma_start3A_77 = tpu.memref_squeeze %dma_start3A_76 : memref<1x128xi32, #tpu.memory_space<vmem>> -> memref<128xi32, #tpu.memory_space<vmem>>
      %dma_start3A_78 = arith.constant 0 : i32
      %dma_start3A_79 = arith.constant 0 : i32
      %dma_start3A_80 = tpu.memref_slice %arg2[%dma_start3A_78, %dma_start3A_79] : memref<10240x128xf32, #tpu.memory_space<hbm>> -> memref<10240x128xf32, #tpu.memory_space<hbm>>
      tpu.enqueue_indirect_dma source(%dma_start3A_80 : memref<10240x128xf32, #tpu.memory_space<hbm>>) target(%arg9 : memref<128x128xf32, #tpu.memory_space<vmem>>) offsets(%dma_start3A_77 : memref<128xi32, #tpu.memory_space<vmem>>) semaphore(%arg12 : memref<!tpu.dma_semaphore, #tpu.memory_space<semaphore_mem>>)
      "tpu.region"() ({
        %run_scoped3A = tpu.sem_alloc : memref<!tpu.dma_semaphore, #tpu.memory_space<semaphore_mem>>
        %dma_start3A_107 = arith.constant 0 : i32
        %dma_start3A_108 = tpu.memref_slice %arg7[%add3A_72, %dma_start3A_107] : memref<40x128xi32, #tpu.memory_space<vmem>> -> memref<1x128xi32, #tpu.memory_space<vmem>>
        %dma_start3A_109 = tpu.memref_squeeze %dma_start3A_108 : memref<1x128xi32, #tpu.memory_space<vmem>> -> memref<128xi32, #tpu.memory_space<vmem>>
        %dma_start3A_110 = arith.constant 0 : i32
        %dma_start3A_111 = arith.constant 0 : i32
        %dma_start3A_112 = tpu.memref_slice %arg10[%dma_start3A_110, %dma_start3A_111] : memref<10240x128xf32, #tpu.memory_space<vmem_shared>> -> memref<10240x128xf32, #tpu.memory_space<vmem_shared>>
        tpu.enqueue_indirect_dma source(%arg8 : memref<128x128xf32, #tpu.memory_space<vmem>>) target(%dma_start3A_112 : memref<10240x128xf32, #tpu.memory_space<vmem_shared>>) offsets(%dma_start3A_109 : memref<128xi32, #tpu.memory_space<vmem>>) semaphore(%run_scoped3A : memref<!tpu.dma_semaphore, #tpu.memory_space<semaphore_mem>>) {add = true}
        %dma_wait3A_113 = arith.constant 0 : i32
        %dma_wait3A_114 = tpu.memref_slice %arg7[%add3A_72, %dma_wait3A_113] : memref<40x128xi32, #tpu.memory_space<vmem>> -> memref<1x128xi32, #tpu.memory_space<vmem>>
        %dma_wait3A_115 = tpu.memref_squeeze %dma_wait3A_114 : memref<1x128xi32, #tpu.memory_space<vmem>> -> memref<128xi32, #tpu.memory_space<vmem>>
        %dma_wait3A_116 = arith.constant 0 : i32
        %dma_wait3A_117 = arith.constant 0 : i32
        %dma_wait3A_118 = tpu.memref_slice %arg10[%dma_wait3A_116, %dma_wait3A_117] : memref<10240x128xf32, #tpu.memory_space<vmem_shared>> -> memref<10240x128xf32, #tpu.memory_space<vmem_shared>>
        tpu.wait_indirect_dma semaphore(%run_scoped3A : memref<!tpu.dma_semaphore, #tpu.memory_space<semaphore_mem>>) src(%arg8 : memref<128x128xf32, #tpu.memory_space<vmem>>) dst(%dma_wait3A_118 : memref<10240x128xf32, #tpu.memory_space<vmem_shared>>)
        tpu.yield
      }) : () -> ()
      %dma_wait3A_81 = arith.constant 0 : i32
      %dma_wait3A_82 = arith.constant 0 : i32
      %dma_wait3A_83 = tpu.memref_slice %arg6[%dma_wait3A_81, %dma_wait3A_82] : memref<48x128xi32, #tpu.memory_space<vmem>> -> memref<1x128xi32, #tpu.memory_space<vmem>>
      %dma_wait3A_84 = tpu.memref_squeeze %dma_wait3A_83 : memref<1x128xi32, #tpu.memory_space<vmem>> -> memref<128xi32, #tpu.memory_space<vmem>>
      %dma_wait3A_85 = arith.constant 0 : i32
      %dma_wait3A_86 = arith.constant 0 : i32
      %dma_wait3A_87 = tpu.memref_slice %arg2[%dma_wait3A_85, %dma_wait3A_86] : memref<10240x128xf32, #tpu.memory_space<hbm>> -> memref<10240x128xf32, #tpu.memory_space<hbm>>
      tpu.wait_indirect_dma semaphore(%arg12 : memref<!tpu.dma_semaphore, #tpu.memory_space<semaphore_mem>>) src(%dma_wait3A_87 : memref<10240x128xf32, #tpu.memory_space<hbm>>) dst(%arg9 : memref<128x128xf32, #tpu.memory_space<vmem>>)
      %mul3A_88 = arith.constant 2 : i32
      %mul3A_89 = arith.muli %mul3A_88, %scan3A_68 : i32
      %add3A_90 = arith.constant 1 : i32
      %add3A_91 = arith.addi %mul3A_89, %add3A_90 : i32
      %add3A_92 = arith.constant 1 : i32
      %add3A_93 = arith.addi %add3A_91, %add3A_92 : i32
      %dma_start3A_94 = arith.constant 0 : i32
      %dma_start3A_95 = tpu.memref_slice %arg6[%add3A_93, %dma_start3A_94] : memref<48x128xi32, #tpu.memory_space<vmem>> -> memref<1x128xi32, #tpu.memory_space<vmem>>
      %dma_start3A_96 = tpu.memref_squeeze %dma_start3A_95 : memref<1x128xi32, #tpu.memory_space<vmem>> -> memref<128xi32, #tpu.memory_space<vmem>>
      %dma_start3A_97 = arith.constant 0 : i32
      %dma_start3A_98 = arith.constant 0 : i32
      %dma_start3A_99 = tpu.memref_slice %arg2[%dma_start3A_97, %dma_start3A_98] : memref<10240x128xf32, #tpu.memory_space<hbm>> -> memref<10240x128xf32, #tpu.memory_space<hbm>>
      tpu.enqueue_indirect_dma source(%dma_start3A_99 : memref<10240x128xf32, #tpu.memory_space<hbm>>) target(%arg8 : memref<128x128xf32, #tpu.memory_space<vmem>>) offsets(%dma_start3A_96 : memref<128xi32, #tpu.memory_space<vmem>>) semaphore(%arg11 : memref<!tpu.dma_semaphore, #tpu.memory_space<semaphore_mem>>)
      "tpu.region"() ({
        %run_scoped3A = tpu.sem_alloc : memref<!tpu.dma_semaphore, #tpu.memory_space<semaphore_mem>>
        %dma_start3A_107 = arith.constant 0 : i32
        %dma_start3A_108 = tpu.memref_slice %arg7[%add3A_91, %dma_start3A_107] : memref<40x128xi32, #tpu.memory_space<vmem>> -> memref<1x128xi32, #tpu.memory_space<vmem>>
        %dma_start3A_109 = tpu.memref_squeeze %dma_start3A_108 : memref<1x128xi32, #tpu.memory_space<vmem>> -> memref<128xi32, #tpu.memory_space<vmem>>
        %dma_start3A_110 = arith.constant 0 : i32
        %dma_start3A_111 = arith.constant 0 : i32
        %dma_start3A_112 = tpu.memref_slice %arg10[%dma_start3A_110, %dma_start3A_111] : memref<10240x128xf32, #tpu.memory_space<vmem_shared>> -> memref<10240x128xf32, #tpu.memory_space<vmem_shared>>
        tpu.enqueue_indirect_dma source(%arg9 : memref<128x128xf32, #tpu.memory_space<vmem>>) target(%dma_start3A_112 : memref<10240x128xf32, #tpu.memory_space<vmem_shared>>) offsets(%dma_start3A_109 : memref<128xi32, #tpu.memory_space<vmem>>) semaphore(%run_scoped3A : memref<!tpu.dma_semaphore, #tpu.memory_space<semaphore_mem>>) {add = true}
        %dma_wait3A_113 = arith.constant 0 : i32
        %dma_wait3A_114 = tpu.memref_slice %arg7[%add3A_91, %dma_wait3A_113] : memref<40x128xi32, #tpu.memory_space<vmem>> -> memref<1x128xi32, #tpu.memory_space<vmem>>
        %dma_wait3A_115 = tpu.memref_squeeze %dma_wait3A_114 : memref<1x128xi32, #tpu.memory_space<vmem>> -> memref<128xi32, #tpu.memory_space<vmem>>
        %dma_wait3A_116 = arith.constant 0 : i32
        %dma_wait3A_117 = arith.constant 0 : i32
        %dma_wait3A_118 = tpu.memref_slice %arg10[%dma_wait3A_116, %dma_wait3A_117] : memref<10240x128xf32, #tpu.memory_space<vmem_shared>> -> memref<10240x128xf32, #tpu.memory_space<vmem_shared>>
        tpu.wait_indirect_dma semaphore(%run_scoped3A : memref<!tpu.dma_semaphore, #tpu.memory_space<semaphore_mem>>) src(%arg9 : memref<128x128xf32, #tpu.memory_space<vmem>>) dst(%dma_wait3A_118 : memref<10240x128xf32, #tpu.memory_space<vmem_shared>>)
        tpu.yield
      }) : () -> ()
      %dma_wait3A_100 = arith.constant 0 : i32
      %dma_wait3A_101 = arith.constant 0 : i32
      %dma_wait3A_102 = tpu.memref_slice %arg6[%dma_wait3A_100, %dma_wait3A_101] : memref<48x128xi32, #tpu.memory_space<vmem>> -> memref<1x128xi32, #tpu.memory_space<vmem>>
      %dma_wait3A_103 = tpu.memref_squeeze %dma_wait3A_102 : memref<1x128xi32, #tpu.memory_space<vmem>> -> memref<128xi32, #tpu.memory_space<vmem>>
      %dma_wait3A_104 = arith.constant 0 : i32
      %dma_wait3A_105 = arith.constant 0 : i32
      %dma_wait3A_106 = tpu.memref_slice %arg2[%dma_wait3A_104, %dma_wait3A_105] : memref<10240x128xf32, #tpu.memory_space<hbm>> -> memref<10240x128xf32, #tpu.memory_space<hbm>>
      tpu.wait_indirect_dma semaphore(%arg11 : memref<!tpu.dma_semaphore, #tpu.memory_space<semaphore_mem>>) src(%dma_wait3A_106 : memref<10240x128xf32, #tpu.memory_space<hbm>>) dst(%arg8 : memref<128x128xf32, #tpu.memory_space<vmem>>)
    }
    %scan3A_48 = arith.constant 20 : i32
    %mul3A_49 = arith.constant 80 : i32
    %mul3A_50 = arith.muli %add3A, %mul3A_49 : i32
    %add3A_51 = arith.constant 40 : i32
    %add3A_52 = arith.addi %mul3A_50, %add3A_51 : i32
    "tpu.region"() ({
      %run_scoped3A = tpu.sem_alloc : memref<!tpu.dma_semaphore, #tpu.memory_space<semaphore_mem>>
      %dma_start3A_68 = arith.constant 0 : i32
      %dma_start3A_69 = tpu.memref_slice %arg3[%add3A_52, %dma_start3A_68] : memref<2568x128xi32, #tpu.memory_space<hbm>> -> memref<48x128xi32, #tpu.memory_space<hbm>>
      %dma_start3A_70 = arith.constant 0 : i32
      %dma_start3A_71 = tpu.memref_slice %arg3[%add3A_52, %dma_start3A_70] : memref<2568x128xi32, #tpu.memory_space<hbm>> -> memref<48x128xi32, #tpu.memory_space<hbm>>
      tpu.enqueue_dma source(%dma_start3A_71 : memref<48x128xi32, #tpu.memory_space<hbm>>) target(%arg6 : memref<48x128xi32, #tpu.memory_space<vmem>>) target_semaphore(%run_scoped3A : memref<!tpu.dma_semaphore, #tpu.memory_space<semaphore_mem>>)
      %dma_wait3A_72 = arith.constant 0 : i32
      %dma_wait3A_73 = tpu.memref_slice %arg3[%add3A_52, %dma_wait3A_72] : memref<2568x128xi32, #tpu.memory_space<hbm>> -> memref<48x128xi32, #tpu.memory_space<hbm>>
      %dma_wait3A_74 = arith.constant 0 : i32
      %dma_wait3A_75 = tpu.memref_slice %arg3[%add3A_52, %dma_wait3A_74] : memref<2568x128xi32, #tpu.memory_space<hbm>> -> memref<48x128xi32, #tpu.memory_space<hbm>>
      tpu.wait_dma2 semaphore(%run_scoped3A : memref<!tpu.dma_semaphore, #tpu.memory_space<semaphore_mem>>) src(%dma_wait3A_75 : memref<48x128xi32, #tpu.memory_space<hbm>>) dst(%arg6 : memref<48x128xi32, #tpu.memory_space<vmem>>)
      tpu.yield
    }) : () -> ()
    %mul3A_53 = arith.constant 80 : i32
    %mul3A_54 = arith.muli %add3A, %mul3A_53 : i32
    %add3A_55 = arith.constant 40 : i32
    %add3A_56 = arith.addi %mul3A_54, %add3A_55 : i32
    "tpu.region"() ({
      %run_scoped3A = tpu.sem_alloc : memref<!tpu.dma_semaphore, #tpu.memory_space<semaphore_mem>>
      %dma_start3A_68 = arith.constant 0 : i32
      %dma_start3A_69 = tpu.memref_slice %arg4[%add3A_56, %dma_start3A_68] : memref<2568x128xi32, #tpu.memory_space<hbm>> -> memref<40x128xi32, #tpu.memory_space<hbm>>
      %dma_start3A_70 = arith.constant 0 : i32
      %dma_start3A_71 = tpu.memref_slice %arg4[%add3A_56, %dma_start3A_70] : memref<2568x128xi32, #tpu.memory_space<hbm>> -> memref<40x128xi32, #tpu.memory_space<hbm>>
      tpu.enqueue_dma source(%dma_start3A_71 : memref<40x128xi32, #tpu.memory_space<hbm>>) target(%arg7 : memref<40x128xi32, #tpu.memory_space<vmem>>) target_semaphore(%run_scoped3A : memref<!tpu.dma_semaphore, #tpu.memory_space<semaphore_mem>>)
      %dma_wait3A_72 = arith.constant 0 : i32
      %dma_wait3A_73 = tpu.memref_slice %arg4[%add3A_56, %dma_wait3A_72] : memref<2568x128xi32, #tpu.memory_space<hbm>> -> memref<40x128xi32, #tpu.memory_space<hbm>>
      %dma_wait3A_74 = arith.constant 0 : i32
      %dma_wait3A_75 = tpu.memref_slice %arg4[%add3A_56, %dma_wait3A_74] : memref<2568x128xi32, #tpu.memory_space<hbm>> -> memref<40x128xi32, #tpu.memory_space<hbm>>
      tpu.wait_dma2 semaphore(%run_scoped3A : memref<!tpu.dma_semaphore, #tpu.memory_space<semaphore_mem>>) src(%dma_wait3A_75 : memref<40x128xi32, #tpu.memory_space<hbm>>) dst(%arg7 : memref<40x128xi32, #tpu.memory_space<vmem>>)
      tpu.yield
    }) : () -> ()
    %scan3A_57 = arith.constant 0 : i32
    %scan3A_58 = arith.constant 0 : i32
    %scan3A_59 = arith.constant 20 : i32
    %scan3A_60 = arith.addi %scan3A_58, %scan3A_59 : i32
    %scan3A_61 = arith.constant 1 : i32
    scf.for %scan3A_68 = %scan3A_58 to %scan3A_60 step %scan3A_61  : i32 {
      %mul3A_69 = arith.constant 2 : i32
      %mul3A_70 = arith.muli %mul3A_69, %scan3A_68 : i32
      %add3A_71 = arith.constant 0 : i32
      %add3A_72 = arith.addi %mul3A_70, %add3A_71 : i32
      %add3A_73 = arith.constant 1 : i32
      %add3A_74 = arith.addi %add3A_72, %add3A_73 : i32
      %dma_start3A_75 = arith.constant 0 : i32
      %dma_start3A_76 = tpu.memref_slice %arg6[%add3A_74, %dma_start3A_75] : memref<48x128xi32, #tpu.memory_space<vmem>> -> memref<1x128xi32, #tpu.memory_space<vmem>>
      %dma_start3A_77 = tpu.memref_squeeze %dma_start3A_76 : memref<1x128xi32, #tpu.memory_space<vmem>> -> memref<128xi32, #tpu.memory_space<vmem>>
      %dma_start3A_78 = arith.constant 0 : i32
      %dma_start3A_79 = arith.constant 0 : i32
      %dma_start3A_80 = tpu.memref_slice %arg2[%dma_start3A_78, %dma_start3A_79] : memref<10240x128xf32, #tpu.memory_space<hbm>> -> memref<10240x128xf32, #tpu.memory_space<hbm>>
      tpu.enqueue_indirect_dma source(%dma_start3A_80 : memref<10240x128xf32, #tpu.memory_space<hbm>>) target(%arg9 : memref<128x128xf32, #tpu.memory_space<vmem>>) offsets(%dma_start3A_77 : memref<128xi32, #tpu.memory_space<vmem>>) semaphore(%arg12 : memref<!tpu.dma_semaphore, #tpu.memory_space<semaphore_mem>>)
      "tpu.region"() ({
        %run_scoped3A = tpu.sem_alloc : memref<!tpu.dma_semaphore, #tpu.memory_space<semaphore_mem>>
        %dma_start3A_107 = arith.constant 0 : i32
        %dma_start3A_108 = tpu.memref_slice %arg7[%add3A_72, %dma_start3A_107] : memref<40x128xi32, #tpu.memory_space<vmem>> -> memref<1x128xi32, #tpu.memory_space<vmem>>
        %dma_start3A_109 = tpu.memref_squeeze %dma_start3A_108 : memref<1x128xi32, #tpu.memory_space<vmem>> -> memref<128xi32, #tpu.memory_space<vmem>>
        %dma_start3A_110 = arith.constant 0 : i32
        %dma_start3A_111 = arith.constant 0 : i32
        %dma_start3A_112 = tpu.memref_slice %arg10[%dma_start3A_110, %dma_start3A_111] : memref<10240x128xf32, #tpu.memory_space<vmem_shared>> -> memref<10240x128xf32, #tpu.memory_space<vmem_shared>>
        tpu.enqueue_indirect_dma source(%arg8 : memref<128x128xf32, #tpu.memory_space<vmem>>) target(%dma_start3A_112 : memref<10240x128xf32, #tpu.memory_space<vmem_shared>>) offsets(%dma_start3A_109 : memref<128xi32, #tpu.memory_space<vmem>>) semaphore(%run_scoped3A : memref<!tpu.dma_semaphore, #tpu.memory_space<semaphore_mem>>) {add = true}
        %dma_wait3A_113 = arith.constant 0 : i32
        %dma_wait3A_114 = tpu.memref_slice %arg7[%add3A_72, %dma_wait3A_113] : memref<40x128xi32, #tpu.memory_space<vmem>> -> memref<1x128xi32, #tpu.memory_space<vmem>>
        %dma_wait3A_115 = tpu.memref_squeeze %dma_wait3A_114 : memref<1x128xi32, #tpu.memory_space<vmem>> -> memref<128xi32, #tpu.memory_space<vmem>>
        %dma_wait3A_116 = arith.constant 0 : i32
        %dma_wait3A_117 = arith.constant 0 : i32
        %dma_wait3A_118 = tpu.memref_slice %arg10[%dma_wait3A_116, %dma_wait3A_117] : memref<10240x128xf32, #tpu.memory_space<vmem_shared>> -> memref<10240x128xf32, #tpu.memory_space<vmem_shared>>
        tpu.wait_indirect_dma semaphore(%run_scoped3A : memref<!tpu.dma_semaphore, #tpu.memory_space<semaphore_mem>>) src(%arg8 : memref<128x128xf32, #tpu.memory_space<vmem>>) dst(%dma_wait3A_118 : memref<10240x128xf32, #tpu.memory_space<vmem_shared>>)
        tpu.yield
      }) : () -> ()
      %dma_wait3A_81 = arith.constant 0 : i32
      %dma_wait3A_82 = arith.constant 0 : i32
      %dma_wait3A_83 = tpu.memref_slice %arg6[%dma_wait3A_81, %dma_wait3A_82] : memref<48x128xi32, #tpu.memory_space<vmem>> -> memref<1x128xi32, #tpu.memory_space<vmem>>
      %dma_wait3A_84 = tpu.memref_squeeze %dma_wait3A_83 : memref<1x128xi32, #tpu.memory_space<vmem>> -> memref<128xi32, #tpu.memory_space<vmem>>
      %dma_wait3A_85 = arith.constant 0 : i32
      %dma_wait3A_86 = arith.constant 0 : i32
      %dma_wait3A_87 = tpu.memref_slice %arg2[%dma_wait3A_85, %dma_wait3A_86] : memref<10240x128xf32, #tpu.memory_space<hbm>> -> memref<10240x128xf32, #tpu.memory_space<hbm>>
      tpu.wait_indirect_dma semaphore(%arg12 : memref<!tpu.dma_semaphore, #tpu.memory_space<semaphore_mem>>) src(%dma_wait3A_87 : memref<10240x128xf32, #tpu.memory_space<hbm>>) dst(%arg9 : memref<128x128xf32, #tpu.memory_space<vmem>>)
      %mul3A_88 = arith.constant 2 : i32
      %mul3A_89 = arith.muli %mul3A_88, %scan3A_68 : i32
      %add3A_90 = arith.constant 1 : i32
      %add3A_91 = arith.addi %mul3A_89, %add3A_90 : i32
      %add3A_92 = arith.constant 1 : i32
      %add3A_93 = arith.addi %add3A_91, %add3A_92 : i32
      %dma_start3A_94 = arith.constant 0 : i32
      %dma_start3A_95 = tpu.memref_slice %arg6[%add3A_93, %dma_start3A_94] : memref<48x128xi32, #tpu.memory_space<vmem>> -> memref<1x128xi32, #tpu.memory_space<vmem>>
      %dma_start3A_96 = tpu.memref_squeeze %dma_start3A_95 : memref<1x128xi32, #tpu.memory_space<vmem>> -> memref<128xi32, #tpu.memory_space<vmem>>
      %dma_start3A_97 = arith.constant 0 : i32
      %dma_start3A_98 = arith.constant 0 : i32
      %dma_start3A_99 = tpu.memref_slice %arg2[%dma_start3A_97, %dma_start3A_98] : memref<10240x128xf32, #tpu.memory_space<hbm>> -> memref<10240x128xf32, #tpu.memory_space<hbm>>
      tpu.enqueue_indirect_dma source(%dma_start3A_99 : memref<10240x128xf32, #tpu.memory_space<hbm>>) target(%arg8 : memref<128x128xf32, #tpu.memory_space<vmem>>) offsets(%dma_start3A_96 : memref<128xi32, #tpu.memory_space<vmem>>) semaphore(%arg11 : memref<!tpu.dma_semaphore, #tpu.memory_space<semaphore_mem>>)
      "tpu.region"() ({
        %run_scoped3A = tpu.sem_alloc : memref<!tpu.dma_semaphore, #tpu.memory_space<semaphore_mem>>
        %dma_start3A_107 = arith.constant 0 : i32
        %dma_start3A_108 = tpu.memref_slice %arg7[%add3A_91, %dma_start3A_107] : memref<40x128xi32, #tpu.memory_space<vmem>> -> memref<1x128xi32, #tpu.memory_space<vmem>>
        %dma_start3A_109 = tpu.memref_squeeze %dma_start3A_108 : memref<1x128xi32, #tpu.memory_space<vmem>> -> memref<128xi32, #tpu.memory_space<vmem>>
        %dma_start3A_110 = arith.constant 0 : i32
        %dma_start3A_111 = arith.constant 0 : i32
        %dma_start3A_112 = tpu.memref_slice %arg10[%dma_start3A_110, %dma_start3A_111] : memref<10240x128xf32, #tpu.memory_space<vmem_shared>> -> memref<10240x128xf32, #tpu.memory_space<vmem_shared>>
        tpu.enqueue_indirect_dma source(%arg9 : memref<128x128xf32, #tpu.memory_space<vmem>>) target(%dma_start3A_112 : memref<10240x128xf32, #tpu.memory_space<vmem_shared>>) offsets(%dma_start3A_109 : memref<128xi32, #tpu.memory_space<vmem>>) semaphore(%run_scoped3A : memref<!tpu.dma_semaphore, #tpu.memory_space<semaphore_mem>>) {add = true}
        %dma_wait3A_113 = arith.constant 0 : i32
        %dma_wait3A_114 = tpu.memref_slice %arg7[%add3A_91, %dma_wait3A_113] : memref<40x128xi32, #tpu.memory_space<vmem>> -> memref<1x128xi32, #tpu.memory_space<vmem>>
        %dma_wait3A_115 = tpu.memref_squeeze %dma_wait3A_114 : memref<1x128xi32, #tpu.memory_space<vmem>> -> memref<128xi32, #tpu.memory_space<vmem>>
        %dma_wait3A_116 = arith.constant 0 : i32
        %dma_wait3A_117 = arith.constant 0 : i32
        %dma_wait3A_118 = tpu.memref_slice %arg10[%dma_wait3A_116, %dma_wait3A_117] : memref<10240x128xf32, #tpu.memory_space<vmem_shared>> -> memref<10240x128xf32, #tpu.memory_space<vmem_shared>>
        tpu.wait_indirect_dma semaphore(%run_scoped3A : memref<!tpu.dma_semaphore, #tpu.memory_space<semaphore_mem>>) src(%arg9 : memref<128x128xf32, #tpu.memory_space<vmem>>) dst(%dma_wait3A_118 : memref<10240x128xf32, #tpu.memory_space<vmem_shared>>)
        tpu.yield
      }) : () -> ()
      %dma_wait3A_100 = arith.constant 0 : i32
      %dma_wait3A_101 = arith.constant 0 : i32
      %dma_wait3A_102 = tpu.memref_slice %arg6[%dma_wait3A_100, %dma_wait3A_101] : memref<48x128xi32, #tpu.memory_space<vmem>> -> memref<1x128xi32, #tpu.memory_space<vmem>>
      %dma_wait3A_103 = tpu.memref_squeeze %dma_wait3A_102 : memref<1x128xi32, #tpu.memory_space<vmem>> -> memref<128xi32, #tpu.memory_space<vmem>>
      %dma_wait3A_104 = arith.constant 0 : i32
      %dma_wait3A_105 = arith.constant 0 : i32
      %dma_wait3A_106 = tpu.memref_slice %arg2[%dma_wait3A_104, %dma_wait3A_105] : memref<10240x128xf32, #tpu.memory_space<hbm>> -> memref<10240x128xf32, #tpu.memory_space<hbm>>
      tpu.wait_indirect_dma semaphore(%arg11 : memref<!tpu.dma_semaphore, #tpu.memory_space<semaphore_mem>>) src(%dma_wait3A_106 : memref<10240x128xf32, #tpu.memory_space<hbm>>) dst(%arg8 : memref<128x128xf32, #tpu.memory_space<vmem>>)
    }
    %scan3A_62 = arith.constant 20 : i32
    %barrier3A_63 = arith.constant 0 : index
    tpu.barrier barrier_id(%barrier3A_63)
    %mul3A_64 = arith.constant 640 : i32
    %mul3A_65 = arith.muli %arg1, %mul3A_64 : i32
    %mul3A_66 = arith.constant 640 : i32
    %mul3A_67 = arith.muli %arg1, %mul3A_66 : i32
    "tpu.region"() ({
      %run_scoped3A = tpu.sem_alloc : memref<!tpu.dma_semaphore, #tpu.memory_space<semaphore_mem>>
      %dma_start3A_68 = arith.constant 0 : i32
      %dma_start3A_69 = tpu.memref_slice %arg5[%arg0, %mul3A_67, %dma_start3A_68] : memref<2x10240x128xf32, #tpu.memory_space<hbm>> -> memref<1x640x128xf32, #tpu.memory_space<hbm>>
      %dma_start3A_70 = tpu.memref_squeeze %dma_start3A_69 : memref<1x640x128xf32, #tpu.memory_space<hbm>> -> memref<640x128xf32, #tpu.memory_space<hbm>>
      %dma_start3A_71 = arith.constant 0 : i32
      %dma_start3A_72 = tpu.memref_slice %arg10[%mul3A_65, %dma_start3A_71] : memref<10240x128xf32, #tpu.memory_space<vmem_shared>> -> memref<640x128xf32, #tpu.memory_space<vmem_shared>>
      tpu.enqueue_dma source(%dma_start3A_72 : memref<640x128xf32, #tpu.memory_space<vmem_shared>>) target(%dma_start3A_70 : memref<640x128xf32, #tpu.memory_space<hbm>>) target_semaphore(%run_scoped3A : memref<!tpu.dma_semaphore, #tpu.memory_space<semaphore_mem>>)
      %dma_wait3A_73 = arith.constant 0 : i32
      %dma_wait3A_74 = tpu.memref_slice %arg5[%arg0, %mul3A_67, %dma_wait3A_73] : memref<2x10240x128xf32, #tpu.memory_space<hbm>> -> memref<1x640x128xf32, #tpu.memory_space<hbm>>
      %dma_wait3A_75 = tpu.memref_squeeze %dma_wait3A_74 : memref<1x640x128xf32, #tpu.memory_space<hbm>> -> memref<640x128xf32, #tpu.memory_space<hbm>>
      %dma_wait3A_76 = arith.constant 0 : i32
      %dma_wait3A_77 = tpu.memref_slice %arg10[%mul3A_65, %dma_wait3A_76] : memref<10240x128xf32, #tpu.memory_space<vmem_shared>> -> memref<640x128xf32, #tpu.memory_space<vmem_shared>>
      tpu.wait_dma2 semaphore(%run_scoped3A : memref<!tpu.dma_semaphore, #tpu.memory_space<semaphore_mem>>) src(%dma_wait3A_77 : memref<640x128xf32, #tpu.memory_space<vmem_shared>>) dst(%dma_wait3A_75 : memref<640x128xf32, #tpu.memory_space<hbm>>)
      tpu.yield
    }) : () -> ()
    return
  }
}

#map = affine_map<(d0, d1) -> (0, 0)>
#map1 = affine_map<(d0, d1) -> (0, 0, 0)>
module attributes {stable_mosaic.version = 14 : i64} {
  func.func @sc_message_body(%arg0: i32, %arg1: i32, %arg2: memref<10240x128xf32, #tpu.memory_space<hbm>>, %arg3: memref<2568x128xi32, #tpu.memory_space<hbm>>, %arg4: memref<2568x128xi32, #tpu.memory_space<hbm>>, %arg5: memref<2x10240x128xf32, #tpu.memory_space<hbm>>, %arg6: memref<48x128xi32, #tpu.memory_space<vmem>>, %arg7: memref<40x128xi32, #tpu.memory_space<vmem>>, %arg8: memref<128x128xf32, #tpu.memory_space<vmem>>, %arg9: memref<128x128xf32, #tpu.memory_space<vmem>>, %arg10: memref<10240x128xf32, #tpu.memory_space<vmem_shared>>, %arg11: memref<!tpu.dma_semaphore, #tpu.memory_space<semaphore_mem>>, %arg12: memref<!tpu.dma_semaphore, #tpu.memory_space<semaphore_mem>>) attributes {dimension_semantics = [#tpu.dimension_semantics<core_parallel>, #tpu.dimension_semantics<subcore_parallel>], iteration_bounds = array<i64: 2, 16>, scalar_prefetch = 0 : i64, scratch_operands = 7 : i64, tpu.core_type = #tpu.core_type<sc_vector_subcore>, window_params = [{transform_indices = #map}, {transform_indices = #map}, {transform_indices = #map}, {transform_indices = #map1}]} {
    %mul3A = arith.constant 2 : i32
    %mul3A_0 = arith.muli %arg1, %mul3A : i32
    %add3A = arith.addi %mul3A_0, %arg0 : i32
    %broadcast_in_dim3A = arith.constant 0.000000e+00 : f32
    %broadcast_in_dim3A_1 = vector.broadcast %broadcast_in_dim3A : f32 to vector<16xf32>
    %scan3A = arith.constant 0 : i32
    %scan3A_2 = arith.constant 0 : i32
    %scan3A_3 = arith.constant 128 : i32
    %scan3A_4 = arith.addi %scan3A_2, %scan3A_3 : i32
    %scan3A_5 = arith.constant 1 : i32
    scf.for %scan3A_68 = %scan3A_2 to %scan3A_4 step %scan3A_5  : i32 {
      %swap3A = arith.index_cast %scan3A_68 : i32 to index
      %swap3A_69 = arith.constant 0 : index
      %swap3A_70 = tpu.vector_load %arg8[%swap3A, %swap3A_69] {strides = array<i32>} : memref<128x128xf32, #tpu.memory_space<vmem>>, vector<1x16xf32>,
      %swap3A_71 = vector.shape_cast %swap3A_70 : vector<1x16xf32> to vector<16xf32>
      %swap3A_72 = vector.shape_cast %broadcast_in_dim3A_1 : vector<16xf32> to vector<1x16xf32>
      tpu.vector_store %arg8[%swap3A, %swap3A_69], %swap3A_72 {strides = array<i32>} : memref<128x128xf32, #tpu.memory_space<vmem>>, vector<1x16xf32>,
      %swap3A_73 = arith.index_cast %scan3A_68 : i32 to index
      %swap3A_74 = arith.constant 16 : index
      %swap3A_75 = tpu.vector_load %arg8[%swap3A_73, %swap3A_74] {strides = array<i32>} : memref<128x128xf32, #tpu.memory_space<vmem>>, vector<1x16xf32>,
      %swap3A_76 = vector.shape_cast %swap3A_75 : vector<1x16xf32> to vector<16xf32>
      %swap3A_77 = vector.shape_cast %broadcast_in_dim3A_1 : vector<16xf32> to vector<1x16xf32>
      tpu.vector_store %arg8[%swap3A_73, %swap3A_74], %swap3A_77 {strides = array<i32>} : memref<128x128xf32, #tpu.memory_space<vmem>>, vector<1x16xf32>,
      %swap3A_78 = arith.index_cast %scan3A_68 : i32 to index
      %swap3A_79 = arith.constant 32 : index
      %swap3A_80 = tpu.vector_load %arg8[%swap3A_78, %swap3A_79] {strides = array<i32>} : memref<128x128xf32, #tpu.memory_space<vmem>>, vector<1x16xf32>,
      %swap3A_81 = vector.shape_cast %swap3A_80 : vector<1x16xf32> to vector<16xf32>
      %swap3A_82 = vector.shape_cast %broadcast_in_dim3A_1 : vector<16xf32> to vector<1x16xf32>
      tpu.vector_store %arg8[%swap3A_78, %swap3A_79], %swap3A_82 {strides = array<i32>} : memref<128x128xf32, #tpu.memory_space<vmem>>, vector<1x16xf32>,
      %swap3A_83 = arith.index_cast %scan3A_68 : i32 to index
      %swap3A_84 = arith.constant 48 : index
      %swap3A_85 = tpu.vector_load %arg8[%swap3A_83, %swap3A_84] {strides = array<i32>} : memref<128x128xf32, #tpu.memory_space<vmem>>, vector<1x16xf32>,
      %swap3A_86 = vector.shape_cast %swap3A_85 : vector<1x16xf32> to vector<16xf32>
      %swap3A_87 = vector.shape_cast %broadcast_in_dim3A_1 : vector<16xf32> to vector<1x16xf32>
      tpu.vector_store %arg8[%swap3A_83, %swap3A_84], %swap3A_87 {strides = array<i32>} : memref<128x128xf32, #tpu.memory_space<vmem>>, vector<1x16xf32>,
      %swap3A_88 = arith.index_cast %scan3A_68 : i32 to index
      %swap3A_89 = arith.constant 64 : index
      %swap3A_90 = tpu.vector_load %arg8[%swap3A_88, %swap3A_89] {strides = array<i32>} : memref<128x128xf32, #tpu.memory_space<vmem>>, vector<1x16xf32>,
      %swap3A_91 = vector.shape_cast %swap3A_90 : vector<1x16xf32> to vector<16xf32>
      %swap3A_92 = vector.shape_cast %broadcast_in_dim3A_1 : vector<16xf32> to vector<1x16xf32>
      tpu.vector_store %arg8[%swap3A_88, %swap3A_89], %swap3A_92 {strides = array<i32>} : memref<128x128xf32, #tpu.memory_space<vmem>>, vector<1x16xf32>,
      %swap3A_93 = arith.index_cast %scan3A_68 : i32 to index
      %swap3A_94 = arith.constant 80 : index
      %swap3A_95 = tpu.vector_load %arg8[%swap3A_93, %swap3A_94] {strides = array<i32>} : memref<128x128xf32, #tpu.memory_space<vmem>>, vector<1x16xf32>,
      %swap3A_96 = vector.shape_cast %swap3A_95 : vector<1x16xf32> to vector<16xf32>
      %swap3A_97 = vector.shape_cast %broadcast_in_dim3A_1 : vector<16xf32> to vector<1x16xf32>
      tpu.vector_store %arg8[%swap3A_93, %swap3A_94], %swap3A_97 {strides = array<i32>} : memref<128x128xf32, #tpu.memory_space<vmem>>, vector<1x16xf32>,
      %swap3A_98 = arith.index_cast %scan3A_68 : i32 to index
      %swap3A_99 = arith.constant 96 : index
      %swap3A_100 = tpu.vector_load %arg8[%swap3A_98, %swap3A_99] {strides = array<i32>} : memref<128x128xf32, #tpu.memory_space<vmem>>, vector<1x16xf32>,
      %swap3A_101 = vector.shape_cast %swap3A_100 : vector<1x16xf32> to vector<16xf32>
      %swap3A_102 = vector.shape_cast %broadcast_in_dim3A_1 : vector<16xf32> to vector<1x16xf32>
      tpu.vector_store %arg8[%swap3A_98, %swap3A_99], %swap3A_102 {strides = array<i32>} : memref<128x128xf32, #tpu.memory_space<vmem>>, vector<1x16xf32>,
      %swap3A_103 = arith.index_cast %scan3A_68 : i32 to index
      %swap3A_104 = arith.constant 112 : index
      %swap3A_105 = tpu.vector_load %arg8[%swap3A_103, %swap3A_104] {strides = array<i32>} : memref<128x128xf32, #tpu.memory_space<vmem>>, vector<1x16xf32>,
      %swap3A_106 = vector.shape_cast %swap3A_105 : vector<1x16xf32> to vector<16xf32>
      %swap3A_107 = vector.shape_cast %broadcast_in_dim3A_1 : vector<16xf32> to vector<1x16xf32>
      tpu.vector_store %arg8[%swap3A_103, %swap3A_104], %swap3A_107 {strides = array<i32>} : memref<128x128xf32, #tpu.memory_space<vmem>>, vector<1x16xf32>,
    }
    %scan3A_6 = arith.constant 128 : i32
    %mul3A_7 = arith.constant 640 : i32
    %mul3A_8 = arith.muli %arg1, %mul3A_7 : i32
    %add3A_9 = arith.constant 0 : i32
    %add3A_10 = arith.addi %mul3A_8, %add3A_9 : i32
    "tpu.region"() ({
      %run_scoped3A = tpu.sem_alloc : memref<!tpu.dma_semaphore, #tpu.memory_space<semaphore_mem>>
      %dma_start3A_68 = arith.constant 0 : i32
      %dma_start3A_69 = tpu.memref_slice %arg10[%add3A_10, %dma_start3A_68] : memref<10240x128xf32, #tpu.memory_space<vmem_shared>> -> memref<128x128xf32, #tpu.memory_space<vmem_shared>>
      %dma_start3A_70 = arith.constant 0 : i32
      %dma_start3A_71 = tpu.memref_slice %arg10[%add3A_10, %dma_start3A_70] : memref<10240x128xf32, #tpu.memory_space<vmem_shared>> -> memref<128x128xf32, #tpu.memory_space<vmem_shared>>
      tpu.enqueue_dma source(%arg8 : memref<128x128xf32, #tpu.memory_space<vmem>>) target(%dma_start3A_71 : memref<128x128xf32, #tpu.memory_space<vmem_shared>>) target_semaphore(%run_scoped3A : memref<!tpu.dma_semaphore, #tpu.memory_space<semaphore_mem>>)
      %dma_wait3A_72 = arith.constant 0 : i32
      %dma_wait3A_73 = tpu.memref_slice %arg10[%add3A_10, %dma_wait3A_72] : memref<10240x128xf32, #tpu.memory_space<vmem_shared>> -> memref<128x128xf32, #tpu.memory_space<vmem_shared>>
      %dma_wait3A_74 = arith.constant 0 : i32
      %dma_wait3A_75 = tpu.memref_slice %arg10[%add3A_10, %dma_wait3A_74] : memref<10240x128xf32, #tpu.memory_space<vmem_shared>> -> memref<128x128xf32, #tpu.memory_space<vmem_shared>>
      tpu.wait_dma2 semaphore(%run_scoped3A : memref<!tpu.dma_semaphore, #tpu.memory_space<semaphore_mem>>) src(%arg8 : memref<128x128xf32, #tpu.memory_space<vmem>>) dst(%dma_wait3A_75 : memref<128x128xf32, #tpu.memory_space<vmem_shared>>)
      tpu.yield
    }) : () -> ()
    %mul3A_11 = arith.constant 640 : i32
    %mul3A_12 = arith.muli %arg1, %mul3A_11 : i32
    %add3A_13 = arith.constant 128 : i32
    %add3A_14 = arith.addi %mul3A_12, %add3A_13 : i32
    "tpu.region"() ({
      %run_scoped3A = tpu.sem_alloc : memref<!tpu.dma_semaphore, #tpu.memory_space<semaphore_mem>>
      %dma_start3A_68 = arith.constant 0 : i32
      %dma_start3A_69 = tpu.memref_slice %arg10[%add3A_14, %dma_start3A_68] : memref<10240x128xf32, #tpu.memory_space<vmem_shared>> -> memref<128x128xf32, #tpu.memory_space<vmem_shared>>
      %dma_start3A_70 = arith.constant 0 : i32
      %dma_start3A_71 = tpu.memref_slice %arg10[%add3A_14, %dma_start3A_70] : memref<10240x128xf32, #tpu.memory_space<vmem_shared>> -> memref<128x128xf32, #tpu.memory_space<vmem_shared>>
      tpu.enqueue_dma source(%arg8 : memref<128x128xf32, #tpu.memory_space<vmem>>) target(%dma_start3A_71 : memref<128x128xf32, #tpu.memory_space<vmem_shared>>) target_semaphore(%run_scoped3A : memref<!tpu.dma_semaphore, #tpu.memory_space<semaphore_mem>>)
      %dma_wait3A_72 = arith.constant 0 : i32
      %dma_wait3A_73 = tpu.memref_slice %arg10[%add3A_14, %dma_wait3A_72] : memref<10240x128xf32, #tpu.memory_space<vmem_shared>> -> memref<128x128xf32, #tpu.memory_space<vmem_shared>>
      %dma_wait3A_74 = arith.constant 0 : i32
      %dma_wait3A_75 = tpu.memref_slice %arg10[%add3A_14, %dma_wait3A_74] : memref<10240x128xf32, #tpu.memory_space<vmem_shared>> -> memref<128x128xf32, #tpu.memory_space<vmem_shared>>
      tpu.wait_dma2 semaphore(%run_scoped3A : memref<!tpu.dma_semaphore, #tpu.memory_space<semaphore_mem>>) src(%arg8 : memref<128x128xf32, #tpu.memory_space<vmem>>) dst(%dma_wait3A_75 : memref<128x128xf32, #tpu.memory_space<vmem_shared>>)
      tpu.yield
    }) : () -> ()
    %mul3A_15 = arith.constant 640 : i32
    %mul3A_16 = arith.muli %arg1, %mul3A_15 : i32
    %add3A_17 = arith.constant 256 : i32
    %add3A_18 = arith.addi %mul3A_16, %add3A_17 : i32
    "tpu.region"() ({
      %run_scoped3A = tpu.sem_alloc : memref<!tpu.dma_semaphore, #tpu.memory_space<semaphore_mem>>
      %dma_start3A_68 = arith.constant 0 : i32
      %dma_start3A_69 = tpu.memref_slice %arg10[%add3A_18, %dma_start3A_68] : memref<10240x128xf32, #tpu.memory_space<vmem_shared>> -> memref<128x128xf32, #tpu.memory_space<vmem_shared>>
      %dma_start3A_70 = arith.constant 0 : i32
      %dma_start3A_71 = tpu.memref_slice %arg10[%add3A_18, %dma_start3A_70] : memref<10240x128xf32, #tpu.memory_space<vmem_shared>> -> memref<128x128xf32, #tpu.memory_space<vmem_shared>>
      tpu.enqueue_dma source(%arg8 : memref<128x128xf32, #tpu.memory_space<vmem>>) target(%dma_start3A_71 : memref<128x128xf32, #tpu.memory_space<vmem_shared>>) target_semaphore(%run_scoped3A : memref<!tpu.dma_semaphore, #tpu.memory_space<semaphore_mem>>)
      %dma_wait3A_72 = arith.constant 0 : i32
      %dma_wait3A_73 = tpu.memref_slice %arg10[%add3A_18, %dma_wait3A_72] : memref<10240x128xf32, #tpu.memory_space<vmem_shared>> -> memref<128x128xf32, #tpu.memory_space<vmem_shared>>
      %dma_wait3A_74 = arith.constant 0 : i32
      %dma_wait3A_75 = tpu.memref_slice %arg10[%add3A_18, %dma_wait3A_74] : memref<10240x128xf32, #tpu.memory_space<vmem_shared>> -> memref<128x128xf32, #tpu.memory_space<vmem_shared>>
      tpu.wait_dma2 semaphore(%run_scoped3A : memref<!tpu.dma_semaphore, #tpu.memory_space<semaphore_mem>>) src(%arg8 : memref<128x128xf32, #tpu.memory_space<vmem>>) dst(%dma_wait3A_75 : memref<128x128xf32, #tpu.memory_space<vmem_shared>>)
      tpu.yield
    }) : () -> ()
    %mul3A_19 = arith.constant 640 : i32
    %mul3A_20 = arith.muli %arg1, %mul3A_19 : i32
    %add3A_21 = arith.constant 384 : i32
    %add3A_22 = arith.addi %mul3A_20, %add3A_21 : i32
    "tpu.region"() ({
      %run_scoped3A = tpu.sem_alloc : memref<!tpu.dma_semaphore, #tpu.memory_space<semaphore_mem>>
      %dma_start3A_68 = arith.constant 0 : i32
      %dma_start3A_69 = tpu.memref_slice %arg10[%add3A_22, %dma_start3A_68] : memref<10240x128xf32, #tpu.memory_space<vmem_shared>> -> memref<128x128xf32, #tpu.memory_space<vmem_shared>>
      %dma_start3A_70 = arith.constant 0 : i32
      %dma_start3A_71 = tpu.memref_slice %arg10[%add3A_22, %dma_start3A_70] : memref<10240x128xf32, #tpu.memory_space<vmem_shared>> -> memref<128x128xf32, #tpu.memory_space<vmem_shared>>
      tpu.enqueue_dma source(%arg8 : memref<128x128xf32, #tpu.memory_space<vmem>>) target(%dma_start3A_71 : memref<128x128xf32, #tpu.memory_space<vmem_shared>>) target_semaphore(%run_scoped3A : memref<!tpu.dma_semaphore, #tpu.memory_space<semaphore_mem>>)
      %dma_wait3A_72 = arith.constant 0 : i32
      %dma_wait3A_73 = tpu.memref_slice %arg10[%add3A_22, %dma_wait3A_72] : memref<10240x128xf32, #tpu.memory_space<vmem_shared>> -> memref<128x128xf32, #tpu.memory_space<vmem_shared>>
      %dma_wait3A_74 = arith.constant 0 : i32
      %dma_wait3A_75 = tpu.memref_slice %arg10[%add3A_22, %dma_wait3A_74] : memref<10240x128xf32, #tpu.memory_space<vmem_shared>> -> memref<128x128xf32, #tpu.memory_space<vmem_shared>>
      tpu.wait_dma2 semaphore(%run_scoped3A : memref<!tpu.dma_semaphore, #tpu.memory_space<semaphore_mem>>) src(%arg8 : memref<128x128xf32, #tpu.memory_space<vmem>>) dst(%dma_wait3A_75 : memref<128x128xf32, #tpu.memory_space<vmem_shared>>)
      tpu.yield
    }) : () -> ()
    %mul3A_23 = arith.constant 640 : i32
    %mul3A_24 = arith.muli %arg1, %mul3A_23 : i32
    %add3A_25 = arith.constant 512 : i32
    %add3A_26 = arith.addi %mul3A_24, %add3A_25 : i32
    "tpu.region"() ({
      %run_scoped3A = tpu.sem_alloc : memref<!tpu.dma_semaphore, #tpu.memory_space<semaphore_mem>>
      %dma_start3A_68 = arith.constant 0 : i32
      %dma_start3A_69 = tpu.memref_slice %arg10[%add3A_26, %dma_start3A_68] : memref<10240x128xf32, #tpu.memory_space<vmem_shared>> -> memref<128x128xf32, #tpu.memory_space<vmem_shared>>
      %dma_start3A_70 = arith.constant 0 : i32
      %dma_start3A_71 = tpu.memref_slice %arg10[%add3A_26, %dma_start3A_70] : memref<10240x128xf32, #tpu.memory_space<vmem_shared>> -> memref<128x128xf32, #tpu.memory_space<vmem_shared>>
      tpu.enqueue_dma source(%arg8 : memref<128x128xf32, #tpu.memory_space<vmem>>) target(%dma_start3A_71 : memref<128x128xf32, #tpu.memory_space<vmem_shared>>) target_semaphore(%run_scoped3A : memref<!tpu.dma_semaphore, #tpu.memory_space<semaphore_mem>>)
      %dma_wait3A_72 = arith.constant 0 : i32
      %dma_wait3A_73 = tpu.memref_slice %arg10[%add3A_26, %dma_wait3A_72] : memref<10240x128xf32, #tpu.memory_space<vmem_shared>> -> memref<128x128xf32, #tpu.memory_space<vmem_shared>>
      %dma_wait3A_74 = arith.constant 0 : i32
      %dma_wait3A_75 = tpu.memref_slice %arg10[%add3A_26, %dma_wait3A_74] : memref<10240x128xf32, #tpu.memory_space<vmem_shared>> -> memref<128x128xf32, #tpu.memory_space<vmem_shared>>
      tpu.wait_dma2 semaphore(%run_scoped3A : memref<!tpu.dma_semaphore, #tpu.memory_space<semaphore_mem>>) src(%arg8 : memref<128x128xf32, #tpu.memory_space<vmem>>) dst(%dma_wait3A_75 : memref<128x128xf32, #tpu.memory_space<vmem_shared>>)
      tpu.yield
    }) : () -> ()
    %mul3A_27 = arith.constant 80 : i32
    %mul3A_28 = arith.muli %add3A, %mul3A_27 : i32
    "tpu.region"() ({
      %run_scoped3A = tpu.sem_alloc : memref<!tpu.dma_semaphore, #tpu.memory_space<semaphore_mem>>
      %dma_start3A_68 = arith.constant 0 : i32
      %dma_start3A_69 = tpu.memref_slice %arg3[%mul3A_28, %dma_start3A_68] : memref<2568x128xi32, #tpu.memory_space<hbm>> -> memref<48x128xi32, #tpu.memory_space<hbm>>
      %dma_start3A_70 = arith.constant 0 : i32
      %dma_start3A_71 = tpu.memref_slice %arg3[%mul3A_28, %dma_start3A_70] : memref<2568x128xi32, #tpu.memory_space<hbm>> -> memref<48x128xi32, #tpu.memory_space<hbm>>
      tpu.enqueue_dma source(%dma_start3A_71 : memref<48x128xi32, #tpu.memory_space<hbm>>) target(%arg6 : memref<48x128xi32, #tpu.memory_space<vmem>>) target_semaphore(%run_scoped3A : memref<!tpu.dma_semaphore, #tpu.memory_space<semaphore_mem>>)
      %dma_wait3A_72 = arith.constant 0 : i32
      %dma_wait3A_73 = tpu.memref_slice %arg3[%mul3A_28, %dma_wait3A_72] : memref<2568x128xi32, #tpu.memory_space<hbm>> -> memref<48x128xi32, #tpu.memory_space<hbm>>
      %dma_wait3A_74 = arith.constant 0 : i32
      %dma_wait3A_75 = tpu.memref_slice %arg3[%mul3A_28, %dma_wait3A_74] : memref<2568x128xi32, #tpu.memory_space<hbm>> -> memref<48x128xi32, #tpu.memory_space<hbm>>
      tpu.wait_dma2 semaphore(%run_scoped3A : memref<!tpu.dma_semaphore, #tpu.memory_space<semaphore_mem>>) src(%dma_wait3A_75 : memref<48x128xi32, #tpu.memory_space<hbm>>) dst(%arg6 : memref<48x128xi32, #tpu.memory_space<vmem>>)
      tpu.yield
    }) : () -> ()
    %mul3A_29 = arith.constant 80 : i32
    %mul3A_30 = arith.muli %add3A, %mul3A_29 : i32
    "tpu.region"() ({
      %run_scoped3A = tpu.sem_alloc : memref<!tpu.dma_semaphore, #tpu.memory_space<semaphore_mem>>
      %dma_start3A_68 = arith.constant 0 : i32
      %dma_start3A_69 = tpu.memref_slice %arg4[%mul3A_30, %dma_start3A_68] : memref<2568x128xi32, #tpu.memory_space<hbm>> -> memref<40x128xi32, #tpu.memory_space<hbm>>
      %dma_start3A_70 = arith.constant 0 : i32
      %dma_start3A_71 = tpu.memref_slice %arg4[%mul3A_30, %dma_start3A_70] : memref<2568x128xi32, #tpu.memory_space<hbm>> -> memref<40x128xi32, #tpu.memory_space<hbm>>
      tpu.enqueue_dma source(%dma_start3A_71 : memref<40x128xi32, #tpu.memory_space<hbm>>) target(%arg7 : memref<40x128xi32, #tpu.memory_space<vmem>>) target_semaphore(%run_scoped3A : memref<!tpu.dma_semaphore, #tpu.memory_space<semaphore_mem>>)
      %dma_wait3A_72 = arith.constant 0 : i32
      %dma_wait3A_73 = tpu.memref_slice %arg4[%mul3A_30, %dma_wait3A_72] : memref<2568x128xi32, #tpu.memory_space<hbm>> -> memref<40x128xi32, #tpu.memory_space<hbm>>
      %dma_wait3A_74 = arith.constant 0 : i32
      %dma_wait3A_75 = tpu.memref_slice %arg4[%mul3A_30, %dma_wait3A_74] : memref<2568x128xi32, #tpu.memory_space<hbm>> -> memref<40x128xi32, #tpu.memory_space<hbm>>
      tpu.wait_dma2 semaphore(%run_scoped3A : memref<!tpu.dma_semaphore, #tpu.memory_space<semaphore_mem>>) src(%dma_wait3A_75 : memref<40x128xi32, #tpu.memory_space<hbm>>) dst(%arg7 : memref<40x128xi32, #tpu.memory_space<vmem>>)
      tpu.yield
    }) : () -> ()
    %dma_start3A = arith.constant 0 : i32
    %dma_start3A_31 = arith.constant 0 : i32
    %dma_start3A_32 = tpu.memref_slice %arg6[%dma_start3A, %dma_start3A_31] : memref<48x128xi32, #tpu.memory_space<vmem>> -> memref<1x128xi32, #tpu.memory_space<vmem>>
    %dma_start3A_33 = tpu.memref_squeeze %dma_start3A_32 : memref<1x128xi32, #tpu.memory_space<vmem>> -> memref<128xi32, #tpu.memory_space<vmem>>
    %dma_start3A_34 = arith.constant 0 : i32
    %dma_start3A_35 = arith.constant 0 : i32
    %dma_start3A_36 = tpu.memref_slice %arg2[%dma_start3A_34, %dma_start3A_35] : memref<10240x128xf32, #tpu.memory_space<hbm>> -> memref<10240x128xf32, #tpu.memory_space<hbm>>
    tpu.enqueue_indirect_dma source(%dma_start3A_36 : memref<10240x128xf32, #tpu.memory_space<hbm>>) target(%arg8 : memref<128x128xf32, #tpu.memory_space<vmem>>) offsets(%dma_start3A_33 : memref<128xi32, #tpu.memory_space<vmem>>) semaphore(%arg11 : memref<!tpu.dma_semaphore, #tpu.memory_space<semaphore_mem>>)
    %barrier3A = arith.constant 0 : index
    tpu.barrier barrier_id(%barrier3A)
    %dma_wait3A = arith.constant 0 : i32
    %dma_wait3A_37 = arith.constant 0 : i32
    %dma_wait3A_38 = tpu.memref_slice %arg6[%dma_wait3A, %dma_wait3A_37] : memref<48x128xi32, #tpu.memory_space<vmem>> -> memref<1x128xi32, #tpu.memory_space<vmem>>
    %dma_wait3A_39 = tpu.memref_squeeze %dma_wait3A_38 : memref<1x128xi32, #tpu.memory_space<vmem>> -> memref<128xi32, #tpu.memory_space<vmem>>
    %dma_wait3A_40 = arith.constant 0 : i32
    %dma_wait3A_41 = arith.constant 0 : i32
    %dma_wait3A_42 = tpu.memref_slice %arg2[%dma_wait3A_40, %dma_wait3A_41] : memref<10240x128xf32, #tpu.memory_space<hbm>> -> memref<10240x128xf32, #tpu.memory_space<hbm>>
    tpu.wait_indirect_dma semaphore(%arg11 : memref<!tpu.dma_semaphore, #tpu.memory_space<semaphore_mem>>) src(%dma_wait3A_42 : memref<10240x128xf32, #tpu.memory_space<hbm>>) dst(%arg8 : memref<128x128xf32, #tpu.memory_space<vmem>>)
    %scan3A_43 = arith.constant 0 : i32
    %scan3A_44 = arith.constant 0 : i32
    %scan3A_45 = arith.constant 20 : i32
    %scan3A_46 = arith.addi %scan3A_44, %scan3A_45 : i32
    %scan3A_47 = arith.constant 1 : i32
    scf.for %scan3A_68 = %scan3A_44 to %scan3A_46 step %scan3A_47  : i32 {
      %mul3A_69 = arith.constant 2 : i32
      %mul3A_70 = arith.muli %mul3A_69, %scan3A_68 : i32
      %add3A_71 = arith.constant 0 : i32
      %add3A_72 = arith.addi %mul3A_70, %add3A_71 : i32
      %add3A_73 = arith.constant 1 : i32
      %add3A_74 = arith.addi %add3A_72, %add3A_73 : i32
      %dma_start3A_75 = arith.constant 0 : i32
      %dma_start3A_76 = tpu.memref_slice %arg6[%add3A_74, %dma_start3A_75] : memref<48x128xi32, #tpu.memory_space<vmem>> -> memref<1x128xi32, #tpu.memory_space<vmem>>
      %dma_start3A_77 = tpu.memref_squeeze %dma_start3A_76 : memref<1x128xi32, #tpu.memory_space<vmem>> -> memref<128xi32, #tpu.memory_space<vmem>>
      %dma_start3A_78 = arith.constant 0 : i32
      %dma_start3A_79 = arith.constant 0 : i32
      %dma_start3A_80 = tpu.memref_slice %arg2[%dma_start3A_78, %dma_start3A_79] : memref<10240x128xf32, #tpu.memory_space<hbm>> -> memref<10240x128xf32, #tpu.memory_space<hbm>>
      tpu.enqueue_indirect_dma source(%dma_start3A_80 : memref<10240x128xf32, #tpu.memory_space<hbm>>) target(%arg9 : memref<128x128xf32, #tpu.memory_space<vmem>>) offsets(%dma_start3A_77 : memref<128xi32, #tpu.memory_space<vmem>>) semaphore(%arg12 : memref<!tpu.dma_semaphore, #tpu.memory_space<semaphore_mem>>)
      "tpu.region"() ({
        %run_scoped3A = tpu.sem_alloc : memref<!tpu.dma_semaphore, #tpu.memory_space<semaphore_mem>>
        %dma_start3A_107 = arith.constant 0 : i32
        %dma_start3A_108 = tpu.memref_slice %arg7[%add3A_72, %dma_start3A_107] : memref<40x128xi32, #tpu.memory_space<vmem>> -> memref<1x128xi32, #tpu.memory_space<vmem>>
        %dma_start3A_109 = tpu.memref_squeeze %dma_start3A_108 : memref<1x128xi32, #tpu.memory_space<vmem>> -> memref<128xi32, #tpu.memory_space<vmem>>
        %dma_start3A_110 = arith.constant 0 : i32
        %dma_start3A_111 = arith.constant 0 : i32
        %dma_start3A_112 = tpu.memref_slice %arg10[%dma_start3A_110, %dma_start3A_111] : memref<10240x128xf32, #tpu.memory_space<vmem_shared>> -> memref<10240x128xf32, #tpu.memory_space<vmem_shared>>
        tpu.enqueue_indirect_dma source(%arg8 : memref<128x128xf32, #tpu.memory_space<vmem>>) target(%dma_start3A_112 : memref<10240x128xf32, #tpu.memory_space<vmem_shared>>) offsets(%dma_start3A_109 : memref<128xi32, #tpu.memory_space<vmem>>) semaphore(%run_scoped3A : memref<!tpu.dma_semaphore, #tpu.memory_space<semaphore_mem>>) {add = true}
        %dma_wait3A_113 = arith.constant 0 : i32
        %dma_wait3A_114 = tpu.memref_slice %arg7[%add3A_72, %dma_wait3A_113] : memref<40x128xi32, #tpu.memory_space<vmem>> -> memref<1x128xi32, #tpu.memory_space<vmem>>
        %dma_wait3A_115 = tpu.memref_squeeze %dma_wait3A_114 : memref<1x128xi32, #tpu.memory_space<vmem>> -> memref<128xi32, #tpu.memory_space<vmem>>
        %dma_wait3A_116 = arith.constant 0 : i32
        %dma_wait3A_117 = arith.constant 0 : i32
        %dma_wait3A_118 = tpu.memref_slice %arg10[%dma_wait3A_116, %dma_wait3A_117] : memref<10240x128xf32, #tpu.memory_space<vmem_shared>> -> memref<10240x128xf32, #tpu.memory_space<vmem_shared>>
        tpu.wait_indirect_dma semaphore(%run_scoped3A : memref<!tpu.dma_semaphore, #tpu.memory_space<semaphore_mem>>) src(%arg8 : memref<128x128xf32, #tpu.memory_space<vmem>>) dst(%dma_wait3A_118 : memref<10240x128xf32, #tpu.memory_space<vmem_shared>>)
        tpu.yield
      }) : () -> ()
      %dma_wait3A_81 = arith.constant 0 : i32
      %dma_wait3A_82 = arith.constant 0 : i32
      %dma_wait3A_83 = tpu.memref_slice %arg6[%dma_wait3A_81, %dma_wait3A_82] : memref<48x128xi32, #tpu.memory_space<vmem>> -> memref<1x128xi32, #tpu.memory_space<vmem>>
      %dma_wait3A_84 = tpu.memref_squeeze %dma_wait3A_83 : memref<1x128xi32, #tpu.memory_space<vmem>> -> memref<128xi32, #tpu.memory_space<vmem>>
      %dma_wait3A_85 = arith.constant 0 : i32
      %dma_wait3A_86 = arith.constant 0 : i32
      %dma_wait3A_87 = tpu.memref_slice %arg2[%dma_wait3A_85, %dma_wait3A_86] : memref<10240x128xf32, #tpu.memory_space<hbm>> -> memref<10240x128xf32, #tpu.memory_space<hbm>>
      tpu.wait_indirect_dma semaphore(%arg12 : memref<!tpu.dma_semaphore, #tpu.memory_space<semaphore_mem>>) src(%dma_wait3A_87 : memref<10240x128xf32, #tpu.memory_space<hbm>>) dst(%arg9 : memref<128x128xf32, #tpu.memory_space<vmem>>)
      %mul3A_88 = arith.constant 2 : i32
      %mul3A_89 = arith.muli %mul3A_88, %scan3A_68 : i32
      %add3A_90 = arith.constant 1 : i32
      %add3A_91 = arith.addi %mul3A_89, %add3A_90 : i32
      %add3A_92 = arith.constant 1 : i32
      %add3A_93 = arith.addi %add3A_91, %add3A_92 : i32
      %dma_start3A_94 = arith.constant 0 : i32
      %dma_start3A_95 = tpu.memref_slice %arg6[%add3A_93, %dma_start3A_94] : memref<48x128xi32, #tpu.memory_space<vmem>> -> memref<1x128xi32, #tpu.memory_space<vmem>>
      %dma_start3A_96 = tpu.memref_squeeze %dma_start3A_95 : memref<1x128xi32, #tpu.memory_space<vmem>> -> memref<128xi32, #tpu.memory_space<vmem>>
      %dma_start3A_97 = arith.constant 0 : i32
      %dma_start3A_98 = arith.constant 0 : i32
      %dma_start3A_99 = tpu.memref_slice %arg2[%dma_start3A_97, %dma_start3A_98] : memref<10240x128xf32, #tpu.memory_space<hbm>> -> memref<10240x128xf32, #tpu.memory_space<hbm>>
      tpu.enqueue_indirect_dma source(%dma_start3A_99 : memref<10240x128xf32, #tpu.memory_space<hbm>>) target(%arg8 : memref<128x128xf32, #tpu.memory_space<vmem>>) offsets(%dma_start3A_96 : memref<128xi32, #tpu.memory_space<vmem>>) semaphore(%arg11 : memref<!tpu.dma_semaphore, #tpu.memory_space<semaphore_mem>>)
      "tpu.region"() ({
        %run_scoped3A = tpu.sem_alloc : memref<!tpu.dma_semaphore, #tpu.memory_space<semaphore_mem>>
        %dma_start3A_107 = arith.constant 0 : i32
        %dma_start3A_108 = tpu.memref_slice %arg7[%add3A_91, %dma_start3A_107] : memref<40x128xi32, #tpu.memory_space<vmem>> -> memref<1x128xi32, #tpu.memory_space<vmem>>
        %dma_start3A_109 = tpu.memref_squeeze %dma_start3A_108 : memref<1x128xi32, #tpu.memory_space<vmem>> -> memref<128xi32, #tpu.memory_space<vmem>>
        %dma_start3A_110 = arith.constant 0 : i32
        %dma_start3A_111 = arith.constant 0 : i32
        %dma_start3A_112 = tpu.memref_slice %arg10[%dma_start3A_110, %dma_start3A_111] : memref<10240x128xf32, #tpu.memory_space<vmem_shared>> -> memref<10240x128xf32, #tpu.memory_space<vmem_shared>>
        tpu.enqueue_indirect_dma source(%arg9 : memref<128x128xf32, #tpu.memory_space<vmem>>) target(%dma_start3A_112 : memref<10240x128xf32, #tpu.memory_space<vmem_shared>>) offsets(%dma_start3A_109 : memref<128xi32, #tpu.memory_space<vmem>>) semaphore(%run_scoped3A : memref<!tpu.dma_semaphore, #tpu.memory_space<semaphore_mem>>) {add = true}
        %dma_wait3A_113 = arith.constant 0 : i32
        %dma_wait3A_114 = tpu.memref_slice %arg7[%add3A_91, %dma_wait3A_113] : memref<40x128xi32, #tpu.memory_space<vmem>> -> memref<1x128xi32, #tpu.memory_space<vmem>>
        %dma_wait3A_115 = tpu.memref_squeeze %dma_wait3A_114 : memref<1x128xi32, #tpu.memory_space<vmem>> -> memref<128xi32, #tpu.memory_space<vmem>>
        %dma_wait3A_116 = arith.constant 0 : i32
        %dma_wait3A_117 = arith.constant 0 : i32
        %dma_wait3A_118 = tpu.memref_slice %arg10[%dma_wait3A_116, %dma_wait3A_117] : memref<10240x128xf32, #tpu.memory_space<vmem_shared>> -> memref<10240x128xf32, #tpu.memory_space<vmem_shared>>
        tpu.wait_indirect_dma semaphore(%run_scoped3A : memref<!tpu.dma_semaphore, #tpu.memory_space<semaphore_mem>>) src(%arg9 : memref<128x128xf32, #tpu.memory_space<vmem>>) dst(%dma_wait3A_118 : memref<10240x128xf32, #tpu.memory_space<vmem_shared>>)
        tpu.yield
      }) : () -> ()
      %dma_wait3A_100 = arith.constant 0 : i32
      %dma_wait3A_101 = arith.constant 0 : i32
      %dma_wait3A_102 = tpu.memref_slice %arg6[%dma_wait3A_100, %dma_wait3A_101] : memref<48x128xi32, #tpu.memory_space<vmem>> -> memref<1x128xi32, #tpu.memory_space<vmem>>
      %dma_wait3A_103 = tpu.memref_squeeze %dma_wait3A_102 : memref<1x128xi32, #tpu.memory_space<vmem>> -> memref<128xi32, #tpu.memory_space<vmem>>
      %dma_wait3A_104 = arith.constant 0 : i32
      %dma_wait3A_105 = arith.constant 0 : i32
      %dma_wait3A_106 = tpu.memref_slice %arg2[%dma_wait3A_104, %dma_wait3A_105] : memref<10240x128xf32, #tpu.memory_space<hbm>> -> memref<10240x128xf32, #tpu.memory_space<hbm>>
      tpu.wait_indirect_dma semaphore(%arg11 : memref<!tpu.dma_semaphore, #tpu.memory_space<semaphore_mem>>) src(%dma_wait3A_106 : memref<10240x128xf32, #tpu.memory_space<hbm>>) dst(%arg8 : memref<128x128xf32, #tpu.memory_space<vmem>>)
    }
    %scan3A_48 = arith.constant 20 : i32
    %mul3A_49 = arith.constant 80 : i32
    %mul3A_50 = arith.muli %add3A, %mul3A_49 : i32
    %add3A_51 = arith.constant 40 : i32
    %add3A_52 = arith.addi %mul3A_50, %add3A_51 : i32
    "tpu.region"() ({
      %run_scoped3A = tpu.sem_alloc : memref<!tpu.dma_semaphore, #tpu.memory_space<semaphore_mem>>
      %dma_start3A_68 = arith.constant 0 : i32
      %dma_start3A_69 = tpu.memref_slice %arg3[%add3A_52, %dma_start3A_68] : memref<2568x128xi32, #tpu.memory_space<hbm>> -> memref<48x128xi32, #tpu.memory_space<hbm>>
      %dma_start3A_70 = arith.constant 0 : i32
      %dma_start3A_71 = tpu.memref_slice %arg3[%add3A_52, %dma_start3A_70] : memref<2568x128xi32, #tpu.memory_space<hbm>> -> memref<48x128xi32, #tpu.memory_space<hbm>>
      tpu.enqueue_dma source(%dma_start3A_71 : memref<48x128xi32, #tpu.memory_space<hbm>>) target(%arg6 : memref<48x128xi32, #tpu.memory_space<vmem>>) target_semaphore(%run_scoped3A : memref<!tpu.dma_semaphore, #tpu.memory_space<semaphore_mem>>)
      %dma_wait3A_72 = arith.constant 0 : i32
      %dma_wait3A_73 = tpu.memref_slice %arg3[%add3A_52, %dma_wait3A_72] : memref<2568x128xi32, #tpu.memory_space<hbm>> -> memref<48x128xi32, #tpu.memory_space<hbm>>
      %dma_wait3A_74 = arith.constant 0 : i32
      %dma_wait3A_75 = tpu.memref_slice %arg3[%add3A_52, %dma_wait3A_74] : memref<2568x128xi32, #tpu.memory_space<hbm>> -> memref<48x128xi32, #tpu.memory_space<hbm>>
      tpu.wait_dma2 semaphore(%run_scoped3A : memref<!tpu.dma_semaphore, #tpu.memory_space<semaphore_mem>>) src(%dma_wait3A_75 : memref<48x128xi32, #tpu.memory_space<hbm>>) dst(%arg6 : memref<48x128xi32, #tpu.memory_space<vmem>>)
      tpu.yield
    }) : () -> ()
    %mul3A_53 = arith.constant 80 : i32
    %mul3A_54 = arith.muli %add3A, %mul3A_53 : i32
    %add3A_55 = arith.constant 40 : i32
    %add3A_56 = arith.addi %mul3A_54, %add3A_55 : i32
    "tpu.region"() ({
      %run_scoped3A = tpu.sem_alloc : memref<!tpu.dma_semaphore, #tpu.memory_space<semaphore_mem>>
      %dma_start3A_68 = arith.constant 0 : i32
      %dma_start3A_69 = tpu.memref_slice %arg4[%add3A_56, %dma_start3A_68] : memref<2568x128xi32, #tpu.memory_space<hbm>> -> memref<40x128xi32, #tpu.memory_space<hbm>>
      %dma_start3A_70 = arith.constant 0 : i32
      %dma_start3A_71 = tpu.memref_slice %arg4[%add3A_56, %dma_start3A_70] : memref<2568x128xi32, #tpu.memory_space<hbm>> -> memref<40x128xi32, #tpu.memory_space<hbm>>
      tpu.enqueue_dma source(%dma_start3A_71 : memref<40x128xi32, #tpu.memory_space<hbm>>) target(%arg7 : memref<40x128xi32, #tpu.memory_space<vmem>>) target_semaphore(%run_scoped3A : memref<!tpu.dma_semaphore, #tpu.memory_space<semaphore_mem>>)
      %dma_wait3A_72 = arith.constant 0 : i32
      %dma_wait3A_73 = tpu.memref_slice %arg4[%add3A_56, %dma_wait3A_72] : memref<2568x128xi32, #tpu.memory_space<hbm>> -> memref<40x128xi32, #tpu.memory_space<hbm>>
      %dma_wait3A_74 = arith.constant 0 : i32
      %dma_wait3A_75 = tpu.memref_slice %arg4[%add3A_56, %dma_wait3A_74] : memref<2568x128xi32, #tpu.memory_space<hbm>> -> memref<40x128xi32, #tpu.memory_space<hbm>>
      tpu.wait_dma2 semaphore(%run_scoped3A : memref<!tpu.dma_semaphore, #tpu.memory_space<semaphore_mem>>) src(%dma_wait3A_75 : memref<40x128xi32, #tpu.memory_space<hbm>>) dst(%arg7 : memref<40x128xi32, #tpu.memory_space<vmem>>)
      tpu.yield
    }) : () -> ()
    %scan3A_57 = arith.constant 0 : i32
    %scan3A_58 = arith.constant 0 : i32
    %scan3A_59 = arith.constant 20 : i32
    %scan3A_60 = arith.addi %scan3A_58, %scan3A_59 : i32
    %scan3A_61 = arith.constant 1 : i32
    scf.for %scan3A_68 = %scan3A_58 to %scan3A_60 step %scan3A_61  : i32 {
      %mul3A_69 = arith.constant 2 : i32
      %mul3A_70 = arith.muli %mul3A_69, %scan3A_68 : i32
      %add3A_71 = arith.constant 0 : i32
      %add3A_72 = arith.addi %mul3A_70, %add3A_71 : i32
      %add3A_73 = arith.constant 1 : i32
      %add3A_74 = arith.addi %add3A_72, %add3A_73 : i32
      %dma_start3A_75 = arith.constant 0 : i32
      %dma_start3A_76 = tpu.memref_slice %arg6[%add3A_74, %dma_start3A_75] : memref<48x128xi32, #tpu.memory_space<vmem>> -> memref<1x128xi32, #tpu.memory_space<vmem>>
      %dma_start3A_77 = tpu.memref_squeeze %dma_start3A_76 : memref<1x128xi32, #tpu.memory_space<vmem>> -> memref<128xi32, #tpu.memory_space<vmem>>
      %dma_start3A_78 = arith.constant 0 : i32
      %dma_start3A_79 = arith.constant 0 : i32
      %dma_start3A_80 = tpu.memref_slice %arg2[%dma_start3A_78, %dma_start3A_79] : memref<10240x128xf32, #tpu.memory_space<hbm>> -> memref<10240x128xf32, #tpu.memory_space<hbm>>
      tpu.enqueue_indirect_dma source(%dma_start3A_80 : memref<10240x128xf32, #tpu.memory_space<hbm>>) target(%arg9 : memref<128x128xf32, #tpu.memory_space<vmem>>) offsets(%dma_start3A_77 : memref<128xi32, #tpu.memory_space<vmem>>) semaphore(%arg12 : memref<!tpu.dma_semaphore, #tpu.memory_space<semaphore_mem>>)
      "tpu.region"() ({
        %run_scoped3A = tpu.sem_alloc : memref<!tpu.dma_semaphore, #tpu.memory_space<semaphore_mem>>
        %dma_start3A_107 = arith.constant 0 : i32
        %dma_start3A_108 = tpu.memref_slice %arg7[%add3A_72, %dma_start3A_107] : memref<40x128xi32, #tpu.memory_space<vmem>> -> memref<1x128xi32, #tpu.memory_space<vmem>>
        %dma_start3A_109 = tpu.memref_squeeze %dma_start3A_108 : memref<1x128xi32, #tpu.memory_space<vmem>> -> memref<128xi32, #tpu.memory_space<vmem>>
        %dma_start3A_110 = arith.constant 0 : i32
        %dma_start3A_111 = arith.constant 0 : i32
        %dma_start3A_112 = tpu.memref_slice %arg10[%dma_start3A_110, %dma_start3A_111] : memref<10240x128xf32, #tpu.memory_space<vmem_shared>> -> memref<10240x128xf32, #tpu.memory_space<vmem_shared>>
        tpu.enqueue_indirect_dma source(%arg8 : memref<128x128xf32, #tpu.memory_space<vmem>>) target(%dma_start3A_112 : memref<10240x128xf32, #tpu.memory_space<vmem_shared>>) offsets(%dma_start3A_109 : memref<128xi32, #tpu.memory_space<vmem>>) semaphore(%run_scoped3A : memref<!tpu.dma_semaphore, #tpu.memory_space<semaphore_mem>>) {add = true}
        %dma_wait3A_113 = arith.constant 0 : i32
        %dma_wait3A_114 = tpu.memref_slice %arg7[%add3A_72, %dma_wait3A_113] : memref<40x128xi32, #tpu.memory_space<vmem>> -> memref<1x128xi32, #tpu.memory_space<vmem>>
        %dma_wait3A_115 = tpu.memref_squeeze %dma_wait3A_114 : memref<1x128xi32, #tpu.memory_space<vmem>> -> memref<128xi32, #tpu.memory_space<vmem>>
        %dma_wait3A_116 = arith.constant 0 : i32
        %dma_wait3A_117 = arith.constant 0 : i32
        %dma_wait3A_118 = tpu.memref_slice %arg10[%dma_wait3A_116, %dma_wait3A_117] : memref<10240x128xf32, #tpu.memory_space<vmem_shared>> -> memref<10240x128xf32, #tpu.memory_space<vmem_shared>>
        tpu.wait_indirect_dma semaphore(%run_scoped3A : memref<!tpu.dma_semaphore, #tpu.memory_space<semaphore_mem>>) src(%arg8 : memref<128x128xf32, #tpu.memory_space<vmem>>) dst(%dma_wait3A_118 : memref<10240x128xf32, #tpu.memory_space<vmem_shared>>)
        tpu.yield
      }) : () -> ()
      %dma_wait3A_81 = arith.constant 0 : i32
      %dma_wait3A_82 = arith.constant 0 : i32
      %dma_wait3A_83 = tpu.memref_slice %arg6[%dma_wait3A_81, %dma_wait3A_82] : memref<48x128xi32, #tpu.memory_space<vmem>> -> memref<1x128xi32, #tpu.memory_space<vmem>>
      %dma_wait3A_84 = tpu.memref_squeeze %dma_wait3A_83 : memref<1x128xi32, #tpu.memory_space<vmem>> -> memref<128xi32, #tpu.memory_space<vmem>>
      %dma_wait3A_85 = arith.constant 0 : i32
      %dma_wait3A_86 = arith.constant 0 : i32
      %dma_wait3A_87 = tpu.memref_slice %arg2[%dma_wait3A_85, %dma_wait3A_86] : memref<10240x128xf32, #tpu.memory_space<hbm>> -> memref<10240x128xf32, #tpu.memory_space<hbm>>
      tpu.wait_indirect_dma semaphore(%arg12 : memref<!tpu.dma_semaphore, #tpu.memory_space<semaphore_mem>>) src(%dma_wait3A_87 : memref<10240x128xf32, #tpu.memory_space<hbm>>) dst(%arg9 : memref<128x128xf32, #tpu.memory_space<vmem>>)
      %mul3A_88 = arith.constant 2 : i32
      %mul3A_89 = arith.muli %mul3A_88, %scan3A_68 : i32
      %add3A_90 = arith.constant 1 : i32
      %add3A_91 = arith.addi %mul3A_89, %add3A_90 : i32
      %add3A_92 = arith.constant 1 : i32
      %add3A_93 = arith.addi %add3A_91, %add3A_92 : i32
      %dma_start3A_94 = arith.constant 0 : i32
      %dma_start3A_95 = tpu.memref_slice %arg6[%add3A_93, %dma_start3A_94] : memref<48x128xi32, #tpu.memory_space<vmem>> -> memref<1x128xi32, #tpu.memory_space<vmem>>
      %dma_start3A_96 = tpu.memref_squeeze %dma_start3A_95 : memref<1x128xi32, #tpu.memory_space<vmem>> -> memref<128xi32, #tpu.memory_space<vmem>>
      %dma_start3A_97 = arith.constant 0 : i32
      %dma_start3A_98 = arith.constant 0 : i32
      %dma_start3A_99 = tpu.memref_slice %arg2[%dma_start3A_97, %dma_start3A_98] : memref<10240x128xf32, #tpu.memory_space<hbm>> -> memref<10240x128xf32, #tpu.memory_space<hbm>>
      tpu.enqueue_indirect_dma source(%dma_start3A_99 : memref<10240x128xf32, #tpu.memory_space<hbm>>) target(%arg8 : memref<128x128xf32, #tpu.memory_space<vmem>>) offsets(%dma_start3A_96 : memref<128xi32, #tpu.memory_space<vmem>>) semaphore(%arg11 : memref<!tpu.dma_semaphore, #tpu.memory_space<semaphore_mem>>)
      "tpu.region"() ({
        %run_scoped3A = tpu.sem_alloc : memref<!tpu.dma_semaphore, #tpu.memory_space<semaphore_mem>>
        %dma_start3A_107 = arith.constant 0 : i32
        %dma_start3A_108 = tpu.memref_slice %arg7[%add3A_91, %dma_start3A_107] : memref<40x128xi32, #tpu.memory_space<vmem>> -> memref<1x128xi32, #tpu.memory_space<vmem>>
        %dma_start3A_109 = tpu.memref_squeeze %dma_start3A_108 : memref<1x128xi32, #tpu.memory_space<vmem>> -> memref<128xi32, #tpu.memory_space<vmem>>
        %dma_start3A_110 = arith.constant 0 : i32
        %dma_start3A_111 = arith.constant 0 : i32
        %dma_start3A_112 = tpu.memref_slice %arg10[%dma_start3A_110, %dma_start3A_111] : memref<10240x128xf32, #tpu.memory_space<vmem_shared>> -> memref<10240x128xf32, #tpu.memory_space<vmem_shared>>
        tpu.enqueue_indirect_dma source(%arg9 : memref<128x128xf32, #tpu.memory_space<vmem>>) target(%dma_start3A_112 : memref<10240x128xf32, #tpu.memory_space<vmem_shared>>) offsets(%dma_start3A_109 : memref<128xi32, #tpu.memory_space<vmem>>) semaphore(%run_scoped3A : memref<!tpu.dma_semaphore, #tpu.memory_space<semaphore_mem>>) {add = true}
        %dma_wait3A_113 = arith.constant 0 : i32
        %dma_wait3A_114 = tpu.memref_slice %arg7[%add3A_91, %dma_wait3A_113] : memref<40x128xi32, #tpu.memory_space<vmem>> -> memref<1x128xi32, #tpu.memory_space<vmem>>
        %dma_wait3A_115 = tpu.memref_squeeze %dma_wait3A_114 : memref<1x128xi32, #tpu.memory_space<vmem>> -> memref<128xi32, #tpu.memory_space<vmem>>
        %dma_wait3A_116 = arith.constant 0 : i32
        %dma_wait3A_117 = arith.constant 0 : i32
        %dma_wait3A_118 = tpu.memref_slice %arg10[%dma_wait3A_116, %dma_wait3A_117] : memref<10240x128xf32, #tpu.memory_space<vmem_shared>> -> memref<10240x128xf32, #tpu.memory_space<vmem_shared>>
        tpu.wait_indirect_dma semaphore(%run_scoped3A : memref<!tpu.dma_semaphore, #tpu.memory_space<semaphore_mem>>) src(%arg9 : memref<128x128xf32, #tpu.memory_space<vmem>>) dst(%dma_wait3A_118 : memref<10240x128xf32, #tpu.memory_space<vmem_shared>>)
        tpu.yield
      }) : () -> ()
      %dma_wait3A_100 = arith.constant 0 : i32
      %dma_wait3A_101 = arith.constant 0 : i32
      %dma_wait3A_102 = tpu.memref_slice %arg6[%dma_wait3A_100, %dma_wait3A_101] : memref<48x128xi32, #tpu.memory_space<vmem>> -> memref<1x128xi32, #tpu.memory_space<vmem>>
      %dma_wait3A_103 = tpu.memref_squeeze %dma_wait3A_102 : memref<1x128xi32, #tpu.memory_space<vmem>> -> memref<128xi32, #tpu.memory_space<vmem>>
      %dma_wait3A_104 = arith.constant 0 : i32
      %dma_wait3A_105 = arith.constant 0 : i32
      %dma_wait3A_106 = tpu.memref_slice %arg2[%dma_wait3A_104, %dma_wait3A_105] : memref<10240x128xf32, #tpu.memory_space<hbm>> -> memref<10240x128xf32, #tpu.memory_space<hbm>>
      tpu.wait_indirect_dma semaphore(%arg11 : memref<!tpu.dma_semaphore, #tpu.memory_space<semaphore_mem>>) src(%dma_wait3A_106 : memref<10240x128xf32, #tpu.memory_space<hbm>>) dst(%arg8 : memref<128x128xf32, #tpu.memory_space<vmem>>)
    }
    %scan3A_62 = arith.constant 20 : i32
    %barrier3A_63 = arith.constant 0 : index
    tpu.barrier barrier_id(%barrier3A_63)
    %mul3A_64 = arith.constant 640 : i32
    %mul3A_65 = arith.muli %arg1, %mul3A_64 : i32
    %mul3A_66 = arith.constant 640 : i32
    %mul3A_67 = arith.muli %arg1, %mul3A_66 : i32
    "tpu.region"() ({
      %run_scoped3A = tpu.sem_alloc : memref<!tpu.dma_semaphore, #tpu.memory_space<semaphore_mem>>
      %dma_start3A_68 = arith.constant 0 : i32
      %dma_start3A_69 = tpu.memref_slice %arg5[%arg0, %mul3A_67, %dma_start3A_68] : memref<2x10240x128xf32, #tpu.memory_space<hbm>> -> memref<1x640x128xf32, #tpu.memory_space<hbm>>
      %dma_start3A_70 = tpu.memref_squeeze %dma_start3A_69 : memref<1x640x128xf32, #tpu.memory_space<hbm>> -> memref<640x128xf32, #tpu.memory_space<hbm>>
      %dma_start3A_71 = arith.constant 0 : i32
      %dma_start3A_72 = tpu.memref_slice %arg10[%mul3A_65, %dma_start3A_71] : memref<10240x128xf32, #tpu.memory_space<vmem_shared>> -> memref<640x128xf32, #tpu.memory_space<vmem_shared>>
      tpu.enqueue_dma source(%dma_start3A_72 : memref<640x128xf32, #tpu.memory_space<vmem_shared>>) target(%dma_start3A_70 : memref<640x128xf32, #tpu.memory_space<hbm>>) target_semaphore(%run_scoped3A : memref<!tpu.dma_semaphore, #tpu.memory_space<semaphore_mem>>)
      %dma_wait3A_73 = arith.constant 0 : i32
      %dma_wait3A_74 = tpu.memref_slice %arg5[%arg0, %mul3A_67, %dma_wait3A_73] : memref<2x10240x128xf32, #tpu.memory_space<hbm>> -> memref<1x640x128xf32, #tpu.memory_space<hbm>>
      %dma_wait3A_75 = tpu.memref_squeeze %dma_wait3A_74 : memref<1x640x128xf32, #tpu.memory_space<hbm>> -> memref<640x128xf32, #tpu.memory_space<hbm>>
      %dma_wait3A_76 = arith.constant 0 : i32
      %dma_wait3A_77 = tpu.memref_slice %arg10[%mul3A_65, %dma_wait3A_76] : memref<10240x128xf32, #tpu.memory_space<vmem_shared>> -> memref<640x128xf32, #tpu.memory_space<vmem_shared>>
      tpu.wait_dma2 semaphore(%run_scoped3A : memref<!tpu.dma_semaphore, #tpu.memory_space<semaphore_mem>>) src(%dma_wait3A_77 : memref<640x128xf32, #tpu.memory_space<vmem_shared>>) dst(%dma_wait3A_75 : memref<640x128xf32, #tpu.memory_space<hbm>>)
      tpu.yield
    }) : () -> ()
    return
  }
}

module attributes {stable_mosaic.version = 14 : i64} {
  func.func @body(%arg0: i32, %arg1: memref<2x256x128xf32, #tpu.memory_space<vmem>>, %arg2: memref<256x128xf32, #tpu.memory_space<vmem>>, %arg3: memref<128x128xf32, #tpu.memory_space<vmem>>, %arg4: memref<256x128xf32, #tpu.memory_space<vmem>>) attributes {dimension_semantics = [#tpu.dimension_semantics<arbitrary>], iteration_bounds = array<i64: 40>, scalar_prefetch = 0 : i64, scratch_operands = 0 : i64, tpu.core_type = #tpu.core_type<tc>, window_params = [{transform_indices = @transform_0, window_bounds = array<i64: 2, 256, 128>}, {transform_indices = @transform_1, window_bounds = array<i64: 256, 128>}, {pipeline_mode = #tpu.pipeline_mode<synchronous>, transform_indices = @transform_2, window_bounds = array<i64: 128, 128>}, {transform_indices = @transform_3, window_bounds = array<i64: 256, 128>}]} {
    %get3A = arith.constant 0 : index
    %get3A_0 = arith.constant 0 : index
    %get3A_1 = arith.constant 0 : index
    %get3A_2 = vector.load %arg1[%get3A, %get3A_0, %get3A_1] : memref<2x256x128xf32, #tpu.memory_space<vmem>>, vector<2x256x128xf32>
    %slice3A = vector.extract_strided_slice %get3A_2 {offsets = [0, 0, 0], sizes = [1, 256, 1], strides = [1, 1, 1]} : vector<2x256x128xf32> to vector<1x256x1xf32>
    %squeeze3A = vector.shape_cast %slice3A : vector<1x256x1xf32> to vector<256x1xf32>
    %slice3A_3 = vector.extract_strided_slice %get3A_2 {offsets = [1, 0, 0], sizes = [1, 256, 1], strides = [1, 1, 1]} : vector<2x256x128xf32> to vector<1x256x1xf32>
    %squeeze3A_4 = vector.shape_cast %slice3A_3 : vector<1x256x1xf32> to vector<256x1xf32>
    %add3A = arith.addf %squeeze3A, %squeeze3A_4 : vector<256x1xf32>
    %add3A_5 = arith.constant 1.000000e+00 : f32
    %add3A_6 = vector.broadcast %add3A_5 : f32 to vector<256x1xf32>
    %add3A_7 = arith.addf %add3A, %add3A_6 : vector<256x1xf32>
    %sqrt3A = math.sqrt %add3A_7 : vector<256x1xf32>
    %div3A = arith.constant 1.000000e+00 : f32
    %div3A_8 = vector.broadcast %div3A : f32 to vector<256x1xf32>
    %div3A_9 = arith.divf %div3A_8, %sqrt3A : vector<256x1xf32>
    %get3A_10 = arith.constant 0 : index
    %get3A_11 = arith.constant 0 : index
    %get3A_12 = vector.load %arg2[%get3A_10, %get3A_11] : memref<256x128xf32, #tpu.memory_space<vmem>>, vector<256x128xf32>
    %get3A_13 = arith.constant 0 : index
    %get3A_14 = arith.constant 0 : index
    %get3A_15 = vector.load %arg3[%get3A_13, %get3A_14] : memref<128x128xf32, #tpu.memory_space<vmem>>, vector<128x128xf32>
    %dot_general3A = arith.constant dense<0.000000e+00> : vector<256x128xf32>
    %dot_general3A_16 = tpu.matmul %get3A_12, %get3A_15, %dot_general3A {dimension_numbers = #tpu.dot_dimension_numbers<[1], [0], [0], [1], [0, 0, 1, 1], [], []>, transpose_lhs_hint = false} : vector<256x128xf32>, vector<128x128xf32>, vector<256x128xf32> -> vector<256x128xf32>
    %mul3A = vector.broadcast %div3A_9 : vector<256x1xf32> to vector<256x128xf32>
    %mul3A_17 = arith.mulf %mul3A, %dot_general3A_16 : vector<256x128xf32>
    %swap3A = arith.constant 0 : index
    %swap3A_18 = arith.constant 0 : index
    %swap3A_19 = vector.load %arg4[%swap3A, %swap3A_18] : memref<256x128xf32, #tpu.memory_space<vmem>>, vector<256x128xf32>
    tpu.vector_store %arg4[%swap3A, %swap3A_18], %mul3A_17 {strides = array<i32>} : memref<256x128xf32, #tpu.memory_space<vmem>>, vector<256x128xf32>,
    return
  }
  func.func @transform_0(%arg0: i32) -> (i32, i32, i32) {
    %c0_i32 = arith.constant 0 : i32
    %c0_i32_0 = arith.constant 0 : i32
    %c0_i32_1 = arith.constant 0 : i32
    return %c0_i32, %arg0, %c0_i32_0 : i32, i32, i32
  }
  func.func @transform_1(%arg0: i32) -> (i32, i32) {
    %c0_i32 = arith.constant 0 : i32
    %c0_i32_0 = arith.constant 0 : i32
    return %arg0, %c0_i32 : i32, i32
  }
  func.func @transform_2(%arg0: i32) -> (i32, i32) {
    %c0_i32 = arith.constant 0 : i32
    %c0_i32_0 = arith.constant 0 : i32
    %c0_i32_1 = arith.constant 0 : i32
    return %c0_i32, %c0_i32_0 : i32, i32
  }
  func.func @transform_3(%arg0: i32) -> (i32, i32) {
    %c0_i32 = arith.constant 0 : i32
    %c0_i32_0 = arith.constant 0 : i32
    return %arg0, %c0_i32 : i32, i32
  }
}

module attributes {stable_mosaic.version = 14 : i64} {
  func.func @body(%arg0: i32, %arg1: memref<2x256x128xf32, #tpu.memory_space<vmem>>, %arg2: memref<2x256x128xf32, #tpu.memory_space<vmem>>, %arg3: memref<256x128xf32, #tpu.memory_space<vmem>>, %arg4: memref<1x128xf32, #tpu.memory_space<vmem>>, %arg5: memref<128x128xf32, #tpu.memory_space<vmem>>, %arg6: memref<256x128xf32, #tpu.memory_space<vmem>>) attributes {dimension_semantics = [#tpu.dimension_semantics<arbitrary>], iteration_bounds = array<i64: 40>, scalar_prefetch = 0 : i64, scratch_operands = 0 : i64, tpu.core_type = #tpu.core_type<tc>, window_params = [{transform_indices = @transform_0, window_bounds = array<i64: 2, 256, 128>}, {transform_indices = @transform_1, window_bounds = array<i64: 2, 256, 128>}, {transform_indices = @transform_2, window_bounds = array<i64: 256, 128>}, {pipeline_mode = #tpu.pipeline_mode<synchronous>, transform_indices = @transform_3, window_bounds = array<i64: 1, 128>}, {pipeline_mode = #tpu.pipeline_mode<synchronous>, transform_indices = @transform_4, window_bounds = array<i64: 128, 128>}, {transform_indices = @transform_5, window_bounds = array<i64: 256, 128>}]} {
    %get3A = arith.constant 0 : index
    %get3A_0 = arith.constant 0 : index
    %get3A_1 = arith.constant 0 : index
    %get3A_2 = vector.load %arg1[%get3A, %get3A_0, %get3A_1] : memref<2x256x128xf32, #tpu.memory_space<vmem>>, vector<2x256x128xf32>
    %slice3A = vector.extract_strided_slice %get3A_2 {offsets = [0, 0, 0], sizes = [1, 256, 1], strides = [1, 1, 1]} : vector<2x256x128xf32> to vector<1x256x1xf32>
    %squeeze3A = vector.shape_cast %slice3A : vector<1x256x1xf32> to vector<256x1xf32>
    %slice3A_3 = vector.extract_strided_slice %get3A_2 {offsets = [1, 0, 0], sizes = [1, 256, 1], strides = [1, 1, 1]} : vector<2x256x128xf32> to vector<1x256x1xf32>
    %squeeze3A_4 = vector.shape_cast %slice3A_3 : vector<1x256x1xf32> to vector<256x1xf32>
    %add3A = arith.addf %squeeze3A, %squeeze3A_4 : vector<256x1xf32>
    %add3A_5 = arith.constant 1.000000e+00 : f32
    %add3A_6 = vector.broadcast %add3A_5 : f32 to vector<256x1xf32>
    %add3A_7 = arith.addf %add3A, %add3A_6 : vector<256x1xf32>
    %sqrt3A = math.sqrt %add3A_7 : vector<256x1xf32>
    %div3A = arith.constant 1.000000e+00 : f32
    %div3A_8 = vector.broadcast %div3A : f32 to vector<256x1xf32>
    %div3A_9 = arith.divf %div3A_8, %sqrt3A : vector<256x1xf32>
    %get3A_10 = arith.constant 0 : index
    %get3A_11 = arith.constant 0 : index
    %get3A_12 = arith.constant 0 : index
    %get3A_13 = vector.load %arg2[%get3A_10, %get3A_11, %get3A_12] : memref<2x256x128xf32, #tpu.memory_space<vmem>>, vector<1x256x128xf32>
    %get3A_14 = vector.shape_cast %get3A_13 : vector<1x256x128xf32> to vector<256x128xf32>
    %get3A_15 = arith.constant 1 : index
    %get3A_16 = arith.constant 0 : index
    %get3A_17 = arith.constant 0 : index
    %get3A_18 = vector.load %arg2[%get3A_15, %get3A_16, %get3A_17] : memref<2x256x128xf32, #tpu.memory_space<vmem>>, vector<1x256x128xf32>
    %get3A_19 = vector.shape_cast %get3A_18 : vector<1x256x128xf32> to vector<256x128xf32>
    %add3A_20 = arith.addf %get3A_14, %get3A_19 : vector<256x128xf32>
    %get3A_21 = arith.constant 0 : index
    %get3A_22 = arith.constant 0 : index
    %get3A_23 = vector.load %arg3[%get3A_21, %get3A_22] : memref<256x128xf32, #tpu.memory_space<vmem>>, vector<256x128xf32>
    %add3A_24 = arith.addf %add3A_20, %get3A_23 : vector<256x128xf32>
    %mul3A = vector.broadcast %div3A_9 : vector<256x1xf32> to vector<256x128xf32>
    %mul3A_25 = arith.mulf %add3A_24, %mul3A : vector<256x128xf32>
    %get3A_26 = arith.constant 0 : index
    %get3A_27 = arith.constant 0 : index
    %get3A_28 = vector.load %arg4[%get3A_26, %get3A_27] : memref<1x128xf32, #tpu.memory_space<vmem>>, vector<1x128xf32>
    %add3A_29 = vector.broadcast %get3A_28 : vector<1x128xf32> to vector<256x128xf32>
    %add3A_30 = arith.addf %mul3A_25, %add3A_29 : vector<256x128xf32>
    %tanh3A = math.tanh %add3A_30 : vector<256x128xf32>
    %get3A_31 = arith.constant 0 : index
    %get3A_32 = arith.constant 0 : index
    %get3A_33 = vector.load %arg5[%get3A_31, %get3A_32] : memref<128x128xf32, #tpu.memory_space<vmem>>, vector<128x128xf32>
    %dot_general3A = arith.constant dense<0.000000e+00> : vector<256x128xf32>
    %dot_general3A_34 = tpu.matmul %tanh3A, %get3A_33, %dot_general3A {dimension_numbers = #tpu.dot_dimension_numbers<[1], [0], [0], [1], [0, 0, 1, 1], [], []>, transpose_lhs_hint = false} : vector<256x128xf32>, vector<128x128xf32>, vector<256x128xf32> -> vector<256x128xf32>
    %mul3A_35 = vector.broadcast %div3A_9 : vector<256x1xf32> to vector<256x128xf32>
    %mul3A_36 = arith.mulf %mul3A_35, %dot_general3A_34 : vector<256x128xf32>
    %swap3A = arith.constant 0 : index
    %swap3A_37 = arith.constant 0 : index
    %swap3A_38 = vector.load %arg6[%swap3A, %swap3A_37] : memref<256x128xf32, #tpu.memory_space<vmem>>, vector<256x128xf32>
    tpu.vector_store %arg6[%swap3A, %swap3A_37], %mul3A_36 {strides = array<i32>} : memref<256x128xf32, #tpu.memory_space<vmem>>, vector<256x128xf32>,
    return
  }
  func.func @transform_0(%arg0: i32) -> (i32, i32, i32) {
    %c0_i32 = arith.constant 0 : i32
    %c0_i32_0 = arith.constant 0 : i32
    %c0_i32_1 = arith.constant 0 : i32
    return %c0_i32, %arg0, %c0_i32_0 : i32, i32, i32
  }
  func.func @transform_1(%arg0: i32) -> (i32, i32, i32) {
    %c0_i32 = arith.constant 0 : i32
    %c0_i32_0 = arith.constant 0 : i32
    %c0_i32_1 = arith.constant 0 : i32
    return %c0_i32, %arg0, %c0_i32_0 : i32, i32, i32
  }
  func.func @transform_2(%arg0: i32) -> (i32, i32) {
    %c0_i32 = arith.constant 0 : i32
    %c0_i32_0 = arith.constant 0 : i32
    return %arg0, %c0_i32 : i32, i32
  }
  func.func @transform_3(%arg0: i32) -> (i32, i32) {
    %c0_i32 = arith.constant 0 : i32
    %c0_i32_0 = arith.constant 0 : i32
    %c0_i32_1 = arith.constant 0 : i32
    return %c0_i32, %c0_i32_0 : i32, i32
  }
  func.func @transform_4(%arg0: i32) -> (i32, i32) {
    %c0_i32 = arith.constant 0 : i32
    %c0_i32_0 = arith.constant 0 : i32
    %c0_i32_1 = arith.constant 0 : i32
    return %c0_i32, %c0_i32_0 : i32, i32
  }
  func.func @transform_5(%arg0: i32) -> (i32, i32) {
    %c0_i32 = arith.constant 0 : i32
    %c0_i32_0 = arith.constant 0 : i32
    return %arg0, %c0_i32 : i32, i32
  }
}

module attributes {stable_mosaic.version = 14 : i64} {
  func.func @body(%arg0: i32, %arg1: memref<2x256x128xf32, #tpu.memory_space<vmem>>, %arg2: memref<2x256x128xf32, #tpu.memory_space<vmem>>, %arg3: memref<256x128xf32, #tpu.memory_space<vmem>>, %arg4: memref<1x128xf32, #tpu.memory_space<vmem>>, %arg5: memref<256x16xf32, #tpu.memory_space<vmem>>, %arg6: memref<256x1xf32, #tpu.memory_space<vmem>>, %arg7: memref<1x1xf32, #tpu.memory_space<vmem>>, %arg8: memref<16x1xf32, #tpu.memory_space<vmem>>, %arg9: memref<16x256xf32, #tpu.memory_space<vmem>>, %arg10: memref<16x128xf32, #tpu.memory_space<vmem>>, %arg11: memref<16x128xf32, #tpu.memory_space<vmem>>, %arg12: memref<16x128xf32, #tpu.memory_space<vmem>>) attributes {dimension_semantics = [#tpu.dimension_semantics<arbitrary>], iteration_bounds = array<i64: 40>, scalar_prefetch = 0 : i64, scratch_operands = 3 : i64, tpu.core_type = #tpu.core_type<tc>, window_params = [{transform_indices = @transform_0, window_bounds = array<i64: 2, 256, 128>}, {transform_indices = @transform_1, window_bounds = array<i64: 2, 256, 128>}, {transform_indices = @transform_2, window_bounds = array<i64: 256, 128>}, {pipeline_mode = #tpu.pipeline_mode<synchronous>, transform_indices = @transform_3, window_bounds = array<i64: 1, 128>}, {transform_indices = @transform_4, window_bounds = array<i64: 256, 16>}, {pipeline_mode = #tpu.pipeline_mode<synchronous>, transform_indices = @transform_5, window_bounds = array<i64: 256, 1>}, {pipeline_mode = #tpu.pipeline_mode<synchronous>, transform_indices = @transform_6, window_bounds = array<i64: 1, 1>}, {pipeline_mode = #tpu.pipeline_mode<synchronous>, transform_indices = @transform_7, window_bounds = array<i64: 16, 1>}, {pipeline_mode = #tpu.pipeline_mode<synchronous>, transform_indices = @transform_8, window_bounds = array<i64: 16, 256>}]} {
    %get3A = arith.constant 0 : index
    %get3A_0 = arith.constant 0 : index
    %get3A_1 = arith.constant 0 : index
    %get3A_2 = vector.load %arg1[%get3A, %get3A_0, %get3A_1] : memref<2x256x128xf32, #tpu.memory_space<vmem>>, vector<2x256x128xf32>
    %slice3A = vector.extract_strided_slice %get3A_2 {offsets = [0, 0, 0], sizes = [1, 256, 1], strides = [1, 1, 1]} : vector<2x256x128xf32> to vector<1x256x1xf32>
    %squeeze3A = vector.shape_cast %slice3A : vector<1x256x1xf32> to vector<256x1xf32>
    %slice3A_3 = vector.extract_strided_slice %get3A_2 {offsets = [1, 0, 0], sizes = [1, 256, 1], strides = [1, 1, 1]} : vector<2x256x128xf32> to vector<1x256x1xf32>
    %squeeze3A_4 = vector.shape_cast %slice3A_3 : vector<1x256x1xf32> to vector<256x1xf32>
    %add3A = arith.addf %squeeze3A, %squeeze3A_4 : vector<256x1xf32>
    %add3A_5 = arith.constant 1.000000e+00 : f32
    %add3A_6 = vector.broadcast %add3A_5 : f32 to vector<256x1xf32>
    %add3A_7 = arith.addf %add3A, %add3A_6 : vector<256x1xf32>
    %sqrt3A = math.sqrt %add3A_7 : vector<256x1xf32>
    %div3A = arith.constant 1.000000e+00 : f32
    %div3A_8 = vector.broadcast %div3A : f32 to vector<256x1xf32>
    %div3A_9 = arith.divf %div3A_8, %sqrt3A : vector<256x1xf32>
    %get3A_10 = arith.constant 0 : index
    %get3A_11 = arith.constant 0 : index
    %get3A_12 = arith.constant 0 : index
    %get3A_13 = vector.load %arg2[%get3A_10, %get3A_11, %get3A_12] : memref<2x256x128xf32, #tpu.memory_space<vmem>>, vector<1x256x128xf32>
    %get3A_14 = vector.shape_cast %get3A_13 : vector<1x256x128xf32> to vector<256x128xf32>
    %get3A_15 = arith.constant 1 : index
    %get3A_16 = arith.constant 0 : index
    %get3A_17 = arith.constant 0 : index
    %get3A_18 = vector.load %arg2[%get3A_15, %get3A_16, %get3A_17] : memref<2x256x128xf32, #tpu.memory_space<vmem>>, vector<1x256x128xf32>
    %get3A_19 = vector.shape_cast %get3A_18 : vector<1x256x128xf32> to vector<256x128xf32>
    %add3A_20 = arith.addf %get3A_14, %get3A_19 : vector<256x128xf32>
    %get3A_21 = arith.constant 0 : index
    %get3A_22 = arith.constant 0 : index
    %get3A_23 = vector.load %arg3[%get3A_21, %get3A_22] : memref<256x128xf32, #tpu.memory_space<vmem>>, vector<256x128xf32>
    %add3A_24 = arith.addf %add3A_20, %get3A_23 : vector<256x128xf32>
    %mul3A = vector.broadcast %div3A_9 : vector<256x1xf32> to vector<256x128xf32>
    %mul3A_25 = arith.mulf %add3A_24, %mul3A : vector<256x128xf32>
    %get3A_26 = arith.constant 0 : index
    %get3A_27 = arith.constant 0 : index
    %get3A_28 = vector.load %arg4[%get3A_26, %get3A_27] : memref<1x128xf32, #tpu.memory_space<vmem>>, vector<1x128xf32>
    %add3A_29 = vector.broadcast %get3A_28 : vector<1x128xf32> to vector<256x128xf32>
    %add3A_30 = arith.addf %mul3A_25, %add3A_29 : vector<256x128xf32>
    %tanh3A = math.tanh %add3A_30 : vector<256x128xf32>
    %get3A_31 = arith.constant 0 : index
    %get3A_32 = arith.constant 0 : index
    %get3A_33 = vector.load %arg5[%get3A_31, %get3A_32] : memref<256x16xf32, #tpu.memory_space<vmem>>, vector<256x16xf32>
    %eq3A = arith.constant 0 : i32
    %eq3A_34 = arith.cmpi eq, %arg0, %eq3A : i32
    %convert_element_type3A = arith.extui %eq3A_34 : i1 to i32
    %cond3A = arith.constant 0 : i32
    %cond3A_35 = arith.cmpi ne, %convert_element_type3A, %cond3A : i32
    scf.if %cond3A_35 {
      %broadcast_in_dim3A_357 = arith.constant 0xFF800000 : f32
      %broadcast_in_dim3A_358 = vector.broadcast %broadcast_in_dim3A_357 : f32 to vector<16x128xf32>
      %swap3A_359 = arith.constant 0 : index
      %swap3A_360 = arith.constant 0 : index
      %swap3A_361 = vector.load %arg10[%swap3A_359, %swap3A_360] : memref<16x128xf32, #tpu.memory_space<vmem>>, vector<16x128xf32>
      tpu.vector_store %arg10[%swap3A_359, %swap3A_360], %broadcast_in_dim3A_358 {strides = array<i32>} : memref<16x128xf32, #tpu.memory_space<vmem>>, vector<16x128xf32>,
      %broadcast_in_dim3A_362 = arith.constant 0.000000e+00 : f32
      %broadcast_in_dim3A_363 = vector.broadcast %broadcast_in_dim3A_362 : f32 to vector<16x128xf32>
      %swap3A_364 = arith.constant 0 : index
      %swap3A_365 = arith.constant 0 : index
      %swap3A_366 = vector.load %arg11[%swap3A_364, %swap3A_365] : memref<16x128xf32, #tpu.memory_space<vmem>>, vector<16x128xf32>
      tpu.vector_store %arg11[%swap3A_364, %swap3A_365], %broadcast_in_dim3A_363 {strides = array<i32>} : memref<16x128xf32, #tpu.memory_space<vmem>>, vector<16x128xf32>,
      %broadcast_in_dim3A_367 = arith.constant 0.000000e+00 : f32
      %broadcast_in_dim3A_368 = vector.broadcast %broadcast_in_dim3A_367 : f32 to vector<16x128xf32>
      %swap3A_369 = arith.constant 0 : index
      %swap3A_370 = arith.constant 0 : index
      %swap3A_371 = vector.load %arg12[%swap3A_369, %swap3A_370] : memref<16x128xf32, #tpu.memory_space<vmem>>, vector<16x128xf32>
      tpu.vector_store %arg12[%swap3A_369, %swap3A_370], %broadcast_in_dim3A_368 {strides = array<i32>} : memref<16x128xf32, #tpu.memory_space<vmem>>, vector<16x128xf32>,
    } else {
    }
    %get3A_36 = arith.constant 0 : index
    %get3A_37 = arith.constant 0 : index
    %get3A_38 = vector.load %arg11[%get3A_36, %get3A_37] : memref<16x128xf32, #tpu.memory_space<vmem>>, vector<16x128xf32>
    %dot_general3A = arith.constant dense<0.000000e+00> : vector<16x128xf32>
    %dot_general3A_39 = tpu.matmul %get3A_33, %tanh3A, %dot_general3A {dimension_numbers = #tpu.dot_dimension_numbers<[0], [0], [1], [1], [0, 1, 1, 1], [], []>, precision = #tpu.contract_precision<fp32>, transpose_lhs_hint = false} : vector<256x16xf32>, vector<256x128xf32>, vector<16x128xf32> -> vector<16x128xf32>
    %add3A_40 = arith.addf %get3A_38, %dot_general3A_39 : vector<16x128xf32>
    %swap3A = arith.constant 0 : index
    %swap3A_41 = arith.constant 0 : index
    %swap3A_42 = vector.load %arg11[%swap3A, %swap3A_41] : memref<16x128xf32, #tpu.memory_space<vmem>>, vector<16x128xf32>
    tpu.vector_store %arg11[%swap3A, %swap3A_41], %add3A_40 {strides = array<i32>} : memref<16x128xf32, #tpu.memory_space<vmem>>, vector<16x128xf32>,
    %get3A_43 = arith.constant 0 : index
    %get3A_44 = arith.constant 0 : index
    %get3A_45 = vector.load %arg12[%get3A_43, %get3A_44] : memref<16x128xf32, #tpu.memory_space<vmem>>, vector<16x128xf32>
    %broadcast_in_dim3A = arith.constant 1.000000e+00 : f32
    %broadcast_in_dim3A_46 = vector.broadcast %broadcast_in_dim3A : f32 to vector<256x128xf32>
    %dot_general3A_47 = arith.constant dense<0.000000e+00> : vector<16x128xf32>
    %dot_general3A_48 = tpu.matmul %get3A_33, %broadcast_in_dim3A_46, %dot_general3A_47 {dimension_numbers = #tpu.dot_dimension_numbers<[0], [0], [1], [1], [0, 1, 1, 1], [], []>, precision = #tpu.contract_precision<fp32>, transpose_lhs_hint = false} : vector<256x16xf32>, vector<256x128xf32>, vector<16x128xf32> -> vector<16x128xf32>
    %add3A_49 = arith.addf %get3A_45, %dot_general3A_48 : vector<16x128xf32>
    %swap3A_50 = arith.constant 0 : index
    %swap3A_51 = arith.constant 0 : index
    %swap3A_52 = vector.load %arg12[%swap3A_50, %swap3A_51] : memref<16x128xf32, #tpu.memory_space<vmem>>, vector<16x128xf32>
    tpu.vector_store %arg12[%swap3A_50, %swap3A_51], %add3A_49 {strides = array<i32>} : memref<16x128xf32, #tpu.memory_space<vmem>>, vector<16x128xf32>,
    %slice3A_53 = vector.extract_strided_slice %get3A_33 {offsets = [0, 0], sizes = [256, 1], strides = [1, 1]} : vector<256x16xf32> to vector<256x1xf32>
    %gt3A = arith.constant 0.000000e+00 : f32
    %gt3A_54 = vector.broadcast %gt3A : f32 to vector<256x1xf32>
    %gt3A_55 = arith.cmpf ogt, %slice3A_53, %gt3A_54 : vector<256x1xf32>
    %jit3A = arith.constant 0xFF800000 : f32
    %broadcast_in_dim3A_56 = vector.shape_cast %gt3A_55 : vector<256x1xi1> to vector<256x1xi1>
    %broadcast_in_dim3A_57 = vector.broadcast %broadcast_in_dim3A_56 : vector<256x1xi1> to vector<256x128xi1>
    %broadcast_in_dim3A_58 = vector.broadcast %jit3A : f32 to vector<256x128xf32>
    %select_n3A = arith.select %broadcast_in_dim3A_57, %tanh3A, %broadcast_in_dim3A_58 : vector<256x128xi1>, vector<256x128xf32>
    %reduce_max3A = arith.constant dense<0xFF800000> : vector<128xf32>
    %reduce_max3A_59 = vector.multi_reduction <maximumf>, %select_n3A, %reduce_max3A [0] : vector<256x128xf32> to vector<128xf32>
    %broadcast_in_dim3A_60 = vector.shape_cast %reduce_max3A_59 : vector<128xf32> to vector<1x128xf32>
    %get3A_61 = arith.constant 0 : index
    %get3A_62 = arith.constant 0 : index
    %get3A_63 = vector.load %arg10[%get3A_61, %get3A_62] : memref<16x128xf32, #tpu.memory_space<vmem>>, vector<1x128xf32>
    %max3A = arith.maximumf %get3A_63, %broadcast_in_dim3A_60 : vector<1x128xf32>
    %swap3A_64 = arith.constant 0 : index
    %swap3A_65 = arith.constant 0 : index
    %swap3A_66 = vector.load %arg10[%swap3A_64, %swap3A_65] : memref<16x128xf32, #tpu.memory_space<vmem>>, vector<1x128xf32>
    tpu.vector_store %arg10[%swap3A_64, %swap3A_65], %max3A {strides = array<i32>} : memref<16x128xf32, #tpu.memory_space<vmem>>, vector<1x128xf32>,
    %slice3A_67 = vector.extract_strided_slice %get3A_33 {offsets = [0, 1], sizes = [256, 1], strides = [1, 1]} : vector<256x16xf32> to vector<256x1xf32>
    %gt3A_68 = arith.constant 0.000000e+00 : f32
    %gt3A_69 = vector.broadcast %gt3A_68 : f32 to vector<256x1xf32>
    %gt3A_70 = arith.cmpf ogt, %slice3A_67, %gt3A_69 : vector<256x1xf32>
    %jit3A_71 = arith.constant 0xFF800000 : f32
    %broadcast_in_dim3A_72 = vector.shape_cast %gt3A_70 : vector<256x1xi1> to vector<256x1xi1>
    %broadcast_in_dim3A_73 = vector.broadcast %broadcast_in_dim3A_72 : vector<256x1xi1> to vector<256x128xi1>
    %broadcast_in_dim3A_74 = vector.broadcast %jit3A_71 : f32 to vector<256x128xf32>
    %select_n3A_75 = arith.select %broadcast_in_dim3A_73, %tanh3A, %broadcast_in_dim3A_74 : vector<256x128xi1>, vector<256x128xf32>
    %reduce_max3A_76 = arith.constant dense<0xFF800000> : vector<128xf32>
    %reduce_max3A_77 = vector.multi_reduction <maximumf>, %select_n3A_75, %reduce_max3A_76 [0] : vector<256x128xf32> to vector<128xf32>
    %broadcast_in_dim3A_78 = vector.shape_cast %reduce_max3A_77 : vector<128xf32> to vector<1x128xf32>
    %get3A_79 = arith.constant 1 : index
    %get3A_80 = arith.constant 0 : index
    %get3A_81 = vector.load %arg10[%get3A_79, %get3A_80] : memref<16x128xf32, #tpu.memory_space<vmem>>, vector<1x128xf32>
    %max3A_82 = arith.maximumf %get3A_81, %broadcast_in_dim3A_78 : vector<1x128xf32>
    %swap3A_83 = arith.constant 1 : index
    %swap3A_84 = arith.constant 0 : index
    %swap3A_85 = vector.load %arg10[%swap3A_83, %swap3A_84] : memref<16x128xf32, #tpu.memory_space<vmem>>, vector<1x128xf32>
    tpu.vector_store %arg10[%swap3A_83, %swap3A_84], %max3A_82 {strides = array<i32>} : memref<16x128xf32, #tpu.memory_space<vmem>>, vector<1x128xf32>,
    %slice3A_86 = vector.extract_strided_slice %get3A_33 {offsets = [0, 2], sizes = [256, 1], strides = [1, 1]} : vector<256x16xf32> to vector<256x1xf32>
    %gt3A_87 = arith.constant 0.000000e+00 : f32
    %gt3A_88 = vector.broadcast %gt3A_87 : f32 to vector<256x1xf32>
    %gt3A_89 = arith.cmpf ogt, %slice3A_86, %gt3A_88 : vector<256x1xf32>
    %jit3A_90 = arith.constant 0xFF800000 : f32
    %broadcast_in_dim3A_91 = vector.shape_cast %gt3A_89 : vector<256x1xi1> to vector<256x1xi1>
    %broadcast_in_dim3A_92 = vector.broadcast %broadcast_in_dim3A_91 : vector<256x1xi1> to vector<256x128xi1>
    %broadcast_in_dim3A_93 = vector.broadcast %jit3A_90 : f32 to vector<256x128xf32>
    %select_n3A_94 = arith.select %broadcast_in_dim3A_92, %tanh3A, %broadcast_in_dim3A_93 : vector<256x128xi1>, vector<256x128xf32>
    %reduce_max3A_95 = arith.constant dense<0xFF800000> : vector<128xf32>
    %reduce_max3A_96 = vector.multi_reduction <maximumf>, %select_n3A_94, %reduce_max3A_95 [0] : vector<256x128xf32> to vector<128xf32>
    %broadcast_in_dim3A_97 = vector.shape_cast %reduce_max3A_96 : vector<128xf32> to vector<1x128xf32>
    %get3A_98 = arith.constant 2 : index
    %get3A_99 = arith.constant 0 : index
    %get3A_100 = vector.load %arg10[%get3A_98, %get3A_99] : memref<16x128xf32, #tpu.memory_space<vmem>>, vector<1x128xf32>
    %max3A_101 = arith.maximumf %get3A_100, %broadcast_in_dim3A_97 : vector<1x128xf32>
    %swap3A_102 = arith.constant 2 : index
    %swap3A_103 = arith.constant 0 : index
    %swap3A_104 = vector.load %arg10[%swap3A_102, %swap3A_103] : memref<16x128xf32, #tpu.memory_space<vmem>>, vector<1x128xf32>
    tpu.vector_store %arg10[%swap3A_102, %swap3A_103], %max3A_101 {strides = array<i32>} : memref<16x128xf32, #tpu.memory_space<vmem>>, vector<1x128xf32>,
    %slice3A_105 = vector.extract_strided_slice %get3A_33 {offsets = [0, 3], sizes = [256, 1], strides = [1, 1]} : vector<256x16xf32> to vector<256x1xf32>
    %gt3A_106 = arith.constant 0.000000e+00 : f32
    %gt3A_107 = vector.broadcast %gt3A_106 : f32 to vector<256x1xf32>
    %gt3A_108 = arith.cmpf ogt, %slice3A_105, %gt3A_107 : vector<256x1xf32>
    %jit3A_109 = arith.constant 0xFF800000 : f32
    %broadcast_in_dim3A_110 = vector.shape_cast %gt3A_108 : vector<256x1xi1> to vector<256x1xi1>
    %broadcast_in_dim3A_111 = vector.broadcast %broadcast_in_dim3A_110 : vector<256x1xi1> to vector<256x128xi1>
    %broadcast_in_dim3A_112 = vector.broadcast %jit3A_109 : f32 to vector<256x128xf32>
    %select_n3A_113 = arith.select %broadcast_in_dim3A_111, %tanh3A, %broadcast_in_dim3A_112 : vector<256x128xi1>, vector<256x128xf32>
    %reduce_max3A_114 = arith.constant dense<0xFF800000> : vector<128xf32>
    %reduce_max3A_115 = vector.multi_reduction <maximumf>, %select_n3A_113, %reduce_max3A_114 [0] : vector<256x128xf32> to vector<128xf32>
    %broadcast_in_dim3A_116 = vector.shape_cast %reduce_max3A_115 : vector<128xf32> to vector<1x128xf32>
    %get3A_117 = arith.constant 3 : index
    %get3A_118 = arith.constant 0 : index
    %get3A_119 = vector.load %arg10[%get3A_117, %get3A_118] : memref<16x128xf32, #tpu.memory_space<vmem>>, vector<1x128xf32>
    %max3A_120 = arith.maximumf %get3A_119, %broadcast_in_dim3A_116 : vector<1x128xf32>
    %swap3A_121 = arith.constant 3 : index
    %swap3A_122 = arith.constant 0 : index
    %swap3A_123 = vector.load %arg10[%swap3A_121, %swap3A_122] : memref<16x128xf32, #tpu.memory_space<vmem>>, vector<1x128xf32>
    tpu.vector_store %arg10[%swap3A_121, %swap3A_122], %max3A_120 {strides = array<i32>} : memref<16x128xf32, #tpu.memory_space<vmem>>, vector<1x128xf32>,
    %slice3A_124 = vector.extract_strided_slice %get3A_33 {offsets = [0, 4], sizes = [256, 1], strides = [1, 1]} : vector<256x16xf32> to vector<256x1xf32>
    %gt3A_125 = arith.constant 0.000000e+00 : f32
    %gt3A_126 = vector.broadcast %gt3A_125 : f32 to vector<256x1xf32>
    %gt3A_127 = arith.cmpf ogt, %slice3A_124, %gt3A_126 : vector<256x1xf32>
    %jit3A_128 = arith.constant 0xFF800000 : f32
    %broadcast_in_dim3A_129 = vector.shape_cast %gt3A_127 : vector<256x1xi1> to vector<256x1xi1>
    %broadcast_in_dim3A_130 = vector.broadcast %broadcast_in_dim3A_129 : vector<256x1xi1> to vector<256x128xi1>
    %broadcast_in_dim3A_131 = vector.broadcast %jit3A_128 : f32 to vector<256x128xf32>
    %select_n3A_132 = arith.select %broadcast_in_dim3A_130, %tanh3A, %broadcast_in_dim3A_131 : vector<256x128xi1>, vector<256x128xf32>
    %reduce_max3A_133 = arith.constant dense<0xFF800000> : vector<128xf32>
    %reduce_max3A_134 = vector.multi_reduction <maximumf>, %select_n3A_132, %reduce_max3A_133 [0] : vector<256x128xf32> to vector<128xf32>
    %broadcast_in_dim3A_135 = vector.shape_cast %reduce_max3A_134 : vector<128xf32> to vector<1x128xf32>
    %get3A_136 = arith.constant 4 : index
    %get3A_137 = arith.constant 0 : index
    %get3A_138 = vector.load %arg10[%get3A_136, %get3A_137] : memref<16x128xf32, #tpu.memory_space<vmem>>, vector<1x128xf32>
    %max3A_139 = arith.maximumf %get3A_138, %broadcast_in_dim3A_135 : vector<1x128xf32>
    %swap3A_140 = arith.constant 4 : index
    %swap3A_141 = arith.constant 0 : index
    %swap3A_142 = vector.load %arg10[%swap3A_140, %swap3A_141] : memref<16x128xf32, #tpu.memory_space<vmem>>, vector<1x128xf32>
    tpu.vector_store %arg10[%swap3A_140, %swap3A_141], %max3A_139 {strides = array<i32>} : memref<16x128xf32, #tpu.memory_space<vmem>>, vector<1x128xf32>,
    %slice3A_143 = vector.extract_strided_slice %get3A_33 {offsets = [0, 5], sizes = [256, 1], strides = [1, 1]} : vector<256x16xf32> to vector<256x1xf32>
    %gt3A_144 = arith.constant 0.000000e+00 : f32
    %gt3A_145 = vector.broadcast %gt3A_144 : f32 to vector<256x1xf32>
    %gt3A_146 = arith.cmpf ogt, %slice3A_143, %gt3A_145 : vector<256x1xf32>
    %jit3A_147 = arith.constant 0xFF800000 : f32
    %broadcast_in_dim3A_148 = vector.shape_cast %gt3A_146 : vector<256x1xi1> to vector<256x1xi1>
    %broadcast_in_dim3A_149 = vector.broadcast %broadcast_in_dim3A_148 : vector<256x1xi1> to vector<256x128xi1>
    %broadcast_in_dim3A_150 = vector.broadcast %jit3A_147 : f32 to vector<256x128xf32>
    %select_n3A_151 = arith.select %broadcast_in_dim3A_149, %tanh3A, %broadcast_in_dim3A_150 : vector<256x128xi1>, vector<256x128xf32>
    %reduce_max3A_152 = arith.constant dense<0xFF800000> : vector<128xf32>
    %reduce_max3A_153 = vector.multi_reduction <maximumf>, %select_n3A_151, %reduce_max3A_152 [0] : vector<256x128xf32> to vector<128xf32>
    %broadcast_in_dim3A_154 = vector.shape_cast %reduce_max3A_153 : vector<128xf32> to vector<1x128xf32>
    %get3A_155 = arith.constant 5 : index
    %get3A_156 = arith.constant 0 : index
    %get3A_157 = vector.load %arg10[%get3A_155, %get3A_156] : memref<16x128xf32, #tpu.memory_space<vmem>>, vector<1x128xf32>
    %max3A_158 = arith.maximumf %get3A_157, %broadcast_in_dim3A_154 : vector<1x128xf32>
    %swap3A_159 = arith.constant 5 : index
    %swap3A_160 = arith.constant 0 : index
    %swap3A_161 = vector.load %arg10[%swap3A_159, %swap3A_160] : memref<16x128xf32, #tpu.memory_space<vmem>>, vector<1x128xf32>
    tpu.vector_store %arg10[%swap3A_159, %swap3A_160], %max3A_158 {strides = array<i32>} : memref<16x128xf32, #tpu.memory_space<vmem>>, vector<1x128xf32>,
    %slice3A_162 = vector.extract_strided_slice %get3A_33 {offsets = [0, 6], sizes = [256, 1], strides = [1, 1]} : vector<256x16xf32> to vector<256x1xf32>
    %gt3A_163 = arith.constant 0.000000e+00 : f32
    %gt3A_164 = vector.broadcast %gt3A_163 : f32 to vector<256x1xf32>
    %gt3A_165 = arith.cmpf ogt, %slice3A_162, %gt3A_164 : vector<256x1xf32>
    %jit3A_166 = arith.constant 0xFF800000 : f32
    %broadcast_in_dim3A_167 = vector.shape_cast %gt3A_165 : vector<256x1xi1> to vector<256x1xi1>
    %broadcast_in_dim3A_168 = vector.broadcast %broadcast_in_dim3A_167 : vector<256x1xi1> to vector<256x128xi1>
    %broadcast_in_dim3A_169 = vector.broadcast %jit3A_166 : f32 to vector<256x128xf32>
    %select_n3A_170 = arith.select %broadcast_in_dim3A_168, %tanh3A, %broadcast_in_dim3A_169 : vector<256x128xi1>, vector<256x128xf32>
    %reduce_max3A_171 = arith.constant dense<0xFF800000> : vector<128xf32>
    %reduce_max3A_172 = vector.multi_reduction <maximumf>, %select_n3A_170, %reduce_max3A_171 [0] : vector<256x128xf32> to vector<128xf32>
    %broadcast_in_dim3A_173 = vector.shape_cast %reduce_max3A_172 : vector<128xf32> to vector<1x128xf32>
    %get3A_174 = arith.constant 6 : index
    %get3A_175 = arith.constant 0 : index
    %get3A_176 = vector.load %arg10[%get3A_174, %get3A_175] : memref<16x128xf32, #tpu.memory_space<vmem>>, vector<1x128xf32>
    %max3A_177 = arith.maximumf %get3A_176, %broadcast_in_dim3A_173 : vector<1x128xf32>
    %swap3A_178 = arith.constant 6 : index
    %swap3A_179 = arith.constant 0 : index
    %swap3A_180 = vector.load %arg10[%swap3A_178, %swap3A_179] : memref<16x128xf32, #tpu.memory_space<vmem>>, vector<1x128xf32>
    tpu.vector_store %arg10[%swap3A_178, %swap3A_179], %max3A_177 {strides = array<i32>} : memref<16x128xf32, #tpu.memory_space<vmem>>, vector<1x128xf32>,
    %slice3A_181 = vector.extract_strided_slice %get3A_33 {offsets = [0, 7], sizes = [256, 1], strides = [1, 1]} : vector<256x16xf32> to vector<256x1xf32>
    %gt3A_182 = arith.constant 0.000000e+00 : f32
    %gt3A_183 = vector.broadcast %gt3A_182 : f32 to vector<256x1xf32>
    %gt3A_184 = arith.cmpf ogt, %slice3A_181, %gt3A_183 : vector<256x1xf32>
    %jit3A_185 = arith.constant 0xFF800000 : f32
    %broadcast_in_dim3A_186 = vector.shape_cast %gt3A_184 : vector<256x1xi1> to vector<256x1xi1>
    %broadcast_in_dim3A_187 = vector.broadcast %broadcast_in_dim3A_186 : vector<256x1xi1> to vector<256x128xi1>
    %broadcast_in_dim3A_188 = vector.broadcast %jit3A_185 : f32 to vector<256x128xf32>
    %select_n3A_189 = arith.select %broadcast_in_dim3A_187, %tanh3A, %broadcast_in_dim3A_188 : vector<256x128xi1>, vector<256x128xf32>
    %reduce_max3A_190 = arith.constant dense<0xFF800000> : vector<128xf32>
    %reduce_max3A_191 = vector.multi_reduction <maximumf>, %select_n3A_189, %reduce_max3A_190 [0] : vector<256x128xf32> to vector<128xf32>
    %broadcast_in_dim3A_192 = vector.shape_cast %reduce_max3A_191 : vector<128xf32> to vector<1x128xf32>
    %get3A_193 = arith.constant 7 : index
    %get3A_194 = arith.constant 0 : index
    %get3A_195 = vector.load %arg10[%get3A_193, %get3A_194] : memref<16x128xf32, #tpu.memory_space<vmem>>, vector<1x128xf32>
    %max3A_196 = arith.maximumf %get3A_195, %broadcast_in_dim3A_192 : vector<1x128xf32>
    %swap3A_197 = arith.constant 7 : index
    %swap3A_198 = arith.constant 0 : index
    %swap3A_199 = vector.load %arg10[%swap3A_197, %swap3A_198] : memref<16x128xf32, #tpu.memory_space<vmem>>, vector<1x128xf32>
    tpu.vector_store %arg10[%swap3A_197, %swap3A_198], %max3A_196 {strides = array<i32>} : memref<16x128xf32, #tpu.memory_space<vmem>>, vector<1x128xf32>,
    %slice3A_200 = vector.extract_strided_slice %get3A_33 {offsets = [0, 8], sizes = [256, 1], strides = [1, 1]} : vector<256x16xf32> to vector<256x1xf32>
    %gt3A_201 = arith.constant 0.000000e+00 : f32
    %gt3A_202 = vector.broadcast %gt3A_201 : f32 to vector<256x1xf32>
    %gt3A_203 = arith.cmpf ogt, %slice3A_200, %gt3A_202 : vector<256x1xf32>
    %jit3A_204 = arith.constant 0xFF800000 : f32
    %broadcast_in_dim3A_205 = vector.shape_cast %gt3A_203 : vector<256x1xi1> to vector<256x1xi1>
    %broadcast_in_dim3A_206 = vector.broadcast %broadcast_in_dim3A_205 : vector<256x1xi1> to vector<256x128xi1>
    %broadcast_in_dim3A_207 = vector.broadcast %jit3A_204 : f32 to vector<256x128xf32>
    %select_n3A_208 = arith.select %broadcast_in_dim3A_206, %tanh3A, %broadcast_in_dim3A_207 : vector<256x128xi1>, vector<256x128xf32>
    %reduce_max3A_209 = arith.constant dense<0xFF800000> : vector<128xf32>
    %reduce_max3A_210 = vector.multi_reduction <maximumf>, %select_n3A_208, %reduce_max3A_209 [0] : vector<256x128xf32> to vector<128xf32>
    %broadcast_in_dim3A_211 = vector.shape_cast %reduce_max3A_210 : vector<128xf32> to vector<1x128xf32>
    %get3A_212 = arith.constant 8 : index
    %get3A_213 = arith.constant 0 : index
    %get3A_214 = vector.load %arg10[%get3A_212, %get3A_213] : memref<16x128xf32, #tpu.memory_space<vmem>>, vector<1x128xf32>
    %max3A_215 = arith.maximumf %get3A_214, %broadcast_in_dim3A_211 : vector<1x128xf32>
    %swap3A_216 = arith.constant 8 : index
    %swap3A_217 = arith.constant 0 : index
    %swap3A_218 = vector.load %arg10[%swap3A_216, %swap3A_217] : memref<16x128xf32, #tpu.memory_space<vmem>>, vector<1x128xf32>
    tpu.vector_store %arg10[%swap3A_216, %swap3A_217], %max3A_215 {strides = array<i32>} : memref<16x128xf32, #tpu.memory_space<vmem>>, vector<1x128xf32>,
    %slice3A_219 = vector.extract_strided_slice %get3A_33 {offsets = [0, 9], sizes = [256, 1], strides = [1, 1]} : vector<256x16xf32> to vector<256x1xf32>
    %gt3A_220 = arith.constant 0.000000e+00 : f32
    %gt3A_221 = vector.broadcast %gt3A_220 : f32 to vector<256x1xf32>
    %gt3A_222 = arith.cmpf ogt, %slice3A_219, %gt3A_221 : vector<256x1xf32>
    %jit3A_223 = arith.constant 0xFF800000 : f32
    %broadcast_in_dim3A_224 = vector.shape_cast %gt3A_222 : vector<256x1xi1> to vector<256x1xi1>
    %broadcast_in_dim3A_225 = vector.broadcast %broadcast_in_dim3A_224 : vector<256x1xi1> to vector<256x128xi1>
    %broadcast_in_dim3A_226 = vector.broadcast %jit3A_223 : f32 to vector<256x128xf32>
    %select_n3A_227 = arith.select %broadcast_in_dim3A_225, %tanh3A, %broadcast_in_dim3A_226 : vector<256x128xi1>, vector<256x128xf32>
    %reduce_max3A_228 = arith.constant dense<0xFF800000> : vector<128xf32>
    %reduce_max3A_229 = vector.multi_reduction <maximumf>, %select_n3A_227, %reduce_max3A_228 [0] : vector<256x128xf32> to vector<128xf32>
    %broadcast_in_dim3A_230 = vector.shape_cast %reduce_max3A_229 : vector<128xf32> to vector<1x128xf32>
    %get3A_231 = arith.constant 9 : index
    %get3A_232 = arith.constant 0 : index
    %get3A_233 = vector.load %arg10[%get3A_231, %get3A_232] : memref<16x128xf32, #tpu.memory_space<vmem>>, vector<1x128xf32>
    %max3A_234 = arith.maximumf %get3A_233, %broadcast_in_dim3A_230 : vector<1x128xf32>
    %swap3A_235 = arith.constant 9 : index
    %swap3A_236 = arith.constant 0 : index
    %swap3A_237 = vector.load %arg10[%swap3A_235, %swap3A_236] : memref<16x128xf32, #tpu.memory_space<vmem>>, vector<1x128xf32>
    tpu.vector_store %arg10[%swap3A_235, %swap3A_236], %max3A_234 {strides = array<i32>} : memref<16x128xf32, #tpu.memory_space<vmem>>, vector<1x128xf32>,
    %slice3A_238 = vector.extract_strided_slice %get3A_33 {offsets = [0, 10], sizes = [256, 1], strides = [1, 1]} : vector<256x16xf32> to vector<256x1xf32>
    %gt3A_239 = arith.constant 0.000000e+00 : f32
    %gt3A_240 = vector.broadcast %gt3A_239 : f32 to vector<256x1xf32>
    %gt3A_241 = arith.cmpf ogt, %slice3A_238, %gt3A_240 : vector<256x1xf32>
    %jit3A_242 = arith.constant 0xFF800000 : f32
    %broadcast_in_dim3A_243 = vector.shape_cast %gt3A_241 : vector<256x1xi1> to vector<256x1xi1>
    %broadcast_in_dim3A_244 = vector.broadcast %broadcast_in_dim3A_243 : vector<256x1xi1> to vector<256x128xi1>
    %broadcast_in_dim3A_245 = vector.broadcast %jit3A_242 : f32 to vector<256x128xf32>
    %select_n3A_246 = arith.select %broadcast_in_dim3A_244, %tanh3A, %broadcast_in_dim3A_245 : vector<256x128xi1>, vector<256x128xf32>
    %reduce_max3A_247 = arith.constant dense<0xFF800000> : vector<128xf32>
    %reduce_max3A_248 = vector.multi_reduction <maximumf>, %select_n3A_246, %reduce_max3A_247 [0] : vector<256x128xf32> to vector<128xf32>
    %broadcast_in_dim3A_249 = vector.shape_cast %reduce_max3A_248 : vector<128xf32> to vector<1x128xf32>
    %get3A_250 = arith.constant 10 : index
    %get3A_251 = arith.constant 0 : index
    %get3A_252 = vector.load %arg10[%get3A_250, %get3A_251] : memref<16x128xf32, #tpu.memory_space<vmem>>, vector<1x128xf32>
    %max3A_253 = arith.maximumf %get3A_252, %broadcast_in_dim3A_249 : vector<1x128xf32>
    %swap3A_254 = arith.constant 10 : index
    %swap3A_255 = arith.constant 0 : index
    %swap3A_256 = vector.load %arg10[%swap3A_254, %swap3A_255] : memref<16x128xf32, #tpu.memory_space<vmem>>, vector<1x128xf32>
    tpu.vector_store %arg10[%swap3A_254, %swap3A_255], %max3A_253 {strides = array<i32>} : memref<16x128xf32, #tpu.memory_space<vmem>>, vector<1x128xf32>,
    %slice3A_257 = vector.extract_strided_slice %get3A_33 {offsets = [0, 11], sizes = [256, 1], strides = [1, 1]} : vector<256x16xf32> to vector<256x1xf32>
    %gt3A_258 = arith.constant 0.000000e+00 : f32
    %gt3A_259 = vector.broadcast %gt3A_258 : f32 to vector<256x1xf32>
    %gt3A_260 = arith.cmpf ogt, %slice3A_257, %gt3A_259 : vector<256x1xf32>
    %jit3A_261 = arith.constant 0xFF800000 : f32
    %broadcast_in_dim3A_262 = vector.shape_cast %gt3A_260 : vector<256x1xi1> to vector<256x1xi1>
    %broadcast_in_dim3A_263 = vector.broadcast %broadcast_in_dim3A_262 : vector<256x1xi1> to vector<256x128xi1>
    %broadcast_in_dim3A_264 = vector.broadcast %jit3A_261 : f32 to vector<256x128xf32>
    %select_n3A_265 = arith.select %broadcast_in_dim3A_263, %tanh3A, %broadcast_in_dim3A_264 : vector<256x128xi1>, vector<256x128xf32>
    %reduce_max3A_266 = arith.constant dense<0xFF800000> : vector<128xf32>
    %reduce_max3A_267 = vector.multi_reduction <maximumf>, %select_n3A_265, %reduce_max3A_266 [0] : vector<256x128xf32> to vector<128xf32>
    %broadcast_in_dim3A_268 = vector.shape_cast %reduce_max3A_267 : vector<128xf32> to vector<1x128xf32>
    %get3A_269 = arith.constant 11 : index
    %get3A_270 = arith.constant 0 : index
    %get3A_271 = vector.load %arg10[%get3A_269, %get3A_270] : memref<16x128xf32, #tpu.memory_space<vmem>>, vector<1x128xf32>
    %max3A_272 = arith.maximumf %get3A_271, %broadcast_in_dim3A_268 : vector<1x128xf32>
    %swap3A_273 = arith.constant 11 : index
    %swap3A_274 = arith.constant 0 : index
    %swap3A_275 = vector.load %arg10[%swap3A_273, %swap3A_274] : memref<16x128xf32, #tpu.memory_space<vmem>>, vector<1x128xf32>
    tpu.vector_store %arg10[%swap3A_273, %swap3A_274], %max3A_272 {strides = array<i32>} : memref<16x128xf32, #tpu.memory_space<vmem>>, vector<1x128xf32>,
    %slice3A_276 = vector.extract_strided_slice %get3A_33 {offsets = [0, 12], sizes = [256, 1], strides = [1, 1]} : vector<256x16xf32> to vector<256x1xf32>
    %gt3A_277 = arith.constant 0.000000e+00 : f32
    %gt3A_278 = vector.broadcast %gt3A_277 : f32 to vector<256x1xf32>
    %gt3A_279 = arith.cmpf ogt, %slice3A_276, %gt3A_278 : vector<256x1xf32>
    %jit3A_280 = arith.constant 0xFF800000 : f32
    %broadcast_in_dim3A_281 = vector.shape_cast %gt3A_279 : vector<256x1xi1> to vector<256x1xi1>
    %broadcast_in_dim3A_282 = vector.broadcast %broadcast_in_dim3A_281 : vector<256x1xi1> to vector<256x128xi1>
    %broadcast_in_dim3A_283 = vector.broadcast %jit3A_280 : f32 to vector<256x128xf32>
    %select_n3A_284 = arith.select %broadcast_in_dim3A_282, %tanh3A, %broadcast_in_dim3A_283 : vector<256x128xi1>, vector<256x128xf32>
    %reduce_max3A_285 = arith.constant dense<0xFF800000> : vector<128xf32>
    %reduce_max3A_286 = vector.multi_reduction <maximumf>, %select_n3A_284, %reduce_max3A_285 [0] : vector<256x128xf32> to vector<128xf32>
    %broadcast_in_dim3A_287 = vector.shape_cast %reduce_max3A_286 : vector<128xf32> to vector<1x128xf32>
    %get3A_288 = arith.constant 12 : index
    %get3A_289 = arith.constant 0 : index
    %get3A_290 = vector.load %arg10[%get3A_288, %get3A_289] : memref<16x128xf32, #tpu.memory_space<vmem>>, vector<1x128xf32>
    %max3A_291 = arith.maximumf %get3A_290, %broadcast_in_dim3A_287 : vector<1x128xf32>
    %swap3A_292 = arith.constant 12 : index
    %swap3A_293 = arith.constant 0 : index
    %swap3A_294 = vector.load %arg10[%swap3A_292, %swap3A_293] : memref<16x128xf32, #tpu.memory_space<vmem>>, vector<1x128xf32>
    tpu.vector_store %arg10[%swap3A_292, %swap3A_293], %max3A_291 {strides = array<i32>} : memref<16x128xf32, #tpu.memory_space<vmem>>, vector<1x128xf32>,
    %slice3A_295 = vector.extract_strided_slice %get3A_33 {offsets = [0, 13], sizes = [256, 1], strides = [1, 1]} : vector<256x16xf32> to vector<256x1xf32>
    %gt3A_296 = arith.constant 0.000000e+00 : f32
    %gt3A_297 = vector.broadcast %gt3A_296 : f32 to vector<256x1xf32>
    %gt3A_298 = arith.cmpf ogt, %slice3A_295, %gt3A_297 : vector<256x1xf32>
    %jit3A_299 = arith.constant 0xFF800000 : f32
    %broadcast_in_dim3A_300 = vector.shape_cast %gt3A_298 : vector<256x1xi1> to vector<256x1xi1>
    %broadcast_in_dim3A_301 = vector.broadcast %broadcast_in_dim3A_300 : vector<256x1xi1> to vector<256x128xi1>
    %broadcast_in_dim3A_302 = vector.broadcast %jit3A_299 : f32 to vector<256x128xf32>
    %select_n3A_303 = arith.select %broadcast_in_dim3A_301, %tanh3A, %broadcast_in_dim3A_302 : vector<256x128xi1>, vector<256x128xf32>
    %reduce_max3A_304 = arith.constant dense<0xFF800000> : vector<128xf32>
    %reduce_max3A_305 = vector.multi_reduction <maximumf>, %select_n3A_303, %reduce_max3A_304 [0] : vector<256x128xf32> to vector<128xf32>
    %broadcast_in_dim3A_306 = vector.shape_cast %reduce_max3A_305 : vector<128xf32> to vector<1x128xf32>
    %get3A_307 = arith.constant 13 : index
    %get3A_308 = arith.constant 0 : index
    %get3A_309 = vector.load %arg10[%get3A_307, %get3A_308] : memref<16x128xf32, #tpu.memory_space<vmem>>, vector<1x128xf32>
    %max3A_310 = arith.maximumf %get3A_309, %broadcast_in_dim3A_306 : vector<1x128xf32>
    %swap3A_311 = arith.constant 13 : index
    %swap3A_312 = arith.constant 0 : index
    %swap3A_313 = vector.load %arg10[%swap3A_311, %swap3A_312] : memref<16x128xf32, #tpu.memory_space<vmem>>, vector<1x128xf32>
    tpu.vector_store %arg10[%swap3A_311, %swap3A_312], %max3A_310 {strides = array<i32>} : memref<16x128xf32, #tpu.memory_space<vmem>>, vector<1x128xf32>,
    %slice3A_314 = vector.extract_strided_slice %get3A_33 {offsets = [0, 14], sizes = [256, 1], strides = [1, 1]} : vector<256x16xf32> to vector<256x1xf32>
    %gt3A_315 = arith.constant 0.000000e+00 : f32
    %gt3A_316 = vector.broadcast %gt3A_315 : f32 to vector<256x1xf32>
    %gt3A_317 = arith.cmpf ogt, %slice3A_314, %gt3A_316 : vector<256x1xf32>
    %jit3A_318 = arith.constant 0xFF800000 : f32
    %broadcast_in_dim3A_319 = vector.shape_cast %gt3A_317 : vector<256x1xi1> to vector<256x1xi1>
    %broadcast_in_dim3A_320 = vector.broadcast %broadcast_in_dim3A_319 : vector<256x1xi1> to vector<256x128xi1>
    %broadcast_in_dim3A_321 = vector.broadcast %jit3A_318 : f32 to vector<256x128xf32>
    %select_n3A_322 = arith.select %broadcast_in_dim3A_320, %tanh3A, %broadcast_in_dim3A_321 : vector<256x128xi1>, vector<256x128xf32>
    %reduce_max3A_323 = arith.constant dense<0xFF800000> : vector<128xf32>
    %reduce_max3A_324 = vector.multi_reduction <maximumf>, %select_n3A_322, %reduce_max3A_323 [0] : vector<256x128xf32> to vector<128xf32>
    %broadcast_in_dim3A_325 = vector.shape_cast %reduce_max3A_324 : vector<128xf32> to vector<1x128xf32>
    %get3A_326 = arith.constant 14 : index
    %get3A_327 = arith.constant 0 : index
    %get3A_328 = vector.load %arg10[%get3A_326, %get3A_327] : memref<16x128xf32, #tpu.memory_space<vmem>>, vector<1x128xf32>
    %max3A_329 = arith.maximumf %get3A_328, %broadcast_in_dim3A_325 : vector<1x128xf32>
    %swap3A_330 = arith.constant 14 : index
    %swap3A_331 = arith.constant 0 : index
    %swap3A_332 = vector.load %arg10[%swap3A_330, %swap3A_331] : memref<16x128xf32, #tpu.memory_space<vmem>>, vector<1x128xf32>
    tpu.vector_store %arg10[%swap3A_330, %swap3A_331], %max3A_329 {strides = array<i32>} : memref<16x128xf32, #tpu.memory_space<vmem>>, vector<1x128xf32>,
    %slice3A_333 = vector.extract_strided_slice %get3A_33 {offsets = [0, 15], sizes = [256, 1], strides = [1, 1]} : vector<256x16xf32> to vector<256x1xf32>
    %gt3A_334 = arith.constant 0.000000e+00 : f32
    %gt3A_335 = vector.broadcast %gt3A_334 : f32 to vector<256x1xf32>
    %gt3A_336 = arith.cmpf ogt, %slice3A_333, %gt3A_335 : vector<256x1xf32>
    %jit3A_337 = arith.constant 0xFF800000 : f32
    %broadcast_in_dim3A_338 = vector.shape_cast %gt3A_336 : vector<256x1xi1> to vector<256x1xi1>
    %broadcast_in_dim3A_339 = vector.broadcast %broadcast_in_dim3A_338 : vector<256x1xi1> to vector<256x128xi1>
    %broadcast_in_dim3A_340 = vector.broadcast %jit3A_337 : f32 to vector<256x128xf32>
    %select_n3A_341 = arith.select %broadcast_in_dim3A_339, %tanh3A, %broadcast_in_dim3A_340 : vector<256x128xi1>, vector<256x128xf32>
    %reduce_max3A_342 = arith.constant dense<0xFF800000> : vector<128xf32>
    %reduce_max3A_343 = vector.multi_reduction <maximumf>, %select_n3A_341, %reduce_max3A_342 [0] : vector<256x128xf32> to vector<128xf32>
    %broadcast_in_dim3A_344 = vector.shape_cast %reduce_max3A_343 : vector<128xf32> to vector<1x128xf32>
    %get3A_345 = arith.constant 15 : index
    %get3A_346 = arith.constant 0 : index
    %get3A_347 = vector.load %arg10[%get3A_345, %get3A_346] : memref<16x128xf32, #tpu.memory_space<vmem>>, vector<1x128xf32>
    %max3A_348 = arith.maximumf %get3A_347, %broadcast_in_dim3A_344 : vector<1x128xf32>
    %swap3A_349 = arith.constant 15 : index
    %swap3A_350 = arith.constant 0 : index
    %swap3A_351 = vector.load %arg10[%swap3A_349, %swap3A_350] : memref<16x128xf32, #tpu.memory_space<vmem>>, vector<1x128xf32>
    tpu.vector_store %arg10[%swap3A_349, %swap3A_350], %max3A_348 {strides = array<i32>} : memref<16x128xf32, #tpu.memory_space<vmem>>, vector<1x128xf32>,
    %eq3A_352 = arith.constant 39 : i32
    %eq3A_353 = arith.cmpi eq, %arg0, %eq3A_352 : i32
    %convert_element_type3A_354 = arith.extui %eq3A_353 : i1 to i32
    %cond3A_355 = arith.constant 0 : i32
    %cond3A_356 = arith.cmpi ne, %convert_element_type3A_354, %cond3A_355 : i32
    scf.if %cond3A_356 {
      %get3A_357 = arith.constant 0 : index
      %get3A_358 = arith.constant 0 : index
      %get3A_359 = vector.load %arg11[%get3A_357, %get3A_358] : memref<16x128xf32, #tpu.memory_space<vmem>>, vector<16x128xf32>
      %get3A_360 = arith.constant 0 : index
      %get3A_361 = arith.constant 0 : index
      %get3A_362 = vector.load %arg12[%get3A_360, %get3A_361] : memref<16x128xf32, #tpu.memory_space<vmem>>, vector<16x128xf32>
      %max3A_363 = arith.constant 1.000000e+00 : f32
      %max3A_364 = vector.broadcast %max3A_363 : f32 to vector<16x128xf32>
      %max3A_365 = arith.maximumf %get3A_362, %max3A_364 : vector<16x128xf32>
      %div3A_366 = arith.divf %get3A_359, %max3A_365 : vector<16x128xf32>
      %get3A_367 = arith.constant 0 : index
      %get3A_368 = arith.constant 0 : index
      %get3A_369 = vector.load %arg10[%get3A_367, %get3A_368] : memref<16x128xf32, #tpu.memory_space<vmem>>, vector<16x128xf32>
      %concatenate3A = tpu.concatenate %get3A_369, %div3A_366 in 1 : vector<16x128xf32>, vector<16x128xf32> -> vector<16x256xf32>
      %swap3A_370 = arith.constant 0 : index
      %swap3A_371 = arith.constant 0 : index
      %swap3A_372 = vector.load %arg9[%swap3A_370, %swap3A_371] : memref<16x256xf32, #tpu.memory_space<vmem>>, vector<16x256xf32>
      tpu.vector_store %arg9[%swap3A_370, %swap3A_371], %concatenate3A {strides = array<i32>} : memref<16x256xf32, #tpu.memory_space<vmem>>, vector<16x256xf32>,
      %get3A_373 = arith.constant 0 : index
      %get3A_374 = arith.constant 0 : index
      %get3A_375 = vector.load %arg6[%get3A_373, %get3A_374] : memref<256x1xf32, #tpu.memory_space<vmem>>, vector<256x1xf32>
      %dot_general3A_376 = arith.constant dense<0.000000e+00> : vector<16x1xf32>
      %dot_general3A_377 = tpu.matmul %concatenate3A, %get3A_375, %dot_general3A_376 {dimension_numbers = #tpu.dot_dimension_numbers<[1], [0], [0], [1], [0, 0, 1, 1], [], []>, transpose_lhs_hint = false} : vector<16x256xf32>, vector<256x1xf32>, vector<16x1xf32> -> vector<16x1xf32>
      %get3A_378 = arith.constant 0 : index
      %get3A_379 = arith.constant 0 : index
      %get3A_380 = vector.load %arg7[%get3A_378, %get3A_379] : memref<1x1xf32, #tpu.memory_space<vmem>>, vector<1x1xf32>
      %add3A_381 = vector.broadcast %get3A_380 : vector<1x1xf32> to vector<16x1xf32>
      %add3A_382 = arith.addf %dot_general3A_377, %add3A_381 : vector<16x1xf32>
      %swap3A_383 = arith.constant 0 : index
      %swap3A_384 = arith.constant 0 : index
      %swap3A_385 = vector.load %arg8[%swap3A_383, %swap3A_384] : memref<16x1xf32, #tpu.memory_space<vmem>>, vector<16x1xf32>
      tpu.vector_store %arg8[%swap3A_383, %swap3A_384], %add3A_382 {strides = array<i32>} : memref<16x1xf32, #tpu.memory_space<vmem>>, vector<16x1xf32>,
    } else {
    }
    return
  }
  func.func @transform_0(%arg0: i32) -> (i32, i32, i32) {
    %c0_i32 = arith.constant 0 : i32
    %c0_i32_0 = arith.constant 0 : i32
    %c0_i32_1 = arith.constant 0 : i32
    return %c0_i32, %arg0, %c0_i32_0 : i32, i32, i32
  }
  func.func @transform_1(%arg0: i32) -> (i32, i32, i32) {
    %c0_i32 = arith.constant 0 : i32
    %c0_i32_0 = arith.constant 0 : i32
    %c0_i32_1 = arith.constant 0 : i32
    return %c0_i32, %arg0, %c0_i32_0 : i32, i32, i32
  }
  func.func @transform_2(%arg0: i32) -> (i32, i32) {
    %c0_i32 = arith.constant 0 : i32
    %c0_i32_0 = arith.constant 0 : i32
    return %arg0, %c0_i32 : i32, i32
  }
  func.func @transform_3(%arg0: i32) -> (i32, i32) {
    %c0_i32 = arith.constant 0 : i32
    %c0_i32_0 = arith.constant 0 : i32
    %c0_i32_1 = arith.constant 0 : i32
    return %c0_i32, %c0_i32_0 : i32, i32
  }
  func.func @transform_4(%arg0: i32) -> (i32, i32) {
    %c0_i32 = arith.constant 0 : i32
    %c0_i32_0 = arith.constant 0 : i32
    return %arg0, %c0_i32 : i32, i32
  }
  func.func @transform_5(%arg0: i32) -> (i32, i32) {
    %c0_i32 = arith.constant 0 : i32
    %c0_i32_0 = arith.constant 0 : i32
    %c0_i32_1 = arith.constant 0 : i32
    return %c0_i32, %c0_i32_0 : i32, i32
  }
  func.func @transform_6(%arg0: i32) -> (i32, i32) {
    %c0_i32 = arith.constant 0 : i32
    %c0_i32_0 = arith.constant 0 : i32
    %c0_i32_1 = arith.constant 0 : i32
    return %c0_i32, %c0_i32_0 : i32, i32
  }
  func.func @transform_7(%arg0: i32) -> (i32, i32) {
    %c0_i32 = arith.constant 0 : i32
    %c0_i32_0 = arith.constant 0 : i32
    %c0_i32_1 = arith.constant 0 : i32
    return %c0_i32, %c0_i32_0 : i32, i32
  }
  func.func @transform_8(%arg0: i32) -> (i32, i32) {
    %c0_i32 = arith.constant 0 : i32
    %c0_i32_0 = arith.constant 0 : i32
    %c0_i32_1 = arith.constant 0 : i32
    return %c0_i32, %c0_i32_0 : i32, i32
  }
}

</mosaic_0001>

<sc_bundles>
// kernel: kernel.12.cloned.1.call-start
scs
__scs_entry_jumppad:
0x0: {  	(pc) =	sbr.rel $0x88, $3  }
0x1: {  	(tag) =	ssettag $0x0;
	lr =	simm.s32 $0x1  }
0x2: {  	[smem:$0x3F94] =	sst lr;
	_ =	strace $0xD0000000  }
0x3: {  	_ = 	snop  }
0x4: {  	_ = 	snop  }
0x5: {  	_ = 	snop  }
0x6: {  	_ = 	snop  }
0x7: {  	_ = 	snop  }
__scs_overlays_trampoline_lowered:
0x8: {  	[smem:$0x3FA3] =	sst s0  }
0x9: {  	[smem:$0x3FA4] =	sst s1  }
0xa: {  	[smem:$0x3FA5] =	sst s2  }
0xb: {  	[smem:$0x3FA6] =	sst s3  }
0xc: {  	[smem:$0x3FA7] =	sst s4  }
0xd: {  	[smem:$0x3FA8] =	sst s5  }
0xe: {  	[smem:$0x3FA9] =	sst s6  }
0xf: {  	[smem:$0x3FAA] =	sst s7  }
0x10: {  	[smem:$0x3FAB] =	sst s8  }
0x11: {  	[smem:$0x3FAC] =	sst s9;
	s0 =	simm.s32 @!p0 $0x0  }
0x12: {  	s1 =	sld [smem:$0x3F92];
	s0 =	simm.s32 @p0 $0x1  }
0x13: {  	[smem:$0x3FAD] =	sst s0;
	s0 =	simm.s32 @!p1 $0x0  }
0x14: {  	s2 =	sld [smem:$0x3F91];
	s0 =	simm.s32 @p1 $0x1  }
0x15: {  	[smem:$0x3FAE] =	sst s0;
	s0 =	simm.s32 @!p2 $0x0  }
0x16: {  	s3 =	sld [smem:$0x3FDB];
	s0 =	simm.s32 @p2 $0x1  }
0x17: {  	s4 =	simm.s32 $0x1BF5;
	[smem:$0x3FB0] =	sst s0  }
0x18: {  	s0 =	sld [smem:$0x3F93];
	_ =	swait.ge [sflag:s4], $0x0  }
0x19: {  	s7 =	sld [smem:$0x3F94]  }
0x1a: {  	s8 =	sadd.s32 $0xFFFFE003, lr  }
0x1b: {  	s9 =	sadd.s32 $0xFFFFFEF7, lr;
	s5 =	simm.s32 $0xFFFFFFFF;
	p2 =	slt.u32 s8, $0xFFFFF086  }
0x1c: {  	p1 =	slt.u32 s9, $0xF7A;
	s5 =	simm.s32 @!p2 $0x0  }
0x1d: {  	s5 =	simm.s32 @p1 $0x1;
	p0 =	seq.s32 s7, s2  }
0x1e: {  	s7 =	smul.u32 @!p0 $0xF7A, s2;
	p2 =	seq.s32 @!p0 s5, $0x0  }
0x1f: {  	s9 =	smul.u32 $0xF7A, s1;
	s8 =	simm.s32 @!p0 $0x1BF5;
	p2 =	por !p2, p0  }
0x20: {  	[sflag:s8] =	ssyncset.s32 @!p0 $0xFFFFF086;
	s6 =	sadd.s32 @!p0 s3, s7;
	s7 =	simm.s32 @!p0 $0x108  }
0x21: {  	s3 =	sadd.s32 s3, s9;
	s6 =	sadd.s32 @!p0 $0x88, s6;
	s7 =	simm.s32 @p2 $0x1082  }
0x22: {  	[simem:s7], [sflag:s8] =	dma.local @!p0 [hbm:s6], $0xF7A  }
0x23: {  	s9 =	sor.u32 $0xD0000000, s2;
	s6 =	simm.s32 $0x108;
	_ =	swait.ge @!p0 [sflag:s8], $0x0  }
0x24: {  	s3 =	sadd.s32 $0x88, s3;
	s6 =	simm.s32 @!p1 $0x1082;
	[sflag:s4] =	ssyncset.s32 $0xFFFFF086  }
0x25: {  	[simem:s6], [sflag:s4] =	dma.local [hbm:s3], $0xF7A  }
0x26: {  	[smem:$0x3F94] =	sst s1;
	(tag) =	ssettag s2;
	_ =	strace s9  }
0x27: {  	s1 =	sld [smem:$0x3FA4]  }
0x28: {  	s2 =	sld [smem:$0x3FA5]  }
0x29: {  	s4 =	sld [smem:$0x3FA7]  }
0x2a: {  	p0 =	seq.s32 s5, $0x0;
	s5 =	sld [smem:$0x3FA8]  }
0x2b: {  	s6 =	sld [smem:$0x3FA9]  }
0x2c: {  	s7 =	sld [smem:$0x3FAA]  }
0x2d: {  	s3 =	simm.s32 $0x108;
	s8 =	sld [smem:$0x3FAB]  }
0x2e: {  	s3 =	simm.s32 @!p0 $0x1082;
	s9 =	sld [smem:$0x3FAC]  }
0x2f: {  	lr =	sadd.s32 s0, s3;
	s0 =	sld [smem:$0x3FA3]  }
0x30: {  	s3 =	sld [smem:$0x3FA6]  }
0x31: {  	[smem:$0x3FAF] =	sst s10  }
0x32: {  	s10 =	sld [smem:$0x3FAD];
	_ =	sdelay $0x3  }
0x33: {  	p0 =	seq.s32 s10, $0x1;
	s10 =	sld [smem:$0x3FAF];
	_ =	sdelay $0x3  }
0x34: {  	[smem:$0x3FAF] =	sst s10  }
0x35: {  	s10 =	sld [smem:$0x3FAE];
	_ =	sdelay $0x3  }
0x36: {  	p1 =	seq.s32 s10, $0x1;
	s10 =	sld [smem:$0x3FAF];
	_ =	sdelay $0x3  }
0x37: {  	[smem:$0x3FAF] =	sst s10  }
0x38: {  	s10 =	sld [smem:$0x3FB0]  }
0x39: {  	_ = 	snop;
	(pc) =	sbr.ind lr, $3  }
0x3a: {  	_ = 	snop  }
0x3b: {  	_ = 	snop  }
0x3c: {  	p2 =	seq.s32 s10, $0x1;
	s10 =	sld [smem:$0x3FAF]  }
0x3d: {  	_ =	shalt  }
0x3e: {  	_ =	shalt  }
0x3f: {  	_ =	shalt  }
0x40: {  	_ =	shalt  }
0x41: {  	_ =	shalt  }
0x42: {  	_ =	shalt  }
0x43: {  	_ =	shalt  }
0x44: {  	_ =	shalt  }
0x45: {  	_ =	shalt  }
0x46: {  	_ =	shalt  }
0x47: {  	_ =	shalt  }
0x48: {  	_ =	shalt  }
0x49: {  	_ =	shalt  }
0x4a: {  	_ =	shalt  }
0x4b: {  	_ =	shalt  }
0x4c: {  	_ =	shalt  }
0x4d: {  	_ =	shalt  }
0x4e: {  	_ =	shalt  }
0x4f: {  	_ =	shalt  }
0x50: {  	_ =	shalt  }
0x51: {  	_ =	shalt  }
0x52: {  	_ =	shalt  }
0x53: {  	_ =	shalt  }
0x54: {  	_ =	shalt  }
0x55: {  	_ =	shalt  }
0x56: {  	_ =	shalt  }
0x57: {  	_ =	shalt  }
0x58: {  	_ =	shalt  }
0x59: {  	_ =	shalt  }
0x5a: {  	_ =	shalt  }
0x5b: {  	_ =	shalt  }
0x5c: {  	_ =	shalt  }
0x5d: {  	_ =	shalt  }
0x5e: {  	_ =	shalt  }
0x5f: {  	_ =	shalt  }
0x60: {  	_ =	shalt  }
0x61: {  	_ =	shalt  }
0x62: {  	_ =	shalt  }
0x63: {  	_ =	shalt  }
0x64: {  	_ =	shalt  }
0x65: {  	_ =	shalt  }
0x66: {  	_ =	shalt  }
0x67: {  	_ =	shalt  }
0x68: {  	_ =	shalt  }
0x69: {  	_ =	shalt  }
0x6a: {  	_ =	shalt  }
0x6b: {  	_ =	shalt  }
0x6c: {  	_ =	shalt  }
0x6d: {  	_ =	shalt  }
0x6e: {  	_ =	shalt  }
0x6f: {  	_ =	shalt  }
0x70: {  	_ =	shalt  }
0x71: {  	_ =	shalt  }
0x72: {  	_ =	shalt  }
0x73: {  	_ =	shalt  }
0x74: {  	_ =	shalt  }
0x75: {  	_ =	shalt  }
0x76: {  	_ =	shalt  }
0x77: {  	_ =	shalt  }
0x78: {  	_ =	shalt  }
0x79: {  	_ =	shalt  }
0x7a: {  	_ =	shalt  }
0x7b: {  	_ =	shalt  }
0x7c: {  	_ =	shalt  }
0x7d: {  	_ =	shalt  }
0x7e: {  	_ =	shalt  }
0x7f: {  	_ =	shalt  }
0x80: {  	_ =	shalt  }
0x81: {  	_ =	shalt  }
0x82: {  	_ =	shalt  }
0x83: {  	_ =	shalt  }
0x84: {  	_ =	shalt  }
0x85: {  	_ =	shalt  }
0x86: {  	_ =	shalt  }
0x87: {  	_ =	shalt  }
.Lfunc_end0:
.L_simem_size_0:
called_computation_lowered:
.L_overlay_start_0:
0x88: {  	s2 =	sld [smem:$0x3FD9]  }
0x89: {  	s3 =	sld [smem:$0x3FFE];
	_ =	sdelay $0x1  }
0x8a: {  	s1 =	srdreg.scid  }
0x8b: {  	s0 =	sand.u32 $0x1, s1  }
0x8c: {  	s16 =	sshll.u32 s0, $0xA;
	s2 =	sadd.s32 s3, s2  }
0x8d: {  	s2 =	sadd.s32 s2, s16  }
0x8e: {  	[smem:$0x3FBB] =	sst s2  }
0x8f: {  	_ = 	snop  }
0x90: {  	(tm) =	ssettm $0x1  }
0x91: {  	s17 =	sld [smem:$0x3FFB];
	_ =	sdelay $0x3  }
0x92: {  	_ =	strace s17  }
0x93: {  	s2 =	sld [smem:$0x3FFC];
	_ =	sdelay $0x3  }
0x94: {  	_ =	strace s2  }
0x95: {  	s2 =	sld [smem:$0x3FFD];
	_ =	sdelay $0x3  }
0x96: {  	_ =	strace s2  }
0x97: {  	_ =	strace $0x8FFFFFFF  }
0x98: {  	s18 =	sld [smem:$0x3FDB];
	_ =	sdelay $0x1  }
0x99: {  	s19 =	simm.s32 $_scs_section_size  }
0x9a: {  	s4 =	simm.s32 $_size__tile_overlayer_lowered;
	s5 =	simm.s32 $_tile_overlayer_lowered  }
0x9b: {  	s22 =	simm.s32 $0x1BFF;
	s21 =	sshll.u32 s5, $0x1;
	s2 =	sadd.s32 s19, s18  }
0x9c: {  	s6 =	simm.s32 $0x0;
	s20 =	sshll.u32 s4, $0x1;
	s4 =	sadd.s32 s21, s2  }
0x9d: {  	[timem:s6], [sflag:s22] =	dma.local [hbm:s4], s20  }
0x9e: {  	_ =	swait.ge [sflag:s22], s20  }
0x9f: {  	s3 =	ssub.s32 $0x0, s20;
	[sflag:s22] =	ssyncset.done $0x0  }
0xa0: {  	[sflag:s22] =	ssyncadd.s32 s3;
	_ =	sdelay $0x1  }
0xa1: {  	s23 =	simm.s32 $0x1B8B  }
0xa2: {  	_ =	swait.ge [sflag:s23], $0x1  }
0xa3: {  	[sflag:s23] =	ssyncset.done $0x0  }
0xa4: {  	s25 =	simm.s32 $0x1B8E;
	s24 =	sld [smem:$0x3FFE];
	[sflag:s23] =	ssyncadd.s32 $0xFFFFFFFF  }
0xa5: {  	s26 =	simm.s32 $execute0_lowered;
	[smem:$0x3FD2] =	sst s25  }
0xa6: {  	s4 =	sshll.u32 s26, $0x1;
	_ =	strace $0x80000046;
	[dreg:$0x1] =	wrdreg $0xFFFFFFFF  }
0xa7: {  	s28 =	simm.s32 $_size_execute0_lowered;
	s2 =	sadd.s32 s2, s4;
	[dreg:$0x0] =	wrdreg $0x0  }
0xa8: {  	s4 =	sshll.u32 s28, $0x1;
	[dreg:$0x2] =	wrdreg s2  }
0xa9: {  	[dreg:$0x3] =	wrdreg s4  }
0xaa: {  	[dreg:$0x4] =	wrdreg $0xC0  }
0xab: {  	_ =	task [dreg:s6], $0x5FFFF  }
0xac: {  	[dreg:$0x1] =	wrdreg $0xFFFFFFFF  }
0xad: {  	[dreg:$0x0] =	wrdreg $0x60  }
0xae: {  	[dreg:$0x2] =	wrdreg s24  }
0xaf: {  	[dreg:$0x3] =	wrdreg $0x68000  }
0xb0: {  	[dreg:$0x4] =	wrdreg $0x9  }
0xb1: {  	_ =	task.clear_ibuf [dreg:s6], $0x5FFFF;
	_ =	strace $0x90000046  }
0xb2: {  	s29 =	simm.s32 $0x9;
	_ =	strace $0x80000048  }
0xb3: {  	_ =	swait.ge [sflag:s29], $0x1  }
0xb4: {  	[sflag:s29] =	ssyncadd.s32 $0xFFFFFFFF  }
0xb5: {  	_ =	strace $0x90000048  }
0xb6: {  	_ =	sfence  }
0xb7: {  	s30 =	sld [smem:$0x0];
	_ =	sdelay $0x2  }
0xb8: {  	s31 =	sshll.u32 s1, $0xD;
	s1 =	sshrl.u32 s1, $0x2  }
0xb9: {  	s3 =	sand.u32 $0x4000, s31;
	s1 =	sadd.s32 s1, s30  }
0xba: {  	s0 =	sor.u32 s3, s0;
	s1 =	sshll.u32 s1, $0x11  }
0xbb: {  	s0 =	sor.u32 s1, s0  }
0xbc: {  	s0 =	sadd.s32 $0x8F2B, s0  }
0xbd: {  	[sflag:s0] =	ssyncadd.remote.s32 $0x1  }
0xbe: {  	_ =	sfence.sel $0xFFFF  }
0xbf: {  	[dreg:$0x0] =	wrdreg $0xFFFFFFFF;
	(pc) =	sbr.abs _section_cstart, $3  }
0xc0: {  	[dreg:$0x1] =	wrdreg $0xFFFFFFFF  }
0xc1: {  	_ =	task.clear_ibuf [dreg:s6], $0x2FFFF;
	_ =	strace $0x9FFFFFFF  }
0xc2: {  	(tm) =	ssettm $0x7FFFFFFF  }
0xc3: {  	_ =	shalt  }
tec
execute0_lowered:
.L_overlay_start_1:
0x0: {  	(tag) =	ssettag $0x1  }
0x1: {  	s1 =	srdreg.scid;
	s5 =	rddreg [dreg:$0x0]  }
0x2: {  	s0 =	stileid.u32;
	s2 =	rddreg [dreg:$0x1]  }
0x3: {  	s3 =	simm.s32 $0x0;
	s13 =	simm.s32 $0x1;
	s14 =	simm.s32 $0x80  }
0x4: {  	s4 =	sand.u32 $0x1, s1;
	s26 =	sshll.u32 s0, $0x1;
	s8 =	smul.u32 $0x14000, s0  }
0x5: {  	[smem:$0x7FF] =	sst s3;
	s9 =	smul.u32 $0x50000, s0;
	s15 =	sshll.u32 s0, $0x6  }
0x6: {  	s1 =	sor.u32 s4, s26;
	s7 =	smul.u32 $0x140000, s4;
	s29 =	ssub.s32 $0x2, s4  }
0x7: {  	s15 =	sor.u32 $0x1C01, s15;
	s6 =	smul.u32 $0x500, s1;
	s1 =	rddreg [dreg:$0x2]  }
0x8: {  	_ =	strace $0x80000047;
	s30 =	sshrl.u32 s9, $0x2;
	s31 =	sshrl.u32 s29, $0x1  }
0x9: {  	s28 =	sadd.s32 s8, s7;
	s4 =	sadd.s32 s30, s2;
	s12 =	ssub.s32 s29, s31  }
0xa: {  	s10 =	sadd.s32 s6, s5;
	s6 =	sshrl.u32 s28, $0x3;
	s7 =	sadd.s32 $0xC000, s4  }
0xb: {  	s8 =	sadd.s32 $0x10000, s4;
	s16 =	sshrl.u32 s4, $0x3;
	s11 =	sadd.s32 s6, s5  }
0xc: {  	s5 =	sadd.s32 $0x4000, s4;
	s6 =	sadd.s32 $0x8000, s4;
	s9 =	sadd.s32 $0x3E00, s10  }
0xd: {  	v0 =	vimm.f32 $0.0e+00;
	v1 =	vimm.f32 $1.000000000e+00;
	s10 =	sadd.s32 $0xE000, s11;
	s11 =	smax.u32 s12, $0x1;
	s12 =	simm.s32 $0x2800  }
.LBB2_1:
0xe: {  	s17 =	simm.s32 $0x0;
	s18 =	simm.s32 $0x200  }
.LBB2_2:
0xf: {  	p0 =	sne.s32 s18, $0xFE00;
	[tilespmem:s17+$0x2870] =	vst v0  }
0x10: {  	[tilespmem:s17+$0x2800] =	vst v0  }
0x11: {  	[tilespmem:s17+$0x2810] =	vst v0  }
.Ltmp0:
0x12: {  	[tilespmem:s17+$0x2820] =	vst v0;
	(pc) =	sbr.rel @p0 .LBB2_2-.Ltmp0, $4  }
0x13: {  	[tilespmem:s17+$0x2830] =	vst v0  }
0x14: {  	[tilespmem:s17+$0x2840] =	vst v0  }
0x15: {  	[tilespmem:s17+$0x2850] =	vst v0  }
0x16: {  	[tilespmem:s17+$0x2860] =	vst v0;
	s17 =	sshra.s32 s18, $0x2;
	s18 =	sadd.s32 $0x200, s18  }
0x17: {  	[tilespmem:s17+$0x2870] =	vst v0  }
0x18: {  	[tilespmem:s17+$0x2800] =	vst v0  }
0x19: {  	[tilespmem:s17+$0x2810] =	vst v0  }
0x1a: {  	[tilespmem:s17+$0x2820] =	vst v0  }
0x1b: {  	[tilespmem:s17+$0x2830] =	vst v0  }
0x1c: {  	[tilespmem:s17+$0x2840] =	vst v0  }
0x1d: {  	[tilespmem:s17+$0x2850] =	vst v0  }
0x1e: {  	[tilespmem:s17+$0x2860] =	vst v0  }
0x1f: {  	[spmem:s4] =	stream.linear.scatter [tilespmem:s12], [sflag:$0x1], $0x4000, $0x38;
	[tilespmem:$0x1A800] =	vst v63  }
0x20: {  	_ =	swait.ge [sflag:s13], $0x4000  }
0x21: {  	[sflag:s13] =	ssyncset.done $0x0  }
0x22: {  	[sflag:s13] =	ssyncadd.s32 $0xFFFFC000  }
0x23: {  	[spmem:s5] =	stream.linear.scatter [tilespmem:s12], [sflag:$0x1], $0x4000, $0x38;
	[tilespmem:$0x1A800] =	vst v63  }
0x24: {  	_ =	swait.ge [sflag:s13], $0x4000  }
0x25: {  	[sflag:s13] =	ssyncset.done $0x0  }
0x26: {  	[sflag:s13] =	ssyncadd.s32 $0xFFFFC000  }
0x27: {  	[spmem:s6] =	stream.linear.scatter [tilespmem:s12], [sflag:$0x1], $0x4000, $0x38;
	[tilespmem:$0x1A800] =	vst v63  }
0x28: {  	_ =	swait.ge [sflag:s13], $0x4000  }
0x29: {  	[sflag:s13] =	ssyncset.done $0x0  }
0x2a: {  	[sflag:s13] =	ssyncadd.s32 $0xFFFFC000  }
0x2b: {  	[spmem:s7] =	stream.linear.scatter [tilespmem:s12], [sflag:$0x1], $0x4000, $0x38;
	[tilespmem:$0x1A800] =	vst v63  }
0x2c: {  	_ =	swait.ge [sflag:s13], $0x4000  }
0x2d: {  	[sflag:s13] =	ssyncset.done $0x0  }
0x2e: {  	[sflag:s13] =	ssyncadd.s32 $0xFFFFC000  }
0x2f: {  	[spmem:s8] =	stream.linear.scatter [tilespmem:s12], [sflag:$0x1], $0x4000, $0x38;
	[tilespmem:$0x1A800] =	vst v63  }
0x30: {  	_ =	swait.ge [sflag:s13], $0x4000  }
0x31: {  	[sflag:s13] =	ssyncset.done $0x0  }
0x32: {  	s17 =	simm.s32 $0x0;
	s18 =	simm.s32 $0x200;
	[sflag:s13] =	ssyncadd.s32 $0xFFFFC000  }
.LBB2_4:
0x33: {  	p0 =	sne.s32 s18, $0xFE00;
	[tilespmem:s17+$0x2870] =	vst v1  }
0x34: {  	[tilespmem:s17+$0x2800] =	vst v1  }
0x35: {  	[tilespmem:s17+$0x2810] =	vst v1  }
.Ltmp1:
0x36: {  	[tilespmem:s17+$0x2820] =	vst v1;
	(pc) =	sbr.rel @p0 .LBB2_4-.Ltmp1, $4  }
0x37: {  	[tilespmem:s17+$0x2830] =	vst v1  }
0x38: {  	[tilespmem:s17+$0x2840] =	vst v1  }
0x39: {  	[tilespmem:s17+$0x2850] =	vst v1  }
0x3a: {  	[tilespmem:s17+$0x2860] =	vst v1;
	s17 =	sshra.s32 s18, $0x2;
	s18 =	sadd.s32 $0x200, s18  }
0x3b: {  	[tilespmem:s17+$0x2870] =	vst v1  }
0x3c: {  	[tilespmem:s17+$0x2800] =	vst v1  }
0x3d: {  	[tilespmem:s17+$0x2810] =	vst v1  }
0x3e: {  	[tilespmem:s17+$0x2820] =	vst v1  }
0x3f: {  	[tilespmem:s17+$0x2830] =	vst v1  }
0x40: {  	[tilespmem:s17+$0x2840] =	vst v1  }
0x41: {  	[tilespmem:s17+$0x2850] =	vst v1  }
0x42: {  	[tilespmem:s17+$0x2860] =	vst v1;
	s30 =	simm.s32 $0x0  }
0x43: {  	[tilespmem:s30], [sflag:$0x1] =	stream.linear.gather [hbm4b:s9+s30], $0x2800, $0x38;
	[tilespmem:$0x1A800] =	vst v63  }
0x44: {  	_ =	swait.ge [sflag:s13], $0x2800  }
0x45: {  	[sflag:s13] =	ssyncset.done $0x0  }
0x46: {  	[sflag:s13] =	ssyncadd.s32 $0xFFFFD800  }
0x47: {  	s31 =	simm.s32 $0x0;
	[bflag:$0x0] =	sbarrier.arrive $0xFFFF  }
0x48: {  	[spmem:s2] =	stream.indirect.scatter.add.f32 [tilespmem:s12], [sflag:$0x1], $0x80, s31, s14, $0xb8;
	[tilespmem:$0x1A800] =	vst v63  }
0x49: {  	_ =	swait.ge [sflag:s13], $0x4000  }
0x4a: {  	s17 =	simm.s32 $0x200;
	[sflag:s13] =	ssyncset.done $0x0  }
.LBB2_6:
0x4b: {  	s18 =	sshra.s32 s17, $0x2;
	[sflag:s13] =	ssyncadd.s32 $0xFFFFC000;
	p0 =	sne.s32 s17, $0x9E00  }
0x4c: {  	[spmem:s2] =	stream.indirect.scatter.add.f32 [tilespmem:s12], [sflag:$0x1], $0x80, s18, s14, $0xb8;
	[tilespmem:$0x1A800] =	vst v63  }
.Ltmp2:
0x4d: {  	_ = 	snop;
	(pc) =	sbr.rel @p0 .LBB2_6-.Ltmp2, $4  }
0x4e: {  	_ = 	snop  }
0x4f: {  	s17 =	sadd.s32 $0x200, s17  }
0x50: {  	_ =	swait.ge [sflag:s13], $0x4000  }
0x51: {  	[sflag:s13] =	ssyncset.done $0x0  }
0x52: {  	s3 =	sadd.s32 $0x1, s3  }
0x53: {  	[sflag:s13] =	ssyncadd.s32 $0xFFFFC000;
	p0 =	sne.s32 s3, s11  }
.Ltmp3:
0x54: {  	[bflag:$0x0] =	sbarrier.arrive $0xFFFF;
	(pc) =	sbr.rel @p0 .LBB2_1-.Ltmp3, $4  }
0x55: {  	[hbm:s10], [sflag:s15] =	dma.local [spmem:s16], $0x2800  }
0x56: {  	_ =	swait.ge [sflag:s13], $0x2800  }
0x57: {  	[sflag:s13] =	ssyncset.done $0x0  }
0x58: {  	[sflag:s13] =	ssyncadd.s32 $0xFFFFD800  }
0x59: {  	_ =	sfence.sel $0x180000  }
0x5a: {  	[bflag:$0x0] =	sbarrier.arrive $0xFFFF  }
0x5b: {  	p0 =	sne.s32 s0, $0x0;
	_ =	strace $0x90000047  }
0x5c: {  	s0 =	sadd.s32 @!p0 $0x100000, s1;
	[bflag:$0x2] =	sbarrier.arrive $0xFFFF  }
0x5d: {  	[sflag:s0] =	ssyncadd.tile.s32 @!p0 $0x1;
	_ =	shalt  }
.Lfunc_end2:
_tile_overlayer_lowered:
.L_overlay_start_2:
0x5e: {  	(tag) =	ssettag $0x2  }
0x5f: {  	s0 =	rddreg [dreg:$0x0];
	s2 =	stileid.u32  }
0x60: {  	s1 =	rddreg [dreg:$0x1];
	p0 =	sne.s32 s2, $0x0  }
0x61: {  	s3 =	rddreg [dreg:$0x2];
	[bflag:$0x3] =	sbarrier.arrive $0xFFFF;
	s2 =	simm.s32 @!p0 $0x1C01  }
0x62: {  	[timem:s3], [sflag:s2] =	dma.local @!p0 [hbm:s0], s1  }
0x63: {  	s0 =	simm.s32 @!p0 $0x1  }
0x64: {  	_ =	swait.ge @!p0 [sflag:s0], s1  }
0x65: {  	s1 =	ssub.s32 @!p0 $0x0, s1;
	[sflag:s0] =	ssyncset.done @!p0 $0x0  }
0x66: {  	[sflag:s0] =	ssyncadd.s32 @!p0 s1  }
0x67: {  	[bflag:$0x3] =	sbarrier.arrive $0xFFFF  }
0x68: {  	_ =	shalt  }

// kernel: kernel.15.cloned.1.call-start
scs
__scs_entry_jumppad:
0x0: {  	(pc) =	sbr.rel $0x88, $3  }
0x1: {  	(tag) =	ssettag $0x0;
	lr =	simm.s32 $0x1  }
0x2: {  	[smem:$0x3F94] =	sst lr;
	_ =	strace $0xD0000000  }
0x3: {  	_ = 	snop  }
0x4: {  	_ = 	snop  }
0x5: {  	_ = 	snop  }
0x6: {  	_ = 	snop  }
0x7: {  	_ = 	snop  }
__scs_overlays_trampoline_lowered:
0x8: {  	[smem:$0x3FA3] =	sst s0  }
0x9: {  	[smem:$0x3FA4] =	sst s1  }
0xa: {  	[smem:$0x3FA5] =	sst s2  }
0xb: {  	[smem:$0x3FA6] =	sst s3  }
0xc: {  	[smem:$0x3FA7] =	sst s4  }
0xd: {  	[smem:$0x3FA8] =	sst s5  }
0xe: {  	[smem:$0x3FA9] =	sst s6  }
0xf: {  	[smem:$0x3FAA] =	sst s7  }
0x10: {  	[smem:$0x3FAB] =	sst s8  }
0x11: {  	[smem:$0x3FAC] =	sst s9;
	s0 =	simm.s32 @!p0 $0x0  }
0x12: {  	s1 =	sld [smem:$0x3F92];
	s0 =	simm.s32 @p0 $0x1  }
0x13: {  	[smem:$0x3FAD] =	sst s0;
	s0 =	simm.s32 @!p1 $0x0  }
0x14: {  	s2 =	sld [smem:$0x3F91];
	s0 =	simm.s32 @p1 $0x1  }
0x15: {  	[smem:$0x3FAE] =	sst s0;
	s0 =	simm.s32 @!p2 $0x0  }
0x16: {  	s3 =	sld [smem:$0x3FDB];
	s0 =	simm.s32 @p2 $0x1  }
0x17: {  	s4 =	simm.s32 $0x1BF5;
	[smem:$0x3FB0] =	sst s0  }
0x18: {  	s0 =	sld [smem:$0x3F93];
	_ =	swait.ge [sflag:s4], $0x0  }
0x19: {  	s7 =	sld [smem:$0x3F94]  }
0x1a: {  	s8 =	sadd.s32 $0xFFFFE003, lr  }
0x1b: {  	s9 =	sadd.s32 $0xFFFFFEF7, lr;
	s5 =	simm.s32 $0xFFFFFFFF;
	p2 =	slt.u32 s8, $0xFFFFF086  }
0x1c: {  	p1 =	slt.u32 s9, $0xF7A;
	s5 =	simm.s32 @!p2 $0x0  }
0x1d: {  	s5 =	simm.s32 @p1 $0x1;
	p0 =	seq.s32 s7, s2  }
0x1e: {  	s7 =	smul.u32 @!p0 $0xF7A, s2;
	p2 =	seq.s32 @!p0 s5, $0x0  }
0x1f: {  	s9 =	smul.u32 $0xF7A, s1;
	s8 =	simm.s32 @!p0 $0x1BF5;
	p2 =	por !p2, p0  }
0x20: {  	[sflag:s8] =	ssyncset.s32 @!p0 $0xFFFFF086;
	s6 =	sadd.s32 @!p0 s3, s7;
	s7 =	simm.s32 @!p0 $0x108  }
0x21: {  	s3 =	sadd.s32 s3, s9;
	s6 =	sadd.s32 @!p0 $0x88, s6;
	s7 =	simm.s32 @p2 $0x1082  }
0x22: {  	[simem:s7], [sflag:s8] =	dma.local @!p0 [hbm:s6], $0xF7A  }
0x23: {  	s9 =	sor.u32 $0xD0000000, s2;
	s6 =	simm.s32 $0x108;
	_ =	swait.ge @!p0 [sflag:s8], $0x0  }
0x24: {  	s3 =	sadd.s32 $0x88, s3;
	s6 =	simm.s32 @!p1 $0x1082;
	[sflag:s4] =	ssyncset.s32 $0xFFFFF086  }
0x25: {  	[simem:s6], [sflag:s4] =	dma.local [hbm:s3], $0xF7A  }
0x26: {  	[smem:$0x3F94] =	sst s1;
	(tag) =	ssettag s2;
	_ =	strace s9  }
0x27: {  	s1 =	sld [smem:$0x3FA4]  }
0x28: {  	s2 =	sld [smem:$0x3FA5]  }
0x29: {  	s4 =	sld [smem:$0x3FA7]  }
0x2a: {  	p0 =	seq.s32 s5, $0x0;
	s5 =	sld [smem:$0x3FA8]  }
0x2b: {  	s6 =	sld [smem:$0x3FA9]  }
0x2c: {  	s7 =	sld [smem:$0x3FAA]  }
0x2d: {  	s3 =	simm.s32 $0x108;
	s8 =	sld [smem:$0x3FAB]  }
0x2e: {  	s3 =	simm.s32 @!p0 $0x1082;
	s9 =	sld [smem:$0x3FAC]  }
0x2f: {  	lr =	sadd.s32 s0, s3;
	s0 =	sld [smem:$0x3FA3]  }
0x30: {  	s3 =	sld [smem:$0x3FA6]  }
0x31: {  	[smem:$0x3FAF] =	sst s10  }
0x32: {  	s10 =	sld [smem:$0x3FAD];
	_ =	sdelay $0x3  }
0x33: {  	p0 =	seq.s32 s10, $0x1;
	s10 =	sld [smem:$0x3FAF];
	_ =	sdelay $0x3  }
0x34: {  	[smem:$0x3FAF] =	sst s10  }
0x35: {  	s10 =	sld [smem:$0x3FAE];
	_ =	sdelay $0x3  }
0x36: {  	p1 =	seq.s32 s10, $0x1;
	s10 =	sld [smem:$0x3FAF];
	_ =	sdelay $0x3  }
0x37: {  	[smem:$0x3FAF] =	sst s10  }
0x38: {  	s10 =	sld [smem:$0x3FB0]  }
0x39: {  	_ = 	snop;
	(pc) =	sbr.ind lr, $3  }
0x3a: {  	_ = 	snop  }
0x3b: {  	_ = 	snop  }
0x3c: {  	p2 =	seq.s32 s10, $0x1;
	s10 =	sld [smem:$0x3FAF]  }
0x3d: {  	_ =	shalt  }
0x3e: {  	_ =	shalt  }
0x3f: {  	_ =	shalt  }
0x40: {  	_ =	shalt  }
0x41: {  	_ =	shalt  }
0x42: {  	_ =	shalt  }
0x43: {  	_ =	shalt  }
0x44: {  	_ =	shalt  }
0x45: {  	_ =	shalt  }
0x46: {  	_ =	shalt  }
0x47: {  	_ =	shalt  }
0x48: {  	_ =	shalt  }
0x49: {  	_ =	shalt  }
0x4a: {  	_ =	shalt  }
0x4b: {  	_ =	shalt  }
0x4c: {  	_ =	shalt  }
0x4d: {  	_ =	shalt  }
0x4e: {  	_ =	shalt  }
0x4f: {  	_ =	shalt  }
0x50: {  	_ =	shalt  }
0x51: {  	_ =	shalt  }
0x52: {  	_ =	shalt  }
0x53: {  	_ =	shalt  }
0x54: {  	_ =	shalt  }
0x55: {  	_ =	shalt  }
0x56: {  	_ =	shalt  }
0x57: {  	_ =	shalt  }
0x58: {  	_ =	shalt  }
0x59: {  	_ =	shalt  }
0x5a: {  	_ =	shalt  }
0x5b: {  	_ =	shalt  }
0x5c: {  	_ =	shalt  }
0x5d: {  	_ =	shalt  }
0x5e: {  	_ =	shalt  }
0x5f: {  	_ =	shalt  }
0x60: {  	_ =	shalt  }
0x61: {  	_ =	shalt  }
0x62: {  	_ =	shalt  }
0x63: {  	_ =	shalt  }
0x64: {  	_ =	shalt  }
0x65: {  	_ =	shalt  }
0x66: {  	_ =	shalt  }
0x67: {  	_ =	shalt  }
0x68: {  	_ =	shalt  }
0x69: {  	_ =	shalt  }
0x6a: {  	_ =	shalt  }
0x6b: {  	_ =	shalt  }
0x6c: {  	_ =	shalt  }
0x6d: {  	_ =	shalt  }
0x6e: {  	_ =	shalt  }
0x6f: {  	_ =	shalt  }
0x70: {  	_ =	shalt  }
0x71: {  	_ =	shalt  }
0x72: {  	_ =	shalt  }
0x73: {  	_ =	shalt  }
0x74: {  	_ =	shalt  }
0x75: {  	_ =	shalt  }
0x76: {  	_ =	shalt  }
0x77: {  	_ =	shalt  }
0x78: {  	_ =	shalt  }
0x79: {  	_ =	shalt  }
0x7a: {  	_ =	shalt  }
0x7b: {  	_ =	shalt  }
0x7c: {  	_ =	shalt  }
0x7d: {  	_ =	shalt  }
0x7e: {  	_ =	shalt  }
0x7f: {  	_ =	shalt  }
0x80: {  	_ =	shalt  }
0x81: {  	_ =	shalt  }
0x82: {  	_ =	shalt  }
0x83: {  	_ =	shalt  }
0x84: {  	_ =	shalt  }
0x85: {  	_ =	shalt  }
0x86: {  	_ =	shalt  }
0x87: {  	_ =	shalt  }
.Lfunc_end0:
.L_simem_size_0:
called_computation.1_lowered:
.L_overlay_start_0:
0x88: {  	s2 =	sld [smem:$0x3FD9]  }
0x89: {  	s3 =	sld [smem:$0x3FFE];
	_ =	sdelay $0x1  }
0x8a: {  	s1 =	srdreg.scid  }
0x8b: {  	s0 =	sand.u32 $0x1, s1  }
0x8c: {  	s16 =	sshll.u32 s0, $0xA;
	s2 =	sadd.s32 s3, s2  }
0x8d: {  	s2 =	sadd.s32 s2, s16  }
0x8e: {  	[smem:$0x3FBB] =	sst s2  }
0x8f: {  	_ = 	snop  }
0x90: {  	(tm) =	ssettm $0x1  }
0x91: {  	s17 =	sld [smem:$0x3FFB];
	_ =	sdelay $0x3  }
0x92: {  	_ =	strace s17  }
0x93: {  	s2 =	sld [smem:$0x3FFC];
	_ =	sdelay $0x3  }
0x94: {  	_ =	strace s2  }
0x95: {  	s2 =	sld [smem:$0x3FFD];
	_ =	sdelay $0x3  }
0x96: {  	_ =	strace s2  }
0x97: {  	_ =	strace $0x8FFFFFFF  }
0x98: {  	s18 =	sld [smem:$0x3FDB];
	_ =	sdelay $0x1  }
0x99: {  	s19 =	simm.s32 $_scs_section_size  }
0x9a: {  	s4 =	simm.s32 $_size__tile_overlayer_lowered;
	s5 =	simm.s32 $_tile_overlayer_lowered  }
0x9b: {  	s22 =	simm.s32 $0x1BFF;
	s21 =	sshll.u32 s5, $0x1;
	s2 =	sadd.s32 s19, s18  }
0x9c: {  	s6 =	simm.s32 $0x0;
	s20 =	sshll.u32 s4, $0x1;
	s4 =	sadd.s32 s21, s2  }
0x9d: {  	[timem:s6], [sflag:s22] =	dma.local [hbm:s4], s20  }
0x9e: {  	_ =	swait.ge [sflag:s22], s20  }
0x9f: {  	s3 =	ssub.s32 $0x0, s20;
	[sflag:s22] =	ssyncset.done $0x0  }
0xa0: {  	[sflag:s22] =	ssyncadd.s32 s3;
	_ =	sdelay $0x1  }
0xa1: {  	s23 =	simm.s32 $0x1B8B  }
0xa2: {  	_ =	swait.ge [sflag:s23], $0x1  }
0xa3: {  	[sflag:s23] =	ssyncset.done $0x0  }
0xa4: {  	s25 =	simm.s32 $0x1B8E;
	s24 =	sld [smem:$0x3FFE];
	[sflag:s23] =	ssyncadd.s32 $0xFFFFFFFF  }
0xa5: {  	s26 =	simm.s32 $execute0_lowered;
	[smem:$0x3FD2] =	sst s25  }
0xa6: {  	s4 =	sshll.u32 s26, $0x1;
	_ =	strace $0x80000049;
	[dreg:$0x1] =	wrdreg $0xFFFFFFFF  }
0xa7: {  	s28 =	simm.s32 $_size_execute0_lowered;
	s2 =	sadd.s32 s2, s4;
	[dreg:$0x0] =	wrdreg $0x0  }
0xa8: {  	s4 =	sshll.u32 s28, $0x1;
	[dreg:$0x2] =	wrdreg s2  }
0xa9: {  	[dreg:$0x3] =	wrdreg s4  }
0xaa: {  	[dreg:$0x4] =	wrdreg $0xC0  }
0xab: {  	_ =	task [dreg:s6], $0x5FFFF  }
0xac: {  	[dreg:$0x1] =	wrdreg $0xFFFFFFFF  }
0xad: {  	[dreg:$0x0] =	wrdreg $0x60  }
0xae: {  	[dreg:$0x2] =	wrdreg s24  }
0xaf: {  	[dreg:$0x3] =	wrdreg $0xAC000  }
0xb0: {  	[dreg:$0x4] =	wrdreg $0x9  }
0xb1: {  	_ =	task.clear_ibuf [dreg:s6], $0x5FFFF;
	_ =	strace $0x90000049  }
0xb2: {  	s29 =	simm.s32 $0x9;
	_ =	strace $0x8000004B  }
0xb3: {  	_ =	swait.ge [sflag:s29], $0x1  }
0xb4: {  	[sflag:s29] =	ssyncadd.s32 $0xFFFFFFFF  }
0xb5: {  	_ =	strace $0x9000004B  }
0xb6: {  	_ =	sfence  }
0xb7: {  	s30 =	sld [smem:$0x0];
	_ =	sdelay $0x2  }
0xb8: {  	s31 =	sshll.u32 s1, $0xD;
	s1 =	sshrl.u32 s1, $0x2  }
0xb9: {  	s3 =	sand.u32 $0x4000, s31;
	s1 =	sadd.s32 s1, s30  }
0xba: {  	s0 =	sor.u32 s3, s0;
	s1 =	sshll.u32 s1, $0x11  }
0xbb: {  	s0 =	sor.u32 s1, s0  }
0xbc: {  	s0 =	sadd.s32 $0x8F2B, s0  }
0xbd: {  	[sflag:s0] =	ssyncadd.remote.s32 $0x1  }
0xbe: {  	_ =	sfence.sel $0xFFFF  }
0xbf: {  	[dreg:$0x0] =	wrdreg $0xFFFFFFFF;
	(pc) =	sbr.abs _section_cstart, $3  }
0xc0: {  	[dreg:$0x1] =	wrdreg $0xFFFFFFFF  }
0xc1: {  	_ =	task.clear_ibuf [dreg:s6], $0x2FFFF;
	_ =	strace $0x9FFFFFFF  }
0xc2: {  	(tm) =	ssettm $0x7FFFFFFF  }
0xc3: {  	_ =	shalt  }
tec
execute0_lowered:
.L_overlay_start_1:
0x0: {  	(tag) =	ssettag $0x1  }
0x1: {  	s5 =	rddreg [dreg:$0x0];
	s0 =	srdreg.scid  }
0x2: {  	s2 =	rddreg [dreg:$0x1];
	s1 =	stileid.u32  }
0x3: {  	s3 =	simm.s32 $0x0;
	s17 =	simm.s32 $0x3;
	s18 =	simm.s32 $0x1800  }
0x4: {  	s19 =	simm.s32 $0x80;
	s20 =	simm.s32 $0x1;
	s21 =	simm.s32 $0x6C00  }
0x5: {  	s22 =	simm.s32 $0x2;
	s6 =	sand.u32 $0x1, s0;
	s0 =	rddreg [dreg:$0x2]  }
0x6: {  	s8 =	smul.u32 $0x14000, s1;
	[smem:$0x7FF] =	sst s3;
	s4 =	sadd.s32 $0xE000, s5  }
0x7: {  	s12 =	sadd.s32 $0x5E000, s5;
	s26 =	smul.u32 $0x50000, s1;
	s28 =	sshll.u32 s1, $0x1  }
0x8: {  	s13 =	sadd.s32 $0x3E00, s5;
	s7 =	smul.u32 $0x140000, s6;
	s9 =	sor.u32 s6, s28  }
0x9: {  	_ =	strace $0x8000004A;
	s29 =	ssub.s32 $0x2, s6;
	s10 =	smul.u32 $0x2800, s9  }
0xa: {  	s31 =	sshrl.u32 s29, $0x1;
	s11 =	smul.u32 $0x500, s9;
	s7 =	sadd.s32 s8, s7  }
0xb: {  	s30 =	sshrl.u32 s26, $0x2;
	s15 =	ssub.s32 s29, s31;
	s7 =	sshrl.u32 s7, $0x3  }
0xc: {  	s16 =	sshrl.u32 s10, $0x3;
	s10 =	sadd.s32 s12, s11;
	s11 =	sadd.s32 s13, s11  }
0xd: {  	s15 =	smax.u32 s15, $0x1;
	s14 =	sadd.s32 s7, s5;
	s5 =	sadd.s32 s30, s2  }
0xe: {  	s16 =	sadd.s32 $0x280, s16;
	s6 =	sadd.s32 $0x4000, s5;
	s7 =	sadd.s32 $0x8000, s5  }
0xf: {  	s8 =	sadd.s32 $0xC000, s5;
	s9 =	sadd.s32 $0x10000, s5;
	s12 =	sadd.s32 s12, s16  }
0x10: {  	v0 =	vimm.f32 $0.0e+00;
	s13 =	sadd.s32 s13, s16;
	s14 =	sadd.s32 $0x68200, s14;
	s16 =	simm.s32 $0x2C00  }
.LBB2_1:
0x11: {  	s23 =	simm.s32 $0x0;
	s24 =	simm.s32 $0x200  }
.LBB2_2:
0x12: {  	p0 =	sne.s32 s24, $0xFE00;
	[tilespmem:s23+$0x2C70] =	vst v0  }
0x13: {  	[tilespmem:s23+$0x2C00] =	vst v0  }
0x14: {  	[tilespmem:s23+$0x2C10] =	vst v0  }
.Ltmp0:
0x15: {  	[tilespmem:s23+$0x2C20] =	vst v0;
	(pc) =	sbr.rel @p0 .LBB2_2-.Ltmp0, $4  }
0x16: {  	[tilespmem:s23+$0x2C30] =	vst v0  }
0x17: {  	[tilespmem:s23+$0x2C40] =	vst v0  }
0x18: {  	[tilespmem:s23+$0x2C50] =	vst v0  }
0x19: {  	[tilespmem:s23+$0x2C60] =	vst v0;
	s23 =	sshra.s32 s24, $0x2;
	s24 =	sadd.s32 $0x200, s24  }
0x1a: {  	[tilespmem:s23+$0x2C70] =	vst v0  }
0x1b: {  	[tilespmem:s23+$0x2C00] =	vst v0  }
0x1c: {  	[tilespmem:s23+$0x2C10] =	vst v0  }
0x1d: {  	[tilespmem:s23+$0x2C20] =	vst v0  }
0x1e: {  	[tilespmem:s23+$0x2C30] =	vst v0  }
0x1f: {  	[tilespmem:s23+$0x2C40] =	vst v0  }
0x20: {  	[tilespmem:s23+$0x2C50] =	vst v0  }
0x21: {  	[tilespmem:s23+$0x2C60] =	vst v0  }
0x22: {  	[spmem:s5] =	stream.linear.scatter [tilespmem:s16], [sflag:$0x3], $0x4000, $0x38;
	[tilespmem:$0x1EC00] =	vst v63  }
0x23: {  	_ =	swait.ge [sflag:s17], $0x4000  }
0x24: {  	[sflag:s17] =	ssyncset.done $0x0  }
0x25: {  	[sflag:s17] =	ssyncadd.s32 $0xFFFFC000  }
0x26: {  	[spmem:s6] =	stream.linear.scatter [tilespmem:s16], [sflag:$0x3], $0x4000, $0x38;
	[tilespmem:$0x1EC00] =	vst v63  }
0x27: {  	_ =	swait.ge [sflag:s17], $0x4000  }
0x28: {  	[sflag:s17] =	ssyncset.done $0x0  }
0x29: {  	[sflag:s17] =	ssyncadd.s32 $0xFFFFC000  }
0x2a: {  	[spmem:s7] =	stream.linear.scatter [tilespmem:s16], [sflag:$0x3], $0x4000, $0x38;
	[tilespmem:$0x1EC00] =	vst v63  }
0x2b: {  	_ =	swait.ge [sflag:s17], $0x4000  }
0x2c: {  	[sflag:s17] =	ssyncset.done $0x0  }
0x2d: {  	[sflag:s17] =	ssyncadd.s32 $0xFFFFC000  }
0x2e: {  	[spmem:s8] =	stream.linear.scatter [tilespmem:s16], [sflag:$0x3], $0x4000, $0x38;
	[tilespmem:$0x1EC00] =	vst v63  }
0x2f: {  	_ =	swait.ge [sflag:s17], $0x4000  }
0x30: {  	[sflag:s17] =	ssyncset.done $0x0  }
0x31: {  	[sflag:s17] =	ssyncadd.s32 $0xFFFFC000  }
0x32: {  	[spmem:s9] =	stream.linear.scatter [tilespmem:s16], [sflag:$0x3], $0x4000, $0x38;
	[tilespmem:$0x1EC00] =	vst v63  }
0x33: {  	_ =	swait.ge [sflag:s17], $0x4000  }
0x34: {  	[sflag:s17] =	ssyncset.done $0x0  }
0x35: {  	s26 =	simm.s32 $0x0;
	[sflag:s17] =	ssyncadd.s32 $0xFFFFC000  }
0x36: {  	[tilespmem:s26], [sflag:$0x3] =	stream.linear.gather [hbm4b:s10+s26], $0x1800, $0x38;
	[tilespmem:$0x1EC00] =	vst v63  }
0x37: {  	_ =	swait.ge [sflag:s17], $0x1800  }
0x38: {  	[sflag:s17] =	ssyncset.done $0x0  }
0x39: {  	[sflag:s17] =	ssyncadd.s32 $0xFFFFE800  }
0x3a: {  	[tilespmem:s18], [sflag:$0x3] =	stream.linear.gather [hbm4b:s11+s26], $0x1400, $0x38;
	[tilespmem:$0x1EC00] =	vst v63  }
0x3b: {  	_ =	swait.ge [sflag:s17], $0x1400  }
0x3c: {  	[sflag:s17] =	ssyncset.done $0x0  }
0x3d: {  	[sflag:s17] =	ssyncadd.s32 $0xFFFFEC00  }
0x3e: {  	[tilespmem:s16], [sflag:$0x1] =	stream.indirect.gather [hbm4b:s4+s19], $0x80, s26, s19, $0xb8;
	[tilespmem:$0x1EC00] =	vst v63  }
0x3f: {  	[bflag:$0x0] =	sbarrier.arrive $0xFFFF  }
0x40: {  	_ =	swait.ge [sflag:s20], $0x4000  }
0x41: {  	[sflag:s20] =	ssyncset.done $0x0  }
0x42: {  	s28 =	simm.s32 $0x80;
	[sflag:s20] =	ssyncadd.s32 $0xFFFFC000  }
0x43: {  	[tilespmem:s21], [sflag:$0x2] =	stream.indirect.gather [hbm4b:s4+s19], $0x80, s28, s19, $0xb8;
	[tilespmem:$0x1EC00] =	vst v63  }
0x44: {  	s29 =	simm.s32 $0x1800  }
0x45: {  	[spmem:s2] =	stream.indirect.scatter.add.f32 [tilespmem:s16], [sflag:$0x3], $0x80, s29, s19, $0xb8;
	[tilespmem:$0x1EC00] =	vst v63  }
0x46: {  	_ =	swait.ge [sflag:s17], $0x4000  }
0x47: {  	[sflag:s17] =	ssyncset.done $0x0  }
0x48: {  	[sflag:s17] =	ssyncadd.s32 $0xFFFFC000  }
0x49: {  	_ =	swait.ge [sflag:s22], $0x4000  }
0x4a: {  	[sflag:s22] =	ssyncset.done $0x0  }
0x4b: {  	s30 =	simm.s32 $0x100;
	[sflag:s22] =	ssyncadd.s32 $0xFFFFC000  }
0x4c: {  	[tilespmem:s16], [sflag:$0x1] =	stream.indirect.gather [hbm4b:s4+s19], $0x80, s30, s19, $0xb8;
	[tilespmem:$0x1EC00] =	vst v63  }
0x4d: {  	s31 =	simm.s32 $0x1880  }
0x4e: {  	[spmem:s2] =	stream.indirect.scatter.add.f32 [tilespmem:s21], [sflag:$0x3], $0x80, s31, s19, $0xb8;
	[tilespmem:$0x1EC00] =	vst v63  }
0x4f: {  	_ =	swait.ge [sflag:s17], $0x4000  }
0x50: {  	[sflag:s17] =	ssyncset.done $0x0  }
0x51: {  	[sflag:s17] =	ssyncadd.s32 $0xFFFFC000  }
0x52: {  	_ =	swait.ge [sflag:s20], $0x4000  }
0x53: {  	s24 =	simm.s32 $0x800;
	s23 =	simm.s32 $0x100;
	[sflag:s20] =	ssyncset.done $0x0  }
.LBB2_4:
0x54: {  	s25 =	sadd.s32 $0x80, s23  }
0x55: {  	[sflag:s20] =	ssyncadd.s32 $0xFFFFC000;
	s26 =	smov.u32 s24;
	s28 =	sadd.s32 $0x400, s24  }
0x56: {  	[tilespmem:s21], [sflag:$0x2] =	stream.indirect.gather [hbm4b:s4+s19], $0x80, s25, s19, $0xb8;
	[tilespmem:$0x1EC00] =	vst v63  }
0x57: {  	p0 =	sne.s32 s24, $0x4C00;
	s24 =	sadd.s32 $0x1800, s23  }
0x58: {  	[spmem:s2] =	stream.indirect.scatter.add.f32 [tilespmem:s16], [sflag:$0x3], $0x80, s24, s19, $0xb8;
	[tilespmem:$0x1EC00] =	vst v63  }
0x59: {  	_ =	swait.ge [sflag:s17], $0x4000  }
0x5a: {  	[sflag:s17] =	ssyncset.done $0x0  }
0x5b: {  	[sflag:s17] =	ssyncadd.s32 $0xFFFFC000  }
0x5c: {  	_ =	swait.ge [sflag:s22], $0x4000  }
0x5d: {  	[sflag:s22] =	ssyncset.done $0x0  }
0x5e: {  	s24 =	sadd.s32 $0x100, s23;
	[sflag:s22] =	ssyncadd.s32 $0xFFFFC000  }
0x5f: {  	[tilespmem:s16], [sflag:$0x1] =	stream.indirect.gather [hbm4b:s4+s19], $0x80, s24, s19, $0xb8;
	[tilespmem:$0x1EC00] =	vst v63  }
0x60: {  	s23 =	sadd.s32 $0x1880, s23  }
0x61: {  	[spmem:s2] =	stream.indirect.scatter.add.f32 [tilespmem:s21], [sflag:$0x3], $0x80, s23, s19, $0xb8;
	[tilespmem:$0x1EC00] =	vst v63  }
.Ltmp1:
0x62: {  	_ =	swait.ge [sflag:s17], $0x4000;
	(pc) =	sbr.rel @p0 .LBB2_4-.Ltmp1, $4  }
0x63: {  	[sflag:s17] =	ssyncset.done $0x0  }
0x64: {  	[sflag:s17] =	ssyncadd.s32 $0xFFFFC000  }
0x65: {  	_ =	swait.ge [sflag:s20], $0x4000  }
0x66: {  	s24 =	smov.u32 s28;
	s23 =	sshra.s32 s26, $0x2;
	[sflag:s20] =	ssyncset.done $0x0  }
0x67: {  	s24 =	sadd.s32 $0x80, s23;
	[sflag:s20] =	ssyncadd.s32 $0xFFFFC000  }
0x68: {  	[tilespmem:s21], [sflag:$0x2] =	stream.indirect.gather [hbm4b:s4+s19], $0x80, s24, s19, $0xb8;
	[tilespmem:$0x1EC00] =	vst v63  }
0x69: {  	s30 =	sadd.s32 $0x1800, s23  }
0x6a: {  	[spmem:s2] =	stream.indirect.scatter.add.f32 [tilespmem:s16], [sflag:$0x3], $0x80, s30, s19, $0xb8;
	[tilespmem:$0x1EC00] =	vst v63  }
0x6b: {  	_ =	swait.ge [sflag:s17], $0x4000  }
0x6c: {  	[sflag:s17] =	ssyncset.done $0x0  }
0x6d: {  	[sflag:s17] =	ssyncadd.s32 $0xFFFFC000  }
0x6e: {  	_ =	swait.ge [sflag:s22], $0x4000  }
0x6f: {  	[sflag:s22] =	ssyncset.done $0x0  }
0x70: {  	s31 =	sadd.s32 $0x100, s23;
	[sflag:s22] =	ssyncadd.s32 $0xFFFFC000  }
0x71: {  	[tilespmem:s16], [sflag:$0x1] =	stream.indirect.gather [hbm4b:s4+s19], $0x80, s31, s19, $0xb8;
	[tilespmem:$0x1EC00] =	vst v63  }
0x72: {  	s25 =	sadd.s32 $0x1880, s23  }
0x73: {  	[spmem:s2] =	stream.indirect.scatter.add.f32 [tilespmem:s21], [sflag:$0x3], $0x80, s25, s19, $0xb8;
	[tilespmem:$0x1EC00] =	vst v63  }
0x74: {  	_ =	swait.ge [sflag:s17], $0x4000  }
0x75: {  	[sflag:s17] =	ssyncset.done $0x0  }
0x76: {  	[sflag:s17] =	ssyncadd.s32 $0xFFFFC000  }
0x77: {  	_ =	swait.ge [sflag:s20], $0x4000  }
0x78: {  	[sflag:s20] =	ssyncset.done $0x0  }
0x79: {  	s26 =	simm.s32 $0x0;
	[sflag:s20] =	ssyncadd.s32 $0xFFFFC000  }
0x7a: {  	[tilespmem:s26], [sflag:$0x3] =	stream.linear.gather [hbm4b:s12+s26], $0x1800, $0x38;
	[tilespmem:$0x1EC00] =	vst v63  }
0x7b: {  	_ =	swait.ge [sflag:s17], $0x1800  }
0x7c: {  	[sflag:s17] =	ssyncset.done $0x0  }
0x7d: {  	[sflag:s17] =	ssyncadd.s32 $0xFFFFE800  }
0x7e: {  	[tilespmem:s18], [sflag:$0x3] =	stream.linear.gather [hbm4b:s13+s26], $0x1400, $0x38;
	[tilespmem:$0x1EC00] =	vst v63  }
0x7f: {  	_ =	swait.ge [sflag:s17], $0x1400  }
0x80: {  	[sflag:s17] =	ssyncset.done $0x0  }
0x81: {  	s28 =	simm.s32 $0x80;
	[sflag:s17] =	ssyncadd.s32 $0xFFFFEC00  }
0x82: {  	[tilespmem:s21], [sflag:$0x2] =	stream.indirect.gather [hbm4b:s4+s19], $0x80, s28, s19, $0xb8;
	[tilespmem:$0x1EC00] =	vst v63  }
0x83: {  	s29 =	simm.s32 $0x1800  }
0x84: {  	[spmem:s2] =	stream.indirect.scatter.add.f32 [tilespmem:s16], [sflag:$0x3], $0x80, s29, s19, $0xb8;
	[tilespmem:$0x1EC00] =	vst v63  }
0x85: {  	_ =	swait.ge [sflag:s17], $0x4000  }
0x86: {  	[sflag:s17] =	ssyncset.done $0x0  }
0x87: {  	[sflag:s17] =	ssyncadd.s32 $0xFFFFC000  }
0x88: {  	_ =	swait.ge [sflag:s22], $0x4000  }
0x89: {  	[sflag:s22] =	ssyncset.done $0x0  }
0x8a: {  	s30 =	simm.s32 $0x100;
	[sflag:s22] =	ssyncadd.s32 $0xFFFFC000  }
0x8b: {  	[tilespmem:s16], [sflag:$0x1] =	stream.indirect.gather [hbm4b:s4+s19], $0x80, s30, s19, $0xb8;
	[tilespmem:$0x1EC00] =	vst v63  }
0x8c: {  	s31 =	simm.s32 $0x1880  }
0x8d: {  	[spmem:s2] =	stream.indirect.scatter.add.f32 [tilespmem:s21], [sflag:$0x3], $0x80, s31, s19, $0xb8;
	[tilespmem:$0x1EC00] =	vst v63  }
0x8e: {  	_ =	swait.ge [sflag:s17], $0x4000  }
0x8f: {  	[sflag:s17] =	ssyncset.done $0x0  }
0x90: {  	[sflag:s17] =	ssyncadd.s32 $0xFFFFC000  }
0x91: {  	_ =	swait.ge [sflag:s20], $0x4000  }
0x92: {  	s23 =	simm.s32 $0x100;
	s24 =	simm.s32 $0x800;
	[sflag:s20] =	ssyncset.done $0x0  }
.LBB2_6:
0x93: {  	s25 =	sadd.s32 $0x80, s23  }
0x94: {  	[sflag:s20] =	ssyncadd.s32 $0xFFFFC000;
	s26 =	smov.u32 s24;
	s28 =	sadd.s32 $0x400, s24  }
0x95: {  	[tilespmem:s21], [sflag:$0x2] =	stream.indirect.gather [hbm4b:s4+s19], $0x80, s25, s19, $0xb8;
	[tilespmem:$0x1EC00] =	vst v63  }
0x96: {  	p0 =	sne.s32 s24, $0x4C00;
	s24 =	sadd.s32 $0x1800, s23  }
0x97: {  	[spmem:s2] =	stream.indirect.scatter.add.f32 [tilespmem:s16], [sflag:$0x3], $0x80, s24, s19, $0xb8;
	[tilespmem:$0x1EC00] =	vst v63  }
0x98: {  	_ =	swait.ge [sflag:s17], $0x4000  }
0x99: {  	[sflag:s17] =	ssyncset.done $0x0  }
0x9a: {  	[sflag:s17] =	ssyncadd.s32 $0xFFFFC000  }
0x9b: {  	_ =	swait.ge [sflag:s22], $0x4000  }
0x9c: {  	[sflag:s22] =	ssyncset.done $0x0  }
0x9d: {  	s24 =	sadd.s32 $0x100, s23;
	[sflag:s22] =	ssyncadd.s32 $0xFFFFC000  }
0x9e: {  	[tilespmem:s16], [sflag:$0x1] =	stream.indirect.gather [hbm4b:s4+s19], $0x80, s24, s19, $0xb8;
	[tilespmem:$0x1EC00] =	vst v63  }
0x9f: {  	s23 =	sadd.s32 $0x1880, s23  }
0xa0: {  	[spmem:s2] =	stream.indirect.scatter.add.f32 [tilespmem:s21], [sflag:$0x3], $0x80, s23, s19, $0xb8;
	[tilespmem:$0x1EC00] =	vst v63  }
.Ltmp2:
0xa1: {  	_ =	swait.ge [sflag:s17], $0x4000;
	(pc) =	sbr.rel @p0 .LBB2_6-.Ltmp2, $4  }
0xa2: {  	[sflag:s17] =	ssyncset.done $0x0  }
0xa3: {  	[sflag:s17] =	ssyncadd.s32 $0xFFFFC000  }
0xa4: {  	_ =	swait.ge [sflag:s20], $0x4000  }
0xa5: {  	s24 =	smov.u32 s28;
	s23 =	sshra.s32 s26, $0x2;
	[sflag:s20] =	ssyncset.done $0x0  }
0xa6: {  	s24 =	sadd.s32 $0x80, s23;
	[sflag:s20] =	ssyncadd.s32 $0xFFFFC000  }
0xa7: {  	[tilespmem:s21], [sflag:$0x2] =	stream.indirect.gather [hbm4b:s4+s19], $0x80, s24, s19, $0xb8;
	[tilespmem:$0x1EC00] =	vst v63  }
0xa8: {  	s26 =	sadd.s32 $0x1800, s23  }
0xa9: {  	[spmem:s2] =	stream.indirect.scatter.add.f32 [tilespmem:s16], [sflag:$0x3], $0x80, s26, s19, $0xb8;
	[tilespmem:$0x1EC00] =	vst v63  }
0xaa: {  	_ =	swait.ge [sflag:s17], $0x4000  }
0xab: {  	[sflag:s17] =	ssyncset.done $0x0  }
0xac: {  	[sflag:s17] =	ssyncadd.s32 $0xFFFFC000  }
0xad: {  	_ =	swait.ge [sflag:s22], $0x4000  }
0xae: {  	[sflag:s22] =	ssyncset.done $0x0  }
0xaf: {  	s28 =	sadd.s32 $0x100, s23;
	[sflag:s22] =	ssyncadd.s32 $0xFFFFC000  }
0xb0: {  	[tilespmem:s16], [sflag:$0x1] =	stream.indirect.gather [hbm4b:s4+s19], $0x80, s28, s19, $0xb8;
	[tilespmem:$0x1EC00] =	vst v63  }
0xb1: {  	s29 =	sadd.s32 $0x1880, s23  }
0xb2: {  	[spmem:s2] =	stream.indirect.scatter.add.f32 [tilespmem:s21], [sflag:$0x3], $0x80, s29, s19, $0xb8;
	[tilespmem:$0x1EC00] =	vst v63  }
0xb3: {  	_ =	swait.ge [sflag:s17], $0x4000  }
0xb4: {  	[sflag:s17] =	ssyncset.done $0x0  }
0xb5: {  	[sflag:s17] =	ssyncadd.s32 $0xFFFFC000  }
0xb6: {  	_ =	swait.ge [sflag:s20], $0x4000  }
0xb7: {  	s30 =	sshll.u32 s1, $0x6;
	s3 =	sadd.s32 $0x1, s3;
	[sflag:s20] =	ssyncset.done $0x0  }
0xb8: {  	s31 =	sshrl.u32 s5, $0x3;
	p0 =	sne.s32 s3, s15;
	[sflag:s20] =	ssyncadd.s32 $0xFFFFC000  }
.Ltmp3:
0xb9: {  	s23 =	sor.u32 $0x1C03, s30;
	[bflag:$0x0] =	sbarrier.arrive $0xFFFF;
	(pc) =	sbr.rel @p0 .LBB2_1-.Ltmp3, $4  }
0xba: {  	[hbm:s14], [sflag:s23] =	dma.local [spmem:s31], $0x2800  }
0xbb: {  	_ =	swait.ge [sflag:s17], $0x2800  }
0xbc: {  	[sflag:s17] =	ssyncset.done $0x0  }
0xbd: {  	[sflag:s17] =	ssyncadd.s32 $0xFFFFD800  }
0xbe: {  	_ =	sfence.sel $0x180000  }
0xbf: {  	[bflag:$0x0] =	sbarrier.arrive $0xFFFF  }
0xc0: {  	p0 =	sne.s32 s1, $0x0;
	_ =	strace $0x9000004A  }
0xc1: {  	s0 =	sadd.s32 @!p0 $0x100000, s0;
	[bflag:$0x2] =	sbarrier.arrive $0xFFFF  }
0xc2: {  	[sflag:s0] =	ssyncadd.tile.s32 @!p0 $0x1;
	_ =	shalt  }
.Lfunc_end2:
_tile_overlayer_lowered:
.L_overlay_start_2:
0xc3: {  	(tag) =	ssettag $0x2  }
0xc4: {  	s0 =	rddreg [dreg:$0x0];
	s2 =	stileid.u32  }
0xc5: {  	s1 =	rddreg [dreg:$0x1];
	p0 =	sne.s32 s2, $0x0  }
0xc6: {  	s3 =	rddreg [dreg:$0x2];
	[bflag:$0x3] =	sbarrier.arrive $0xFFFF;
	s2 =	simm.s32 @!p0 $0x1C03  }
0xc7: {  	[timem:s3], [sflag:s2] =	dma.local @!p0 [hbm:s0], s1  }
0xc8: {  	s0 =	simm.s32 @!p0 $0x3  }
0xc9: {  	_ =	swait.ge @!p0 [sflag:s0], s1  }
0xca: {  	s1 =	ssub.s32 @!p0 $0x0, s1;
	[sflag:s0] =	ssyncset.done @!p0 $0x0  }
0xcb: {  	[sflag:s0] =	ssyncadd.s32 @!p0 s1  }
0xcc: {  	[bflag:$0x3] =	sbarrier.arrive $0xFFFF  }
0xcd: {  	_ =	shalt  }

// kernel: kernel.18.cloned.1.call-start
scs
__scs_entry_jumppad:
0x0: {  	(pc) =	sbr.rel $0x88, $3  }
0x1: {  	(tag) =	ssettag $0x0;
	lr =	simm.s32 $0x1  }
0x2: {  	[smem:$0x3F94] =	sst lr;
	_ =	strace $0xD0000000  }
0x3: {  	_ = 	snop  }
0x4: {  	_ = 	snop  }
0x5: {  	_ = 	snop  }
0x6: {  	_ = 	snop  }
0x7: {  	_ = 	snop  }
__scs_overlays_trampoline_lowered:
0x8: {  	[smem:$0x3FA3] =	sst s0  }
0x9: {  	[smem:$0x3FA4] =	sst s1  }
0xa: {  	[smem:$0x3FA5] =	sst s2  }
0xb: {  	[smem:$0x3FA6] =	sst s3  }
0xc: {  	[smem:$0x3FA7] =	sst s4  }
0xd: {  	[smem:$0x3FA8] =	sst s5  }
0xe: {  	[smem:$0x3FA9] =	sst s6  }
0xf: {  	[smem:$0x3FAA] =	sst s7  }
0x10: {  	[smem:$0x3FAB] =	sst s8  }
0x11: {  	[smem:$0x3FAC] =	sst s9;
	s0 =	simm.s32 @!p0 $0x0  }
0x12: {  	s1 =	sld [smem:$0x3F92];
	s0 =	simm.s32 @p0 $0x1  }
0x13: {  	[smem:$0x3FAD] =	sst s0;
	s0 =	simm.s32 @!p1 $0x0  }
0x14: {  	s2 =	sld [smem:$0x3F91];
	s0 =	simm.s32 @p1 $0x1  }
0x15: {  	[smem:$0x3FAE] =	sst s0;
	s0 =	simm.s32 @!p2 $0x0  }
0x16: {  	s3 =	sld [smem:$0x3FDB];
	s0 =	simm.s32 @p2 $0x1  }
0x17: {  	s4 =	simm.s32 $0x1BF5;
	[smem:$0x3FB0] =	sst s0  }
0x18: {  	s0 =	sld [smem:$0x3F93];
	_ =	swait.ge [sflag:s4], $0x0  }
0x19: {  	s7 =	sld [smem:$0x3F94]  }
0x1a: {  	s8 =	sadd.s32 $0xFFFFE003, lr  }
0x1b: {  	s9 =	sadd.s32 $0xFFFFFEF7, lr;
	s5 =	simm.s32 $0xFFFFFFFF;
	p2 =	slt.u32 s8, $0xFFFFF086  }
0x1c: {  	p1 =	slt.u32 s9, $0xF7A;
	s5 =	simm.s32 @!p2 $0x0  }
0x1d: {  	s5 =	simm.s32 @p1 $0x1;
	p0 =	seq.s32 s7, s2  }
0x1e: {  	s7 =	smul.u32 @!p0 $0xF7A, s2;
	p2 =	seq.s32 @!p0 s5, $0x0  }
0x1f: {  	s9 =	smul.u32 $0xF7A, s1;
	s8 =	simm.s32 @!p0 $0x1BF5;
	p2 =	por !p2, p0  }
0x20: {  	[sflag:s8] =	ssyncset.s32 @!p0 $0xFFFFF086;
	s6 =	sadd.s32 @!p0 s3, s7;
	s7 =	simm.s32 @!p0 $0x108  }
0x21: {  	s3 =	sadd.s32 s3, s9;
	s6 =	sadd.s32 @!p0 $0x88, s6;
	s7 =	simm.s32 @p2 $0x1082  }
0x22: {  	[simem:s7], [sflag:s8] =	dma.local @!p0 [hbm:s6], $0xF7A  }
0x23: {  	s9 =	sor.u32 $0xD0000000, s2;
	s6 =	simm.s32 $0x108;
	_ =	swait.ge @!p0 [sflag:s8], $0x0  }
0x24: {  	s3 =	sadd.s32 $0x88, s3;
	s6 =	simm.s32 @!p1 $0x1082;
	[sflag:s4] =	ssyncset.s32 $0xFFFFF086  }
0x25: {  	[simem:s6], [sflag:s4] =	dma.local [hbm:s3], $0xF7A  }
0x26: {  	[smem:$0x3F94] =	sst s1;
	(tag) =	ssettag s2;
	_ =	strace s9  }
0x27: {  	s1 =	sld [smem:$0x3FA4]  }
0x28: {  	s2 =	sld [smem:$0x3FA5]  }
0x29: {  	s4 =	sld [smem:$0x3FA7]  }
0x2a: {  	p0 =	seq.s32 s5, $0x0;
	s5 =	sld [smem:$0x3FA8]  }
0x2b: {  	s6 =	sld [smem:$0x3FA9]  }
0x2c: {  	s7 =	sld [smem:$0x3FAA]  }
0x2d: {  	s3 =	simm.s32 $0x108;
	s8 =	sld [smem:$0x3FAB]  }
0x2e: {  	s3 =	simm.s32 @!p0 $0x1082;
	s9 =	sld [smem:$0x3FAC]  }
0x2f: {  	lr =	sadd.s32 s0, s3;
	s0 =	sld [smem:$0x3FA3]  }
0x30: {  	s3 =	sld [smem:$0x3FA6]  }
0x31: {  	[smem:$0x3FAF] =	sst s10  }
0x32: {  	s10 =	sld [smem:$0x3FAD];
	_ =	sdelay $0x3  }
0x33: {  	p0 =	seq.s32 s10, $0x1;
	s10 =	sld [smem:$0x3FAF];
	_ =	sdelay $0x3  }
0x34: {  	[smem:$0x3FAF] =	sst s10  }
0x35: {  	s10 =	sld [smem:$0x3FAE];
	_ =	sdelay $0x3  }
0x36: {  	p1 =	seq.s32 s10, $0x1;
	s10 =	sld [smem:$0x3FAF];
	_ =	sdelay $0x3  }
0x37: {  	[smem:$0x3FAF] =	sst s10  }
0x38: {  	s10 =	sld [smem:$0x3FB0]  }
0x39: {  	_ = 	snop;
	(pc) =	sbr.ind lr, $3  }
0x3a: {  	_ = 	snop  }
0x3b: {  	_ = 	snop  }
0x3c: {  	p2 =	seq.s32 s10, $0x1;
	s10 =	sld [smem:$0x3FAF]  }
0x3d: {  	_ =	shalt  }
0x3e: {  	_ =	shalt  }
0x3f: {  	_ =	shalt  }
0x40: {  	_ =	shalt  }
0x41: {  	_ =	shalt  }
0x42: {  	_ =	shalt  }
0x43: {  	_ =	shalt  }
0x44: {  	_ =	shalt  }
0x45: {  	_ =	shalt  }
0x46: {  	_ =	shalt  }
0x47: {  	_ =	shalt  }
0x48: {  	_ =	shalt  }
0x49: {  	_ =	shalt  }
0x4a: {  	_ =	shalt  }
0x4b: {  	_ =	shalt  }
0x4c: {  	_ =	shalt  }
0x4d: {  	_ =	shalt  }
0x4e: {  	_ =	shalt  }
0x4f: {  	_ =	shalt  }
0x50: {  	_ =	shalt  }
0x51: {  	_ =	shalt  }
0x52: {  	_ =	shalt  }
0x53: {  	_ =	shalt  }
0x54: {  	_ =	shalt  }
0x55: {  	_ =	shalt  }
0x56: {  	_ =	shalt  }
0x57: {  	_ =	shalt  }
0x58: {  	_ =	shalt  }
0x59: {  	_ =	shalt  }
0x5a: {  	_ =	shalt  }
0x5b: {  	_ =	shalt  }
0x5c: {  	_ =	shalt  }
0x5d: {  	_ =	shalt  }
0x5e: {  	_ =	shalt  }
0x5f: {  	_ =	shalt  }
0x60: {  	_ =	shalt  }
0x61: {  	_ =	shalt  }
0x62: {  	_ =	shalt  }
0x63: {  	_ =	shalt  }
0x64: {  	_ =	shalt  }
0x65: {  	_ =	shalt  }
0x66: {  	_ =	shalt  }
0x67: {  	_ =	shalt  }
0x68: {  	_ =	shalt  }
0x69: {  	_ =	shalt  }
0x6a: {  	_ =	shalt  }
0x6b: {  	_ =	shalt  }
0x6c: {  	_ =	shalt  }
0x6d: {  	_ =	shalt  }
0x6e: {  	_ =	shalt  }
0x6f: {  	_ =	shalt  }
0x70: {  	_ =	shalt  }
0x71: {  	_ =	shalt  }
0x72: {  	_ =	shalt  }
0x73: {  	_ =	shalt  }
0x74: {  	_ =	shalt  }
0x75: {  	_ =	shalt  }
0x76: {  	_ =	shalt  }
0x77: {  	_ =	shalt  }
0x78: {  	_ =	shalt  }
0x79: {  	_ =	shalt  }
0x7a: {  	_ =	shalt  }
0x7b: {  	_ =	shalt  }
0x7c: {  	_ =	shalt  }
0x7d: {  	_ =	shalt  }
0x7e: {  	_ =	shalt  }
0x7f: {  	_ =	shalt  }
0x80: {  	_ =	shalt  }
0x81: {  	_ =	shalt  }
0x82: {  	_ =	shalt  }
0x83: {  	_ =	shalt  }
0x84: {  	_ =	shalt  }
0x85: {  	_ =	shalt  }
0x86: {  	_ =	shalt  }
0x87: {  	_ =	shalt  }
.Lfunc_end0:
.L_simem_size_0:
called_computation.2_lowered:
.L_overlay_start_0:
0x88: {  	s2 =	sld [smem:$0x3FD9]  }
0x89: {  	s3 =	sld [smem:$0x3FFE];
	_ =	sdelay $0x1  }
0x8a: {  	s1 =	srdreg.scid  }
0x8b: {  	s0 =	sand.u32 $0x1, s1  }
0x8c: {  	s16 =	sshll.u32 s0, $0xA;
	s2 =	sadd.s32 s3, s2  }
0x8d: {  	s2 =	sadd.s32 s2, s16  }
0x8e: {  	[smem:$0x3FBB] =	sst s2  }
0x8f: {  	_ = 	snop  }
0x90: {  	(tm) =	ssettm $0x1  }
0x91: {  	s17 =	sld [smem:$0x3FFB];
	_ =	sdelay $0x3  }
0x92: {  	_ =	strace s17  }
0x93: {  	s2 =	sld [smem:$0x3FFC];
	_ =	sdelay $0x3  }
0x94: {  	_ =	strace s2  }
0x95: {  	s2 =	sld [smem:$0x3FFD];
	_ =	sdelay $0x3  }
0x96: {  	_ =	strace s2  }
0x97: {  	_ =	strace $0x8FFFFFFF  }
0x98: {  	s18 =	sld [smem:$0x3FDB];
	_ =	sdelay $0x1  }
0x99: {  	s19 =	simm.s32 $_scs_section_size  }
0x9a: {  	s4 =	simm.s32 $_size__tile_overlayer_lowered;
	s5 =	simm.s32 $_tile_overlayer_lowered  }
0x9b: {  	s22 =	simm.s32 $0x1BFF;
	s21 =	sshll.u32 s5, $0x1;
	s2 =	sadd.s32 s19, s18  }
0x9c: {  	s6 =	simm.s32 $0x0;
	s20 =	sshll.u32 s4, $0x1;
	s4 =	sadd.s32 s21, s2  }
0x9d: {  	[timem:s6], [sflag:s22] =	dma.local [hbm:s4], s20  }
0x9e: {  	_ =	swait.ge [sflag:s22], s20  }
0x9f: {  	s3 =	ssub.s32 $0x0, s20;
	[sflag:s22] =	ssyncset.done $0x0  }
0xa0: {  	[sflag:s22] =	ssyncadd.s32 s3;
	_ =	sdelay $0x1  }
0xa1: {  	s23 =	simm.s32 $0x1B8B  }
0xa2: {  	_ =	swait.ge [sflag:s23], $0x1  }
0xa3: {  	[sflag:s23] =	ssyncset.done $0x0  }
0xa4: {  	s25 =	simm.s32 $0x1B8E;
	s24 =	sld [smem:$0x3FFE];
	[sflag:s23] =	ssyncadd.s32 $0xFFFFFFFF  }
0xa5: {  	s26 =	simm.s32 $execute0_lowered;
	[smem:$0x3FD2] =	sst s25  }
0xa6: {  	s4 =	sshll.u32 s26, $0x1;
	_ =	strace $0x8000004C;
	[dreg:$0x1] =	wrdreg $0xFFFFFFFF  }
0xa7: {  	s28 =	simm.s32 $_size_execute0_lowered;
	s2 =	sadd.s32 s2, s4;
	[dreg:$0x0] =	wrdreg $0x0  }
0xa8: {  	s4 =	sshll.u32 s28, $0x1;
	[dreg:$0x2] =	wrdreg s2  }
0xa9: {  	[dreg:$0x3] =	wrdreg s4  }
0xaa: {  	[dreg:$0x4] =	wrdreg $0xC0  }
0xab: {  	_ =	task [dreg:s6], $0x5FFFF  }
0xac: {  	[dreg:$0x1] =	wrdreg $0xFFFFFFFF  }
0xad: {  	[dreg:$0x0] =	wrdreg $0x60  }
0xae: {  	[dreg:$0x2] =	wrdreg s24  }
0xaf: {  	[dreg:$0x3] =	wrdreg $0xAC000  }
0xb0: {  	[dreg:$0x4] =	wrdreg $0x9  }
0xb1: {  	_ =	task.clear_ibuf [dreg:s6], $0x5FFFF;
	_ =	strace $0x9000004C  }
0xb2: {  	s29 =	simm.s32 $0x9;
	_ =	strace $0x8000004E  }
0xb3: {  	_ =	swait.ge [sflag:s29], $0x1  }
0xb4: {  	[sflag:s29] =	ssyncadd.s32 $0xFFFFFFFF  }
0xb5: {  	_ =	strace $0x9000004E  }
0xb6: {  	_ =	sfence  }
0xb7: {  	s30 =	sld [smem:$0x0];
	_ =	sdelay $0x2  }
0xb8: {  	s31 =	sshll.u32 s1, $0xD;
	s1 =	sshrl.u32 s1, $0x2  }
0xb9: {  	s3 =	sand.u32 $0x4000, s31;
	s1 =	sadd.s32 s1, s30  }
0xba: {  	s0 =	sor.u32 s3, s0;
	s1 =	sshll.u32 s1, $0x11  }
0xbb: {  	s0 =	sor.u32 s1, s0  }
0xbc: {  	s0 =	sadd.s32 $0x8F2B, s0  }
0xbd: {  	[sflag:s0] =	ssyncadd.remote.s32 $0x1  }
0xbe: {  	_ =	sfence.sel $0xFFFF  }
0xbf: {  	[dreg:$0x0] =	wrdreg $0xFFFFFFFF;
	(pc) =	sbr.abs _section_cstart, $3  }
0xc0: {  	[dreg:$0x1] =	wrdreg $0xFFFFFFFF  }
0xc1: {  	_ =	task.clear_ibuf [dreg:s6], $0x2FFFF;
	_ =	strace $0x9FFFFFFF  }
0xc2: {  	(tm) =	ssettm $0x7FFFFFFF  }
0xc3: {  	_ =	shalt  }
tec
execute0_lowered:
.L_overlay_start_1:
0x0: {  	(tag) =	ssettag $0x1  }
0x1: {  	s5 =	rddreg [dreg:$0x0];
	s0 =	srdreg.scid  }
0x2: {  	s2 =	rddreg [dreg:$0x1];
	s1 =	stileid.u32  }
0x3: {  	s3 =	simm.s32 $0x0;
	s17 =	simm.s32 $0x3;
	s18 =	simm.s32 $0x1800  }
0x4: {  	s19 =	simm.s32 $0x80;
	s20 =	simm.s32 $0x1;
	s21 =	simm.s32 $0x6C00  }
0x5: {  	s22 =	simm.s32 $0x2;
	s6 =	sand.u32 $0x1, s0;
	s0 =	rddreg [dreg:$0x2]  }
0x6: {  	s8 =	smul.u32 $0x14000, s1;
	[smem:$0x7FF] =	sst s3;
	s4 =	sadd.s32 $0xE000, s5  }
0x7: {  	s12 =	sadd.s32 $0x5E000, s5;
	s26 =	smul.u32 $0x50000, s1;
	s28 =	sshll.u32 s1, $0x1  }
0x8: {  	s13 =	sadd.s32 $0x3E00, s5;
	s7 =	smul.u32 $0x140000, s6;
	s9 =	sor.u32 s6, s28  }
0x9: {  	_ =	strace $0x8000004D;
	s29 =	ssub.s32 $0x2, s6;
	s10 =	smul.u32 $0x2800, s9  }
0xa: {  	s31 =	sshrl.u32 s29, $0x1;
	s11 =	smul.u32 $0x500, s9;
	s7 =	sadd.s32 s8, s7  }
0xb: {  	s30 =	sshrl.u32 s26, $0x2;
	s15 =	ssub.s32 s29, s31;
	s7 =	sshrl.u32 s7, $0x3  }
0xc: {  	s16 =	sshrl.u32 s10, $0x3;
	s10 =	sadd.s32 s12, s11;
	s11 =	sadd.s32 s13, s11  }
0xd: {  	s15 =	smax.u32 s15, $0x1;
	s14 =	sadd.s32 s7, s5;
	s5 =	sadd.s32 s30, s2  }
0xe: {  	s16 =	sadd.s32 $0x280, s16;
	s6 =	sadd.s32 $0x4000, s5;
	s7 =	sadd.s32 $0x8000, s5  }
0xf: {  	s8 =	sadd.s32 $0xC000, s5;
	s9 =	sadd.s32 $0x10000, s5;
	s12 =	sadd.s32 s12, s16  }
0x10: {  	v0 =	vimm.f32 $0.0e+00;
	s13 =	sadd.s32 s13, s16;
	s14 =	sadd.s32 $0x68200, s14;
	s16 =	simm.s32 $0x2C00  }
.LBB2_1:
0x11: {  	s23 =	simm.s32 $0x0;
	s24 =	simm.s32 $0x200  }
.LBB2_2:
0x12: {  	p0 =	sne.s32 s24, $0xFE00;
	[tilespmem:s23+$0x2C70] =	vst v0  }
0x13: {  	[tilespmem:s23+$0x2C00] =	vst v0  }
0x14: {  	[tilespmem:s23+$0x2C10] =	vst v0  }
.Ltmp0:
0x15: {  	[tilespmem:s23+$0x2C20] =	vst v0;
	(pc) =	sbr.rel @p0 .LBB2_2-.Ltmp0, $4  }
0x16: {  	[tilespmem:s23+$0x2C30] =	vst v0  }
0x17: {  	[tilespmem:s23+$0x2C40] =	vst v0  }
0x18: {  	[tilespmem:s23+$0x2C50] =	vst v0  }
0x19: {  	[tilespmem:s23+$0x2C60] =	vst v0;
	s23 =	sshra.s32 s24, $0x2;
	s24 =	sadd.s32 $0x200, s24  }
0x1a: {  	[tilespmem:s23+$0x2C70] =	vst v0  }
0x1b: {  	[tilespmem:s23+$0x2C00] =	vst v0  }
0x1c: {  	[tilespmem:s23+$0x2C10] =	vst v0  }
0x1d: {  	[tilespmem:s23+$0x2C20] =	vst v0  }
0x1e: {  	[tilespmem:s23+$0x2C30] =	vst v0  }
0x1f: {  	[tilespmem:s23+$0x2C40] =	vst v0  }
0x20: {  	[tilespmem:s23+$0x2C50] =	vst v0  }
0x21: {  	[tilespmem:s23+$0x2C60] =	vst v0  }
0x22: {  	[spmem:s5] =	stream.linear.scatter [tilespmem:s16], [sflag:$0x3], $0x4000, $0x38;
	[tilespmem:$0x1EC00] =	vst v63  }
0x23: {  	_ =	swait.ge [sflag:s17], $0x4000  }
0x24: {  	[sflag:s17] =	ssyncset.done $0x0  }
0x25: {  	[sflag:s17] =	ssyncadd.s32 $0xFFFFC000  }
0x26: {  	[spmem:s6] =	stream.linear.scatter [tilespmem:s16], [sflag:$0x3], $0x4000, $0x38;
	[tilespmem:$0x1EC00] =	vst v63  }
0x27: {  	_ =	swait.ge [sflag:s17], $0x4000  }
0x28: {  	[sflag:s17] =	ssyncset.done $0x0  }
0x29: {  	[sflag:s17] =	ssyncadd.s32 $0xFFFFC000  }
0x2a: {  	[spmem:s7] =	stream.linear.scatter [tilespmem:s16], [sflag:$0x3], $0x4000, $0x38;
	[tilespmem:$0x1EC00] =	vst v63  }
0x2b: {  	_ =	swait.ge [sflag:s17], $0x4000  }
0x2c: {  	[sflag:s17] =	ssyncset.done $0x0  }
0x2d: {  	[sflag:s17] =	ssyncadd.s32 $0xFFFFC000  }
0x2e: {  	[spmem:s8] =	stream.linear.scatter [tilespmem:s16], [sflag:$0x3], $0x4000, $0x38;
	[tilespmem:$0x1EC00] =	vst v63  }
0x2f: {  	_ =	swait.ge [sflag:s17], $0x4000  }
0x30: {  	[sflag:s17] =	ssyncset.done $0x0  }
0x31: {  	[sflag:s17] =	ssyncadd.s32 $0xFFFFC000  }
0x32: {  	[spmem:s9] =	stream.linear.scatter [tilespmem:s16], [sflag:$0x3], $0x4000, $0x38;
	[tilespmem:$0x1EC00] =	vst v63  }
0x33: {  	_ =	swait.ge [sflag:s17], $0x4000  }
0x34: {  	[sflag:s17] =	ssyncset.done $0x0  }
0x35: {  	s26 =	simm.s32 $0x0;
	[sflag:s17] =	ssyncadd.s32 $0xFFFFC000  }
0x36: {  	[tilespmem:s26], [sflag:$0x3] =	stream.linear.gather [hbm4b:s10+s26], $0x1800, $0x38;
	[tilespmem:$0x1EC00] =	vst v63  }
0x37: {  	_ =	swait.ge [sflag:s17], $0x1800  }
0x38: {  	[sflag:s17] =	ssyncset.done $0x0  }
0x39: {  	[sflag:s17] =	ssyncadd.s32 $0xFFFFE800  }
0x3a: {  	[tilespmem:s18], [sflag:$0x3] =	stream.linear.gather [hbm4b:s11+s26], $0x1400, $0x38;
	[tilespmem:$0x1EC00] =	vst v63  }
0x3b: {  	_ =	swait.ge [sflag:s17], $0x1400  }
0x3c: {  	[sflag:s17] =	ssyncset.done $0x0  }
0x3d: {  	[sflag:s17] =	ssyncadd.s32 $0xFFFFEC00  }
0x3e: {  	[tilespmem:s16], [sflag:$0x1] =	stream.indirect.gather [hbm4b:s4+s19], $0x80, s26, s19, $0xb8;
	[tilespmem:$0x1EC00] =	vst v63  }
0x3f: {  	[bflag:$0x0] =	sbarrier.arrive $0xFFFF  }
0x40: {  	_ =	swait.ge [sflag:s20], $0x4000  }
0x41: {  	[sflag:s20] =	ssyncset.done $0x0  }
0x42: {  	s28 =	simm.s32 $0x80;
	[sflag:s20] =	ssyncadd.s32 $0xFFFFC000  }
0x43: {  	[tilespmem:s21], [sflag:$0x2] =	stream.indirect.gather [hbm4b:s4+s19], $0x80, s28, s19, $0xb8;
	[tilespmem:$0x1EC00] =	vst v63  }
0x44: {  	s29 =	simm.s32 $0x1800  }
0x45: {  	[spmem:s2] =	stream.indirect.scatter.add.f32 [tilespmem:s16], [sflag:$0x3], $0x80, s29, s19, $0xb8;
	[tilespmem:$0x1EC00] =	vst v63  }
0x46: {  	_ =	swait.ge [sflag:s17], $0x4000  }
0x47: {  	[sflag:s17] =	ssyncset.done $0x0  }
0x48: {  	[sflag:s17] =	ssyncadd.s32 $0xFFFFC000  }
0x49: {  	_ =	swait.ge [sflag:s22], $0x4000  }
0x4a: {  	[sflag:s22] =	ssyncset.done $0x0  }
0x4b: {  	s30 =	simm.s32 $0x100;
	[sflag:s22] =	ssyncadd.s32 $0xFFFFC000  }
0x4c: {  	[tilespmem:s16], [sflag:$0x1] =	stream.indirect.gather [hbm4b:s4+s19], $0x80, s30, s19, $0xb8;
	[tilespmem:$0x1EC00] =	vst v63  }
0x4d: {  	s31 =	simm.s32 $0x1880  }
0x4e: {  	[spmem:s2] =	stream.indirect.scatter.add.f32 [tilespmem:s21], [sflag:$0x3], $0x80, s31, s19, $0xb8;
	[tilespmem:$0x1EC00] =	vst v63  }
0x4f: {  	_ =	swait.ge [sflag:s17], $0x4000  }
0x50: {  	[sflag:s17] =	ssyncset.done $0x0  }
0x51: {  	[sflag:s17] =	ssyncadd.s32 $0xFFFFC000  }
0x52: {  	_ =	swait.ge [sflag:s20], $0x4000  }
0x53: {  	s24 =	simm.s32 $0x800;
	s23 =	simm.s32 $0x100;
	[sflag:s20] =	ssyncset.done $0x0  }
.LBB2_4:
0x54: {  	s25 =	sadd.s32 $0x80, s23  }
0x55: {  	[sflag:s20] =	ssyncadd.s32 $0xFFFFC000;
	s26 =	smov.u32 s24;
	s28 =	sadd.s32 $0x400, s24  }
0x56: {  	[tilespmem:s21], [sflag:$0x2] =	stream.indirect.gather [hbm4b:s4+s19], $0x80, s25, s19, $0xb8;
	[tilespmem:$0x1EC00] =	vst v63  }
0x57: {  	p0 =	sne.s32 s24, $0x4C00;
	s24 =	sadd.s32 $0x1800, s23  }
0x58: {  	[spmem:s2] =	stream.indirect.scatter.add.f32 [tilespmem:s16], [sflag:$0x3], $0x80, s24, s19, $0xb8;
	[tilespmem:$0x1EC00] =	vst v63  }
0x59: {  	_ =	swait.ge [sflag:s17], $0x4000  }
0x5a: {  	[sflag:s17] =	ssyncset.done $0x0  }
0x5b: {  	[sflag:s17] =	ssyncadd.s32 $0xFFFFC000  }
0x5c: {  	_ =	swait.ge [sflag:s22], $0x4000  }
0x5d: {  	[sflag:s22] =	ssyncset.done $0x0  }
0x5e: {  	s24 =	sadd.s32 $0x100, s23;
	[sflag:s22] =	ssyncadd.s32 $0xFFFFC000  }
0x5f: {  	[tilespmem:s16], [sflag:$0x1] =	stream.indirect.gather [hbm4b:s4+s19], $0x80, s24, s19, $0xb8;
	[tilespmem:$0x1EC00] =	vst v63  }
0x60: {  	s23 =	sadd.s32 $0x1880, s23  }
0x61: {  	[spmem:s2] =	stream.indirect.scatter.add.f32 [tilespmem:s21], [sflag:$0x3], $0x80, s23, s19, $0xb8;
	[tilespmem:$0x1EC00] =	vst v63  }
.Ltmp1:
0x62: {  	_ =	swait.ge [sflag:s17], $0x4000;
	(pc) =	sbr.rel @p0 .LBB2_4-.Ltmp1, $4  }
0x63: {  	[sflag:s17] =	ssyncset.done $0x0  }
0x64: {  	[sflag:s17] =	ssyncadd.s32 $0xFFFFC000  }
0x65: {  	_ =	swait.ge [sflag:s20], $0x4000  }
0x66: {  	s24 =	smov.u32 s28;
	s23 =	sshra.s32 s26, $0x2;
	[sflag:s20] =	ssyncset.done $0x0  }
0x67: {  	s24 =	sadd.s32 $0x80, s23;
	[sflag:s20] =	ssyncadd.s32 $0xFFFFC000  }
0x68: {  	[tilespmem:s21], [sflag:$0x2] =	stream.indirect.gather [hbm4b:s4+s19], $0x80, s24, s19, $0xb8;
	[tilespmem:$0x1EC00] =	vst v63  }
0x69: {  	s30 =	sadd.s32 $0x1800, s23  }
0x6a: {  	[spmem:s2] =	stream.indirect.scatter.add.f32 [tilespmem:s16], [sflag:$0x3], $0x80, s30, s19, $0xb8;
	[tilespmem:$0x1EC00] =	vst v63  }
0x6b: {  	_ =	swait.ge [sflag:s17], $0x4000  }
0x6c: {  	[sflag:s17] =	ssyncset.done $0x0  }
0x6d: {  	[sflag:s17] =	ssyncadd.s32 $0xFFFFC000  }
0x6e: {  	_ =	swait.ge [sflag:s22], $0x4000  }
0x6f: {  	[sflag:s22] =	ssyncset.done $0x0  }
0x70: {  	s31 =	sadd.s32 $0x100, s23;
	[sflag:s22] =	ssyncadd.s32 $0xFFFFC000  }
0x71: {  	[tilespmem:s16], [sflag:$0x1] =	stream.indirect.gather [hbm4b:s4+s19], $0x80, s31, s19, $0xb8;
	[tilespmem:$0x1EC00] =	vst v63  }
0x72: {  	s25 =	sadd.s32 $0x1880, s23  }
0x73: {  	[spmem:s2] =	stream.indirect.scatter.add.f32 [tilespmem:s21], [sflag:$0x3], $0x80, s25, s19, $0xb8;
	[tilespmem:$0x1EC00] =	vst v63  }
0x74: {  	_ =	swait.ge [sflag:s17], $0x4000  }
0x75: {  	[sflag:s17] =	ssyncset.done $0x0  }
0x76: {  	[sflag:s17] =	ssyncadd.s32 $0xFFFFC000  }
0x77: {  	_ =	swait.ge [sflag:s20], $0x4000  }
0x78: {  	[sflag:s20] =	ssyncset.done $0x0  }
0x79: {  	s26 =	simm.s32 $0x0;
	[sflag:s20] =	ssyncadd.s32 $0xFFFFC000  }
0x7a: {  	[tilespmem:s26], [sflag:$0x3] =	stream.linear.gather [hbm4b:s12+s26], $0x1800, $0x38;
	[tilespmem:$0x1EC00] =	vst v63  }
0x7b: {  	_ =	swait.ge [sflag:s17], $0x1800  }
0x7c: {  	[sflag:s17] =	ssyncset.done $0x0  }
0x7d: {  	[sflag:s17] =	ssyncadd.s32 $0xFFFFE800  }
0x7e: {  	[tilespmem:s18], [sflag:$0x3] =	stream.linear.gather [hbm4b:s13+s26], $0x1400, $0x38;
	[tilespmem:$0x1EC00] =	vst v63  }
0x7f: {  	_ =	swait.ge [sflag:s17], $0x1400  }
0x80: {  	[sflag:s17] =	ssyncset.done $0x0  }
0x81: {  	s28 =	simm.s32 $0x80;
	[sflag:s17] =	ssyncadd.s32 $0xFFFFEC00  }
0x82: {  	[tilespmem:s21], [sflag:$0x2] =	stream.indirect.gather [hbm4b:s4+s19], $0x80, s28, s19, $0xb8;
	[tilespmem:$0x1EC00] =	vst v63  }
0x83: {  	s29 =	simm.s32 $0x1800  }
0x84: {  	[spmem:s2] =	stream.indirect.scatter.add.f32 [tilespmem:s16], [sflag:$0x3], $0x80, s29, s19, $0xb8;
	[tilespmem:$0x1EC00] =	vst v63  }
0x85: {  	_ =	swait.ge [sflag:s17], $0x4000  }
0x86: {  	[sflag:s17] =	ssyncset.done $0x0  }
0x87: {  	[sflag:s17] =	ssyncadd.s32 $0xFFFFC000  }
0x88: {  	_ =	swait.ge [sflag:s22], $0x4000  }
0x89: {  	[sflag:s22] =	ssyncset.done $0x0  }
0x8a: {  	s30 =	simm.s32 $0x100;
	[sflag:s22] =	ssyncadd.s32 $0xFFFFC000  }
0x8b: {  	[tilespmem:s16], [sflag:$0x1] =	stream.indirect.gather [hbm4b:s4+s19], $0x80, s30, s19, $0xb8;
	[tilespmem:$0x1EC00] =	vst v63  }
0x8c: {  	s31 =	simm.s32 $0x1880  }
0x8d: {  	[spmem:s2] =	stream.indirect.scatter.add.f32 [tilespmem:s21], [sflag:$0x3], $0x80, s31, s19, $0xb8;
	[tilespmem:$0x1EC00] =	vst v63  }
0x8e: {  	_ =	swait.ge [sflag:s17], $0x4000  }
0x8f: {  	[sflag:s17] =	ssyncset.done $0x0  }
0x90: {  	[sflag:s17] =	ssyncadd.s32 $0xFFFFC000  }
0x91: {  	_ =	swait.ge [sflag:s20], $0x4000  }
0x92: {  	s23 =	simm.s32 $0x100;
	s24 =	simm.s32 $0x800;
	[sflag:s20] =	ssyncset.done $0x0  }
.LBB2_6:
0x93: {  	s25 =	sadd.s32 $0x80, s23  }
0x94: {  	[sflag:s20] =	ssyncadd.s32 $0xFFFFC000;
	s26 =	smov.u32 s24;
	s28 =	sadd.s32 $0x400, s24  }
0x95: {  	[tilespmem:s21], [sflag:$0x2] =	stream.indirect.gather [hbm4b:s4+s19], $0x80, s25, s19, $0xb8;
	[tilespmem:$0x1EC00] =	vst v63  }
0x96: {  	p0 =	sne.s32 s24, $0x4C00;
	s24 =	sadd.s32 $0x1800, s23  }
0x97: {  	[spmem:s2] =	stream.indirect.scatter.add.f32 [tilespmem:s16], [sflag:$0x3], $0x80, s24, s19, $0xb8;
	[tilespmem:$0x1EC00] =	vst v63  }
0x98: {  	_ =	swait.ge [sflag:s17], $0x4000  }
0x99: {  	[sflag:s17] =	ssyncset.done $0x0  }
0x9a: {  	[sflag:s17] =	ssyncadd.s32 $0xFFFFC000  }
0x9b: {  	_ =	swait.ge [sflag:s22], $0x4000  }
0x9c: {  	[sflag:s22] =	ssyncset.done $0x0  }
0x9d: {  	s24 =	sadd.s32 $0x100, s23;
	[sflag:s22] =	ssyncadd.s32 $0xFFFFC000  }
0x9e: {  	[tilespmem:s16], [sflag:$0x1] =	stream.indirect.gather [hbm4b:s4+s19], $0x80, s24, s19, $0xb8;
	[tilespmem:$0x1EC00] =	vst v63  }
0x9f: {  	s23 =	sadd.s32 $0x1880, s23  }
0xa0: {  	[spmem:s2] =	stream.indirect.scatter.add.f32 [tilespmem:s21], [sflag:$0x3], $0x80, s23, s19, $0xb8;
	[tilespmem:$0x1EC00] =	vst v63  }
.Ltmp2:
0xa1: {  	_ =	swait.ge [sflag:s17], $0x4000;
	(pc) =	sbr.rel @p0 .LBB2_6-.Ltmp2, $4  }
0xa2: {  	[sflag:s17] =	ssyncset.done $0x0  }
0xa3: {  	[sflag:s17] =	ssyncadd.s32 $0xFFFFC000  }
0xa4: {  	_ =	swait.ge [sflag:s20], $0x4000  }
0xa5: {  	s24 =	smov.u32 s28;
	s23 =	sshra.s32 s26, $0x2;
	[sflag:s20] =	ssyncset.done $0x0  }
0xa6: {  	s24 =	sadd.s32 $0x80, s23;
	[sflag:s20] =	ssyncadd.s32 $0xFFFFC000  }
0xa7: {  	[tilespmem:s21], [sflag:$0x2] =	stream.indirect.gather [hbm4b:s4+s19], $0x80, s24, s19, $0xb8;
	[tilespmem:$0x1EC00] =	vst v63  }
0xa8: {  	s26 =	sadd.s32 $0x1800, s23  }
0xa9: {  	[spmem:s2] =	stream.indirect.scatter.add.f32 [tilespmem:s16], [sflag:$0x3], $0x80, s26, s19, $0xb8;
	[tilespmem:$0x1EC00] =	vst v63  }
0xaa: {  	_ =	swait.ge [sflag:s17], $0x4000  }
0xab: {  	[sflag:s17] =	ssyncset.done $0x0  }
0xac: {  	[sflag:s17] =	ssyncadd.s32 $0xFFFFC000  }
0xad: {  	_ =	swait.ge [sflag:s22], $0x4000  }
0xae: {  	[sflag:s22] =	ssyncset.done $0x0  }
0xaf: {  	s28 =	sadd.s32 $0x100, s23;
	[sflag:s22] =	ssyncadd.s32 $0xFFFFC000  }
0xb0: {  	[tilespmem:s16], [sflag:$0x1] =	stream.indirect.gather [hbm4b:s4+s19], $0x80, s28, s19, $0xb8;
	[tilespmem:$0x1EC00] =	vst v63  }
0xb1: {  	s29 =	sadd.s32 $0x1880, s23  }
0xb2: {  	[spmem:s2] =	stream.indirect.scatter.add.f32 [tilespmem:s21], [sflag:$0x3], $0x80, s29, s19, $0xb8;
	[tilespmem:$0x1EC00] =	vst v63  }
0xb3: {  	_ =	swait.ge [sflag:s17], $0x4000  }
0xb4: {  	[sflag:s17] =	ssyncset.done $0x0  }
0xb5: {  	[sflag:s17] =	ssyncadd.s32 $0xFFFFC000  }
0xb6: {  	_ =	swait.ge [sflag:s20], $0x4000  }
0xb7: {  	s30 =	sshll.u32 s1, $0x6;
	s3 =	sadd.s32 $0x1, s3;
	[sflag:s20] =	ssyncset.done $0x0  }
0xb8: {  	s31 =	sshrl.u32 s5, $0x3;
	p0 =	sne.s32 s3, s15;
	[sflag:s20] =	ssyncadd.s32 $0xFFFFC000  }
.Ltmp3:
0xb9: {  	s23 =	sor.u32 $0x1C03, s30;
	[bflag:$0x0] =	sbarrier.arrive $0xFFFF;
	(pc) =	sbr.rel @p0 .LBB2_1-.Ltmp3, $4  }
0xba: {  	[hbm:s14], [sflag:s23] =	dma.local [spmem:s31], $0x2800  }
0xbb: {  	_ =	swait.ge [sflag:s17], $0x2800  }
0xbc: {  	[sflag:s17] =	ssyncset.done $0x0  }
0xbd: {  	[sflag:s17] =	ssyncadd.s32 $0xFFFFD800  }
0xbe: {  	_ =	sfence.sel $0x180000  }
0xbf: {  	[bflag:$0x0] =	sbarrier.arrive $0xFFFF  }
0xc0: {  	p0 =	sne.s32 s1, $0x0;
	_ =	strace $0x9000004D  }
0xc1: {  	s0 =	sadd.s32 @!p0 $0x100000, s0;
	[bflag:$0x2] =	sbarrier.arrive $0xFFFF  }
0xc2: {  	[sflag:s0] =	ssyncadd.tile.s32 @!p0 $0x1;
	_ =	shalt  }
.Lfunc_end2:
_tile_overlayer_lowered:
.L_overlay_start_2:
0xc3: {  	(tag) =	ssettag $0x2  }
0xc4: {  	s0 =	rddreg [dreg:$0x0];
	s2 =	stileid.u32  }
0xc5: {  	s1 =	rddreg [dreg:$0x1];
	p0 =	sne.s32 s2, $0x0  }
0xc6: {  	s3 =	rddreg [dreg:$0x2];
	[bflag:$0x3] =	sbarrier.arrive $0xFFFF;
	s2 =	simm.s32 @!p0 $0x1C03  }
0xc7: {  	[timem:s3], [sflag:s2] =	dma.local @!p0 [hbm:s0], s1  }
0xc8: {  	s0 =	simm.s32 @!p0 $0x3  }
0xc9: {  	_ =	swait.ge @!p0 [sflag:s0], s1  }
0xca: {  	s1 =	ssub.s32 @!p0 $0x0, s1;
	[sflag:s0] =	ssyncset.done @!p0 $0x0  }
0xcb: {  	[sflag:s0] =	ssyncadd.s32 @!p0 s1  }
0xcc: {  	[bflag:$0x3] =	sbarrier.arrive $0xFFFF  }
0xcd: {  	_ =	shalt  }

// kernel: kernel.21.cloned.1.call-start
scs
__scs_entry_jumppad:
0x0: {  	(pc) =	sbr.rel $0x88, $3  }
0x1: {  	(tag) =	ssettag $0x0;
	lr =	simm.s32 $0x1  }
0x2: {  	[smem:$0x3F94] =	sst lr;
	_ =	strace $0xD0000000  }
0x3: {  	_ = 	snop  }
0x4: {  	_ = 	snop  }
0x5: {  	_ = 	snop  }
0x6: {  	_ = 	snop  }
0x7: {  	_ = 	snop  }
__scs_overlays_trampoline_lowered:
0x8: {  	[smem:$0x3FA3] =	sst s0  }
0x9: {  	[smem:$0x3FA4] =	sst s1  }
0xa: {  	[smem:$0x3FA5] =	sst s2  }
0xb: {  	[smem:$0x3FA6] =	sst s3  }
0xc: {  	[smem:$0x3FA7] =	sst s4  }
0xd: {  	[smem:$0x3FA8] =	sst s5  }
0xe: {  	[smem:$0x3FA9] =	sst s6  }
0xf: {  	[smem:$0x3FAA] =	sst s7  }
0x10: {  	[smem:$0x3FAB] =	sst s8  }
0x11: {  	[smem:$0x3FAC] =	sst s9;
	s0 =	simm.s32 @!p0 $0x0  }
0x12: {  	s1 =	sld [smem:$0x3F92];
	s0 =	simm.s32 @p0 $0x1  }
0x13: {  	[smem:$0x3FAD] =	sst s0;
	s0 =	simm.s32 @!p1 $0x0  }
0x14: {  	s2 =	sld [smem:$0x3F91];
	s0 =	simm.s32 @p1 $0x1  }
0x15: {  	[smem:$0x3FAE] =	sst s0;
	s0 =	simm.s32 @!p2 $0x0  }
0x16: {  	s3 =	sld [smem:$0x3FDB];
	s0 =	simm.s32 @p2 $0x1  }
0x17: {  	s4 =	simm.s32 $0x1BF5;
	[smem:$0x3FB0] =	sst s0  }
0x18: {  	s0 =	sld [smem:$0x3F93];
	_ =	swait.ge [sflag:s4], $0x0  }
0x19: {  	s7 =	sld [smem:$0x3F94]  }
0x1a: {  	s8 =	sadd.s32 $0xFFFFE003, lr  }
0x1b: {  	s9 =	sadd.s32 $0xFFFFFEF7, lr;
	s5 =	simm.s32 $0xFFFFFFFF;
	p2 =	slt.u32 s8, $0xFFFFF086  }
0x1c: {  	p1 =	slt.u32 s9, $0xF7A;
	s5 =	simm.s32 @!p2 $0x0  }
0x1d: {  	s5 =	simm.s32 @p1 $0x1;
	p0 =	seq.s32 s7, s2  }
0x1e: {  	s7 =	smul.u32 @!p0 $0xF7A, s2;
	p2 =	seq.s32 @!p0 s5, $0x0  }
0x1f: {  	s9 =	smul.u32 $0xF7A, s1;
	s8 =	simm.s32 @!p0 $0x1BF5;
	p2 =	por !p2, p0  }
0x20: {  	[sflag:s8] =	ssyncset.s32 @!p0 $0xFFFFF086;
	s6 =	sadd.s32 @!p0 s3, s7;
	s7 =	simm.s32 @!p0 $0x108  }
0x21: {  	s3 =	sadd.s32 s3, s9;
	s6 =	sadd.s32 @!p0 $0x88, s6;
	s7 =	simm.s32 @p2 $0x1082  }
0x22: {  	[simem:s7], [sflag:s8] =	dma.local @!p0 [hbm:s6], $0xF7A  }
0x23: {  	s9 =	sor.u32 $0xD0000000, s2;
	s6 =	simm.s32 $0x108;
	_ =	swait.ge @!p0 [sflag:s8], $0x0  }
0x24: {  	s3 =	sadd.s32 $0x88, s3;
	s6 =	simm.s32 @!p1 $0x1082;
	[sflag:s4] =	ssyncset.s32 $0xFFFFF086  }
0x25: {  	[simem:s6], [sflag:s4] =	dma.local [hbm:s3], $0xF7A  }
0x26: {  	[smem:$0x3F94] =	sst s1;
	(tag) =	ssettag s2;
	_ =	strace s9  }
0x27: {  	s1 =	sld [smem:$0x3FA4]  }
0x28: {  	s2 =	sld [smem:$0x3FA5]  }
0x29: {  	s4 =	sld [smem:$0x3FA7]  }
0x2a: {  	p0 =	seq.s32 s5, $0x0;
	s5 =	sld [smem:$0x3FA8]  }
0x2b: {  	s6 =	sld [smem:$0x3FA9]  }
0x2c: {  	s7 =	sld [smem:$0x3FAA]  }
0x2d: {  	s3 =	simm.s32 $0x108;
	s8 =	sld [smem:$0x3FAB]  }
0x2e: {  	s3 =	simm.s32 @!p0 $0x1082;
	s9 =	sld [smem:$0x3FAC]  }
0x2f: {  	lr =	sadd.s32 s0, s3;
	s0 =	sld [smem:$0x3FA3]  }
0x30: {  	s3 =	sld [smem:$0x3FA6]  }
0x31: {  	[smem:$0x3FAF] =	sst s10  }
0x32: {  	s10 =	sld [smem:$0x3FAD];
	_ =	sdelay $0x3  }
0x33: {  	p0 =	seq.s32 s10, $0x1;
	s10 =	sld [smem:$0x3FAF];
	_ =	sdelay $0x3  }
0x34: {  	[smem:$0x3FAF] =	sst s10  }
0x35: {  	s10 =	sld [smem:$0x3FAE];
	_ =	sdelay $0x3  }
0x36: {  	p1 =	seq.s32 s10, $0x1;
	s10 =	sld [smem:$0x3FAF];
	_ =	sdelay $0x3  }
0x37: {  	[smem:$0x3FAF] =	sst s10  }
0x38: {  	s10 =	sld [smem:$0x3FB0]  }
0x39: {  	_ = 	snop;
	(pc) =	sbr.ind lr, $3  }
0x3a: {  	_ = 	snop  }
0x3b: {  	_ = 	snop  }
0x3c: {  	p2 =	seq.s32 s10, $0x1;
	s10 =	sld [smem:$0x3FAF]  }
0x3d: {  	_ =	shalt  }
0x3e: {  	_ =	shalt  }
0x3f: {  	_ =	shalt  }
0x40: {  	_ =	shalt  }
0x41: {  	_ =	shalt  }
0x42: {  	_ =	shalt  }
0x43: {  	_ =	shalt  }
0x44: {  	_ =	shalt  }
0x45: {  	_ =	shalt  }
0x46: {  	_ =	shalt  }
0x47: {  	_ =	shalt  }
0x48: {  	_ =	shalt  }
0x49: {  	_ =	shalt  }
0x4a: {  	_ =	shalt  }
0x4b: {  	_ =	shalt  }
0x4c: {  	_ =	shalt  }
0x4d: {  	_ =	shalt  }
0x4e: {  	_ =	shalt  }
0x4f: {  	_ =	shalt  }
0x50: {  	_ =	shalt  }
0x51: {  	_ =	shalt  }
0x52: {  	_ =	shalt  }
0x53: {  	_ =	shalt  }
0x54: {  	_ =	shalt  }
0x55: {  	_ =	shalt  }
0x56: {  	_ =	shalt  }
0x57: {  	_ =	shalt  }
0x58: {  	_ =	shalt  }
0x59: {  	_ =	shalt  }
0x5a: {  	_ =	shalt  }
0x5b: {  	_ =	shalt  }
0x5c: {  	_ =	shalt  }
0x5d: {  	_ =	shalt  }
0x5e: {  	_ =	shalt  }
0x5f: {  	_ =	shalt  }
0x60: {  	_ =	shalt  }
0x61: {  	_ =	shalt  }
0x62: {  	_ =	shalt  }
0x63: {  	_ =	shalt  }
0x64: {  	_ =	shalt  }
0x65: {  	_ =	shalt  }
0x66: {  	_ =	shalt  }
0x67: {  	_ =	shalt  }
0x68: {  	_ =	shalt  }
0x69: {  	_ =	shalt  }
0x6a: {  	_ =	shalt  }
0x6b: {  	_ =	shalt  }
0x6c: {  	_ =	shalt  }
0x6d: {  	_ =	shalt  }
0x6e: {  	_ =	shalt  }
0x6f: {  	_ =	shalt  }
0x70: {  	_ =	shalt  }
0x71: {  	_ =	shalt  }
0x72: {  	_ =	shalt  }
0x73: {  	_ =	shalt  }
0x74: {  	_ =	shalt  }
0x75: {  	_ =	shalt  }
0x76: {  	_ =	shalt  }
0x77: {  	_ =	shalt  }
0x78: {  	_ =	shalt  }
0x79: {  	_ =	shalt  }
0x7a: {  	_ =	shalt  }
0x7b: {  	_ =	shalt  }
0x7c: {  	_ =	shalt  }
0x7d: {  	_ =	shalt  }
0x7e: {  	_ =	shalt  }
0x7f: {  	_ =	shalt  }
0x80: {  	_ =	shalt  }
0x81: {  	_ =	shalt  }
0x82: {  	_ =	shalt  }
0x83: {  	_ =	shalt  }
0x84: {  	_ =	shalt  }
0x85: {  	_ =	shalt  }
0x86: {  	_ =	shalt  }
0x87: {  	_ =	shalt  }
.Lfunc_end0:
.L_simem_size_0:
called_computation.3_lowered:
.L_overlay_start_0:
0x88: {  	s2 =	sld [smem:$0x3FD9]  }
0x89: {  	s3 =	sld [smem:$0x3FFE];
	_ =	sdelay $0x1  }
0x8a: {  	s1 =	srdreg.scid  }
0x8b: {  	s0 =	sand.u32 $0x1, s1  }
0x8c: {  	s16 =	sshll.u32 s0, $0xA;
	s2 =	sadd.s32 s3, s2  }
0x8d: {  	s2 =	sadd.s32 s2, s16  }
0x8e: {  	[smem:$0x3FBB] =	sst s2  }
0x8f: {  	_ = 	snop  }
0x90: {  	(tm) =	ssettm $0x1  }
0x91: {  	s17 =	sld [smem:$0x3FFB];
	_ =	sdelay $0x3  }
0x92: {  	_ =	strace s17  }
0x93: {  	s2 =	sld [smem:$0x3FFC];
	_ =	sdelay $0x3  }
0x94: {  	_ =	strace s2  }
0x95: {  	s2 =	sld [smem:$0x3FFD];
	_ =	sdelay $0x3  }
0x96: {  	_ =	strace s2  }
0x97: {  	_ =	strace $0x8FFFFFFF  }
0x98: {  	s18 =	sld [smem:$0x3FDB];
	_ =	sdelay $0x1  }
0x99: {  	s19 =	simm.s32 $_scs_section_size  }
0x9a: {  	s4 =	simm.s32 $_size__tile_overlayer_lowered;
	s5 =	simm.s32 $_tile_overlayer_lowered  }
0x9b: {  	s22 =	simm.s32 $0x1BFF;
	s21 =	sshll.u32 s5, $0x1;
	s2 =	sadd.s32 s19, s18  }
0x9c: {  	s6 =	simm.s32 $0x0;
	s20 =	sshll.u32 s4, $0x1;
	s4 =	sadd.s32 s21, s2  }
0x9d: {  	[timem:s6], [sflag:s22] =	dma.local [hbm:s4], s20  }
0x9e: {  	_ =	swait.ge [sflag:s22], s20  }
0x9f: {  	s3 =	ssub.s32 $0x0, s20;
	[sflag:s22] =	ssyncset.done $0x0  }
0xa0: {  	[sflag:s22] =	ssyncadd.s32 s3;
	_ =	sdelay $0x1  }
0xa1: {  	s23 =	simm.s32 $0x1B8B  }
0xa2: {  	_ =	swait.ge [sflag:s23], $0x1  }
0xa3: {  	[sflag:s23] =	ssyncset.done $0x0  }
0xa4: {  	s25 =	simm.s32 $0x1B8E;
	s24 =	sld [smem:$0x3FFE];
	[sflag:s23] =	ssyncadd.s32 $0xFFFFFFFF  }
0xa5: {  	s26 =	simm.s32 $execute0_lowered;
	[smem:$0x3FD2] =	sst s25  }
0xa6: {  	s4 =	sshll.u32 s26, $0x1;
	_ =	strace $0x8000004F;
	[dreg:$0x1] =	wrdreg $0xFFFFFFFF  }
0xa7: {  	s28 =	simm.s32 $_size_execute0_lowered;
	s2 =	sadd.s32 s2, s4;
	[dreg:$0x0] =	wrdreg $0x0  }
0xa8: {  	s4 =	sshll.u32 s28, $0x1;
	[dreg:$0x2] =	wrdreg s2  }
0xa9: {  	[dreg:$0x3] =	wrdreg s4  }
0xaa: {  	[dreg:$0x4] =	wrdreg $0xC0  }
0xab: {  	_ =	task [dreg:s6], $0x5FFFF  }
0xac: {  	[dreg:$0x1] =	wrdreg $0xFFFFFFFF  }
0xad: {  	[dreg:$0x0] =	wrdreg $0x60  }
0xae: {  	[dreg:$0x2] =	wrdreg s24  }
0xaf: {  	[dreg:$0x3] =	wrdreg $0xAC000  }
0xb0: {  	[dreg:$0x4] =	wrdreg $0x9  }
0xb1: {  	_ =	task.clear_ibuf [dreg:s6], $0x5FFFF;
	_ =	strace $0x9000004F  }
0xb2: {  	s29 =	simm.s32 $0x9;
	_ =	strace $0x80000051  }
0xb3: {  	_ =	swait.ge [sflag:s29], $0x1  }
0xb4: {  	[sflag:s29] =	ssyncadd.s32 $0xFFFFFFFF  }
0xb5: {  	_ =	strace $0x90000051  }
0xb6: {  	_ =	sfence  }
0xb7: {  	s30 =	sld [smem:$0x0];
	_ =	sdelay $0x2  }
0xb8: {  	s31 =	sshll.u32 s1, $0xD;
	s1 =	sshrl.u32 s1, $0x2  }
0xb9: {  	s3 =	sand.u32 $0x4000, s31;
	s1 =	sadd.s32 s1, s30  }
0xba: {  	s0 =	sor.u32 s3, s0;
	s1 =	sshll.u32 s1, $0x11  }
0xbb: {  	s0 =	sor.u32 s1, s0  }
0xbc: {  	s0 =	sadd.s32 $0x8F2B, s0  }
0xbd: {  	[sflag:s0] =	ssyncadd.remote.s32 $0x1  }
0xbe: {  	_ =	sfence.sel $0xFFFF  }
0xbf: {  	[dreg:$0x0] =	wrdreg $0xFFFFFFFF;
	(pc) =	sbr.abs _section_cstart, $3  }
0xc0: {  	[dreg:$0x1] =	wrdreg $0xFFFFFFFF  }
0xc1: {  	_ =	task.clear_ibuf [dreg:s6], $0x2FFFF;
	_ =	strace $0x9FFFFFFF  }
0xc2: {  	(tm) =	ssettm $0x7FFFFFFF  }
0xc3: {  	_ =	shalt  }
tec
execute0_lowered:
.L_overlay_start_1:
0x0: {  	(tag) =	ssettag $0x1  }
0x1: {  	s5 =	rddreg [dreg:$0x0];
	s0 =	srdreg.scid  }
0x2: {  	s2 =	rddreg [dreg:$0x1];
	s1 =	stileid.u32  }
0x3: {  	s3 =	simm.s32 $0x0;
	s17 =	simm.s32 $0x3;
	s18 =	simm.s32 $0x1800  }
0x4: {  	s19 =	simm.s32 $0x80;
	s20 =	simm.s32 $0x1;
	s21 =	simm.s32 $0x6C00  }
0x5: {  	s22 =	simm.s32 $0x2;
	s6 =	sand.u32 $0x1, s0;
	s0 =	rddreg [dreg:$0x2]  }
0x6: {  	s8 =	smul.u32 $0x14000, s1;
	[smem:$0x7FF] =	sst s3;
	s4 =	sadd.s32 $0xE000, s5  }
0x7: {  	s12 =	sadd.s32 $0x5E000, s5;
	s26 =	smul.u32 $0x50000, s1;
	s28 =	sshll.u32 s1, $0x1  }
0x8: {  	s13 =	sadd.s32 $0x3E00, s5;
	s7 =	smul.u32 $0x140000, s6;
	s9 =	sor.u32 s6, s28  }
0x9: {  	_ =	strace $0x80000050;
	s29 =	ssub.s32 $0x2, s6;
	s10 =	smul.u32 $0x2800, s9  }
0xa: {  	s31 =	sshrl.u32 s29, $0x1;
	s11 =	smul.u32 $0x500, s9;
	s7 =	sadd.s32 s8, s7  }
0xb: {  	s30 =	sshrl.u32 s26, $0x2;
	s15 =	ssub.s32 s29, s31;
	s7 =	sshrl.u32 s7, $0x3  }
0xc: {  	s16 =	sshrl.u32 s10, $0x3;
	s10 =	sadd.s32 s12, s11;
	s11 =	sadd.s32 s13, s11  }
0xd: {  	s15 =	smax.u32 s15, $0x1;
	s14 =	sadd.s32 s7, s5;
	s5 =	sadd.s32 s30, s2  }
0xe: {  	s16 =	sadd.s32 $0x280, s16;
	s6 =	sadd.s32 $0x4000, s5;
	s7 =	sadd.s32 $0x8000, s5  }
0xf: {  	s8 =	sadd.s32 $0xC000, s5;
	s9 =	sadd.s32 $0x10000, s5;
	s12 =	sadd.s32 s12, s16  }
0x10: {  	v0 =	vimm.f32 $0.0e+00;
	s13 =	sadd.s32 s13, s16;
	s14 =	sadd.s32 $0x68200, s14;
	s16 =	simm.s32 $0x2C00  }
.LBB2_1:
0x11: {  	s23 =	simm.s32 $0x0;
	s24 =	simm.s32 $0x200  }
.LBB2_2:
0x12: {  	p0 =	sne.s32 s24, $0xFE00;
	[tilespmem:s23+$0x2C70] =	vst v0  }
0x13: {  	[tilespmem:s23+$0x2C00] =	vst v0  }
0x14: {  	[tilespmem:s23+$0x2C10] =	vst v0  }
.Ltmp0:
0x15: {  	[tilespmem:s23+$0x2C20] =	vst v0;
	(pc) =	sbr.rel @p0 .LBB2_2-.Ltmp0, $4  }
0x16: {  	[tilespmem:s23+$0x2C30] =	vst v0  }
0x17: {  	[tilespmem:s23+$0x2C40] =	vst v0  }
0x18: {  	[tilespmem:s23+$0x2C50] =	vst v0  }
0x19: {  	[tilespmem:s23+$0x2C60] =	vst v0;
	s23 =	sshra.s32 s24, $0x2;
	s24 =	sadd.s32 $0x200, s24  }
0x1a: {  	[tilespmem:s23+$0x2C70] =	vst v0  }
0x1b: {  	[tilespmem:s23+$0x2C00] =	vst v0  }
0x1c: {  	[tilespmem:s23+$0x2C10] =	vst v0  }
0x1d: {  	[tilespmem:s23+$0x2C20] =	vst v0  }
0x1e: {  	[tilespmem:s23+$0x2C30] =	vst v0  }
0x1f: {  	[tilespmem:s23+$0x2C40] =	vst v0  }
0x20: {  	[tilespmem:s23+$0x2C50] =	vst v0  }
0x21: {  	[tilespmem:s23+$0x2C60] =	vst v0  }
0x22: {  	[spmem:s5] =	stream.linear.scatter [tilespmem:s16], [sflag:$0x3], $0x4000, $0x38;
	[tilespmem:$0x1EC00] =	vst v63  }
0x23: {  	_ =	swait.ge [sflag:s17], $0x4000  }
0x24: {  	[sflag:s17] =	ssyncset.done $0x0  }
0x25: {  	[sflag:s17] =	ssyncadd.s32 $0xFFFFC000  }
0x26: {  	[spmem:s6] =	stream.linear.scatter [tilespmem:s16], [sflag:$0x3], $0x4000, $0x38;
	[tilespmem:$0x1EC00] =	vst v63  }
0x27: {  	_ =	swait.ge [sflag:s17], $0x4000  }
0x28: {  	[sflag:s17] =	ssyncset.done $0x0  }
0x29: {  	[sflag:s17] =	ssyncadd.s32 $0xFFFFC000  }
0x2a: {  	[spmem:s7] =	stream.linear.scatter [tilespmem:s16], [sflag:$0x3], $0x4000, $0x38;
	[tilespmem:$0x1EC00] =	vst v63  }
0x2b: {  	_ =	swait.ge [sflag:s17], $0x4000  }
0x2c: {  	[sflag:s17] =	ssyncset.done $0x0  }
0x2d: {  	[sflag:s17] =	ssyncadd.s32 $0xFFFFC000  }
0x2e: {  	[spmem:s8] =	stream.linear.scatter [tilespmem:s16], [sflag:$0x3], $0x4000, $0x38;
	[tilespmem:$0x1EC00] =	vst v63  }
0x2f: {  	_ =	swait.ge [sflag:s17], $0x4000  }
0x30: {  	[sflag:s17] =	ssyncset.done $0x0  }
0x31: {  	[sflag:s17] =	ssyncadd.s32 $0xFFFFC000  }
0x32: {  	[spmem:s9] =	stream.linear.scatter [tilespmem:s16], [sflag:$0x3], $0x4000, $0x38;
	[tilespmem:$0x1EC00] =	vst v63  }
0x33: {  	_ =	swait.ge [sflag:s17], $0x4000  }
0x34: {  	[sflag:s17] =	ssyncset.done $0x0  }
0x35: {  	s26 =	simm.s32 $0x0;
	[sflag:s17] =	ssyncadd.s32 $0xFFFFC000  }
0x36: {  	[tilespmem:s26], [sflag:$0x3] =	stream.linear.gather [hbm4b:s10+s26], $0x1800, $0x38;
	[tilespmem:$0x1EC00] =	vst v63  }
0x37: {  	_ =	swait.ge [sflag:s17], $0x1800  }
0x38: {  	[sflag:s17] =	ssyncset.done $0x0  }
0x39: {  	[sflag:s17] =	ssyncadd.s32 $0xFFFFE800  }
0x3a: {  	[tilespmem:s18], [sflag:$0x3] =	stream.linear.gather [hbm4b:s11+s26], $0x1400, $0x38;
	[tilespmem:$0x1EC00] =	vst v63  }
0x3b: {  	_ =	swait.ge [sflag:s17], $0x1400  }
0x3c: {  	[sflag:s17] =	ssyncset.done $0x0  }
0x3d: {  	[sflag:s17] =	ssyncadd.s32 $0xFFFFEC00  }
0x3e: {  	[tilespmem:s16], [sflag:$0x1] =	stream.indirect.gather [hbm4b:s4+s19], $0x80, s26, s19, $0xb8;
	[tilespmem:$0x1EC00] =	vst v63  }
0x3f: {  	[bflag:$0x0] =	sbarrier.arrive $0xFFFF  }
0x40: {  	_ =	swait.ge [sflag:s20], $0x4000  }
0x41: {  	[sflag:s20] =	ssyncset.done $0x0  }
0x42: {  	s28 =	simm.s32 $0x80;
	[sflag:s20] =	ssyncadd.s32 $0xFFFFC000  }
0x43: {  	[tilespmem:s21], [sflag:$0x2] =	stream.indirect.gather [hbm4b:s4+s19], $0x80, s28, s19, $0xb8;
	[tilespmem:$0x1EC00] =	vst v63  }
0x44: {  	s29 =	simm.s32 $0x1800  }
0x45: {  	[spmem:s2] =	stream.indirect.scatter.add.f32 [tilespmem:s16], [sflag:$0x3], $0x80, s29, s19, $0xb8;
	[tilespmem:$0x1EC00] =	vst v63  }
0x46: {  	_ =	swait.ge [sflag:s17], $0x4000  }
0x47: {  	[sflag:s17] =	ssyncset.done $0x0  }
0x48: {  	[sflag:s17] =	ssyncadd.s32 $0xFFFFC000  }
0x49: {  	_ =	swait.ge [sflag:s22], $0x4000  }
0x4a: {  	[sflag:s22] =	ssyncset.done $0x0  }
0x4b: {  	s30 =	simm.s32 $0x100;
	[sflag:s22] =	ssyncadd.s32 $0xFFFFC000  }
0x4c: {  	[tilespmem:s16], [sflag:$0x1] =	stream.indirect.gather [hbm4b:s4+s19], $0x80, s30, s19, $0xb8;
	[tilespmem:$0x1EC00] =	vst v63  }
0x4d: {  	s31 =	simm.s32 $0x1880  }
0x4e: {  	[spmem:s2] =	stream.indirect.scatter.add.f32 [tilespmem:s21], [sflag:$0x3], $0x80, s31, s19, $0xb8;
	[tilespmem:$0x1EC00] =	vst v63  }
0x4f: {  	_ =	swait.ge [sflag:s17], $0x4000  }
0x50: {  	[sflag:s17] =	ssyncset.done $0x0  }
0x51: {  	[sflag:s17] =	ssyncadd.s32 $0xFFFFC000  }
0x52: {  	_ =	swait.ge [sflag:s20], $0x4000  }
0x53: {  	s24 =	simm.s32 $0x800;
	s23 =	simm.s32 $0x100;
	[sflag:s20] =	ssyncset.done $0x0  }
.LBB2_4:
0x54: {  	s25 =	sadd.s32 $0x80, s23  }
0x55: {  	[sflag:s20] =	ssyncadd.s32 $0xFFFFC000;
	s26 =	smov.u32 s24;
	s28 =	sadd.s32 $0x400, s24  }
0x56: {  	[tilespmem:s21], [sflag:$0x2] =	stream.indirect.gather [hbm4b:s4+s19], $0x80, s25, s19, $0xb8;
	[tilespmem:$0x1EC00] =	vst v63  }
0x57: {  	p0 =	sne.s32 s24, $0x4C00;
	s24 =	sadd.s32 $0x1800, s23  }
0x58: {  	[spmem:s2] =	stream.indirect.scatter.add.f32 [tilespmem:s16], [sflag:$0x3], $0x80, s24, s19, $0xb8;
	[tilespmem:$0x1EC00] =	vst v63  }
0x59: {  	_ =	swait.ge [sflag:s17], $0x4000  }
0x5a: {  	[sflag:s17] =	ssyncset.done $0x0  }
0x5b: {  	[sflag:s17] =	ssyncadd.s32 $0xFFFFC000  }
0x5c: {  	_ =	swait.ge [sflag:s22], $0x4000  }
0x5d: {  	[sflag:s22] =	ssyncset.done $0x0  }
0x5e: {  	s24 =	sadd.s32 $0x100, s23;
	[sflag:s22] =	ssyncadd.s32 $0xFFFFC000  }
0x5f: {  	[tilespmem:s16], [sflag:$0x1] =	stream.indirect.gather [hbm4b:s4+s19], $0x80, s24, s19, $0xb8;
	[tilespmem:$0x1EC00] =	vst v63  }
0x60: {  	s23 =	sadd.s32 $0x1880, s23  }
0x61: {  	[spmem:s2] =	stream.indirect.scatter.add.f32 [tilespmem:s21], [sflag:$0x3], $0x80, s23, s19, $0xb8;
	[tilespmem:$0x1EC00] =	vst v63  }
.Ltmp1:
0x62: {  	_ =	swait.ge [sflag:s17], $0x4000;
	(pc) =	sbr.rel @p0 .LBB2_4-.Ltmp1, $4  }
0x63: {  	[sflag:s17] =	ssyncset.done $0x0  }
0x64: {  	[sflag:s17] =	ssyncadd.s32 $0xFFFFC000  }
0x65: {  	_ =	swait.ge [sflag:s20], $0x4000  }
0x66: {  	s24 =	smov.u32 s28;
	s23 =	sshra.s32 s26, $0x2;
	[sflag:s20] =	ssyncset.done $0x0  }
0x67: {  	s24 =	sadd.s32 $0x80, s23;
	[sflag:s20] =	ssyncadd.s32 $0xFFFFC000  }
0x68: {  	[tilespmem:s21], [sflag:$0x2] =	stream.indirect.gather [hbm4b:s4+s19], $0x80, s24, s19, $0xb8;
	[tilespmem:$0x1EC00] =	vst v63  }
0x69: {  	s30 =	sadd.s32 $0x1800, s23  }
0x6a: {  	[spmem:s2] =	stream.indirect.scatter.add.f32 [tilespmem:s16], [sflag:$0x3], $0x80, s30, s19, $0xb8;
	[tilespmem:$0x1EC00] =	vst v63  }
0x6b: {  	_ =	swait.ge [sflag:s17], $0x4000  }
0x6c: {  	[sflag:s17] =	ssyncset.done $0x0  }
0x6d: {  	[sflag:s17] =	ssyncadd.s32 $0xFFFFC000  }
0x6e: {  	_ =	swait.ge [sflag:s22], $0x4000  }
0x6f: {  	[sflag:s22] =	ssyncset.done $0x0  }
0x70: {  	s31 =	sadd.s32 $0x100, s23;
	[sflag:s22] =	ssyncadd.s32 $0xFFFFC000  }
0x71: {  	[tilespmem:s16], [sflag:$0x1] =	stream.indirect.gather [hbm4b:s4+s19], $0x80, s31, s19, $0xb8;
	[tilespmem:$0x1EC00] =	vst v63  }
0x72: {  	s25 =	sadd.s32 $0x1880, s23  }
0x73: {  	[spmem:s2] =	stream.indirect.scatter.add.f32 [tilespmem:s21], [sflag:$0x3], $0x80, s25, s19, $0xb8;
	[tilespmem:$0x1EC00] =	vst v63  }
0x74: {  	_ =	swait.ge [sflag:s17], $0x4000  }
0x75: {  	[sflag:s17] =	ssyncset.done $0x0  }
0x76: {  	[sflag:s17] =	ssyncadd.s32 $0xFFFFC000  }
0x77: {  	_ =	swait.ge [sflag:s20], $0x4000  }
0x78: {  	[sflag:s20] =	ssyncset.done $0x0  }
0x79: {  	s26 =	simm.s32 $0x0;
	[sflag:s20] =	ssyncadd.s32 $0xFFFFC000  }
0x7a: {  	[tilespmem:s26], [sflag:$0x3] =	stream.linear.gather [hbm4b:s12+s26], $0x1800, $0x38;
	[tilespmem:$0x1EC00] =	vst v63  }
0x7b: {  	_ =	swait.ge [sflag:s17], $0x1800  }
0x7c: {  	[sflag:s17] =	ssyncset.done $0x0  }
0x7d: {  	[sflag:s17] =	ssyncadd.s32 $0xFFFFE800  }
0x7e: {  	[tilespmem:s18], [sflag:$0x3] =	stream.linear.gather [hbm4b:s13+s26], $0x1400, $0x38;
	[tilespmem:$0x1EC00] =	vst v63  }
0x7f: {  	_ =	swait.ge [sflag:s17], $0x1400  }
0x80: {  	[sflag:s17] =	ssyncset.done $0x0  }
0x81: {  	s28 =	simm.s32 $0x80;
	[sflag:s17] =	ssyncadd.s32 $0xFFFFEC00  }
0x82: {  	[tilespmem:s21], [sflag:$0x2] =	stream.indirect.gather [hbm4b:s4+s19], $0x80, s28, s19, $0xb8;
	[tilespmem:$0x1EC00] =	vst v63  }
0x83: {  	s29 =	simm.s32 $0x1800  }
0x84: {  	[spmem:s2] =	stream.indirect.scatter.add.f32 [tilespmem:s16], [sflag:$0x3], $0x80, s29, s19, $0xb8;
	[tilespmem:$0x1EC00] =	vst v63  }
0x85: {  	_ =	swait.ge [sflag:s17], $0x4000  }
0x86: {  	[sflag:s17] =	ssyncset.done $0x0  }
0x87: {  	[sflag:s17] =	ssyncadd.s32 $0xFFFFC000  }
0x88: {  	_ =	swait.ge [sflag:s22], $0x4000  }
0x89: {  	[sflag:s22] =	ssyncset.done $0x0  }
0x8a: {  	s30 =	simm.s32 $0x100;
	[sflag:s22] =	ssyncadd.s32 $0xFFFFC000  }
0x8b: {  	[tilespmem:s16], [sflag:$0x1] =	stream.indirect.gather [hbm4b:s4+s19], $0x80, s30, s19, $0xb8;
	[tilespmem:$0x1EC00] =	vst v63  }
0x8c: {  	s31 =	simm.s32 $0x1880  }
0x8d: {  	[spmem:s2] =	stream.indirect.scatter.add.f32 [tilespmem:s21], [sflag:$0x3], $0x80, s31, s19, $0xb8;
	[tilespmem:$0x1EC00] =	vst v63  }
0x8e: {  	_ =	swait.ge [sflag:s17], $0x4000  }
0x8f: {  	[sflag:s17] =	ssyncset.done $0x0  }
0x90: {  	[sflag:s17] =	ssyncadd.s32 $0xFFFFC000  }
0x91: {  	_ =	swait.ge [sflag:s20], $0x4000  }
0x92: {  	s23 =	simm.s32 $0x100;
	s24 =	simm.s32 $0x800;
	[sflag:s20] =	ssyncset.done $0x0  }
.LBB2_6:
0x93: {  	s25 =	sadd.s32 $0x80, s23  }
0x94: {  	[sflag:s20] =	ssyncadd.s32 $0xFFFFC000;
	s26 =	smov.u32 s24;
	s28 =	sadd.s32 $0x400, s24  }
0x95: {  	[tilespmem:s21], [sflag:$0x2] =	stream.indirect.gather [hbm4b:s4+s19], $0x80, s25, s19, $0xb8;
	[tilespmem:$0x1EC00] =	vst v63  }
0x96: {  	p0 =	sne.s32 s24, $0x4C00;
	s24 =	sadd.s32 $0x1800, s23  }
0x97: {  	[spmem:s2] =	stream.indirect.scatter.add.f32 [tilespmem:s16], [sflag:$0x3], $0x80, s24, s19, $0xb8;
	[tilespmem:$0x1EC00] =	vst v63  }
0x98: {  	_ =	swait.ge [sflag:s17], $0x4000  }
0x99: {  	[sflag:s17] =	ssyncset.done $0x0  }
0x9a: {  	[sflag:s17] =	ssyncadd.s32 $0xFFFFC000  }
0x9b: {  	_ =	swait.ge [sflag:s22], $0x4000  }
0x9c: {  	[sflag:s22] =	ssyncset.done $0x0  }
0x9d: {  	s24 =	sadd.s32 $0x100, s23;
	[sflag:s22] =	ssyncadd.s32 $0xFFFFC000  }
0x9e: {  	[tilespmem:s16], [sflag:$0x1] =	stream.indirect.gather [hbm4b:s4+s19], $0x80, s24, s19, $0xb8;
	[tilespmem:$0x1EC00] =	vst v63  }
0x9f: {  	s23 =	sadd.s32 $0x1880, s23  }
0xa0: {  	[spmem:s2] =	stream.indirect.scatter.add.f32 [tilespmem:s21], [sflag:$0x3], $0x80, s23, s19, $0xb8;
	[tilespmem:$0x1EC00] =	vst v63  }
.Ltmp2:
0xa1: {  	_ =	swait.ge [sflag:s17], $0x4000;
	(pc) =	sbr.rel @p0 .LBB2_6-.Ltmp2, $4  }
0xa2: {  	[sflag:s17] =	ssyncset.done $0x0  }
0xa3: {  	[sflag:s17] =	ssyncadd.s32 $0xFFFFC000  }
0xa4: {  	_ =	swait.ge [sflag:s20], $0x4000  }
0xa5: {  	s24 =	smov.u32 s28;
	s23 =	sshra.s32 s26, $0x2;
	[sflag:s20] =	ssyncset.done $0x0  }
0xa6: {  	s24 =	sadd.s32 $0x80, s23;
	[sflag:s20] =	ssyncadd.s32 $0xFFFFC000  }
0xa7: {  	[tilespmem:s21], [sflag:$0x2] =	stream.indirect.gather [hbm4b:s4+s19], $0x80, s24, s19, $0xb8;
	[tilespmem:$0x1EC00] =	vst v63  }
0xa8: {  	s26 =	sadd.s32 $0x1800, s23  }
0xa9: {  	[spmem:s2] =	stream.indirect.scatter.add.f32 [tilespmem:s16], [sflag:$0x3], $0x80, s26, s19, $0xb8;
	[tilespmem:$0x1EC00] =	vst v63  }
0xaa: {  	_ =	swait.ge [sflag:s17], $0x4000  }
0xab: {  	[sflag:s17] =	ssyncset.done $0x0  }
0xac: {  	[sflag:s17] =	ssyncadd.s32 $0xFFFFC000  }
0xad: {  	_ =	swait.ge [sflag:s22], $0x4000  }
0xae: {  	[sflag:s22] =	ssyncset.done $0x0  }
0xaf: {  	s28 =	sadd.s32 $0x100, s23;
	[sflag:s22] =	ssyncadd.s32 $0xFFFFC000  }
0xb0: {  	[tilespmem:s16], [sflag:$0x1] =	stream.indirect.gather [hbm4b:s4+s19], $0x80, s28, s19, $0xb8;
	[tilespmem:$0x1EC00] =	vst v63  }
0xb1: {  	s29 =	sadd.s32 $0x1880, s23  }
0xb2: {  	[spmem:s2] =	stream.indirect.scatter.add.f32 [tilespmem:s21], [sflag:$0x3], $0x80, s29, s19, $0xb8;
	[tilespmem:$0x1EC00] =	vst v63  }
0xb3: {  	_ =	swait.ge [sflag:s17], $0x4000  }
0xb4: {  	[sflag:s17] =	ssyncset.done $0x0  }
0xb5: {  	[sflag:s17] =	ssyncadd.s32 $0xFFFFC000  }
0xb6: {  	_ =	swait.ge [sflag:s20], $0x4000  }
0xb7: {  	s30 =	sshll.u32 s1, $0x6;
	s3 =	sadd.s32 $0x1, s3;
	[sflag:s20] =	ssyncset.done $0x0  }
0xb8: {  	s31 =	sshrl.u32 s5, $0x3;
	p0 =	sne.s32 s3, s15;
	[sflag:s20] =	ssyncadd.s32 $0xFFFFC000  }
.Ltmp3:
0xb9: {  	s23 =	sor.u32 $0x1C03, s30;
	[bflag:$0x0] =	sbarrier.arrive $0xFFFF;
	(pc) =	sbr.rel @p0 .LBB2_1-.Ltmp3, $4  }
0xba: {  	[hbm:s14], [sflag:s23] =	dma.local [spmem:s31], $0x2800  }
0xbb: {  	_ =	swait.ge [sflag:s17], $0x2800  }
0xbc: {  	[sflag:s17] =	ssyncset.done $0x0  }
0xbd: {  	[sflag:s17] =	ssyncadd.s32 $0xFFFFD800  }
0xbe: {  	_ =	sfence.sel $0x180000  }
0xbf: {  	[bflag:$0x0] =	sbarrier.arrive $0xFFFF  }
0xc0: {  	p0 =	sne.s32 s1, $0x0;
	_ =	strace $0x90000050  }
0xc1: {  	s0 =	sadd.s32 @!p0 $0x100000, s0;
	[bflag:$0x2] =	sbarrier.arrive $0xFFFF  }
0xc2: {  	[sflag:s0] =	ssyncadd.tile.s32 @!p0 $0x1;
	_ =	shalt  }
.Lfunc_end2:
_tile_overlayer_lowered:
.L_overlay_start_2:
0xc3: {  	(tag) =	ssettag $0x2  }
0xc4: {  	s0 =	rddreg [dreg:$0x0];
	s2 =	stileid.u32  }
0xc5: {  	s1 =	rddreg [dreg:$0x1];
	p0 =	sne.s32 s2, $0x0  }
0xc6: {  	s3 =	rddreg [dreg:$0x2];
	[bflag:$0x3] =	sbarrier.arrive $0xFFFF;
	s2 =	simm.s32 @!p0 $0x1C03  }
0xc7: {  	[timem:s3], [sflag:s2] =	dma.local @!p0 [hbm:s0], s1  }
0xc8: {  	s0 =	simm.s32 @!p0 $0x3  }
0xc9: {  	_ =	swait.ge @!p0 [sflag:s0], s1  }
0xca: {  	s1 =	ssub.s32 @!p0 $0x0, s1;
	[sflag:s0] =	ssyncset.done @!p0 $0x0  }
0xcb: {  	[sflag:s0] =	ssyncadd.s32 @!p0 s1  }
0xcc: {  	[bflag:$0x3] =	sbarrier.arrive $0xFFFF  }
0xcd: {  	_ =	shalt  }

// kernel: kernel.24.cloned.1.call-start
scs
__scs_entry_jumppad:
0x0: {  	(pc) =	sbr.rel $0x88, $3  }
0x1: {  	(tag) =	ssettag $0x0;
	lr =	simm.s32 $0x1  }
0x2: {  	[smem:$0x3F94] =	sst lr;
	_ =	strace $0xD0000000  }
0x3: {  	_ = 	snop  }
0x4: {  	_ = 	snop  }
0x5: {  	_ = 	snop  }
0x6: {  	_ = 	snop  }
0x7: {  	_ = 	snop  }
__scs_overlays_trampoline_lowered:
0x8: {  	[smem:$0x3FA3] =	sst s0  }
0x9: {  	[smem:$0x3FA4] =	sst s1  }
0xa: {  	[smem:$0x3FA5] =	sst s2  }
0xb: {  	[smem:$0x3FA6] =	sst s3  }
0xc: {  	[smem:$0x3FA7] =	sst s4  }
0xd: {  	[smem:$0x3FA8] =	sst s5  }
0xe: {  	[smem:$0x3FA9] =	sst s6  }
0xf: {  	[smem:$0x3FAA] =	sst s7  }
0x10: {  	[smem:$0x3FAB] =	sst s8  }
0x11: {  	[smem:$0x3FAC] =	sst s9;
	s0 =	simm.s32 @!p0 $0x0  }
0x12: {  	s1 =	sld [smem:$0x3F92];
	s0 =	simm.s32 @p0 $0x1  }
0x13: {  	[smem:$0x3FAD] =	sst s0;
	s0 =	simm.s32 @!p1 $0x0  }
0x14: {  	s2 =	sld [smem:$0x3F91];
	s0 =	simm.s32 @p1 $0x1  }
0x15: {  	[smem:$0x3FAE] =	sst s0;
	s0 =	simm.s32 @!p2 $0x0  }
0x16: {  	s3 =	sld [smem:$0x3FDB];
	s0 =	simm.s32 @p2 $0x1  }
0x17: {  	s4 =	simm.s32 $0x1BF5;
	[smem:$0x3FB0] =	sst s0  }
0x18: {  	s0 =	sld [smem:$0x3F93];
	_ =	swait.ge [sflag:s4], $0x0  }
0x19: {  	s7 =	sld [smem:$0x3F94]  }
0x1a: {  	s8 =	sadd.s32 $0xFFFFE003, lr  }
0x1b: {  	s9 =	sadd.s32 $0xFFFFFEF7, lr;
	s5 =	simm.s32 $0xFFFFFFFF;
	p2 =	slt.u32 s8, $0xFFFFF086  }
0x1c: {  	p1 =	slt.u32 s9, $0xF7A;
	s5 =	simm.s32 @!p2 $0x0  }
0x1d: {  	s5 =	simm.s32 @p1 $0x1;
	p0 =	seq.s32 s7, s2  }
0x1e: {  	s7 =	smul.u32 @!p0 $0xF7A, s2;
	p2 =	seq.s32 @!p0 s5, $0x0  }
0x1f: {  	s9 =	smul.u32 $0xF7A, s1;
	s8 =	simm.s32 @!p0 $0x1BF5;
	p2 =	por !p2, p0  }
0x20: {  	[sflag:s8] =	ssyncset.s32 @!p0 $0xFFFFF086;
	s6 =	sadd.s32 @!p0 s3, s7;
	s7 =	simm.s32 @!p0 $0x108  }
0x21: {  	s3 =	sadd.s32 s3, s9;
	s6 =	sadd.s32 @!p0 $0x88, s6;
	s7 =	simm.s32 @p2 $0x1082  }
0x22: {  	[simem:s7], [sflag:s8] =	dma.local @!p0 [hbm:s6], $0xF7A  }
0x23: {  	s9 =	sor.u32 $0xD0000000, s2;
	s6 =	simm.s32 $0x108;
	_ =	swait.ge @!p0 [sflag:s8], $0x0  }
0x24: {  	s3 =	sadd.s32 $0x88, s3;
	s6 =	simm.s32 @!p1 $0x1082;
	[sflag:s4] =	ssyncset.s32 $0xFFFFF086  }
0x25: {  	[simem:s6], [sflag:s4] =	dma.local [hbm:s3], $0xF7A  }
0x26: {  	[smem:$0x3F94] =	sst s1;
	(tag) =	ssettag s2;
	_ =	strace s9  }
0x27: {  	s1 =	sld [smem:$0x3FA4]  }
0x28: {  	s2 =	sld [smem:$0x3FA5]  }
0x29: {  	s4 =	sld [smem:$0x3FA7]  }
0x2a: {  	p0 =	seq.s32 s5, $0x0;
	s5 =	sld [smem:$0x3FA8]  }
0x2b: {  	s6 =	sld [smem:$0x3FA9]  }
0x2c: {  	s7 =	sld [smem:$0x3FAA]  }
0x2d: {  	s3 =	simm.s32 $0x108;
	s8 =	sld [smem:$0x3FAB]  }
0x2e: {  	s3 =	simm.s32 @!p0 $0x1082;
	s9 =	sld [smem:$0x3FAC]  }
0x2f: {  	lr =	sadd.s32 s0, s3;
	s0 =	sld [smem:$0x3FA3]  }
0x30: {  	s3 =	sld [smem:$0x3FA6]  }
0x31: {  	[smem:$0x3FAF] =	sst s10  }
0x32: {  	s10 =	sld [smem:$0x3FAD];
	_ =	sdelay $0x3  }
0x33: {  	p0 =	seq.s32 s10, $0x1;
	s10 =	sld [smem:$0x3FAF];
	_ =	sdelay $0x3  }
0x34: {  	[smem:$0x3FAF] =	sst s10  }
0x35: {  	s10 =	sld [smem:$0x3FAE];
	_ =	sdelay $0x3  }
0x36: {  	p1 =	seq.s32 s10, $0x1;
	s10 =	sld [smem:$0x3FAF];
	_ =	sdelay $0x3  }
0x37: {  	[smem:$0x3FAF] =	sst s10  }
0x38: {  	s10 =	sld [smem:$0x3FB0]  }
0x39: {  	_ = 	snop;
	(pc) =	sbr.ind lr, $3  }
0x3a: {  	_ = 	snop  }
0x3b: {  	_ = 	snop  }
0x3c: {  	p2 =	seq.s32 s10, $0x1;
	s10 =	sld [smem:$0x3FAF]  }
0x3d: {  	_ =	shalt  }
0x3e: {  	_ =	shalt  }
0x3f: {  	_ =	shalt  }
0x40: {  	_ =	shalt  }
0x41: {  	_ =	shalt  }
0x42: {  	_ =	shalt  }
0x43: {  	_ =	shalt  }
0x44: {  	_ =	shalt  }
0x45: {  	_ =	shalt  }
0x46: {  	_ =	shalt  }
0x47: {  	_ =	shalt  }
0x48: {  	_ =	shalt  }
0x49: {  	_ =	shalt  }
0x4a: {  	_ =	shalt  }
0x4b: {  	_ =	shalt  }
0x4c: {  	_ =	shalt  }
0x4d: {  	_ =	shalt  }
0x4e: {  	_ =	shalt  }
0x4f: {  	_ =	shalt  }
0x50: {  	_ =	shalt  }
0x51: {  	_ =	shalt  }
0x52: {  	_ =	shalt  }
0x53: {  	_ =	shalt  }
0x54: {  	_ =	shalt  }
0x55: {  	_ =	shalt  }
0x56: {  	_ =	shalt  }
0x57: {  	_ =	shalt  }
0x58: {  	_ =	shalt  }
0x59: {  	_ =	shalt  }
0x5a: {  	_ =	shalt  }
0x5b: {  	_ =	shalt  }
0x5c: {  	_ =	shalt  }
0x5d: {  	_ =	shalt  }
0x5e: {  	_ =	shalt  }
0x5f: {  	_ =	shalt  }
0x60: {  	_ =	shalt  }
0x61: {  	_ =	shalt  }
0x62: {  	_ =	shalt  }
0x63: {  	_ =	shalt  }
0x64: {  	_ =	shalt  }
0x65: {  	_ =	shalt  }
0x66: {  	_ =	shalt  }
0x67: {  	_ =	shalt  }
0x68: {  	_ =	shalt  }
0x69: {  	_ =	shalt  }
0x6a: {  	_ =	shalt  }
0x6b: {  	_ =	shalt  }
0x6c: {  	_ =	shalt  }
0x6d: {  	_ =	shalt  }
0x6e: {  	_ =	shalt  }
0x6f: {  	_ =	shalt  }
0x70: {  	_ =	shalt  }
0x71: {  	_ =	shalt  }
0x72: {  	_ =	shalt  }
0x73: {  	_ =	shalt  }
0x74: {  	_ =	shalt  }
0x75: {  	_ =	shalt  }
0x76: {  	_ =	shalt  }
0x77: {  	_ =	shalt  }
0x78: {  	_ =	shalt  }
0x79: {  	_ =	shalt  }
0x7a: {  	_ =	shalt  }
0x7b: {  	_ =	shalt  }
0x7c: {  	_ =	shalt  }
0x7d: {  	_ =	shalt  }
0x7e: {  	_ =	shalt  }
0x7f: {  	_ =	shalt  }
0x80: {  	_ =	shalt  }
0x81: {  	_ =	shalt  }
0x82: {  	_ =	shalt  }
0x83: {  	_ =	shalt  }
0x84: {  	_ =	shalt  }
0x85: {  	_ =	shalt  }
0x86: {  	_ =	shalt  }
0x87: {  	_ =	shalt  }
.Lfunc_end0:
.L_simem_size_0:
called_computation.4_lowered:
.L_overlay_start_0:
0x88: {  	s2 =	sld [smem:$0x3FD9]  }
0x89: {  	s3 =	sld [smem:$0x3FFE];
	_ =	sdelay $0x1  }
0x8a: {  	s1 =	srdreg.scid  }
0x8b: {  	s0 =	sand.u32 $0x1, s1  }
0x8c: {  	s16 =	sshll.u32 s0, $0xA;
	s2 =	sadd.s32 s3, s2  }
0x8d: {  	s2 =	sadd.s32 s2, s16  }
0x8e: {  	[smem:$0x3FBB] =	sst s2  }
0x8f: {  	_ = 	snop  }
0x90: {  	(tm) =	ssettm $0x1  }
0x91: {  	s17 =	sld [smem:$0x3FFB];
	_ =	sdelay $0x3  }
0x92: {  	_ =	strace s17  }
0x93: {  	s2 =	sld [smem:$0x3FFC];
	_ =	sdelay $0x3  }
0x94: {  	_ =	strace s2  }
0x95: {  	s2 =	sld [smem:$0x3FFD];
	_ =	sdelay $0x3  }
0x96: {  	_ =	strace s2  }
0x97: {  	_ =	strace $0x8FFFFFFF  }
0x98: {  	s18 =	sld [smem:$0x3FDB];
	_ =	sdelay $0x1  }
0x99: {  	s19 =	simm.s32 $_scs_section_size  }
0x9a: {  	s4 =	simm.s32 $_size__tile_overlayer_lowered;
	s5 =	simm.s32 $_tile_overlayer_lowered  }
0x9b: {  	s22 =	simm.s32 $0x1BFF;
	s21 =	sshll.u32 s5, $0x1;
	s2 =	sadd.s32 s19, s18  }
0x9c: {  	s6 =	simm.s32 $0x0;
	s20 =	sshll.u32 s4, $0x1;
	s4 =	sadd.s32 s21, s2  }
0x9d: {  	[timem:s6], [sflag:s22] =	dma.local [hbm:s4], s20  }
0x9e: {  	_ =	swait.ge [sflag:s22], s20  }
0x9f: {  	s3 =	ssub.s32 $0x0, s20;
	[sflag:s22] =	ssyncset.done $0x0  }
0xa0: {  	[sflag:s22] =	ssyncadd.s32 s3;
	_ =	sdelay $0x1  }
0xa1: {  	s23 =	simm.s32 $0x1B8B  }
0xa2: {  	_ =	swait.ge [sflag:s23], $0x1  }
0xa3: {  	[sflag:s23] =	ssyncset.done $0x0  }
0xa4: {  	s25 =	simm.s32 $0x1B8E;
	s24 =	sld [smem:$0x3FFE];
	[sflag:s23] =	ssyncadd.s32 $0xFFFFFFFF  }
0xa5: {  	s26 =	simm.s32 $execute0_lowered;
	[smem:$0x3FD2] =	sst s25  }
0xa6: {  	s4 =	sshll.u32 s26, $0x1;
	_ =	strace $0x80000052;
	[dreg:$0x1] =	wrdreg $0xFFFFFFFF  }
0xa7: {  	s28 =	simm.s32 $_size_execute0_lowered;
	s2 =	sadd.s32 s2, s4;
	[dreg:$0x0] =	wrdreg $0x0  }
0xa8: {  	s4 =	sshll.u32 s28, $0x1;
	[dreg:$0x2] =	wrdreg s2  }
0xa9: {  	[dreg:$0x3] =	wrdreg s4  }
0xaa: {  	[dreg:$0x4] =	wrdreg $0xC0  }
0xab: {  	_ =	task [dreg:s6], $0x5FFFF  }
0xac: {  	[dreg:$0x1] =	wrdreg $0xFFFFFFFF  }
0xad: {  	[dreg:$0x0] =	wrdreg $0x60  }
0xae: {  	[dreg:$0x2] =	wrdreg s24  }
0xaf: {  	[dreg:$0x3] =	wrdreg $0xAC000  }
0xb0: {  	[dreg:$0x4] =	wrdreg $0x9  }
0xb1: {  	_ =	task.clear_ibuf [dreg:s6], $0x5FFFF;
	_ =	strace $0x90000052  }
0xb2: {  	s29 =	simm.s32 $0x9;
	_ =	strace $0x80000054  }
0xb3: {  	_ =	swait.ge [sflag:s29], $0x1  }
0xb4: {  	[sflag:s29] =	ssyncadd.s32 $0xFFFFFFFF  }
0xb5: {  	_ =	strace $0x90000054  }
0xb6: {  	_ =	sfence  }
0xb7: {  	s30 =	sld [smem:$0x0];
	_ =	sdelay $0x2  }
0xb8: {  	s31 =	sshll.u32 s1, $0xD;
	s1 =	sshrl.u32 s1, $0x2  }
0xb9: {  	s3 =	sand.u32 $0x4000, s31;
	s1 =	sadd.s32 s1, s30  }
0xba: {  	s0 =	sor.u32 s3, s0;
	s1 =	sshll.u32 s1, $0x11  }
0xbb: {  	s0 =	sor.u32 s1, s0  }
0xbc: {  	s0 =	sadd.s32 $0x8F2B, s0  }
0xbd: {  	[sflag:s0] =	ssyncadd.remote.s32 $0x1  }
0xbe: {  	_ =	sfence.sel $0xFFFF  }
0xbf: {  	[dreg:$0x0] =	wrdreg $0xFFFFFFFF;
	(pc) =	sbr.abs _section_cstart, $3  }
0xc0: {  	[dreg:$0x1] =	wrdreg $0xFFFFFFFF  }
0xc1: {  	_ =	task.clear_ibuf [dreg:s6], $0x2FFFF;
	_ =	strace $0x9FFFFFFF  }
0xc2: {  	(tm) =	ssettm $0x7FFFFFFF  }
0xc3: {  	_ =	shalt  }
tec
execute0_lowered:
.L_overlay_start_1:
0x0: {  	(tag) =	ssettag $0x1  }
0x1: {  	s5 =	rddreg [dreg:$0x0];
	s0 =	srdreg.scid  }
0x2: {  	s2 =	rddreg [dreg:$0x1];
	s1 =	stileid.u32  }
0x3: {  	s3 =	simm.s32 $0x0;
	s17 =	simm.s32 $0x3;
	s18 =	simm.s32 $0x1800  }
0x4: {  	s19 =	simm.s32 $0x80;
	s20 =	simm.s32 $0x1;
	s21 =	simm.s32 $0x6C00  }
0x5: {  	s22 =	simm.s32 $0x2;
	s6 =	sand.u32 $0x1, s0;
	s0 =	rddreg [dreg:$0x2]  }
0x6: {  	s8 =	smul.u32 $0x14000, s1;
	[smem:$0x7FF] =	sst s3;
	s4 =	sadd.s32 $0xE000, s5  }
0x7: {  	s12 =	sadd.s32 $0x5E000, s5;
	s26 =	smul.u32 $0x50000, s1;
	s28 =	sshll.u32 s1, $0x1  }
0x8: {  	s13 =	sadd.s32 $0x3E00, s5;
	s7 =	smul.u32 $0x140000, s6;
	s9 =	sor.u32 s6, s28  }
0x9: {  	_ =	strace $0x80000053;
	s29 =	ssub.s32 $0x2, s6;
	s10 =	smul.u32 $0x2800, s9  }
0xa: {  	s31 =	sshrl.u32 s29, $0x1;
	s11 =	smul.u32 $0x500, s9;
	s7 =	sadd.s32 s8, s7  }
0xb: {  	s30 =	sshrl.u32 s26, $0x2;
	s15 =	ssub.s32 s29, s31;
	s7 =	sshrl.u32 s7, $0x3  }
0xc: {  	s16 =	sshrl.u32 s10, $0x3;
	s10 =	sadd.s32 s12, s11;
	s11 =	sadd.s32 s13, s11  }
0xd: {  	s15 =	smax.u32 s15, $0x1;
	s14 =	sadd.s32 s7, s5;
	s5 =	sadd.s32 s30, s2  }
0xe: {  	s16 =	sadd.s32 $0x280, s16;
	s6 =	sadd.s32 $0x4000, s5;
	s7 =	sadd.s32 $0x8000, s5  }
0xf: {  	s8 =	sadd.s32 $0xC000, s5;
	s9 =	sadd.s32 $0x10000, s5;
	s12 =	sadd.s32 s12, s16  }
0x10: {  	v0 =	vimm.f32 $0.0e+00;
	s13 =	sadd.s32 s13, s16;
	s14 =	sadd.s32 $0x68200, s14;
	s16 =	simm.s32 $0x2C00  }
.LBB2_1:
0x11: {  	s23 =	simm.s32 $0x0;
	s24 =	simm.s32 $0x200  }
.LBB2_2:
0x12: {  	p0 =	sne.s32 s24, $0xFE00;
	[tilespmem:s23+$0x2C70] =	vst v0  }
0x13: {  	[tilespmem:s23+$0x2C00] =	vst v0  }
0x14: {  	[tilespmem:s23+$0x2C10] =	vst v0  }
.Ltmp0:
0x15: {  	[tilespmem:s23+$0x2C20] =	vst v0;
	(pc) =	sbr.rel @p0 .LBB2_2-.Ltmp0, $4  }
0x16: {  	[tilespmem:s23+$0x2C30] =	vst v0  }
0x17: {  	[tilespmem:s23+$0x2C40] =	vst v0  }
0x18: {  	[tilespmem:s23+$0x2C50] =	vst v0  }
0x19: {  	[tilespmem:s23+$0x2C60] =	vst v0;
	s23 =	sshra.s32 s24, $0x2;
	s24 =	sadd.s32 $0x200, s24  }
0x1a: {  	[tilespmem:s23+$0x2C70] =	vst v0  }
0x1b: {  	[tilespmem:s23+$0x2C00] =	vst v0  }
0x1c: {  	[tilespmem:s23+$0x2C10] =	vst v0  }
0x1d: {  	[tilespmem:s23+$0x2C20] =	vst v0  }
0x1e: {  	[tilespmem:s23+$0x2C30] =	vst v0  }
0x1f: {  	[tilespmem:s23+$0x2C40] =	vst v0  }
0x20: {  	[tilespmem:s23+$0x2C50] =	vst v0  }
0x21: {  	[tilespmem:s23+$0x2C60] =	vst v0  }
0x22: {  	[spmem:s5] =	stream.linear.scatter [tilespmem:s16], [sflag:$0x3], $0x4000, $0x38;
	[tilespmem:$0x1EC00] =	vst v63  }
0x23: {  	_ =	swait.ge [sflag:s17], $0x4000  }
0x24: {  	[sflag:s17] =	ssyncset.done $0x0  }
0x25: {  	[sflag:s17] =	ssyncadd.s32 $0xFFFFC000  }
0x26: {  	[spmem:s6] =	stream.linear.scatter [tilespmem:s16], [sflag:$0x3], $0x4000, $0x38;
	[tilespmem:$0x1EC00] =	vst v63  }
0x27: {  	_ =	swait.ge [sflag:s17], $0x4000  }
0x28: {  	[sflag:s17] =	ssyncset.done $0x0  }
0x29: {  	[sflag:s17] =	ssyncadd.s32 $0xFFFFC000  }
0x2a: {  	[spmem:s7] =	stream.linear.scatter [tilespmem:s16], [sflag:$0x3], $0x4000, $0x38;
	[tilespmem:$0x1EC00] =	vst v63  }
0x2b: {  	_ =	swait.ge [sflag:s17], $0x4000  }
0x2c: {  	[sflag:s17] =	ssyncset.done $0x0  }
0x2d: {  	[sflag:s17] =	ssyncadd.s32 $0xFFFFC000  }
0x2e: {  	[spmem:s8] =	stream.linear.scatter [tilespmem:s16], [sflag:$0x3], $0x4000, $0x38;
	[tilespmem:$0x1EC00] =	vst v63  }
0x2f: {  	_ =	swait.ge [sflag:s17], $0x4000  }
0x30: {  	[sflag:s17] =	ssyncset.done $0x0  }
0x31: {  	[sflag:s17] =	ssyncadd.s32 $0xFFFFC000  }
0x32: {  	[spmem:s9] =	stream.linear.scatter [tilespmem:s16], [sflag:$0x3], $0x4000, $0x38;
	[tilespmem:$0x1EC00] =	vst v63  }
0x33: {  	_ =	swait.ge [sflag:s17], $0x4000  }
0x34: {  	[sflag:s17] =	ssyncset.done $0x0  }
0x35: {  	s26 =	simm.s32 $0x0;
	[sflag:s17] =	ssyncadd.s32 $0xFFFFC000  }
0x36: {  	[tilespmem:s26], [sflag:$0x3] =	stream.linear.gather [hbm4b:s10+s26], $0x1800, $0x38;
	[tilespmem:$0x1EC00] =	vst v63  }
0x37: {  	_ =	swait.ge [sflag:s17], $0x1800  }
0x38: {  	[sflag:s17] =	ssyncset.done $0x0  }
0x39: {  	[sflag:s17] =	ssyncadd.s32 $0xFFFFE800  }
0x3a: {  	[tilespmem:s18], [sflag:$0x3] =	stream.linear.gather [hbm4b:s11+s26], $0x1400, $0x38;
	[tilespmem:$0x1EC00] =	vst v63  }
0x3b: {  	_ =	swait.ge [sflag:s17], $0x1400  }
0x3c: {  	[sflag:s17] =	ssyncset.done $0x0  }
0x3d: {  	[sflag:s17] =	ssyncadd.s32 $0xFFFFEC00  }
0x3e: {  	[tilespmem:s16], [sflag:$0x1] =	stream.indirect.gather [hbm4b:s4+s19], $0x80, s26, s19, $0xb8;
	[tilespmem:$0x1EC00] =	vst v63  }
0x3f: {  	[bflag:$0x0] =	sbarrier.arrive $0xFFFF  }
0x40: {  	_ =	swait.ge [sflag:s20], $0x4000  }
0x41: {  	[sflag:s20] =	ssyncset.done $0x0  }
0x42: {  	s28 =	simm.s32 $0x80;
	[sflag:s20] =	ssyncadd.s32 $0xFFFFC000  }
0x43: {  	[tilespmem:s21], [sflag:$0x2] =	stream.indirect.gather [hbm4b:s4+s19], $0x80, s28, s19, $0xb8;
	[tilespmem:$0x1EC00] =	vst v63  }
0x44: {  	s29 =	simm.s32 $0x1800  }
0x45: {  	[spmem:s2] =	stream.indirect.scatter.add.f32 [tilespmem:s16], [sflag:$0x3], $0x80, s29, s19, $0xb8;
	[tilespmem:$0x1EC00] =	vst v63  }
0x46: {  	_ =	swait.ge [sflag:s17], $0x4000  }
0x47: {  	[sflag:s17] =	ssyncset.done $0x0  }
0x48: {  	[sflag:s17] =	ssyncadd.s32 $0xFFFFC000  }
0x49: {  	_ =	swait.ge [sflag:s22], $0x4000  }
0x4a: {  	[sflag:s22] =	ssyncset.done $0x0  }
0x4b: {  	s30 =	simm.s32 $0x100;
	[sflag:s22] =	ssyncadd.s32 $0xFFFFC000  }
0x4c: {  	[tilespmem:s16], [sflag:$0x1] =	stream.indirect.gather [hbm4b:s4+s19], $0x80, s30, s19, $0xb8;
	[tilespmem:$0x1EC00] =	vst v63  }
0x4d: {  	s31 =	simm.s32 $0x1880  }
0x4e: {  	[spmem:s2] =	stream.indirect.scatter.add.f32 [tilespmem:s21], [sflag:$0x3], $0x80, s31, s19, $0xb8;
	[tilespmem:$0x1EC00] =	vst v63  }
0x4f: {  	_ =	swait.ge [sflag:s17], $0x4000  }
0x50: {  	[sflag:s17] =	ssyncset.done $0x0  }
0x51: {  	[sflag:s17] =	ssyncadd.s32 $0xFFFFC000  }
0x52: {  	_ =	swait.ge [sflag:s20], $0x4000  }
0x53: {  	s24 =	simm.s32 $0x800;
	s23 =	simm.s32 $0x100;
	[sflag:s20] =	ssyncset.done $0x0  }
.LBB2_4:
0x54: {  	s25 =	sadd.s32 $0x80, s23  }
0x55: {  	[sflag:s20] =	ssyncadd.s32 $0xFFFFC000;
	s26 =	smov.u32 s24;
	s28 =	sadd.s32 $0x400, s24  }
0x56: {  	[tilespmem:s21], [sflag:$0x2] =	stream.indirect.gather [hbm4b:s4+s19], $0x80, s25, s19, $0xb8;
	[tilespmem:$0x1EC00] =	vst v63  }
0x57: {  	p0 =	sne.s32 s24, $0x4C00;
	s24 =	sadd.s32 $0x1800, s23  }
0x58: {  	[spmem:s2] =	stream.indirect.scatter.add.f32 [tilespmem:s16], [sflag:$0x3], $0x80, s24, s19, $0xb8;
	[tilespmem:$0x1EC00] =	vst v63  }
0x59: {  	_ =	swait.ge [sflag:s17], $0x4000  }
0x5a: {  	[sflag:s17] =	ssyncset.done $0x0  }
0x5b: {  	[sflag:s17] =	ssyncadd.s32 $0xFFFFC000  }
0x5c: {  	_ =	swait.ge [sflag:s22], $0x4000  }
0x5d: {  	[sflag:s22] =	ssyncset.done $0x0  }
0x5e: {  	s24 =	sadd.s32 $0x100, s23;
	[sflag:s22] =	ssyncadd.s32 $0xFFFFC000  }
0x5f: {  	[tilespmem:s16], [sflag:$0x1] =	stream.indirect.gather [hbm4b:s4+s19], $0x80, s24, s19, $0xb8;
	[tilespmem:$0x1EC00] =	vst v63  }
0x60: {  	s23 =	sadd.s32 $0x1880, s23  }
0x61: {  	[spmem:s2] =	stream.indirect.scatter.add.f32 [tilespmem:s21], [sflag:$0x3], $0x80, s23, s19, $0xb8;
	[tilespmem:$0x1EC00] =	vst v63  }
.Ltmp1:
0x62: {  	_ =	swait.ge [sflag:s17], $0x4000;
	(pc) =	sbr.rel @p0 .LBB2_4-.Ltmp1, $4  }
0x63: {  	[sflag:s17] =	ssyncset.done $0x0  }
0x64: {  	[sflag:s17] =	ssyncadd.s32 $0xFFFFC000  }
0x65: {  	_ =	swait.ge [sflag:s20], $0x4000  }
0x66: {  	s24 =	smov.u32 s28;
	s23 =	sshra.s32 s26, $0x2;
	[sflag:s20] =	ssyncset.done $0x0  }
0x67: {  	s24 =	sadd.s32 $0x80, s23;
	[sflag:s20] =	ssyncadd.s32 $0xFFFFC000  }
0x68: {  	[tilespmem:s21], [sflag:$0x2] =	stream.indirect.gather [hbm4b:s4+s19], $0x80, s24, s19, $0xb8;
	[tilespmem:$0x1EC00] =	vst v63  }
0x69: {  	s30 =	sadd.s32 $0x1800, s23  }
0x6a: {  	[spmem:s2] =	stream.indirect.scatter.add.f32 [tilespmem:s16], [sflag:$0x3], $0x80, s30, s19, $0xb8;
	[tilespmem:$0x1EC00] =	vst v63  }
0x6b: {  	_ =	swait.ge [sflag:s17], $0x4000  }
0x6c: {  	[sflag:s17] =	ssyncset.done $0x0  }
0x6d: {  	[sflag:s17] =	ssyncadd.s32 $0xFFFFC000  }
0x6e: {  	_ =	swait.ge [sflag:s22], $0x4000  }
0x6f: {  	[sflag:s22] =	ssyncset.done $0x0  }
0x70: {  	s31 =	sadd.s32 $0x100, s23;
	[sflag:s22] =	ssyncadd.s32 $0xFFFFC000  }
0x71: {  	[tilespmem:s16], [sflag:$0x1] =	stream.indirect.gather [hbm4b:s4+s19], $0x80, s31, s19, $0xb8;
	[tilespmem:$0x1EC00] =	vst v63  }
0x72: {  	s25 =	sadd.s32 $0x1880, s23  }
0x73: {  	[spmem:s2] =	stream.indirect.scatter.add.f32 [tilespmem:s21], [sflag:$0x3], $0x80, s25, s19, $0xb8;
	[tilespmem:$0x1EC00] =	vst v63  }
0x74: {  	_ =	swait.ge [sflag:s17], $0x4000  }
0x75: {  	[sflag:s17] =	ssyncset.done $0x0  }
0x76: {  	[sflag:s17] =	ssyncadd.s32 $0xFFFFC000  }
0x77: {  	_ =	swait.ge [sflag:s20], $0x4000  }
0x78: {  	[sflag:s20] =	ssyncset.done $0x0  }
0x79: {  	s26 =	simm.s32 $0x0;
	[sflag:s20] =	ssyncadd.s32 $0xFFFFC000  }
0x7a: {  	[tilespmem:s26], [sflag:$0x3] =	stream.linear.gather [hbm4b:s12+s26], $0x1800, $0x38;
	[tilespmem:$0x1EC00] =	vst v63  }
0x7b: {  	_ =	swait.ge [sflag:s17], $0x1800  }
0x7c: {  	[sflag:s17] =	ssyncset.done $0x0  }
0x7d: {  	[sflag:s17] =	ssyncadd.s32 $0xFFFFE800  }
0x7e: {  	[tilespmem:s18], [sflag:$0x3] =	stream.linear.gather [hbm4b:s13+s26], $0x1400, $0x38;
	[tilespmem:$0x1EC00] =	vst v63  }
0x7f: {  	_ =	swait.ge [sflag:s17], $0x1400  }
0x80: {  	[sflag:s17] =	ssyncset.done $0x0  }
0x81: {  	s28 =	simm.s32 $0x80;
	[sflag:s17] =	ssyncadd.s32 $0xFFFFEC00  }
0x82: {  	[tilespmem:s21], [sflag:$0x2] =	stream.indirect.gather [hbm4b:s4+s19], $0x80, s28, s19, $0xb8;
	[tilespmem:$0x1EC00] =	vst v63  }
0x83: {  	s29 =	simm.s32 $0x1800  }
0x84: {  	[spmem:s2] =	stream.indirect.scatter.add.f32 [tilespmem:s16], [sflag:$0x3], $0x80, s29, s19, $0xb8;
	[tilespmem:$0x1EC00] =	vst v63  }
0x85: {  	_ =	swait.ge [sflag:s17], $0x4000  }
0x86: {  	[sflag:s17] =	ssyncset.done $0x0  }
0x87: {  	[sflag:s17] =	ssyncadd.s32 $0xFFFFC000  }
0x88: {  	_ =	swait.ge [sflag:s22], $0x4000  }
0x89: {  	[sflag:s22] =	ssyncset.done $0x0  }
0x8a: {  	s30 =	simm.s32 $0x100;
	[sflag:s22] =	ssyncadd.s32 $0xFFFFC000  }
0x8b: {  	[tilespmem:s16], [sflag:$0x1] =	stream.indirect.gather [hbm4b:s4+s19], $0x80, s30, s19, $0xb8;
	[tilespmem:$0x1EC00] =	vst v63  }
0x8c: {  	s31 =	simm.s32 $0x1880  }
0x8d: {  	[spmem:s2] =	stream.indirect.scatter.add.f32 [tilespmem:s21], [sflag:$0x3], $0x80, s31, s19, $0xb8;
	[tilespmem:$0x1EC00] =	vst v63  }
0x8e: {  	_ =	swait.ge [sflag:s17], $0x4000  }
0x8f: {  	[sflag:s17] =	ssyncset.done $0x0  }
0x90: {  	[sflag:s17] =	ssyncadd.s32 $0xFFFFC000  }
0x91: {  	_ =	swait.ge [sflag:s20], $0x4000  }
0x92: {  	s23 =	simm.s32 $0x100;
	s24 =	simm.s32 $0x800;
	[sflag:s20] =	ssyncset.done $0x0  }
.LBB2_6:
0x93: {  	s25 =	sadd.s32 $0x80, s23  }
0x94: {  	[sflag:s20] =	ssyncadd.s32 $0xFFFFC000;
	s26 =	smov.u32 s24;
	s28 =	sadd.s32 $0x400, s24  }
0x95: {  	[tilespmem:s21], [sflag:$0x2] =	stream.indirect.gather [hbm4b:s4+s19], $0x80, s25, s19, $0xb8;
	[tilespmem:$0x1EC00] =	vst v63  }
0x96: {  	p0 =	sne.s32 s24, $0x4C00;
	s24 =	sadd.s32 $0x1800, s23  }
0x97: {  	[spmem:s2] =	stream.indirect.scatter.add.f32 [tilespmem:s16], [sflag:$0x3], $0x80, s24, s19, $0xb8;
	[tilespmem:$0x1EC00] =	vst v63  }
0x98: {  	_ =	swait.ge [sflag:s17], $0x4000  }
0x99: {  	[sflag:s17] =	ssyncset.done $0x0  }
0x9a: {  	[sflag:s17] =	ssyncadd.s32 $0xFFFFC000  }
0x9b: {  	_ =	swait.ge [sflag:s22], $0x4000  }
0x9c: {  	[sflag:s22] =	ssyncset.done $0x0  }
0x9d: {  	s24 =	sadd.s32 $0x100, s23;
	[sflag:s22] =	ssyncadd.s32 $0xFFFFC000  }
0x9e: {  	[tilespmem:s16], [sflag:$0x1] =	stream.indirect.gather [hbm4b:s4+s19], $0x80, s24, s19, $0xb8;
	[tilespmem:$0x1EC00] =	vst v63  }
0x9f: {  	s23 =	sadd.s32 $0x1880, s23  }
0xa0: {  	[spmem:s2] =	stream.indirect.scatter.add.f32 [tilespmem:s21], [sflag:$0x3], $0x80, s23, s19, $0xb8;
	[tilespmem:$0x1EC00] =	vst v63  }
.Ltmp2:
0xa1: {  	_ =	swait.ge [sflag:s17], $0x4000;
	(pc) =	sbr.rel @p0 .LBB2_6-.Ltmp2, $4  }
0xa2: {  	[sflag:s17] =	ssyncset.done $0x0  }
0xa3: {  	[sflag:s17] =	ssyncadd.s32 $0xFFFFC000  }
0xa4: {  	_ =	swait.ge [sflag:s20], $0x4000  }
0xa5: {  	s24 =	smov.u32 s28;
	s23 =	sshra.s32 s26, $0x2;
	[sflag:s20] =	ssyncset.done $0x0  }
0xa6: {  	s24 =	sadd.s32 $0x80, s23;
	[sflag:s20] =	ssyncadd.s32 $0xFFFFC000  }
0xa7: {  	[tilespmem:s21], [sflag:$0x2] =	stream.indirect.gather [hbm4b:s4+s19], $0x80, s24, s19, $0xb8;
	[tilespmem:$0x1EC00] =	vst v63  }
0xa8: {  	s26 =	sadd.s32 $0x1800, s23  }
0xa9: {  	[spmem:s2] =	stream.indirect.scatter.add.f32 [tilespmem:s16], [sflag:$0x3], $0x80, s26, s19, $0xb8;
	[tilespmem:$0x1EC00] =	vst v63  }
0xaa: {  	_ =	swait.ge [sflag:s17], $0x4000  }
0xab: {  	[sflag:s17] =	ssyncset.done $0x0  }
0xac: {  	[sflag:s17] =	ssyncadd.s32 $0xFFFFC000  }
0xad: {  	_ =	swait.ge [sflag:s22], $0x4000  }
0xae: {  	[sflag:s22] =	ssyncset.done $0x0  }
0xaf: {  	s28 =	sadd.s32 $0x100, s23;
	[sflag:s22] =	ssyncadd.s32 $0xFFFFC000  }
0xb0: {  	[tilespmem:s16], [sflag:$0x1] =	stream.indirect.gather [hbm4b:s4+s19], $0x80, s28, s19, $0xb8;
	[tilespmem:$0x1EC00] =	vst v63  }
0xb1: {  	s29 =	sadd.s32 $0x1880, s23  }
0xb2: {  	[spmem:s2] =	stream.indirect.scatter.add.f32 [tilespmem:s21], [sflag:$0x3], $0x80, s29, s19, $0xb8;
	[tilespmem:$0x1EC00] =	vst v63  }
0xb3: {  	_ =	swait.ge [sflag:s17], $0x4000  }
0xb4: {  	[sflag:s17] =	ssyncset.done $0x0  }
0xb5: {  	[sflag:s17] =	ssyncadd.s32 $0xFFFFC000  }
0xb6: {  	_ =	swait.ge [sflag:s20], $0x4000  }
0xb7: {  	s30 =	sshll.u32 s1, $0x6;
	s3 =	sadd.s32 $0x1, s3;
	[sflag:s20] =	ssyncset.done $0x0  }
0xb8: {  	s31 =	sshrl.u32 s5, $0x3;
	p0 =	sne.s32 s3, s15;
	[sflag:s20] =	ssyncadd.s32 $0xFFFFC000  }
.Ltmp3:
0xb9: {  	s23 =	sor.u32 $0x1C03, s30;
	[bflag:$0x0] =	sbarrier.arrive $0xFFFF;
	(pc) =	sbr.rel @p0 .LBB2_1-.Ltmp3, $4  }
0xba: {  	[hbm:s14], [sflag:s23] =	dma.local [spmem:s31], $0x2800  }
0xbb: {  	_ =	swait.ge [sflag:s17], $0x2800  }
0xbc: {  	[sflag:s17] =	ssyncset.done $0x0  }
0xbd: {  	[sflag:s17] =	ssyncadd.s32 $0xFFFFD800  }
0xbe: {  	_ =	sfence.sel $0x180000  }
0xbf: {  	[bflag:$0x0] =	sbarrier.arrive $0xFFFF  }
0xc0: {  	p0 =	sne.s32 s1, $0x0;
	_ =	strace $0x90000053  }
0xc1: {  	s0 =	sadd.s32 @!p0 $0x100000, s0;
	[bflag:$0x2] =	sbarrier.arrive $0xFFFF  }
0xc2: {  	[sflag:s0] =	ssyncadd.tile.s32 @!p0 $0x1;
	_ =	shalt  }
.Lfunc_end2:
_tile_overlayer_lowered:
.L_overlay_start_2:
0xc3: {  	(tag) =	ssettag $0x2  }
0xc4: {  	s0 =	rddreg [dreg:$0x0];
	s2 =	stileid.u32  }
0xc5: {  	s1 =	rddreg [dreg:$0x1];
	p0 =	sne.s32 s2, $0x0  }
0xc6: {  	s3 =	rddreg [dreg:$0x2];
	[bflag:$0x3] =	sbarrier.arrive $0xFFFF;
	s2 =	simm.s32 @!p0 $0x1C03  }
0xc7: {  	[timem:s3], [sflag:s2] =	dma.local @!p0 [hbm:s0], s1  }
0xc8: {  	s0 =	simm.s32 @!p0 $0x3  }
0xc9: {  	_ =	swait.ge @!p0 [sflag:s0], s1  }
0xca: {  	s1 =	ssub.s32 @!p0 $0x0, s1;
	[sflag:s0] =	ssyncset.done @!p0 $0x0  }
0xcb: {  	[sflag:s0] =	ssyncadd.s32 @!p0 s1  }
0xcc: {  	[bflag:$0x3] =	sbarrier.arrive $0xFFFF  }
0xcd: {  	_ =	shalt  }

</sc_bundles>
